<compile_context>
chip_gen: v7x
topology: tpu7x:2x2x1
jax: 0.10.2.dev20260603
libtpu: 0.0.44.dev20260713+nightly
codegen_flags: <defaults>
</compile_context>

<pallas_src>
import functools

import jax
import jax.numpy as jnp
from jax import lax
from jax.experimental import pallas as pl
from jax.experimental.pallas import tpu as pltpu
from jax.experimental.pallas import tpu_sc as plsc



def _make_deg_kernel(E, N_PAD, K, NC, NS):
    EW = E // (NC * NS)
    NCHUNK = EW // K
    RPT = N_PAD // NS
    mesh = plsc.VectorSubcoreMesh(core_axis_name="c", subcore_axis_name="s")

    BUF = ((RPT + 15) // 16) * 16
    GRP = 5
    assert NCHUNK % GRP == 0

    @functools.partial(
        pl.kernel,
        mesh=mesh,
        compiler_params=pltpu.CompilerParams(use_tc_tiling_on_sc=False),
        out_type=jax.ShapeDtypeStruct((NC * N_PAD,), jnp.float32),
        scratch_types=[
            pltpu.VMEM((NCHUNK, K), jnp.int32),
            pltpu.VMEM((K,), jnp.float32),
            pltpu.VMEM((BUF,), jnp.float32),
            pltpu.VMEM_SHARED((N_PAD,), jnp.float32),
            pltpu.SemaphoreType.DMA,
        ],
    )
    def deg_kernel(dst_hbm, out_hbm, dstb, onesv, buf, acc, sem):
        c = lax.axis_index("c")
        s = lax.axis_index("s")
        w = c * NS + s
        for i in range(K // 16):
            onesv[pl.ds(i * 16, 16)] = jnp.ones((16,), jnp.float32)

        def zstep(i, carry):
            buf[pl.ds(i * 16, 16)] = jnp.zeros((16,), jnp.float32)
            return carry

        lax.fori_loop(0, BUF // 16, zstep, 0, unroll=False)
        pltpu.sync_copy(dst_hbm.at[pl.ds(w * NCHUNK, NCHUNK)], dstb)
        pltpu.sync_copy(buf.at[pl.ds(0, RPT)], acc.at[pl.ds(s * RPT, RPT)])
        plsc.subcore_barrier()

        def step(g, carry):
            for i in range(GRP):
                pltpu.async_copy(onesv, acc.at[dstb.at[g * GRP + i]], sem,
                                 add=True)
            for i in range(GRP):
                pltpu.make_async_copy(onesv, acc.at[dstb.at[g * GRP + i]],
                                      sem).wait()
            return carry

        lax.fori_loop(0, NCHUNK // GRP, step, 0, unroll=False)
        plsc.subcore_barrier()
        pltpu.sync_copy(acc.at[pl.ds(s * RPT, RPT)], buf.at[pl.ds(0, RPT)])
        pltpu.sync_copy(buf.at[pl.ds(0, RPT)],
                        out_hbm.at[pl.ds(c * N_PAD + s * RPT, RPT)])

    return deg_kernel


def _make_scatter_kernel(N, E, N_PAD, D, K, NC, NS):
    EW = E // (NC * NS)
    NCHUNK = EW // K
    RPT = N_PAD // NS
    mesh = plsc.VectorSubcoreMesh(core_axis_name="c", subcore_axis_name="s")

    NBUF = 10
    NSTEP = NCHUNK // NBUF
    TAIL = NCHUNK % NBUF

    @functools.partial(
        pl.kernel,
        mesh=mesh,
        compiler_params=pltpu.CompilerParams(use_tc_tiling_on_sc=False),
        out_type=jax.ShapeDtypeStruct((NC, N_PAD, D), jnp.float32),
        scratch_types=[
            pltpu.VMEM((NCHUNK, K), jnp.int32),
            pltpu.VMEM((NCHUNK, K), jnp.int32),
            [pltpu.VMEM((K, D), jnp.float32)] * NBUF,
            pltpu.VMEM_SHARED((N_PAD, D), jnp.float32),
            [pltpu.SemaphoreType.DMA] * NBUF,
            [pltpu.SemaphoreType.DMA] * NBUF,
        ],
    )
    def scatter_kernel(y_hbm, src_hbm, dst_hbm, out_hbm,
                       srcb, dstb, rows, acc, sem_g, sem_s):
        c = lax.axis_index("c")
        s = lax.axis_index("s")
        w = c * NS + s
        pltpu.async_copy(src_hbm.at[pl.ds(w * NCHUNK, NCHUNK)], srcb, sem_g[0])
        pltpu.async_copy(dst_hbm.at[pl.ds(w * NCHUNK, NCHUNK)], dstb, sem_g[1])

        def zstep(r, carry):
            for j in range(D // 16):
                rows[0][r, pl.ds(j * 16, 16)] = jnp.zeros((16,), jnp.float32)
            return carry

        lax.fori_loop(0, K, zstep, 0, unroll=False)
        for t in range((RPT + K - 1) // K):
            sz = min(K, RPT - t * K)
            pltpu.sync_copy(rows[0].at[pl.ds(0, sz)],
                            acc.at[pl.ds(s * RPT + t * K, sz)])
        pltpu.make_async_copy(src_hbm.at[pl.ds(w * NCHUNK, NCHUNK)], srcb,
                              sem_g[0]).wait()
        pltpu.make_async_copy(dst_hbm.at[pl.ds(w * NCHUNK, NCHUNK)], dstb,
                              sem_g[1]).wait()
        plsc.subcore_barrier()

        for b in range(NBUF):
            pltpu.async_copy(y_hbm.at[srcb.at[b]], rows[b], sem_g[b])

        def step(jj, carry):
            j0 = jj * NBUF
            for b in range(NBUF):
                pltpu.make_async_copy(y_hbm.at[srcb.at[j0 + b]],
                                      rows[b], sem_g[b]).wait()
                pltpu.async_copy(rows[b], acc.at[dstb.at[j0 + b]],
                                 sem_s[b], add=True)
            for b in range(NBUF):
                pltpu.make_async_copy(rows[b], acc.at[dstb.at[j0 + b]],
                                      sem_s[b]).wait()

                @pl.when(j0 + b + NBUF < NCHUNK)
                def _():
                    pltpu.async_copy(y_hbm.at[srcb.at[j0 + b + NBUF]],
                                     rows[b], sem_g[b])

            return carry

        lax.fori_loop(0, NSTEP, step, 0, unroll=False)
        base = NSTEP * NBUF
        for b in range(TAIL):
            pltpu.make_async_copy(y_hbm.at[srcb.at[base + b]],
                                  rows[b], sem_g[b]).wait()
            pltpu.async_copy(rows[b], acc.at[dstb.at[base + b]],
                             sem_s[b], add=True)
        for b in range(TAIL):
            pltpu.make_async_copy(rows[b], acc.at[dstb.at[base + b]],
                                  sem_s[b]).wait()
        plsc.subcore_barrier()
        nt = (RPT + K - 1) // K
        for t in range(nt):
            sz = min(K, RPT - t * K)
            b = t % NBUF
            pltpu.async_copy(acc.at[pl.ds(s * RPT + t * K, sz)],
                             rows[b].at[pl.ds(0, sz)], sem_g[b])
        for t in range(nt):
            sz = min(K, RPT - t * K)
            b = t % NBUF
            pltpu.make_async_copy(acc.at[pl.ds(s * RPT + t * K, sz)],
                                  rows[b].at[pl.ds(0, sz)], sem_g[b]).wait()
            pltpu.async_copy(rows[b].at[pl.ds(0, sz)],
                             out_hbm.at[c, pl.ds(s * RPT + t * K, sz)],
                             sem_s[b])
        for t in range(nt):
            sz = min(K, RPT - t * K)
            b = t % NBUF
            pltpu.make_async_copy(rows[b].at[pl.ds(0, sz)],
                                  out_hbm.at[c, pl.ds(s * RPT + t * K, sz)],
                                  sem_s[b]).wait()

    return scatter_kernel



def _dinvs(d0e_ref, d0o_ref, d1e_ref, d1o_ref):
    dE = lax.rsqrt(d0e_ref[...] + d1e_ref[...] + 1.0)
    dO = lax.rsqrt(d0o_ref[...] + d1o_ref[...] + 1.0)
    return dE, dO


def _tc1_body(x_ref, w_ref, d0e_ref, d0o_ref, d1e_ref, d1o_ref,
              y_ref, *, h):
    dE, dO = _dinvs(d0e_ref, d0o_ref, d1e_ref, d1o_ref)
    w = w_ref[...]
    pr = y_ref.shape[0]
    xp = x_ref[...].reshape(pr, 2, x_ref.shape[1])
    xwE = jnp.dot(xp[:, 0, :], w, preferred_element_type=jnp.float32)
    xwO = jnp.dot(xp[:, 1, :], w, preferred_element_type=jnp.float32)
    y_ref[...] = jnp.concatenate([xwE * dE, xwO * dO], axis=1)


def _tc2_body(p_ref, y_ref, d0e_ref, d0o_ref, d1e_ref, d1o_ref,
              b_ref, w_ref, out_ref, *, h):
    dE, dO = _dinvs(d0e_ref, d0o_ref, d1e_ref, d1o_ref)
    ssum = p_ref[0] + p_ref[1] + y_ref[...]
    b = b_ref[...]
    w = w_ref[...]
    hE = jnp.maximum(ssum[:, :h] * dE + b, 0.0)
    hO = jnp.maximum(ssum[:, h:] * dO + b, 0.0)
    yE = jnp.dot(hE, w, preferred_element_type=jnp.float32) * dE
    yO = jnp.dot(hO, w, preferred_element_type=jnp.float32) * dO
    out_ref[...] = jnp.concatenate([yE, yO], axis=1)


def _tc3_body(p_ref, y_ref, d0e_ref, d0o_ref, d1e_ref, d1o_ref,
              b_ref, wfc_ref, bfc_ref, out_ref, acc_ref,
              *, h, n_nodes, n_blocks):
    i = pl.program_id(0)
    dE, dO = _dinvs(d0e_ref, d0o_ref, d1e_ref, d1o_ref)
    ssum = p_ref[0] + p_ref[1] + y_ref[...]
    b = b_ref[...]
    hE = jnp.maximum(ssum[:, :h] * dE + b, 0.0)
    hO = jnp.maximum(ssum[:, h:] * dO + b, 0.0)
    colsum = jnp.sum(hE, axis=0, keepdims=True) + jnp.sum(
        hO, axis=0, keepdims=True)

    @pl.when(i == 0)
    def _():
        acc_ref[...] = colsum

    @pl.when(i > 0)
    def _():
        acc_ref[...] = acc_ref[...] + colsum

    @pl.when(i == n_blocks - 1)
    def _():
        mean = acc_ref[...] * (1.0 / n_nodes)
        out_ref[...] = (jnp.dot(mean, wfc_ref[...],
                                preferred_element_type=jnp.float32)
                        + bfc_ref[...])



def kernel(x, edge_index, W1, b1, W2, b2, Wfc, bfc):
    N, D_IN = x.shape
    E = edge_index.shape[1]
    H1 = W1.shape[1]
    H2 = W2.shape[1]
    D_OUT = Wfc.shape[1]

    NC, NS = 2, 16
    NW = NC * NS
    K = 80
    RPT_ALIGN = 8 * NS
    N_PAD = ((N + RPT_ALIGN - 1) // RPT_ALIGN) * RPT_ALIGN

    src2 = edge_index[0].reshape(E // K, K)
    dst2 = edge_index[1].reshape(E // K, K)

    deg_k = _make_deg_kernel(E, N_PAD, K, NC, NS)
    scat_k = _make_scatter_kernel(N, E, N_PAD, H1, K, NC, NS)

    degp = deg_k(dst2).reshape(NC, N_PAD)
    NP2 = N // 2
    N_PAD2 = N_PAD // 2
    DP = 2 * H1
    d0e = degp[0, 0::2].reshape(N_PAD2, 1)
    d0o = degp[0, 1::2].reshape(N_PAD2, 1)
    d1e = degp[1, 0::2].reshape(N_PAD2, 1)
    d1o = degp[1, 1::2].reshape(N_PAD2, 1)

    PR = 1000
    n_blocks = NP2 // PR
    deg_spec = pl.BlockSpec((PR, 1), lambda i: (i, 0))
    part_spec = pl.BlockSpec((NC, PR, DP), lambda i: (0, i, 0))
    pair_spec = pl.BlockSpec((PR, DP), lambda i: (i, 0))

    y1p = pl.pallas_call(
        functools.partial(_tc1_body, h=H1),
        grid=(n_blocks,),
        in_specs=[
            pl.BlockSpec((2 * PR, D_IN), lambda i: (i, 0)),
            pl.BlockSpec((D_IN, H1), lambda i: (0, 0)),
            deg_spec,
            deg_spec,
            deg_spec,
            deg_spec,
        ],
        out_specs=pair_spec,
        out_shape=jax.ShapeDtypeStruct((NP2, DP), jnp.float32),
    )(x, W1, d0e, d0o, d1e, d1o)

    p1 = scat_k(y1p.reshape(N, H1), src2, dst2)
    p1p = p1.reshape(NC, N_PAD2, DP)

    y2p = pl.pallas_call(
        functools.partial(_tc2_body, h=H1),
        grid=(n_blocks,),
        in_specs=[
            part_spec,
            pair_spec,
            deg_spec,
            deg_spec,
            deg_spec,
            deg_spec,
            pl.BlockSpec((1, H1), lambda i: (0, 0)),
            pl.BlockSpec((H1, H2), lambda i: (0, 0)),
        ],
        out_specs=pair_spec,
        out_shape=jax.ShapeDtypeStruct((NP2, DP), jnp.float32),
    )(p1p, y1p, d0e, d0o, d1e, d1o, b1.reshape(1, H1), W2)

    p2 = scat_k(y2p.reshape(N, H2), src2, dst2)
    p2p = p2.reshape(NC, N_PAD2, DP)

    out = pl.pallas_call(
        functools.partial(_tc3_body, h=H2, n_nodes=N, n_blocks=n_blocks),
        grid=(n_blocks,),
        in_specs=[
            part_spec,
            pair_spec,
            deg_spec,
            deg_spec,
            deg_spec,
            deg_spec,
            pl.BlockSpec((1, H2), lambda i: (0, 0)),
            pl.BlockSpec((H2, D_OUT), lambda i: (0, 0)),
            pl.BlockSpec((1, D_OUT), lambda i: (0, 0)),
        ],
        out_specs=pl.BlockSpec((1, D_OUT), lambda i: (0, 0)),
        out_shape=jax.ShapeDtypeStruct((1, D_OUT), jnp.float32),
        scratch_shapes=[pltpu.VMEM((1, D_OUT), jnp.float32)],
    )(p2p, y2p, d0e, d0o, d1e, d1o, b2.reshape(1, H2), Wfc,
      bfc.reshape(1, D_OUT))

    return out

# --- scband reference (transcript-rebuilt; emitter-appended) ---
"""Pipeline reference for scband-gnnmodel-11493332484123 (READ-ONLY COPY).

The authoritative reference and input builder live on the scoring server;
editing this copy changes nothing except your own understanding.
"""

import jax, jax.numpy as jnp
import numpy as np

N = 10000
E = 320000
D_IN = 128
H1 = 64
H2 = 64
D_OUT = 64


def setup_inputs(seed: int = 0) -> dict:
    key = jax.random.key(seed)
    ks = jax.random.split(key, 8)
    x = jax.random.normal(ks[0], (N, D_IN), dtype=jnp.float32)
    edge_index = jax.random.randint(ks[1], (2, E), 0, N, dtype=jnp.int32)
    W1 = jax.random.normal(ks[2], (D_IN, H1), dtype=jnp.float32) * 0.05
    b1 = jnp.zeros((H1,), dtype=jnp.float32)
    W2 = jax.random.normal(ks[3], (H1, H2), dtype=jnp.float32) * 0.05
    b2 = jnp.zeros((H2,), dtype=jnp.float32)
    Wfc = jax.random.normal(ks[4], (H2, D_OUT), dtype=jnp.float32) * 0.05
    bfc = jnp.zeros((D_OUT,), dtype=jnp.float32)
    return {"x": x, "edge_index": edge_index, "W1": W1, "b1": b1, "W2": W2, "b2": b2, "Wfc": Wfc, "bfc": bfc}


def _gcn_layer(x, src, dst, W, b):
    # PyG GCNConv: x' = D^{-1/2} (A + I) D^{-1/2} (X W) + b
    n = x.shape[0]
    xw = x @ W
    deg = jnp.zeros((n,), dtype=x.dtype).at[dst].add(1.0)
    dinv = jnp.where(deg > 0, 1.0 / jnp.sqrt(deg), 0.0)
    norm = dinv[src] * dinv[dst]
    msg = xw[src] * norm[:, None]
    out = jnp.zeros_like(xw).at[dst].add(msg)
    return out + b


def reference(x, edge_index, W1, b1, W2, b2, Wfc, bfc):
    n = x.shape[0]
    loop = jnp.arange(n, dtype=edge_index.dtype)
    src = jnp.concatenate([edge_index[0], loop])
    dst = jnp.concatenate([edge_index[1], loop])
    h = jax.nn.relu(_gcn_layer(x, src, dst, W1, b1))
    h = jax.nn.relu(_gcn_layer(h, src, dst, W2, b2))
    h = h @ Wfc + bfc
    # no 'ptr' in data: mean over all nodes, keep batch dim
    return jnp.mean(h, axis=0, keepdims=True)

if __name__ == "__main__":
    import jax
    _d = setup_inputs()
    print(jax.jit(kernel)(*tuple(_d.values())))

</pallas_src>

<mosaic_0001>
#map = affine_map<(d0, d1) -> (0, 0)>
#map1 = affine_map<(d0, d1) -> (0)>
module attributes {stable_mosaic.version = 14 : i64} {
  func.func @deg_kernel(%arg0: i32, %arg1: i32, %arg2: memref<4000x80xi32, #tpu.memory_space<hbm>>, %arg3: memref<20224xf32, #tpu.memory_space<hbm>>, %arg4: memref<125x80xi32, #tpu.memory_space<vmem>>, %arg5: memref<80xf32, #tpu.memory_space<vmem>>, %arg6: memref<640xf32, #tpu.memory_space<vmem>>, %arg7: memref<10112xf32, #tpu.memory_space<vmem_shared>>, %arg8: memref<!tpu.dma_semaphore, #tpu.memory_space<semaphore_mem>>) attributes {dimension_semantics = [#tpu.dimension_semantics<core_parallel>, #tpu.dimension_semantics<subcore_parallel>], iteration_bounds = array<i64: 2, 16>, scalar_prefetch = 0 : i64, scratch_operands = 5 : i64, tpu.core_type = #tpu.core_type<sc_vector_subcore>, window_params = [{transform_indices = #map}, {transform_indices = #map1}]} {
    %mul3A = arith.constant 16 : i32
    %mul3A_0 = arith.muli %arg0, %mul3A : i32
    %add3A = arith.addi %mul3A_0, %arg1 : i32
    %broadcast_in_dim3A = arith.constant 1.000000e+00 : f32
    %broadcast_in_dim3A_1 = vector.broadcast %broadcast_in_dim3A : f32 to vector<16xf32>
    %swap3A = arith.constant 0 : index
    %swap3A_2 = tpu.vector_load %arg5[%swap3A] {strides = array<i32>} : memref<80xf32, #tpu.memory_space<vmem>>, vector<16xf32>,
    %swap3A_3 = vector.shape_cast %swap3A_2 : vector<16xf32> to vector<16xf32>
    %swap3A_4 = vector.shape_cast %broadcast_in_dim3A_1 : vector<16xf32> to vector<16xf32>
    tpu.vector_store %arg5[%swap3A], %swap3A_4 {strides = array<i32>} : memref<80xf32, #tpu.memory_space<vmem>>, vector<16xf32>,
    %broadcast_in_dim3A_5 = arith.constant 1.000000e+00 : f32
    %broadcast_in_dim3A_6 = vector.broadcast %broadcast_in_dim3A_5 : f32 to vector<16xf32>
    %swap3A_7 = arith.constant 16 : index
    %swap3A_8 = tpu.vector_load %arg5[%swap3A_7] {strides = array<i32>} : memref<80xf32, #tpu.memory_space<vmem>>, vector<16xf32>,
    %swap3A_9 = vector.shape_cast %swap3A_8 : vector<16xf32> to vector<16xf32>
    %swap3A_10 = vector.shape_cast %broadcast_in_dim3A_6 : vector<16xf32> to vector<16xf32>
    tpu.vector_store %arg5[%swap3A_7], %swap3A_10 {strides = array<i32>} : memref<80xf32, #tpu.memory_space<vmem>>, vector<16xf32>,
    %broadcast_in_dim3A_11 = arith.constant 1.000000e+00 : f32
    %broadcast_in_dim3A_12 = vector.broadcast %broadcast_in_dim3A_11 : f32 to vector<16xf32>
    %swap3A_13 = arith.constant 32 : index
    %swap3A_14 = tpu.vector_load %arg5[%swap3A_13] {strides = array<i32>} : memref<80xf32, #tpu.memory_space<vmem>>, vector<16xf32>,
    %swap3A_15 = vector.shape_cast %swap3A_14 : vector<16xf32> to vector<16xf32>
    %swap3A_16 = vector.shape_cast %broadcast_in_dim3A_12 : vector<16xf32> to vector<16xf32>
    tpu.vector_store %arg5[%swap3A_13], %swap3A_16 {strides = array<i32>} : memref<80xf32, #tpu.memory_space<vmem>>, vector<16xf32>,
    %broadcast_in_dim3A_17 = arith.constant 1.000000e+00 : f32
    %broadcast_in_dim3A_18 = vector.broadcast %broadcast_in_dim3A_17 : f32 to vector<16xf32>
    %swap3A_19 = arith.constant 48 : index
    %swap3A_20 = tpu.vector_load %arg5[%swap3A_19] {strides = array<i32>} : memref<80xf32, #tpu.memory_space<vmem>>, vector<16xf32>,
    %swap3A_21 = vector.shape_cast %swap3A_20 : vector<16xf32> to vector<16xf32>
    %swap3A_22 = vector.shape_cast %broadcast_in_dim3A_18 : vector<16xf32> to vector<16xf32>
    tpu.vector_store %arg5[%swap3A_19], %swap3A_22 {strides = array<i32>} : memref<80xf32, #tpu.memory_space<vmem>>, vector<16xf32>,
    %broadcast_in_dim3A_23 = arith.constant 1.000000e+00 : f32
    %broadcast_in_dim3A_24 = vector.broadcast %broadcast_in_dim3A_23 : f32 to vector<16xf32>
    %swap3A_25 = arith.constant 64 : index
    %swap3A_26 = tpu.vector_load %arg5[%swap3A_25] {strides = array<i32>} : memref<80xf32, #tpu.memory_space<vmem>>, vector<16xf32>,
    %swap3A_27 = vector.shape_cast %swap3A_26 : vector<16xf32> to vector<16xf32>
    %swap3A_28 = vector.shape_cast %broadcast_in_dim3A_24 : vector<16xf32> to vector<16xf32>
    tpu.vector_store %arg5[%swap3A_25], %swap3A_28 {strides = array<i32>} : memref<80xf32, #tpu.memory_space<vmem>>, vector<16xf32>,
    %scan3A = arith.constant 0 : i32
    %scan3A_29 = arith.constant 0 : i32
    %scan3A_30 = arith.constant 40 : i32
    %scan3A_31 = arith.addi %scan3A_29, %scan3A_30 : i32
    %scan3A_32 = arith.constant 1 : i32
    scf.for %scan3A_52 = %scan3A_29 to %scan3A_31 step %scan3A_32  : i32 {
      %broadcast_in_dim3A_53 = arith.constant 0.000000e+00 : f32
      %broadcast_in_dim3A_54 = vector.broadcast %broadcast_in_dim3A_53 : f32 to vector<16xf32>
      %mul3A_55 = arith.constant 16 : i32
      %mul3A_56 = arith.muli %scan3A_52, %mul3A_55 : i32
      %swap3A_57 = arith.index_cast %mul3A_56 : i32 to index
      %swap3A_58 = tpu.vector_load %arg6[%swap3A_57] {strides = array<i32>} : memref<640xf32, #tpu.memory_space<vmem>>, vector<16xf32>,
      %swap3A_59 = vector.shape_cast %swap3A_58 : vector<16xf32> to vector<16xf32>
      %swap3A_60 = vector.shape_cast %broadcast_in_dim3A_54 : vector<16xf32> to vector<16xf32>
      tpu.vector_store %arg6[%swap3A_57], %swap3A_60 {strides = array<i32>} : memref<640xf32, #tpu.memory_space<vmem>>, vector<16xf32>,
    }
    %scan3A_33 = arith.constant 40 : i32
    %mul3A_34 = arith.constant 125 : i32
    %mul3A_35 = arith.muli %add3A, %mul3A_34 : i32
    "tpu.region"() ({
      %run_scoped3A = tpu.sem_alloc : memref<!tpu.dma_semaphore, #tpu.memory_space<semaphore_mem>>
      %dma_start3A = arith.constant 0 : i32
      %dma_start3A_52 = tpu.memref_slice %arg2[%mul3A_35, %dma_start3A] : memref<4000x80xi32, #tpu.memory_space<hbm>> -> memref<125x80xi32, #tpu.memory_space<hbm>>
      %dma_start3A_53 = arith.constant 0 : i32
      %dma_start3A_54 = tpu.memref_slice %arg2[%mul3A_35, %dma_start3A_53] : memref<4000x80xi32, #tpu.memory_space<hbm>> -> memref<125x80xi32, #tpu.memory_space<hbm>>
      tpu.enqueue_dma source(%dma_start3A_54 : memref<125x80xi32, #tpu.memory_space<hbm>>) target(%arg4 : memref<125x80xi32, #tpu.memory_space<vmem>>) target_semaphore(%run_scoped3A : memref<!tpu.dma_semaphore, #tpu.memory_space<semaphore_mem>>)
      %dma_wait3A = arith.constant 0 : i32
      %dma_wait3A_55 = tpu.memref_slice %arg2[%mul3A_35, %dma_wait3A] : memref<4000x80xi32, #tpu.memory_space<hbm>> -> memref<125x80xi32, #tpu.memory_space<hbm>>
      %dma_wait3A_56 = arith.constant 0 : i32
      %dma_wait3A_57 = tpu.memref_slice %arg2[%mul3A_35, %dma_wait3A_56] : memref<4000x80xi32, #tpu.memory_space<hbm>> -> memref<125x80xi32, #tpu.memory_space<hbm>>
      tpu.wait_dma2 semaphore(%run_scoped3A : memref<!tpu.dma_semaphore, #tpu.memory_space<semaphore_mem>>) src(%dma_wait3A_57 : memref<125x80xi32, #tpu.memory_space<hbm>>) dst(%arg4 : memref<125x80xi32, #tpu.memory_space<vmem>>)
      tpu.yield
    }) : () -> ()
    %mul3A_36 = arith.constant 632 : i32
    %mul3A_37 = arith.muli %arg1, %mul3A_36 : i32
    "tpu.region"() ({
      %run_scoped3A = tpu.sem_alloc : memref<!tpu.dma_semaphore, #tpu.memory_space<semaphore_mem>>
      %dma_start3A = arith.constant 0 : i32
      %dma_start3A_52 = tpu.memref_slice %arg6[%dma_start3A] : memref<640xf32, #tpu.memory_space<vmem>> -> memref<632xf32, #tpu.memory_space<vmem>>
      %dma_start3A_53 = tpu.memref_slice %arg7[%mul3A_37] : memref<10112xf32, #tpu.memory_space<vmem_shared>> -> memref<632xf32, #tpu.memory_space<vmem_shared>>
      %dma_start3A_54 = tpu.memref_slice %arg7[%mul3A_37] : memref<10112xf32, #tpu.memory_space<vmem_shared>> -> memref<632xf32, #tpu.memory_space<vmem_shared>>
      %dma_start3A_55 = arith.constant 0 : i32
      %dma_start3A_56 = tpu.memref_slice %arg6[%dma_start3A_55] : memref<640xf32, #tpu.memory_space<vmem>> -> memref<632xf32, #tpu.memory_space<vmem>>
      tpu.enqueue_dma source(%dma_start3A_56 : memref<632xf32, #tpu.memory_space<vmem>>) target(%dma_start3A_54 : memref<632xf32, #tpu.memory_space<vmem_shared>>) target_semaphore(%run_scoped3A : memref<!tpu.dma_semaphore, #tpu.memory_space<semaphore_mem>>)
      %dma_wait3A = arith.constant 0 : i32
      %dma_wait3A_57 = tpu.memref_slice %arg6[%dma_wait3A] : memref<640xf32, #tpu.memory_space<vmem>> -> memref<632xf32, #tpu.memory_space<vmem>>
      %dma_wait3A_58 = tpu.memref_slice %arg7[%mul3A_37] : memref<10112xf32, #tpu.memory_space<vmem_shared>> -> memref<632xf32, #tpu.memory_space<vmem_shared>>
      %dma_wait3A_59 = tpu.memref_slice %arg7[%mul3A_37] : memref<10112xf32, #tpu.memory_space<vmem_shared>> -> memref<632xf32, #tpu.memory_space<vmem_shared>>
      %dma_wait3A_60 = arith.constant 0 : i32
      %dma_wait3A_61 = tpu.memref_slice %arg6[%dma_wait3A_60] : memref<640xf32, #tpu.memory_space<vmem>> -> memref<632xf32, #tpu.memory_space<vmem>>
      tpu.wait_dma2 semaphore(%run_scoped3A : memref<!tpu.dma_semaphore, #tpu.memory_space<semaphore_mem>>) src(%dma_wait3A_61 : memref<632xf32, #tpu.memory_space<vmem>>) dst(%dma_wait3A_59 : memref<632xf32, #tpu.memory_space<vmem_shared>>)
      tpu.yield
    }) : () -> ()
    %barrier3A = arith.constant 0 : index
    tpu.barrier barrier_id(%barrier3A)
    %scan3A_38 = arith.constant 0 : i32
    %scan3A_39 = arith.constant 0 : i32
    %scan3A_40 = arith.constant 25 : i32
    %scan3A_41 = arith.addi %scan3A_39, %scan3A_40 : i32
    %scan3A_42 = arith.constant 1 : i32
    scf.for %scan3A_52 = %scan3A_39 to %scan3A_41 step %scan3A_42  : i32 {
      %mul3A_53 = arith.constant 5 : i32
      %mul3A_54 = arith.muli %scan3A_52, %mul3A_53 : i32
      %add3A_55 = arith.constant 0 : i32
      %add3A_56 = arith.addi %mul3A_54, %add3A_55 : i32
      %dma_start3A = arith.constant 0 : i32
      %dma_start3A_57 = tpu.memref_slice %arg4[%add3A_56, %dma_start3A] : memref<125x80xi32, #tpu.memory_space<vmem>> -> memref<1x80xi32, #tpu.memory_space<vmem>>
      %dma_start3A_58 = tpu.memref_squeeze %dma_start3A_57 : memref<1x80xi32, #tpu.memory_space<vmem>> -> memref<80xi32, #tpu.memory_space<vmem>>
      %dma_start3A_59 = arith.constant 0 : i32
      %dma_start3A_60 = tpu.memref_slice %arg7[%dma_start3A_59] : memref<10112xf32, #tpu.memory_space<vmem_shared>> -> memref<10112xf32, #tpu.memory_space<vmem_shared>>
      tpu.enqueue_indirect_dma source(%arg5 : memref<80xf32, #tpu.memory_space<vmem>>) target(%dma_start3A_60 : memref<10112xf32, #tpu.memory_space<vmem_shared>>) offsets(%dma_start3A_58 : memref<80xi32, #tpu.memory_space<vmem>>) semaphore(%arg8 : memref<!tpu.dma_semaphore, #tpu.memory_space<semaphore_mem>>) {add = true}
      %mul3A_61 = arith.constant 5 : i32
      %mul3A_62 = arith.muli %scan3A_52, %mul3A_61 : i32
      %add3A_63 = arith.constant 1 : i32
      %add3A_64 = arith.addi %mul3A_62, %add3A_63 : i32
      %dma_start3A_65 = arith.constant 0 : i32
      %dma_start3A_66 = tpu.memref_slice %arg4[%add3A_64, %dma_start3A_65] : memref<125x80xi32, #tpu.memory_space<vmem>> -> memref<1x80xi32, #tpu.memory_space<vmem>>
      %dma_start3A_67 = tpu.memref_squeeze %dma_start3A_66 : memref<1x80xi32, #tpu.memory_space<vmem>> -> memref<80xi32, #tpu.memory_space<vmem>>
      %dma_start3A_68 = arith.constant 0 : i32
      %dma_start3A_69 = tpu.memref_slice %arg7[%dma_start3A_68] : memref<10112xf32, #tpu.memory_space<vmem_shared>> -> memref<10112xf32, #tpu.memory_space<vmem_shared>>
      tpu.enqueue_indirect_dma source(%arg5 : memref<80xf32, #tpu.memory_space<vmem>>) target(%dma_start3A_69 : memref<10112xf32, #tpu.memory_space<vmem_shared>>) offsets(%dma_start3A_67 : memref<80xi32, #tpu.memory_space<vmem>>) semaphore(%arg8 : memref<!tpu.dma_semaphore, #tpu.memory_space<semaphore_mem>>) {add = true}
      %mul3A_70 = arith.constant 5 : i32
      %mul3A_71 = arith.muli %scan3A_52, %mul3A_70 : i32
      %add3A_72 = arith.constant 2 : i32
      %add3A_73 = arith.addi %mul3A_71, %add3A_72 : i32
      %dma_start3A_74 = arith.constant 0 : i32
      %dma_start3A_75 = tpu.memref_slice %arg4[%add3A_73, %dma_start3A_74] : memref<125x80xi32, #tpu.memory_space<vmem>> -> memref<1x80xi32, #tpu.memory_space<vmem>>
      %dma_start3A_76 = tpu.memref_squeeze %dma_start3A_75 : memref<1x80xi32, #tpu.memory_space<vmem>> -> memref<80xi32, #tpu.memory_space<vmem>>
      %dma_start3A_77 = arith.constant 0 : i32
      %dma_start3A_78 = tpu.memref_slice %arg7[%dma_start3A_77] : memref<10112xf32, #tpu.memory_space<vmem_shared>> -> memref<10112xf32, #tpu.memory_space<vmem_shared>>
      tpu.enqueue_indirect_dma source(%arg5 : memref<80xf32, #tpu.memory_space<vmem>>) target(%dma_start3A_78 : memref<10112xf32, #tpu.memory_space<vmem_shared>>) offsets(%dma_start3A_76 : memref<80xi32, #tpu.memory_space<vmem>>) semaphore(%arg8 : memref<!tpu.dma_semaphore, #tpu.memory_space<semaphore_mem>>) {add = true}
      %mul3A_79 = arith.constant 5 : i32
      %mul3A_80 = arith.muli %scan3A_52, %mul3A_79 : i32
      %add3A_81 = arith.constant 3 : i32
      %add3A_82 = arith.addi %mul3A_80, %add3A_81 : i32
      %dma_start3A_83 = arith.constant 0 : i32
      %dma_start3A_84 = tpu.memref_slice %arg4[%add3A_82, %dma_start3A_83] : memref<125x80xi32, #tpu.memory_space<vmem>> -> memref<1x80xi32, #tpu.memory_space<vmem>>
      %dma_start3A_85 = tpu.memref_squeeze %dma_start3A_84 : memref<1x80xi32, #tpu.memory_space<vmem>> -> memref<80xi32, #tpu.memory_space<vmem>>
      %dma_start3A_86 = arith.constant 0 : i32
      %dma_start3A_87 = tpu.memref_slice %arg7[%dma_start3A_86] : memref<10112xf32, #tpu.memory_space<vmem_shared>> -> memref<10112xf32, #tpu.memory_space<vmem_shared>>
      tpu.enqueue_indirect_dma source(%arg5 : memref<80xf32, #tpu.memory_space<vmem>>) target(%dma_start3A_87 : memref<10112xf32, #tpu.memory_space<vmem_shared>>) offsets(%dma_start3A_85 : memref<80xi32, #tpu.memory_space<vmem>>) semaphore(%arg8 : memref<!tpu.dma_semaphore, #tpu.memory_space<semaphore_mem>>) {add = true}
      %mul3A_88 = arith.constant 5 : i32
      %mul3A_89 = arith.muli %scan3A_52, %mul3A_88 : i32
      %add3A_90 = arith.constant 4 : i32
      %add3A_91 = arith.addi %mul3A_89, %add3A_90 : i32
      %dma_start3A_92 = arith.constant 0 : i32
      %dma_start3A_93 = tpu.memref_slice %arg4[%add3A_91, %dma_start3A_92] : memref<125x80xi32, #tpu.memory_space<vmem>> -> memref<1x80xi32, #tpu.memory_space<vmem>>
      %dma_start3A_94 = tpu.memref_squeeze %dma_start3A_93 : memref<1x80xi32, #tpu.memory_space<vmem>> -> memref<80xi32, #tpu.memory_space<vmem>>
      %dma_start3A_95 = arith.constant 0 : i32
      %dma_start3A_96 = tpu.memref_slice %arg7[%dma_start3A_95] : memref<10112xf32, #tpu.memory_space<vmem_shared>> -> memref<10112xf32, #tpu.memory_space<vmem_shared>>
      tpu.enqueue_indirect_dma source(%arg5 : memref<80xf32, #tpu.memory_space<vmem>>) target(%dma_start3A_96 : memref<10112xf32, #tpu.memory_space<vmem_shared>>) offsets(%dma_start3A_94 : memref<80xi32, #tpu.memory_space<vmem>>) semaphore(%arg8 : memref<!tpu.dma_semaphore, #tpu.memory_space<semaphore_mem>>) {add = true}
      %mul3A_97 = arith.constant 5 : i32
      %mul3A_98 = arith.muli %scan3A_52, %mul3A_97 : i32
      %add3A_99 = arith.constant 0 : i32
      %add3A_100 = arith.addi %mul3A_98, %add3A_99 : i32
      %dma_wait3A = arith.constant 0 : i32
      %dma_wait3A_101 = tpu.memref_slice %arg4[%add3A_100, %dma_wait3A] : memref<125x80xi32, #tpu.memory_space<vmem>> -> memref<1x80xi32, #tpu.memory_space<vmem>>
      %dma_wait3A_102 = tpu.memref_squeeze %dma_wait3A_101 : memref<1x80xi32, #tpu.memory_space<vmem>> -> memref<80xi32, #tpu.memory_space<vmem>>
      %dma_wait3A_103 = arith.constant 0 : i32
      %dma_wait3A_104 = tpu.memref_slice %arg7[%dma_wait3A_103] : memref<10112xf32, #tpu.memory_space<vmem_shared>> -> memref<10112xf32, #tpu.memory_space<vmem_shared>>
      tpu.wait_indirect_dma semaphore(%arg8 : memref<!tpu.dma_semaphore, #tpu.memory_space<semaphore_mem>>) src(%arg5 : memref<80xf32, #tpu.memory_space<vmem>>) dst(%dma_wait3A_104 : memref<10112xf32, #tpu.memory_space<vmem_shared>>)
      %mul3A_105 = arith.constant 5 : i32
      %mul3A_106 = arith.muli %scan3A_52, %mul3A_105 : i32
      %add3A_107 = arith.constant 1 : i32
      %add3A_108 = arith.addi %mul3A_106, %add3A_107 : i32
      %dma_wait3A_109 = arith.constant 0 : i32
      %dma_wait3A_110 = tpu.memref_slice %arg4[%add3A_108, %dma_wait3A_109] : memref<125x80xi32, #tpu.memory_space<vmem>> -> memref<1x80xi32, #tpu.memory_space<vmem>>
      %dma_wait3A_111 = tpu.memref_squeeze %dma_wait3A_110 : memref<1x80xi32, #tpu.memory_space<vmem>> -> memref<80xi32, #tpu.memory_space<vmem>>
      %dma_wait3A_112 = arith.constant 0 : i32
      %dma_wait3A_113 = tpu.memref_slice %arg7[%dma_wait3A_112] : memref<10112xf32, #tpu.memory_space<vmem_shared>> -> memref<10112xf32, #tpu.memory_space<vmem_shared>>
      tpu.wait_indirect_dma semaphore(%arg8 : memref<!tpu.dma_semaphore, #tpu.memory_space<semaphore_mem>>) src(%arg5 : memref<80xf32, #tpu.memory_space<vmem>>) dst(%dma_wait3A_113 : memref<10112xf32, #tpu.memory_space<vmem_shared>>)
      %mul3A_114 = arith.constant 5 : i32
      %mul3A_115 = arith.muli %scan3A_52, %mul3A_114 : i32
      %add3A_116 = arith.constant 2 : i32
      %add3A_117 = arith.addi %mul3A_115, %add3A_116 : i32
      %dma_wait3A_118 = arith.constant 0 : i32
      %dma_wait3A_119 = tpu.memref_slice %arg4[%add3A_117, %dma_wait3A_118] : memref<125x80xi32, #tpu.memory_space<vmem>> -> memref<1x80xi32, #tpu.memory_space<vmem>>
      %dma_wait3A_120 = tpu.memref_squeeze %dma_wait3A_119 : memref<1x80xi32, #tpu.memory_space<vmem>> -> memref<80xi32, #tpu.memory_space<vmem>>
      %dma_wait3A_121 = arith.constant 0 : i32
      %dma_wait3A_122 = tpu.memref_slice %arg7[%dma_wait3A_121] : memref<10112xf32, #tpu.memory_space<vmem_shared>> -> memref<10112xf32, #tpu.memory_space<vmem_shared>>
      tpu.wait_indirect_dma semaphore(%arg8 : memref<!tpu.dma_semaphore, #tpu.memory_space<semaphore_mem>>) src(%arg5 : memref<80xf32, #tpu.memory_space<vmem>>) dst(%dma_wait3A_122 : memref<10112xf32, #tpu.memory_space<vmem_shared>>)
      %mul3A_123 = arith.constant 5 : i32
      %mul3A_124 = arith.muli %scan3A_52, %mul3A_123 : i32
      %add3A_125 = arith.constant 3 : i32
      %add3A_126 = arith.addi %mul3A_124, %add3A_125 : i32
      %dma_wait3A_127 = arith.constant 0 : i32
      %dma_wait3A_128 = tpu.memref_slice %arg4[%add3A_126, %dma_wait3A_127] : memref<125x80xi32, #tpu.memory_space<vmem>> -> memref<1x80xi32, #tpu.memory_space<vmem>>
      %dma_wait3A_129 = tpu.memref_squeeze %dma_wait3A_128 : memref<1x80xi32, #tpu.memory_space<vmem>> -> memref<80xi32, #tpu.memory_space<vmem>>
      %dma_wait3A_130 = arith.constant 0 : i32
      %dma_wait3A_131 = tpu.memref_slice %arg7[%dma_wait3A_130] : memref<10112xf32, #tpu.memory_space<vmem_shared>> -> memref<10112xf32, #tpu.memory_space<vmem_shared>>
      tpu.wait_indirect_dma semaphore(%arg8 : memref<!tpu.dma_semaphore, #tpu.memory_space<semaphore_mem>>) src(%arg5 : memref<80xf32, #tpu.memory_space<vmem>>) dst(%dma_wait3A_131 : memref<10112xf32, #tpu.memory_space<vmem_shared>>)
      %mul3A_132 = arith.constant 5 : i32
      %mul3A_133 = arith.muli %scan3A_52, %mul3A_132 : i32
      %add3A_134 = arith.constant 4 : i32
      %add3A_135 = arith.addi %mul3A_133, %add3A_134 : i32
      %dma_wait3A_136 = arith.constant 0 : i32
      %dma_wait3A_137 = tpu.memref_slice %arg4[%add3A_135, %dma_wait3A_136] : memref<125x80xi32, #tpu.memory_space<vmem>> -> memref<1x80xi32, #tpu.memory_space<vmem>>
      %dma_wait3A_138 = tpu.memref_squeeze %dma_wait3A_137 : memref<1x80xi32, #tpu.memory_space<vmem>> -> memref<80xi32, #tpu.memory_space<vmem>>
      %dma_wait3A_139 = arith.constant 0 : i32
      %dma_wait3A_140 = tpu.memref_slice %arg7[%dma_wait3A_139] : memref<10112xf32, #tpu.memory_space<vmem_shared>> -> memref<10112xf32, #tpu.memory_space<vmem_shared>>
      tpu.wait_indirect_dma semaphore(%arg8 : memref<!tpu.dma_semaphore, #tpu.memory_space<semaphore_mem>>) src(%arg5 : memref<80xf32, #tpu.memory_space<vmem>>) dst(%dma_wait3A_140 : memref<10112xf32, #tpu.memory_space<vmem_shared>>)
    }
    %scan3A_43 = arith.constant 25 : i32
    %barrier3A_44 = arith.constant 0 : index
    tpu.barrier barrier_id(%barrier3A_44)
    %mul3A_45 = arith.constant 632 : i32
    %mul3A_46 = arith.muli %arg1, %mul3A_45 : i32
    "tpu.region"() ({
      %run_scoped3A = tpu.sem_alloc : memref<!tpu.dma_semaphore, #tpu.memory_space<semaphore_mem>>
      %dma_start3A = arith.constant 0 : i32
      %dma_start3A_52 = tpu.memref_slice %arg6[%dma_start3A] : memref<640xf32, #tpu.memory_space<vmem>> -> memref<632xf32, #tpu.memory_space<vmem>>
      %dma_start3A_53 = tpu.memref_slice %arg7[%mul3A_46] : memref<10112xf32, #tpu.memory_space<vmem_shared>> -> memref<632xf32, #tpu.memory_space<vmem_shared>>
      %dma_start3A_54 = arith.constant 0 : i32
      %dma_start3A_55 = tpu.memref_slice %arg6[%dma_start3A_54] : memref<640xf32, #tpu.memory_space<vmem>> -> memref<632xf32, #tpu.memory_space<vmem>>
      %dma_start3A_56 = tpu.memref_slice %arg7[%mul3A_46] : memref<10112xf32, #tpu.memory_space<vmem_shared>> -> memref<632xf32, #tpu.memory_space<vmem_shared>>
      tpu.enqueue_dma source(%dma_start3A_56 : memref<632xf32, #tpu.memory_space<vmem_shared>>) target(%dma_start3A_55 : memref<632xf32, #tpu.memory_space<vmem>>) target_semaphore(%run_scoped3A : memref<!tpu.dma_semaphore, #tpu.memory_space<semaphore_mem>>)
      %dma_wait3A = arith.constant 0 : i32
      %dma_wait3A_57 = tpu.memref_slice %arg6[%dma_wait3A] : memref<640xf32, #tpu.memory_space<vmem>> -> memref<632xf32, #tpu.memory_space<vmem>>
      %dma_wait3A_58 = tpu.memref_slice %arg7[%mul3A_46] : memref<10112xf32, #tpu.memory_space<vmem_shared>> -> memref<632xf32, #tpu.memory_space<vmem_shared>>
      %dma_wait3A_59 = arith.constant 0 : i32
      %dma_wait3A_60 = tpu.memref_slice %arg6[%dma_wait3A_59] : memref<640xf32, #tpu.memory_space<vmem>> -> memref<632xf32, #tpu.memory_space<vmem>>
      %dma_wait3A_61 = tpu.memref_slice %arg7[%mul3A_46] : memref<10112xf32, #tpu.memory_space<vmem_shared>> -> memref<632xf32, #tpu.memory_space<vmem_shared>>
      tpu.wait_dma2 semaphore(%run_scoped3A : memref<!tpu.dma_semaphore, #tpu.memory_space<semaphore_mem>>) src(%dma_wait3A_61 : memref<632xf32, #tpu.memory_space<vmem_shared>>) dst(%dma_wait3A_60 : memref<632xf32, #tpu.memory_space<vmem>>)
      tpu.yield
    }) : () -> ()
    %mul3A_47 = arith.constant 10112 : i32
    %mul3A_48 = arith.muli %arg0, %mul3A_47 : i32
    %mul3A_49 = arith.constant 632 : i32
    %mul3A_50 = arith.muli %arg1, %mul3A_49 : i32
    %add3A_51 = arith.addi %mul3A_48, %mul3A_50 : i32
    "tpu.region"() ({
      %run_scoped3A = tpu.sem_alloc : memref<!tpu.dma_semaphore, #tpu.memory_space<semaphore_mem>>
      %dma_start3A = arith.constant 0 : i32
      %dma_start3A_52 = tpu.memref_slice %arg6[%dma_start3A] : memref<640xf32, #tpu.memory_space<vmem>> -> memref<632xf32, #tpu.memory_space<vmem>>
      %dma_start3A_53 = tpu.memref_slice %arg3[%add3A_51] : memref<20224xf32, #tpu.memory_space<hbm>> -> memref<632xf32, #tpu.memory_space<hbm>>
      %dma_start3A_54 = tpu.memref_slice %arg3[%add3A_51] : memref<20224xf32, #tpu.memory_space<hbm>> -> memref<632xf32, #tpu.memory_space<hbm>>
      %dma_start3A_55 = arith.constant 0 : i32
      %dma_start3A_56 = tpu.memref_slice %arg6[%dma_start3A_55] : memref<640xf32, #tpu.memory_space<vmem>> -> memref<632xf32, #tpu.memory_space<vmem>>
      tpu.enqueue_dma source(%dma_start3A_56 : memref<632xf32, #tpu.memory_space<vmem>>) target(%dma_start3A_54 : memref<632xf32, #tpu.memory_space<hbm>>) target_semaphore(%run_scoped3A : memref<!tpu.dma_semaphore, #tpu.memory_space<semaphore_mem>>)
      %dma_wait3A = arith.constant 0 : i32
      %dma_wait3A_57 = tpu.memref_slice %arg6[%dma_wait3A] : memref<640xf32, #tpu.memory_space<vmem>> -> memref<632xf32, #tpu.memory_space<vmem>>
      %dma_wait3A_58 = tpu.memref_slice %arg3[%add3A_51] : memref<20224xf32, #tpu.memory_space<hbm>> -> memref<632xf32, #tpu.memory_space<hbm>>
      %dma_wait3A_59 = tpu.memref_slice %arg3[%add3A_51] : memref<20224xf32, #tpu.memory_space<hbm>> -> memref<632xf32, #tpu.memory_space<hbm>>
      %dma_wait3A_60 = arith.constant 0 : i32
      %dma_wait3A_61 = tpu.memref_slice %arg6[%dma_wait3A_60] : memref<640xf32, #tpu.memory_space<vmem>> -> memref<632xf32, #tpu.memory_space<vmem>>
      tpu.wait_dma2 semaphore(%run_scoped3A : memref<!tpu.dma_semaphore, #tpu.memory_space<semaphore_mem>>) src(%dma_wait3A_61 : memref<632xf32, #tpu.memory_space<vmem>>) dst(%dma_wait3A_59 : memref<632xf32, #tpu.memory_space<hbm>>)
      tpu.yield
    }) : () -> ()
    return
  }
}

#map = affine_map<(d0, d1) -> (0, 0)>
#map1 = affine_map<(d0, d1) -> (0, 0, 0)>
module attributes {stable_mosaic.version = 14 : i64} {
  func.func @scatter_kernel(%arg0: i32, %arg1: i32, %arg2: memref<10000x64xf32, #tpu.memory_space<hbm>>, %arg3: memref<4000x80xi32, #tpu.memory_space<hbm>>, %arg4: memref<4000x80xi32, #tpu.memory_space<hbm>>, %arg5: memref<2x10112x64xf32, #tpu.memory_space<hbm>>, %arg6: memref<125x80xi32, #tpu.memory_space<vmem>>, %arg7: memref<125x80xi32, #tpu.memory_space<vmem>>, %arg8: memref<80x64xf32, #tpu.memory_space<vmem>>, %arg9: memref<80x64xf32, #tpu.memory_space<vmem>>, %arg10: memref<80x64xf32, #tpu.memory_space<vmem>>, %arg11: memref<80x64xf32, #tpu.memory_space<vmem>>, %arg12: memref<80x64xf32, #tpu.memory_space<vmem>>, %arg13: memref<80x64xf32, #tpu.memory_space<vmem>>, %arg14: memref<80x64xf32, #tpu.memory_space<vmem>>, %arg15: memref<80x64xf32, #tpu.memory_space<vmem>>, %arg16: memref<80x64xf32, #tpu.memory_space<vmem>>, %arg17: memref<80x64xf32, #tpu.memory_space<vmem>>, %arg18: memref<10112x64xf32, #tpu.memory_space<vmem_shared>>, %arg19: memref<!tpu.dma_semaphore, #tpu.memory_space<semaphore_mem>>, %arg20: memref<!tpu.dma_semaphore, #tpu.memory_space<semaphore_mem>>, %arg21: memref<!tpu.dma_semaphore, #tpu.memory_space<semaphore_mem>>, %arg22: memref<!tpu.dma_semaphore, #tpu.memory_space<semaphore_mem>>, %arg23: memref<!tpu.dma_semaphore, #tpu.memory_space<semaphore_mem>>, %arg24: memref<!tpu.dma_semaphore, #tpu.memory_space<semaphore_mem>>, %arg25: memref<!tpu.dma_semaphore, #tpu.memory_space<semaphore_mem>>, %arg26: memref<!tpu.dma_semaphore, #tpu.memory_space<semaphore_mem>>, %arg27: memref<!tpu.dma_semaphore, #tpu.memory_space<semaphore_mem>>, %arg28: memref<!tpu.dma_semaphore, #tpu.memory_space<semaphore_mem>>, %arg29: memref<!tpu.dma_semaphore, #tpu.memory_space<semaphore_mem>>, %arg30: memref<!tpu.dma_semaphore, #tpu.memory_space<semaphore_mem>>, %arg31: memref<!tpu.dma_semaphore, #tpu.memory_space<semaphore_mem>>, %arg32: memref<!tpu.dma_semaphore, #tpu.memory_space<semaphore_mem>>, %arg33: memref<!tpu.dma_semaphore, #tpu.memory_space<semaphore_mem>>, %arg34: memref<!tpu.dma_semaphore, #tpu.memory_space<semaphore_mem>>, %arg35: memref<!tpu.dma_semaphore, #tpu.memory_space<semaphore_mem>>, %arg36: memref<!tpu.dma_semaphore, #tpu.memory_space<semaphore_mem>>, %arg37: memref<!tpu.dma_semaphore, #tpu.memory_space<semaphore_mem>>, %arg38: memref<!tpu.dma_semaphore, #tpu.memory_space<semaphore_mem>>) attributes {dimension_semantics = [#tpu.dimension_semantics<core_parallel>, #tpu.dimension_semantics<subcore_parallel>], iteration_bounds = array<i64: 2, 16>, scalar_prefetch = 0 : i64, scratch_operands = 33 : i64, tpu.core_type = #tpu.core_type<sc_vector_subcore>, window_params = [{transform_indices = #map}, {transform_indices = #map}, {transform_indices = #map}, {transform_indices = #map1}]} {
    %mul3A = arith.constant 16 : i32
    %mul3A_0 = arith.muli %arg0, %mul3A : i32
    %add3A = arith.addi %mul3A_0, %arg1 : i32
    %mul3A_1 = arith.constant 125 : i32
    %mul3A_2 = arith.muli %add3A, %mul3A_1 : i32
    %dma_start3A = arith.constant 0 : i32
    %dma_start3A_3 = tpu.memref_slice %arg3[%mul3A_2, %dma_start3A] : memref<4000x80xi32, #tpu.memory_space<hbm>> -> memref<125x80xi32, #tpu.memory_space<hbm>>
    %dma_start3A_4 = arith.constant 0 : i32
    %dma_start3A_5 = tpu.memref_slice %arg3[%mul3A_2, %dma_start3A_4] : memref<4000x80xi32, #tpu.memory_space<hbm>> -> memref<125x80xi32, #tpu.memory_space<hbm>>
    tpu.enqueue_dma source(%dma_start3A_5 : memref<125x80xi32, #tpu.memory_space<hbm>>) target(%arg6 : memref<125x80xi32, #tpu.memory_space<vmem>>) target_semaphore(%arg19 : memref<!tpu.dma_semaphore, #tpu.memory_space<semaphore_mem>>)
    %mul3A_6 = arith.constant 125 : i32
    %mul3A_7 = arith.muli %add3A, %mul3A_6 : i32
    %dma_start3A_8 = arith.constant 0 : i32
    %dma_start3A_9 = tpu.memref_slice %arg4[%mul3A_7, %dma_start3A_8] : memref<4000x80xi32, #tpu.memory_space<hbm>> -> memref<125x80xi32, #tpu.memory_space<hbm>>
    %dma_start3A_10 = arith.constant 0 : i32
    %dma_start3A_11 = tpu.memref_slice %arg4[%mul3A_7, %dma_start3A_10] : memref<4000x80xi32, #tpu.memory_space<hbm>> -> memref<125x80xi32, #tpu.memory_space<hbm>>
    tpu.enqueue_dma source(%dma_start3A_11 : memref<125x80xi32, #tpu.memory_space<hbm>>) target(%arg7 : memref<125x80xi32, #tpu.memory_space<vmem>>) target_semaphore(%arg20 : memref<!tpu.dma_semaphore, #tpu.memory_space<semaphore_mem>>)
    %scan3A = arith.constant 0 : i32
    %scan3A_12 = arith.constant 0 : i32
    %scan3A_13 = arith.constant 80 : i32
    %scan3A_14 = arith.addi %scan3A_12, %scan3A_13 : i32
    %scan3A_15 = arith.constant 1 : i32
    scf.for %scan3A_722 = %scan3A_12 to %scan3A_14 step %scan3A_15  : i32 {
      %broadcast_in_dim3A = arith.constant 0.000000e+00 : f32
      %broadcast_in_dim3A_723 = vector.broadcast %broadcast_in_dim3A : f32 to vector<16xf32>
      %swap3A = arith.index_cast %scan3A_722 : i32 to index
      %swap3A_724 = arith.constant 0 : index
      %swap3A_725 = tpu.vector_load %arg8[%swap3A, %swap3A_724] {strides = array<i32>} : memref<80x64xf32, #tpu.memory_space<vmem>>, vector<1x16xf32>,
      %swap3A_726 = vector.shape_cast %swap3A_725 : vector<1x16xf32> to vector<16xf32>
      %swap3A_727 = vector.shape_cast %broadcast_in_dim3A_723 : vector<16xf32> to vector<1x16xf32>
      tpu.vector_store %arg8[%swap3A, %swap3A_724], %swap3A_727 {strides = array<i32>} : memref<80x64xf32, #tpu.memory_space<vmem>>, vector<1x16xf32>,
      %broadcast_in_dim3A_728 = arith.constant 0.000000e+00 : f32
      %broadcast_in_dim3A_729 = vector.broadcast %broadcast_in_dim3A_728 : f32 to vector<16xf32>
      %swap3A_730 = arith.index_cast %scan3A_722 : i32 to index
      %swap3A_731 = arith.constant 16 : index
      %swap3A_732 = tpu.vector_load %arg8[%swap3A_730, %swap3A_731] {strides = array<i32>} : memref<80x64xf32, #tpu.memory_space<vmem>>, vector<1x16xf32>,
      %swap3A_733 = vector.shape_cast %swap3A_732 : vector<1x16xf32> to vector<16xf32>
      %swap3A_734 = vector.shape_cast %broadcast_in_dim3A_729 : vector<16xf32> to vector<1x16xf32>
      tpu.vector_store %arg8[%swap3A_730, %swap3A_731], %swap3A_734 {strides = array<i32>} : memref<80x64xf32, #tpu.memory_space<vmem>>, vector<1x16xf32>,
      %broadcast_in_dim3A_735 = arith.constant 0.000000e+00 : f32
      %broadcast_in_dim3A_736 = vector.broadcast %broadcast_in_dim3A_735 : f32 to vector<16xf32>
      %swap3A_737 = arith.index_cast %scan3A_722 : i32 to index
      %swap3A_738 = arith.constant 32 : index
      %swap3A_739 = tpu.vector_load %arg8[%swap3A_737, %swap3A_738] {strides = array<i32>} : memref<80x64xf32, #tpu.memory_space<vmem>>, vector<1x16xf32>,
      %swap3A_740 = vector.shape_cast %swap3A_739 : vector<1x16xf32> to vector<16xf32>
      %swap3A_741 = vector.shape_cast %broadcast_in_dim3A_736 : vector<16xf32> to vector<1x16xf32>
      tpu.vector_store %arg8[%swap3A_737, %swap3A_738], %swap3A_741 {strides = array<i32>} : memref<80x64xf32, #tpu.memory_space<vmem>>, vector<1x16xf32>,
      %broadcast_in_dim3A_742 = arith.constant 0.000000e+00 : f32
      %broadcast_in_dim3A_743 = vector.broadcast %broadcast_in_dim3A_742 : f32 to vector<16xf32>
      %swap3A_744 = arith.index_cast %scan3A_722 : i32 to index
      %swap3A_745 = arith.constant 48 : index
      %swap3A_746 = tpu.vector_load %arg8[%swap3A_744, %swap3A_745] {strides = array<i32>} : memref<80x64xf32, #tpu.memory_space<vmem>>, vector<1x16xf32>,
      %swap3A_747 = vector.shape_cast %swap3A_746 : vector<1x16xf32> to vector<16xf32>
      %swap3A_748 = vector.shape_cast %broadcast_in_dim3A_743 : vector<16xf32> to vector<1x16xf32>
      tpu.vector_store %arg8[%swap3A_744, %swap3A_745], %swap3A_748 {strides = array<i32>} : memref<80x64xf32, #tpu.memory_space<vmem>>, vector<1x16xf32>,
    }
    %scan3A_16 = arith.constant 80 : i32
    %mul3A_17 = arith.constant 632 : i32
    %mul3A_18 = arith.muli %arg1, %mul3A_17 : i32
    %add3A_19 = arith.constant 0 : i32
    %add3A_20 = arith.addi %mul3A_18, %add3A_19 : i32
    "tpu.region"() ({
      %run_scoped3A = tpu.sem_alloc : memref<!tpu.dma_semaphore, #tpu.memory_space<semaphore_mem>>
      %dma_start3A_722 = arith.constant 0 : i32
      %dma_start3A_723 = arith.constant 0 : i32
      %dma_start3A_724 = tpu.memref_slice %arg8[%dma_start3A_722, %dma_start3A_723] : memref<80x64xf32, #tpu.memory_space<vmem>> -> memref<80x64xf32, #tpu.memory_space<vmem>>
      %dma_start3A_725 = arith.constant 0 : i32
      %dma_start3A_726 = tpu.memref_slice %arg18[%add3A_20, %dma_start3A_725] : memref<10112x64xf32, #tpu.memory_space<vmem_shared>> -> memref<80x64xf32, #tpu.memory_space<vmem_shared>>
      %dma_start3A_727 = arith.constant 0 : i32
      %dma_start3A_728 = tpu.memref_slice %arg18[%add3A_20, %dma_start3A_727] : memref<10112x64xf32, #tpu.memory_space<vmem_shared>> -> memref<80x64xf32, #tpu.memory_space<vmem_shared>>
      %dma_start3A_729 = arith.constant 0 : i32
      %dma_start3A_730 = arith.constant 0 : i32
      %dma_start3A_731 = tpu.memref_slice %arg8[%dma_start3A_729, %dma_start3A_730] : memref<80x64xf32, #tpu.memory_space<vmem>> -> memref<80x64xf32, #tpu.memory_space<vmem>>
      tpu.enqueue_dma source(%dma_start3A_731 : memref<80x64xf32, #tpu.memory_space<vmem>>) target(%dma_start3A_728 : memref<80x64xf32, #tpu.memory_space<vmem_shared>>) target_semaphore(%run_scoped3A : memref<!tpu.dma_semaphore, #tpu.memory_space<semaphore_mem>>)
      %dma_wait3A_732 = arith.constant 0 : i32
      %dma_wait3A_733 = arith.constant 0 : i32
      %dma_wait3A_734 = tpu.memref_slice %arg8[%dma_wait3A_732, %dma_wait3A_733] : memref<80x64xf32, #tpu.memory_space<vmem>> -> memref<80x64xf32, #tpu.memory_space<vmem>>
      %dma_wait3A_735 = arith.constant 0 : i32
      %dma_wait3A_736 = tpu.memref_slice %arg18[%add3A_20, %dma_wait3A_735] : memref<10112x64xf32, #tpu.memory_space<vmem_shared>> -> memref<80x64xf32, #tpu.memory_space<vmem_shared>>
      %dma_wait3A_737 = arith.constant 0 : i32
      %dma_wait3A_738 = tpu.memref_slice %arg18[%add3A_20, %dma_wait3A_737] : memref<10112x64xf32, #tpu.memory_space<vmem_shared>> -> memref<80x64xf32, #tpu.memory_space<vmem_shared>>
      %dma_wait3A_739 = arith.constant 0 : i32
      %dma_wait3A_740 = arith.constant 0 : i32
      %dma_wait3A_741 = tpu.memref_slice %arg8[%dma_wait3A_739, %dma_wait3A_740] : memref<80x64xf32, #tpu.memory_space<vmem>> -> memref<80x64xf32, #tpu.memory_space<vmem>>
      tpu.wait_dma2 semaphore(%run_scoped3A : memref<!tpu.dma_semaphore, #tpu.memory_space<semaphore_mem>>) src(%dma_wait3A_741 : memref<80x64xf32, #tpu.memory_space<vmem>>) dst(%dma_wait3A_738 : memref<80x64xf32, #tpu.memory_space<vmem_shared>>)
      tpu.yield
    }) : () -> ()
    %mul3A_21 = arith.constant 632 : i32
    %mul3A_22 = arith.muli %arg1, %mul3A_21 : i32
    %add3A_23 = arith.constant 80 : i32
    %add3A_24 = arith.addi %mul3A_22, %add3A_23 : i32
    "tpu.region"() ({
      %run_scoped3A = tpu.sem_alloc : memref<!tpu.dma_semaphore, #tpu.memory_space<semaphore_mem>>
      %dma_start3A_722 = arith.constant 0 : i32
      %dma_start3A_723 = arith.constant 0 : i32
      %dma_start3A_724 = tpu.memref_slice %arg8[%dma_start3A_722, %dma_start3A_723] : memref<80x64xf32, #tpu.memory_space<vmem>> -> memref<80x64xf32, #tpu.memory_space<vmem>>
      %dma_start3A_725 = arith.constant 0 : i32
      %dma_start3A_726 = tpu.memref_slice %arg18[%add3A_24, %dma_start3A_725] : memref<10112x64xf32, #tpu.memory_space<vmem_shared>> -> memref<80x64xf32, #tpu.memory_space<vmem_shared>>
      %dma_start3A_727 = arith.constant 0 : i32
      %dma_start3A_728 = tpu.memref_slice %arg18[%add3A_24, %dma_start3A_727] : memref<10112x64xf32, #tpu.memory_space<vmem_shared>> -> memref<80x64xf32, #tpu.memory_space<vmem_shared>>
      %dma_start3A_729 = arith.constant 0 : i32
      %dma_start3A_730 = arith.constant 0 : i32
      %dma_start3A_731 = tpu.memref_slice %arg8[%dma_start3A_729, %dma_start3A_730] : memref<80x64xf32, #tpu.memory_space<vmem>> -> memref<80x64xf32, #tpu.memory_space<vmem>>
      tpu.enqueue_dma source(%dma_start3A_731 : memref<80x64xf32, #tpu.memory_space<vmem>>) target(%dma_start3A_728 : memref<80x64xf32, #tpu.memory_space<vmem_shared>>) target_semaphore(%run_scoped3A : memref<!tpu.dma_semaphore, #tpu.memory_space<semaphore_mem>>)
      %dma_wait3A_732 = arith.constant 0 : i32
      %dma_wait3A_733 = arith.constant 0 : i32
      %dma_wait3A_734 = tpu.memref_slice %arg8[%dma_wait3A_732, %dma_wait3A_733] : memref<80x64xf32, #tpu.memory_space<vmem>> -> memref<80x64xf32, #tpu.memory_space<vmem>>
      %dma_wait3A_735 = arith.constant 0 : i32
      %dma_wait3A_736 = tpu.memref_slice %arg18[%add3A_24, %dma_wait3A_735] : memref<10112x64xf32, #tpu.memory_space<vmem_shared>> -> memref<80x64xf32, #tpu.memory_space<vmem_shared>>
      %dma_wait3A_737 = arith.constant 0 : i32
      %dma_wait3A_738 = tpu.memref_slice %arg18[%add3A_24, %dma_wait3A_737] : memref<10112x64xf32, #tpu.memory_space<vmem_shared>> -> memref<80x64xf32, #tpu.memory_space<vmem_shared>>
      %dma_wait3A_739 = arith.constant 0 : i32
      %dma_wait3A_740 = arith.constant 0 : i32
      %dma_wait3A_741 = tpu.memref_slice %arg8[%dma_wait3A_739, %dma_wait3A_740] : memref<80x64xf32, #tpu.memory_space<vmem>> -> memref<80x64xf32, #tpu.memory_space<vmem>>
      tpu.wait_dma2 semaphore(%run_scoped3A : memref<!tpu.dma_semaphore, #tpu.memory_space<semaphore_mem>>) src(%dma_wait3A_741 : memref<80x64xf32, #tpu.memory_space<vmem>>) dst(%dma_wait3A_738 : memref<80x64xf32, #tpu.memory_space<vmem_shared>>)
      tpu.yield
    }) : () -> ()
    %mul3A_25 = arith.constant 632 : i32
    %mul3A_26 = arith.muli %arg1, %mul3A_25 : i32
    %add3A_27 = arith.constant 160 : i32
    %add3A_28 = arith.addi %mul3A_26, %add3A_27 : i32
    "tpu.region"() ({
      %run_scoped3A = tpu.sem_alloc : memref<!tpu.dma_semaphore, #tpu.memory_space<semaphore_mem>>
      %dma_start3A_722 = arith.constant 0 : i32
      %dma_start3A_723 = arith.constant 0 : i32
      %dma_start3A_724 = tpu.memref_slice %arg8[%dma_start3A_722, %dma_start3A_723] : memref<80x64xf32, #tpu.memory_space<vmem>> -> memref<80x64xf32, #tpu.memory_space<vmem>>
      %dma_start3A_725 = arith.constant 0 : i32
      %dma_start3A_726 = tpu.memref_slice %arg18[%add3A_28, %dma_start3A_725] : memref<10112x64xf32, #tpu.memory_space<vmem_shared>> -> memref<80x64xf32, #tpu.memory_space<vmem_shared>>
      %dma_start3A_727 = arith.constant 0 : i32
      %dma_start3A_728 = tpu.memref_slice %arg18[%add3A_28, %dma_start3A_727] : memref<10112x64xf32, #tpu.memory_space<vmem_shared>> -> memref<80x64xf32, #tpu.memory_space<vmem_shared>>
      %dma_start3A_729 = arith.constant 0 : i32
      %dma_start3A_730 = arith.constant 0 : i32
      %dma_start3A_731 = tpu.memref_slice %arg8[%dma_start3A_729, %dma_start3A_730] : memref<80x64xf32, #tpu.memory_space<vmem>> -> memref<80x64xf32, #tpu.memory_space<vmem>>
      tpu.enqueue_dma source(%dma_start3A_731 : memref<80x64xf32, #tpu.memory_space<vmem>>) target(%dma_start3A_728 : memref<80x64xf32, #tpu.memory_space<vmem_shared>>) target_semaphore(%run_scoped3A : memref<!tpu.dma_semaphore, #tpu.memory_space<semaphore_mem>>)
      %dma_wait3A_732 = arith.constant 0 : i32
      %dma_wait3A_733 = arith.constant 0 : i32
      %dma_wait3A_734 = tpu.memref_slice %arg8[%dma_wait3A_732, %dma_wait3A_733] : memref<80x64xf32, #tpu.memory_space<vmem>> -> memref<80x64xf32, #tpu.memory_space<vmem>>
      %dma_wait3A_735 = arith.constant 0 : i32
      %dma_wait3A_736 = tpu.memref_slice %arg18[%add3A_28, %dma_wait3A_735] : memref<10112x64xf32, #tpu.memory_space<vmem_shared>> -> memref<80x64xf32, #tpu.memory_space<vmem_shared>>
      %dma_wait3A_737 = arith.constant 0 : i32
      %dma_wait3A_738 = tpu.memref_slice %arg18[%add3A_28, %dma_wait3A_737] : memref<10112x64xf32, #tpu.memory_space<vmem_shared>> -> memref<80x64xf32, #tpu.memory_space<vmem_shared>>
      %dma_wait3A_739 = arith.constant 0 : i32
      %dma_wait3A_740 = arith.constant 0 : i32
      %dma_wait3A_741 = tpu.memref_slice %arg8[%dma_wait3A_739, %dma_wait3A_740] : memref<80x64xf32, #tpu.memory_space<vmem>> -> memref<80x64xf32, #tpu.memory_space<vmem>>
      tpu.wait_dma2 semaphore(%run_scoped3A : memref<!tpu.dma_semaphore, #tpu.memory_space<semaphore_mem>>) src(%dma_wait3A_741 : memref<80x64xf32, #tpu.memory_space<vmem>>) dst(%dma_wait3A_738 : memref<80x64xf32, #tpu.memory_space<vmem_shared>>)
      tpu.yield
    }) : () -> ()
    %mul3A_29 = arith.constant 632 : i32
    %mul3A_30 = arith.muli %arg1, %mul3A_29 : i32
    %add3A_31 = arith.constant 240 : i32
    %add3A_32 = arith.addi %mul3A_30, %add3A_31 : i32
    "tpu.region"() ({
      %run_scoped3A = tpu.sem_alloc : memref<!tpu.dma_semaphore, #tpu.memory_space<semaphore_mem>>
      %dma_start3A_722 = arith.constant 0 : i32
      %dma_start3A_723 = arith.constant 0 : i32
      %dma_start3A_724 = tpu.memref_slice %arg8[%dma_start3A_722, %dma_start3A_723] : memref<80x64xf32, #tpu.memory_space<vmem>> -> memref<80x64xf32, #tpu.memory_space<vmem>>
      %dma_start3A_725 = arith.constant 0 : i32
      %dma_start3A_726 = tpu.memref_slice %arg18[%add3A_32, %dma_start3A_725] : memref<10112x64xf32, #tpu.memory_space<vmem_shared>> -> memref<80x64xf32, #tpu.memory_space<vmem_shared>>
      %dma_start3A_727 = arith.constant 0 : i32
      %dma_start3A_728 = tpu.memref_slice %arg18[%add3A_32, %dma_start3A_727] : memref<10112x64xf32, #tpu.memory_space<vmem_shared>> -> memref<80x64xf32, #tpu.memory_space<vmem_shared>>
      %dma_start3A_729 = arith.constant 0 : i32
      %dma_start3A_730 = arith.constant 0 : i32
      %dma_start3A_731 = tpu.memref_slice %arg8[%dma_start3A_729, %dma_start3A_730] : memref<80x64xf32, #tpu.memory_space<vmem>> -> memref<80x64xf32, #tpu.memory_space<vmem>>
      tpu.enqueue_dma source(%dma_start3A_731 : memref<80x64xf32, #tpu.memory_space<vmem>>) target(%dma_start3A_728 : memref<80x64xf32, #tpu.memory_space<vmem_shared>>) target_semaphore(%run_scoped3A : memref<!tpu.dma_semaphore, #tpu.memory_space<semaphore_mem>>)
      %dma_wait3A_732 = arith.constant 0 : i32
      %dma_wait3A_733 = arith.constant 0 : i32
      %dma_wait3A_734 = tpu.memref_slice %arg8[%dma_wait3A_732, %dma_wait3A_733] : memref<80x64xf32, #tpu.memory_space<vmem>> -> memref<80x64xf32, #tpu.memory_space<vmem>>
      %dma_wait3A_735 = arith.constant 0 : i32
      %dma_wait3A_736 = tpu.memref_slice %arg18[%add3A_32, %dma_wait3A_735] : memref<10112x64xf32, #tpu.memory_space<vmem_shared>> -> memref<80x64xf32, #tpu.memory_space<vmem_shared>>
      %dma_wait3A_737 = arith.constant 0 : i32
      %dma_wait3A_738 = tpu.memref_slice %arg18[%add3A_32, %dma_wait3A_737] : memref<10112x64xf32, #tpu.memory_space<vmem_shared>> -> memref<80x64xf32, #tpu.memory_space<vmem_shared>>
      %dma_wait3A_739 = arith.constant 0 : i32
      %dma_wait3A_740 = arith.constant 0 : i32
      %dma_wait3A_741 = tpu.memref_slice %arg8[%dma_wait3A_739, %dma_wait3A_740] : memref<80x64xf32, #tpu.memory_space<vmem>> -> memref<80x64xf32, #tpu.memory_space<vmem>>
      tpu.wait_dma2 semaphore(%run_scoped3A : memref<!tpu.dma_semaphore, #tpu.memory_space<semaphore_mem>>) src(%dma_wait3A_741 : memref<80x64xf32, #tpu.memory_space<vmem>>) dst(%dma_wait3A_738 : memref<80x64xf32, #tpu.memory_space<vmem_shared>>)
      tpu.yield
    }) : () -> ()
    %mul3A_33 = arith.constant 632 : i32
    %mul3A_34 = arith.muli %arg1, %mul3A_33 : i32
    %add3A_35 = arith.constant 320 : i32
    %add3A_36 = arith.addi %mul3A_34, %add3A_35 : i32
    "tpu.region"() ({
      %run_scoped3A = tpu.sem_alloc : memref<!tpu.dma_semaphore, #tpu.memory_space<semaphore_mem>>
      %dma_start3A_722 = arith.constant 0 : i32
      %dma_start3A_723 = arith.constant 0 : i32
      %dma_start3A_724 = tpu.memref_slice %arg8[%dma_start3A_722, %dma_start3A_723] : memref<80x64xf32, #tpu.memory_space<vmem>> -> memref<80x64xf32, #tpu.memory_space<vmem>>
      %dma_start3A_725 = arith.constant 0 : i32
      %dma_start3A_726 = tpu.memref_slice %arg18[%add3A_36, %dma_start3A_725] : memref<10112x64xf32, #tpu.memory_space<vmem_shared>> -> memref<80x64xf32, #tpu.memory_space<vmem_shared>>
      %dma_start3A_727 = arith.constant 0 : i32
      %dma_start3A_728 = tpu.memref_slice %arg18[%add3A_36, %dma_start3A_727] : memref<10112x64xf32, #tpu.memory_space<vmem_shared>> -> memref<80x64xf32, #tpu.memory_space<vmem_shared>>
      %dma_start3A_729 = arith.constant 0 : i32
      %dma_start3A_730 = arith.constant 0 : i32
      %dma_start3A_731 = tpu.memref_slice %arg8[%dma_start3A_729, %dma_start3A_730] : memref<80x64xf32, #tpu.memory_space<vmem>> -> memref<80x64xf32, #tpu.memory_space<vmem>>
      tpu.enqueue_dma source(%dma_start3A_731 : memref<80x64xf32, #tpu.memory_space<vmem>>) target(%dma_start3A_728 : memref<80x64xf32, #tpu.memory_space<vmem_shared>>) target_semaphore(%run_scoped3A : memref<!tpu.dma_semaphore, #tpu.memory_space<semaphore_mem>>)
      %dma_wait3A_732 = arith.constant 0 : i32
      %dma_wait3A_733 = arith.constant 0 : i32
      %dma_wait3A_734 = tpu.memref_slice %arg8[%dma_wait3A_732, %dma_wait3A_733] : memref<80x64xf32, #tpu.memory_space<vmem>> -> memref<80x64xf32, #tpu.memory_space<vmem>>
      %dma_wait3A_735 = arith.constant 0 : i32
      %dma_wait3A_736 = tpu.memref_slice %arg18[%add3A_36, %dma_wait3A_735] : memref<10112x64xf32, #tpu.memory_space<vmem_shared>> -> memref<80x64xf32, #tpu.memory_space<vmem_shared>>
      %dma_wait3A_737 = arith.constant 0 : i32
      %dma_wait3A_738 = tpu.memref_slice %arg18[%add3A_36, %dma_wait3A_737] : memref<10112x64xf32, #tpu.memory_space<vmem_shared>> -> memref<80x64xf32, #tpu.memory_space<vmem_shared>>
      %dma_wait3A_739 = arith.constant 0 : i32
      %dma_wait3A_740 = arith.constant 0 : i32
      %dma_wait3A_741 = tpu.memref_slice %arg8[%dma_wait3A_739, %dma_wait3A_740] : memref<80x64xf32, #tpu.memory_space<vmem>> -> memref<80x64xf32, #tpu.memory_space<vmem>>
      tpu.wait_dma2 semaphore(%run_scoped3A : memref<!tpu.dma_semaphore, #tpu.memory_space<semaphore_mem>>) src(%dma_wait3A_741 : memref<80x64xf32, #tpu.memory_space<vmem>>) dst(%dma_wait3A_738 : memref<80x64xf32, #tpu.memory_space<vmem_shared>>)
      tpu.yield
    }) : () -> ()
    %mul3A_37 = arith.constant 632 : i32
    %mul3A_38 = arith.muli %arg1, %mul3A_37 : i32
    %add3A_39 = arith.constant 400 : i32
    %add3A_40 = arith.addi %mul3A_38, %add3A_39 : i32
    "tpu.region"() ({
      %run_scoped3A = tpu.sem_alloc : memref<!tpu.dma_semaphore, #tpu.memory_space<semaphore_mem>>
      %dma_start3A_722 = arith.constant 0 : i32
      %dma_start3A_723 = arith.constant 0 : i32
      %dma_start3A_724 = tpu.memref_slice %arg8[%dma_start3A_722, %dma_start3A_723] : memref<80x64xf32, #tpu.memory_space<vmem>> -> memref<80x64xf32, #tpu.memory_space<vmem>>
      %dma_start3A_725 = arith.constant 0 : i32
      %dma_start3A_726 = tpu.memref_slice %arg18[%add3A_40, %dma_start3A_725] : memref<10112x64xf32, #tpu.memory_space<vmem_shared>> -> memref<80x64xf32, #tpu.memory_space<vmem_shared>>
      %dma_start3A_727 = arith.constant 0 : i32
      %dma_start3A_728 = tpu.memref_slice %arg18[%add3A_40, %dma_start3A_727] : memref<10112x64xf32, #tpu.memory_space<vmem_shared>> -> memref<80x64xf32, #tpu.memory_space<vmem_shared>>
      %dma_start3A_729 = arith.constant 0 : i32
      %dma_start3A_730 = arith.constant 0 : i32
      %dma_start3A_731 = tpu.memref_slice %arg8[%dma_start3A_729, %dma_start3A_730] : memref<80x64xf32, #tpu.memory_space<vmem>> -> memref<80x64xf32, #tpu.memory_space<vmem>>
      tpu.enqueue_dma source(%dma_start3A_731 : memref<80x64xf32, #tpu.memory_space<vmem>>) target(%dma_start3A_728 : memref<80x64xf32, #tpu.memory_space<vmem_shared>>) target_semaphore(%run_scoped3A : memref<!tpu.dma_semaphore, #tpu.memory_space<semaphore_mem>>)
      %dma_wait3A_732 = arith.constant 0 : i32
      %dma_wait3A_733 = arith.constant 0 : i32
      %dma_wait3A_734 = tpu.memref_slice %arg8[%dma_wait3A_732, %dma_wait3A_733] : memref<80x64xf32, #tpu.memory_space<vmem>> -> memref<80x64xf32, #tpu.memory_space<vmem>>
      %dma_wait3A_735 = arith.constant 0 : i32
      %dma_wait3A_736 = tpu.memref_slice %arg18[%add3A_40, %dma_wait3A_735] : memref<10112x64xf32, #tpu.memory_space<vmem_shared>> -> memref<80x64xf32, #tpu.memory_space<vmem_shared>>
      %dma_wait3A_737 = arith.constant 0 : i32
      %dma_wait3A_738 = tpu.memref_slice %arg18[%add3A_40, %dma_wait3A_737] : memref<10112x64xf32, #tpu.memory_space<vmem_shared>> -> memref<80x64xf32, #tpu.memory_space<vmem_shared>>
      %dma_wait3A_739 = arith.constant 0 : i32
      %dma_wait3A_740 = arith.constant 0 : i32
      %dma_wait3A_741 = tpu.memref_slice %arg8[%dma_wait3A_739, %dma_wait3A_740] : memref<80x64xf32, #tpu.memory_space<vmem>> -> memref<80x64xf32, #tpu.memory_space<vmem>>
      tpu.wait_dma2 semaphore(%run_scoped3A : memref<!tpu.dma_semaphore, #tpu.memory_space<semaphore_mem>>) src(%dma_wait3A_741 : memref<80x64xf32, #tpu.memory_space<vmem>>) dst(%dma_wait3A_738 : memref<80x64xf32, #tpu.memory_space<vmem_shared>>)
      tpu.yield
    }) : () -> ()
    %mul3A_41 = arith.constant 632 : i32
    %mul3A_42 = arith.muli %arg1, %mul3A_41 : i32
    %add3A_43 = arith.constant 480 : i32
    %add3A_44 = arith.addi %mul3A_42, %add3A_43 : i32
    "tpu.region"() ({
      %run_scoped3A = tpu.sem_alloc : memref<!tpu.dma_semaphore, #tpu.memory_space<semaphore_mem>>
      %dma_start3A_722 = arith.constant 0 : i32
      %dma_start3A_723 = arith.constant 0 : i32
      %dma_start3A_724 = tpu.memref_slice %arg8[%dma_start3A_722, %dma_start3A_723] : memref<80x64xf32, #tpu.memory_space<vmem>> -> memref<80x64xf32, #tpu.memory_space<vmem>>
      %dma_start3A_725 = arith.constant 0 : i32
      %dma_start3A_726 = tpu.memref_slice %arg18[%add3A_44, %dma_start3A_725] : memref<10112x64xf32, #tpu.memory_space<vmem_shared>> -> memref<80x64xf32, #tpu.memory_space<vmem_shared>>
      %dma_start3A_727 = arith.constant 0 : i32
      %dma_start3A_728 = tpu.memref_slice %arg18[%add3A_44, %dma_start3A_727] : memref<10112x64xf32, #tpu.memory_space<vmem_shared>> -> memref<80x64xf32, #tpu.memory_space<vmem_shared>>
      %dma_start3A_729 = arith.constant 0 : i32
      %dma_start3A_730 = arith.constant 0 : i32
      %dma_start3A_731 = tpu.memref_slice %arg8[%dma_start3A_729, %dma_start3A_730] : memref<80x64xf32, #tpu.memory_space<vmem>> -> memref<80x64xf32, #tpu.memory_space<vmem>>
      tpu.enqueue_dma source(%dma_start3A_731 : memref<80x64xf32, #tpu.memory_space<vmem>>) target(%dma_start3A_728 : memref<80x64xf32, #tpu.memory_space<vmem_shared>>) target_semaphore(%run_scoped3A : memref<!tpu.dma_semaphore, #tpu.memory_space<semaphore_mem>>)
      %dma_wait3A_732 = arith.constant 0 : i32
      %dma_wait3A_733 = arith.constant 0 : i32
      %dma_wait3A_734 = tpu.memref_slice %arg8[%dma_wait3A_732, %dma_wait3A_733] : memref<80x64xf32, #tpu.memory_space<vmem>> -> memref<80x64xf32, #tpu.memory_space<vmem>>
      %dma_wait3A_735 = arith.constant 0 : i32
      %dma_wait3A_736 = tpu.memref_slice %arg18[%add3A_44, %dma_wait3A_735] : memref<10112x64xf32, #tpu.memory_space<vmem_shared>> -> memref<80x64xf32, #tpu.memory_space<vmem_shared>>
      %dma_wait3A_737 = arith.constant 0 : i32
      %dma_wait3A_738 = tpu.memref_slice %arg18[%add3A_44, %dma_wait3A_737] : memref<10112x64xf32, #tpu.memory_space<vmem_shared>> -> memref<80x64xf32, #tpu.memory_space<vmem_shared>>
      %dma_wait3A_739 = arith.constant 0 : i32
      %dma_wait3A_740 = arith.constant 0 : i32
      %dma_wait3A_741 = tpu.memref_slice %arg8[%dma_wait3A_739, %dma_wait3A_740] : memref<80x64xf32, #tpu.memory_space<vmem>> -> memref<80x64xf32, #tpu.memory_space<vmem>>
      tpu.wait_dma2 semaphore(%run_scoped3A : memref<!tpu.dma_semaphore, #tpu.memory_space<semaphore_mem>>) src(%dma_wait3A_741 : memref<80x64xf32, #tpu.memory_space<vmem>>) dst(%dma_wait3A_738 : memref<80x64xf32, #tpu.memory_space<vmem_shared>>)
      tpu.yield
    }) : () -> ()
    %mul3A_45 = arith.constant 632 : i32
    %mul3A_46 = arith.muli %arg1, %mul3A_45 : i32
    %add3A_47 = arith.constant 560 : i32
    %add3A_48 = arith.addi %mul3A_46, %add3A_47 : i32
    "tpu.region"() ({
      %run_scoped3A = tpu.sem_alloc : memref<!tpu.dma_semaphore, #tpu.memory_space<semaphore_mem>>
      %dma_start3A_722 = arith.constant 0 : i32
      %dma_start3A_723 = arith.constant 0 : i32
      %dma_start3A_724 = tpu.memref_slice %arg8[%dma_start3A_722, %dma_start3A_723] : memref<80x64xf32, #tpu.memory_space<vmem>> -> memref<72x64xf32, #tpu.memory_space<vmem>>
      %dma_start3A_725 = arith.constant 0 : i32
      %dma_start3A_726 = tpu.memref_slice %arg18[%add3A_48, %dma_start3A_725] : memref<10112x64xf32, #tpu.memory_space<vmem_shared>> -> memref<72x64xf32, #tpu.memory_space<vmem_shared>>
      %dma_start3A_727 = arith.constant 0 : i32
      %dma_start3A_728 = tpu.memref_slice %arg18[%add3A_48, %dma_start3A_727] : memref<10112x64xf32, #tpu.memory_space<vmem_shared>> -> memref<72x64xf32, #tpu.memory_space<vmem_shared>>
      %dma_start3A_729 = arith.constant 0 : i32
      %dma_start3A_730 = arith.constant 0 : i32
      %dma_start3A_731 = tpu.memref_slice %arg8[%dma_start3A_729, %dma_start3A_730] : memref<80x64xf32, #tpu.memory_space<vmem>> -> memref<72x64xf32, #tpu.memory_space<vmem>>
      tpu.enqueue_dma source(%dma_start3A_731 : memref<72x64xf32, #tpu.memory_space<vmem>>) target(%dma_start3A_728 : memref<72x64xf32, #tpu.memory_space<vmem_shared>>) target_semaphore(%run_scoped3A : memref<!tpu.dma_semaphore, #tpu.memory_space<semaphore_mem>>)
      %dma_wait3A_732 = arith.constant 0 : i32
      %dma_wait3A_733 = arith.constant 0 : i32
      %dma_wait3A_734 = tpu.memref_slice %arg8[%dma_wait3A_732, %dma_wait3A_733] : memref<80x64xf32, #tpu.memory_space<vmem>> -> memref<72x64xf32, #tpu.memory_space<vmem>>
      %dma_wait3A_735 = arith.constant 0 : i32
      %dma_wait3A_736 = tpu.memref_slice %arg18[%add3A_48, %dma_wait3A_735] : memref<10112x64xf32, #tpu.memory_space<vmem_shared>> -> memref<72x64xf32, #tpu.memory_space<vmem_shared>>
      %dma_wait3A_737 = arith.constant 0 : i32
      %dma_wait3A_738 = tpu.memref_slice %arg18[%add3A_48, %dma_wait3A_737] : memref<10112x64xf32, #tpu.memory_space<vmem_shared>> -> memref<72x64xf32, #tpu.memory_space<vmem_shared>>
      %dma_wait3A_739 = arith.constant 0 : i32
      %dma_wait3A_740 = arith.constant 0 : i32
      %dma_wait3A_741 = tpu.memref_slice %arg8[%dma_wait3A_739, %dma_wait3A_740] : memref<80x64xf32, #tpu.memory_space<vmem>> -> memref<72x64xf32, #tpu.memory_space<vmem>>
      tpu.wait_dma2 semaphore(%run_scoped3A : memref<!tpu.dma_semaphore, #tpu.memory_space<semaphore_mem>>) src(%dma_wait3A_741 : memref<72x64xf32, #tpu.memory_space<vmem>>) dst(%dma_wait3A_738 : memref<72x64xf32, #tpu.memory_space<vmem_shared>>)
      tpu.yield
    }) : () -> ()
    %mul3A_49 = arith.constant 125 : i32
    %mul3A_50 = arith.muli %add3A, %mul3A_49 : i32
    %dma_wait3A = arith.constant 0 : i32
    %dma_wait3A_51 = tpu.memref_slice %arg3[%mul3A_50, %dma_wait3A] : memref<4000x80xi32, #tpu.memory_space<hbm>> -> memref<125x80xi32, #tpu.memory_space<hbm>>
    %dma_wait3A_52 = arith.constant 0 : i32
    %dma_wait3A_53 = tpu.memref_slice %arg3[%mul3A_50, %dma_wait3A_52] : memref<4000x80xi32, #tpu.memory_space<hbm>> -> memref<125x80xi32, #tpu.memory_space<hbm>>
    tpu.wait_dma2 semaphore(%arg19 : memref<!tpu.dma_semaphore, #tpu.memory_space<semaphore_mem>>) src(%dma_wait3A_53 : memref<125x80xi32, #tpu.memory_space<hbm>>) dst(%arg6 : memref<125x80xi32, #tpu.memory_space<vmem>>)
    %mul3A_54 = arith.constant 125 : i32
    %mul3A_55 = arith.muli %add3A, %mul3A_54 : i32
    %dma_wait3A_56 = arith.constant 0 : i32
    %dma_wait3A_57 = tpu.memref_slice %arg4[%mul3A_55, %dma_wait3A_56] : memref<4000x80xi32, #tpu.memory_space<hbm>> -> memref<125x80xi32, #tpu.memory_space<hbm>>
    %dma_wait3A_58 = arith.constant 0 : i32
    %dma_wait3A_59 = tpu.memref_slice %arg4[%mul3A_55, %dma_wait3A_58] : memref<4000x80xi32, #tpu.memory_space<hbm>> -> memref<125x80xi32, #tpu.memory_space<hbm>>
    tpu.wait_dma2 semaphore(%arg20 : memref<!tpu.dma_semaphore, #tpu.memory_space<semaphore_mem>>) src(%dma_wait3A_59 : memref<125x80xi32, #tpu.memory_space<hbm>>) dst(%arg7 : memref<125x80xi32, #tpu.memory_space<vmem>>)
    %barrier3A = arith.constant 0 : index
    tpu.barrier barrier_id(%barrier3A)
    %dma_start3A_60 = arith.constant 0 : i32
    %dma_start3A_61 = arith.constant 0 : i32
    %dma_start3A_62 = tpu.memref_slice %arg6[%dma_start3A_60, %dma_start3A_61] : memref<125x80xi32, #tpu.memory_space<vmem>> -> memref<1x80xi32, #tpu.memory_space<vmem>>
    %dma_start3A_63 = tpu.memref_squeeze %dma_start3A_62 : memref<1x80xi32, #tpu.memory_space<vmem>> -> memref<80xi32, #tpu.memory_space<vmem>>
    %dma_start3A_64 = arith.constant 0 : i32
    %dma_start3A_65 = arith.constant 0 : i32
    %dma_start3A_66 = tpu.memref_slice %arg2[%dma_start3A_64, %dma_start3A_65] : memref<10000x64xf32, #tpu.memory_space<hbm>> -> memref<10000x64xf32, #tpu.memory_space<hbm>>
    tpu.enqueue_indirect_dma source(%dma_start3A_66 : memref<10000x64xf32, #tpu.memory_space<hbm>>) target(%arg8 : memref<80x64xf32, #tpu.memory_space<vmem>>) offsets(%dma_start3A_63 : memref<80xi32, #tpu.memory_space<vmem>>) semaphore(%arg19 : memref<!tpu.dma_semaphore, #tpu.memory_space<semaphore_mem>>)
    %dma_start3A_67 = arith.constant 1 : i32
    %dma_start3A_68 = arith.constant 0 : i32
    %dma_start3A_69 = tpu.memref_slice %arg6[%dma_start3A_67, %dma_start3A_68] : memref<125x80xi32, #tpu.memory_space<vmem>> -> memref<1x80xi32, #tpu.memory_space<vmem>>
    %dma_start3A_70 = tpu.memref_squeeze %dma_start3A_69 : memref<1x80xi32, #tpu.memory_space<vmem>> -> memref<80xi32, #tpu.memory_space<vmem>>
    %dma_start3A_71 = arith.constant 0 : i32
    %dma_start3A_72 = arith.constant 0 : i32
    %dma_start3A_73 = tpu.memref_slice %arg2[%dma_start3A_71, %dma_start3A_72] : memref<10000x64xf32, #tpu.memory_space<hbm>> -> memref<10000x64xf32, #tpu.memory_space<hbm>>
    tpu.enqueue_indirect_dma source(%dma_start3A_73 : memref<10000x64xf32, #tpu.memory_space<hbm>>) target(%arg9 : memref<80x64xf32, #tpu.memory_space<vmem>>) offsets(%dma_start3A_70 : memref<80xi32, #tpu.memory_space<vmem>>) semaphore(%arg20 : memref<!tpu.dma_semaphore, #tpu.memory_space<semaphore_mem>>)
    %dma_start3A_74 = arith.constant 2 : i32
    %dma_start3A_75 = arith.constant 0 : i32
    %dma_start3A_76 = tpu.memref_slice %arg6[%dma_start3A_74, %dma_start3A_75] : memref<125x80xi32, #tpu.memory_space<vmem>> -> memref<1x80xi32, #tpu.memory_space<vmem>>
    %dma_start3A_77 = tpu.memref_squeeze %dma_start3A_76 : memref<1x80xi32, #tpu.memory_space<vmem>> -> memref<80xi32, #tpu.memory_space<vmem>>
    %dma_start3A_78 = arith.constant 0 : i32
    %dma_start3A_79 = arith.constant 0 : i32
    %dma_start3A_80 = tpu.memref_slice %arg2[%dma_start3A_78, %dma_start3A_79] : memref<10000x64xf32, #tpu.memory_space<hbm>> -> memref<10000x64xf32, #tpu.memory_space<hbm>>
    tpu.enqueue_indirect_dma source(%dma_start3A_80 : memref<10000x64xf32, #tpu.memory_space<hbm>>) target(%arg10 : memref<80x64xf32, #tpu.memory_space<vmem>>) offsets(%dma_start3A_77 : memref<80xi32, #tpu.memory_space<vmem>>) semaphore(%arg21 : memref<!tpu.dma_semaphore, #tpu.memory_space<semaphore_mem>>)
    %dma_start3A_81 = arith.constant 3 : i32
    %dma_start3A_82 = arith.constant 0 : i32
    %dma_start3A_83 = tpu.memref_slice %arg6[%dma_start3A_81, %dma_start3A_82] : memref<125x80xi32, #tpu.memory_space<vmem>> -> memref<1x80xi32, #tpu.memory_space<vmem>>
    %dma_start3A_84 = tpu.memref_squeeze %dma_start3A_83 : memref<1x80xi32, #tpu.memory_space<vmem>> -> memref<80xi32, #tpu.memory_space<vmem>>
    %dma_start3A_85 = arith.constant 0 : i32
    %dma_start3A_86 = arith.constant 0 : i32
    %dma_start3A_87 = tpu.memref_slice %arg2[%dma_start3A_85, %dma_start3A_86] : memref<10000x64xf32, #tpu.memory_space<hbm>> -> memref<10000x64xf32, #tpu.memory_space<hbm>>
    tpu.enqueue_indirect_dma source(%dma_start3A_87 : memref<10000x64xf32, #tpu.memory_space<hbm>>) target(%arg11 : memref<80x64xf32, #tpu.memory_space<vmem>>) offsets(%dma_start3A_84 : memref<80xi32, #tpu.memory_space<vmem>>) semaphore(%arg22 : memref<!tpu.dma_semaphore, #tpu.memory_space<semaphore_mem>>)
    %dma_start3A_88 = arith.constant 4 : i32
    %dma_start3A_89 = arith.constant 0 : i32
    %dma_start3A_90 = tpu.memref_slice %arg6[%dma_start3A_88, %dma_start3A_89] : memref<125x80xi32, #tpu.memory_space<vmem>> -> memref<1x80xi32, #tpu.memory_space<vmem>>
    %dma_start3A_91 = tpu.memref_squeeze %dma_start3A_90 : memref<1x80xi32, #tpu.memory_space<vmem>> -> memref<80xi32, #tpu.memory_space<vmem>>
    %dma_start3A_92 = arith.constant 0 : i32
    %dma_start3A_93 = arith.constant 0 : i32
    %dma_start3A_94 = tpu.memref_slice %arg2[%dma_start3A_92, %dma_start3A_93] : memref<10000x64xf32, #tpu.memory_space<hbm>> -> memref<10000x64xf32, #tpu.memory_space<hbm>>
    tpu.enqueue_indirect_dma source(%dma_start3A_94 : memref<10000x64xf32, #tpu.memory_space<hbm>>) target(%arg12 : memref<80x64xf32, #tpu.memory_space<vmem>>) offsets(%dma_start3A_91 : memref<80xi32, #tpu.memory_space<vmem>>) semaphore(%arg23 : memref<!tpu.dma_semaphore, #tpu.memory_space<semaphore_mem>>)
    %dma_start3A_95 = arith.constant 5 : i32
    %dma_start3A_96 = arith.constant 0 : i32
    %dma_start3A_97 = tpu.memref_slice %arg6[%dma_start3A_95, %dma_start3A_96] : memref<125x80xi32, #tpu.memory_space<vmem>> -> memref<1x80xi32, #tpu.memory_space<vmem>>
    %dma_start3A_98 = tpu.memref_squeeze %dma_start3A_97 : memref<1x80xi32, #tpu.memory_space<vmem>> -> memref<80xi32, #tpu.memory_space<vmem>>
    %dma_start3A_99 = arith.constant 0 : i32
    %dma_start3A_100 = arith.constant 0 : i32
    %dma_start3A_101 = tpu.memref_slice %arg2[%dma_start3A_99, %dma_start3A_100] : memref<10000x64xf32, #tpu.memory_space<hbm>> -> memref<10000x64xf32, #tpu.memory_space<hbm>>
    tpu.enqueue_indirect_dma source(%dma_start3A_101 : memref<10000x64xf32, #tpu.memory_space<hbm>>) target(%arg13 : memref<80x64xf32, #tpu.memory_space<vmem>>) offsets(%dma_start3A_98 : memref<80xi32, #tpu.memory_space<vmem>>) semaphore(%arg24 : memref<!tpu.dma_semaphore, #tpu.memory_space<semaphore_mem>>)
    %dma_start3A_102 = arith.constant 6 : i32
    %dma_start3A_103 = arith.constant 0 : i32
    %dma_start3A_104 = tpu.memref_slice %arg6[%dma_start3A_102, %dma_start3A_103] : memref<125x80xi32, #tpu.memory_space<vmem>> -> memref<1x80xi32, #tpu.memory_space<vmem>>
    %dma_start3A_105 = tpu.memref_squeeze %dma_start3A_104 : memref<1x80xi32, #tpu.memory_space<vmem>> -> memref<80xi32, #tpu.memory_space<vmem>>
    %dma_start3A_106 = arith.constant 0 : i32
    %dma_start3A_107 = arith.constant 0 : i32
    %dma_start3A_108 = tpu.memref_slice %arg2[%dma_start3A_106, %dma_start3A_107] : memref<10000x64xf32, #tpu.memory_space<hbm>> -> memref<10000x64xf32, #tpu.memory_space<hbm>>
    tpu.enqueue_indirect_dma source(%dma_start3A_108 : memref<10000x64xf32, #tpu.memory_space<hbm>>) target(%arg14 : memref<80x64xf32, #tpu.memory_space<vmem>>) offsets(%dma_start3A_105 : memref<80xi32, #tpu.memory_space<vmem>>) semaphore(%arg25 : memref<!tpu.dma_semaphore, #tpu.memory_space<semaphore_mem>>)
    %dma_start3A_109 = arith.constant 7 : i32
    %dma_start3A_110 = arith.constant 0 : i32
    %dma_start3A_111 = tpu.memref_slice %arg6[%dma_start3A_109, %dma_start3A_110] : memref<125x80xi32, #tpu.memory_space<vmem>> -> memref<1x80xi32, #tpu.memory_space<vmem>>
    %dma_start3A_112 = tpu.memref_squeeze %dma_start3A_111 : memref<1x80xi32, #tpu.memory_space<vmem>> -> memref<80xi32, #tpu.memory_space<vmem>>
    %dma_start3A_113 = arith.constant 0 : i32
    %dma_start3A_114 = arith.constant 0 : i32
    %dma_start3A_115 = tpu.memref_slice %arg2[%dma_start3A_113, %dma_start3A_114] : memref<10000x64xf32, #tpu.memory_space<hbm>> -> memref<10000x64xf32, #tpu.memory_space<hbm>>
    tpu.enqueue_indirect_dma source(%dma_start3A_115 : memref<10000x64xf32, #tpu.memory_space<hbm>>) target(%arg15 : memref<80x64xf32, #tpu.memory_space<vmem>>) offsets(%dma_start3A_112 : memref<80xi32, #tpu.memory_space<vmem>>) semaphore(%arg26 : memref<!tpu.dma_semaphore, #tpu.memory_space<semaphore_mem>>)
    %dma_start3A_116 = arith.constant 8 : i32
    %dma_start3A_117 = arith.constant 0 : i32
    %dma_start3A_118 = tpu.memref_slice %arg6[%dma_start3A_116, %dma_start3A_117] : memref<125x80xi32, #tpu.memory_space<vmem>> -> memref<1x80xi32, #tpu.memory_space<vmem>>
    %dma_start3A_119 = tpu.memref_squeeze %dma_start3A_118 : memref<1x80xi32, #tpu.memory_space<vmem>> -> memref<80xi32, #tpu.memory_space<vmem>>
    %dma_start3A_120 = arith.constant 0 : i32
    %dma_start3A_121 = arith.constant 0 : i32
    %dma_start3A_122 = tpu.memref_slice %arg2[%dma_start3A_120, %dma_start3A_121] : memref<10000x64xf32, #tpu.memory_space<hbm>> -> memref<10000x64xf32, #tpu.memory_space<hbm>>
    tpu.enqueue_indirect_dma source(%dma_start3A_122 : memref<10000x64xf32, #tpu.memory_space<hbm>>) target(%arg16 : memref<80x64xf32, #tpu.memory_space<vmem>>) offsets(%dma_start3A_119 : memref<80xi32, #tpu.memory_space<vmem>>) semaphore(%arg27 : memref<!tpu.dma_semaphore, #tpu.memory_space<semaphore_mem>>)
    %dma_start3A_123 = arith.constant 9 : i32
    %dma_start3A_124 = arith.constant 0 : i32
    %dma_start3A_125 = tpu.memref_slice %arg6[%dma_start3A_123, %dma_start3A_124] : memref<125x80xi32, #tpu.memory_space<vmem>> -> memref<1x80xi32, #tpu.memory_space<vmem>>
    %dma_start3A_126 = tpu.memref_squeeze %dma_start3A_125 : memref<1x80xi32, #tpu.memory_space<vmem>> -> memref<80xi32, #tpu.memory_space<vmem>>
    %dma_start3A_127 = arith.constant 0 : i32
    %dma_start3A_128 = arith.constant 0 : i32
    %dma_start3A_129 = tpu.memref_slice %arg2[%dma_start3A_127, %dma_start3A_128] : memref<10000x64xf32, #tpu.memory_space<hbm>> -> memref<10000x64xf32, #tpu.memory_space<hbm>>
    tpu.enqueue_indirect_dma source(%dma_start3A_129 : memref<10000x64xf32, #tpu.memory_space<hbm>>) target(%arg17 : memref<80x64xf32, #tpu.memory_space<vmem>>) offsets(%dma_start3A_126 : memref<80xi32, #tpu.memory_space<vmem>>) semaphore(%arg28 : memref<!tpu.dma_semaphore, #tpu.memory_space<semaphore_mem>>)
    %scan3A_130 = arith.constant 0 : i32
    %scan3A_131 = arith.constant 0 : i32
    %scan3A_132 = arith.constant 12 : i32
    %scan3A_133 = arith.addi %scan3A_131, %scan3A_132 : i32
    %scan3A_134 = arith.constant 1 : i32
    scf.for %scan3A_722 = %scan3A_131 to %scan3A_133 step %scan3A_134  : i32 {
      %mul3A_723 = arith.constant 10 : i32
      %mul3A_724 = arith.muli %scan3A_722, %mul3A_723 : i32
      %add3A_725 = arith.constant 0 : i32
      %add3A_726 = arith.addi %mul3A_724, %add3A_725 : i32
      %dma_wait3A_727 = arith.constant 0 : i32
      %dma_wait3A_728 = tpu.memref_slice %arg6[%add3A_726, %dma_wait3A_727] : memref<125x80xi32, #tpu.memory_space<vmem>> -> memref<1x80xi32, #tpu.memory_space<vmem>>
      %dma_wait3A_729 = tpu.memref_squeeze %dma_wait3A_728 : memref<1x80xi32, #tpu.memory_space<vmem>> -> memref<80xi32, #tpu.memory_space<vmem>>
      %dma_wait3A_730 = arith.constant 0 : i32
      %dma_wait3A_731 = arith.constant 0 : i32
      %dma_wait3A_732 = tpu.memref_slice %arg2[%dma_wait3A_730, %dma_wait3A_731] : memref<10000x64xf32, #tpu.memory_space<hbm>> -> memref<10000x64xf32, #tpu.memory_space<hbm>>
      tpu.wait_indirect_dma semaphore(%arg19 : memref<!tpu.dma_semaphore, #tpu.memory_space<semaphore_mem>>) src(%dma_wait3A_732 : memref<10000x64xf32, #tpu.memory_space<hbm>>) dst(%arg8 : memref<80x64xf32, #tpu.memory_space<vmem>>)
      %add3A_733 = arith.constant 0 : i32
      %add3A_734 = arith.addi %mul3A_724, %add3A_733 : i32
      %dma_start3A_735 = arith.constant 0 : i32
      %dma_start3A_736 = tpu.memref_slice %arg7[%add3A_734, %dma_start3A_735] : memref<125x80xi32, #tpu.memory_space<vmem>> -> memref<1x80xi32, #tpu.memory_space<vmem>>
      %dma_start3A_737 = tpu.memref_squeeze %dma_start3A_736 : memref<1x80xi32, #tpu.memory_space<vmem>> -> memref<80xi32, #tpu.memory_space<vmem>>
      %dma_start3A_738 = arith.constant 0 : i32
      %dma_start3A_739 = arith.constant 0 : i32
      %dma_start3A_740 = tpu.memref_slice %arg18[%dma_start3A_738, %dma_start3A_739] : memref<10112x64xf32, #tpu.memory_space<vmem_shared>> -> memref<10112x64xf32, #tpu.memory_space<vmem_shared>>
      tpu.enqueue_indirect_dma source(%arg8 : memref<80x64xf32, #tpu.memory_space<vmem>>) target(%dma_start3A_740 : memref<10112x64xf32, #tpu.memory_space<vmem_shared>>) offsets(%dma_start3A_737 : memref<80xi32, #tpu.memory_space<vmem>>) semaphore(%arg29 : memref<!tpu.dma_semaphore, #tpu.memory_space<semaphore_mem>>) {add = true}
      %add3A_741 = arith.constant 1 : i32
      %add3A_742 = arith.addi %mul3A_724, %add3A_741 : i32
      %dma_wait3A_743 = arith.constant 0 : i32
      %dma_wait3A_744 = tpu.memref_slice %arg6[%add3A_742, %dma_wait3A_743] : memref<125x80xi32, #tpu.memory_space<vmem>> -> memref<1x80xi32, #tpu.memory_space<vmem>>
      %dma_wait3A_745 = tpu.memref_squeeze %dma_wait3A_744 : memref<1x80xi32, #tpu.memory_space<vmem>> -> memref<80xi32, #tpu.memory_space<vmem>>
      %dma_wait3A_746 = arith.constant 0 : i32
      %dma_wait3A_747 = arith.constant 0 : i32
      %dma_wait3A_748 = tpu.memref_slice %arg2[%dma_wait3A_746, %dma_wait3A_747] : memref<10000x64xf32, #tpu.memory_space<hbm>> -> memref<10000x64xf32, #tpu.memory_space<hbm>>
      tpu.wait_indirect_dma semaphore(%arg20 : memref<!tpu.dma_semaphore, #tpu.memory_space<semaphore_mem>>) src(%dma_wait3A_748 : memref<10000x64xf32, #tpu.memory_space<hbm>>) dst(%arg9 : memref<80x64xf32, #tpu.memory_space<vmem>>)
      %add3A_749 = arith.constant 1 : i32
      %add3A_750 = arith.addi %mul3A_724, %add3A_749 : i32
      %dma_start3A_751 = arith.constant 0 : i32
      %dma_start3A_752 = tpu.memref_slice %arg7[%add3A_750, %dma_start3A_751] : memref<125x80xi32, #tpu.memory_space<vmem>> -> memref<1x80xi32, #tpu.memory_space<vmem>>
      %dma_start3A_753 = tpu.memref_squeeze %dma_start3A_752 : memref<1x80xi32, #tpu.memory_space<vmem>> -> memref<80xi32, #tpu.memory_space<vmem>>
      %dma_start3A_754 = arith.constant 0 : i32
      %dma_start3A_755 = arith.constant 0 : i32
      %dma_start3A_756 = tpu.memref_slice %arg18[%dma_start3A_754, %dma_start3A_755] : memref<10112x64xf32, #tpu.memory_space<vmem_shared>> -> memref<10112x64xf32, #tpu.memory_space<vmem_shared>>
      tpu.enqueue_indirect_dma source(%arg9 : memref<80x64xf32, #tpu.memory_space<vmem>>) target(%dma_start3A_756 : memref<10112x64xf32, #tpu.memory_space<vmem_shared>>) offsets(%dma_start3A_753 : memref<80xi32, #tpu.memory_space<vmem>>) semaphore(%arg30 : memref<!tpu.dma_semaphore, #tpu.memory_space<semaphore_mem>>) {add = true}
      %add3A_757 = arith.constant 2 : i32
      %add3A_758 = arith.addi %mul3A_724, %add3A_757 : i32
      %dma_wait3A_759 = arith.constant 0 : i32
      %dma_wait3A_760 = tpu.memref_slice %arg6[%add3A_758, %dma_wait3A_759] : memref<125x80xi32, #tpu.memory_space<vmem>> -> memref<1x80xi32, #tpu.memory_space<vmem>>
      %dma_wait3A_761 = tpu.memref_squeeze %dma_wait3A_760 : memref<1x80xi32, #tpu.memory_space<vmem>> -> memref<80xi32, #tpu.memory_space<vmem>>
      %dma_wait3A_762 = arith.constant 0 : i32
      %dma_wait3A_763 = arith.constant 0 : i32
      %dma_wait3A_764 = tpu.memref_slice %arg2[%dma_wait3A_762, %dma_wait3A_763] : memref<10000x64xf32, #tpu.memory_space<hbm>> -> memref<10000x64xf32, #tpu.memory_space<hbm>>
      tpu.wait_indirect_dma semaphore(%arg21 : memref<!tpu.dma_semaphore, #tpu.memory_space<semaphore_mem>>) src(%dma_wait3A_764 : memref<10000x64xf32, #tpu.memory_space<hbm>>) dst(%arg10 : memref<80x64xf32, #tpu.memory_space<vmem>>)
      %add3A_765 = arith.constant 2 : i32
      %add3A_766 = arith.addi %mul3A_724, %add3A_765 : i32
      %dma_start3A_767 = arith.constant 0 : i32
      %dma_start3A_768 = tpu.memref_slice %arg7[%add3A_766, %dma_start3A_767] : memref<125x80xi32, #tpu.memory_space<vmem>> -> memref<1x80xi32, #tpu.memory_space<vmem>>
      %dma_start3A_769 = tpu.memref_squeeze %dma_start3A_768 : memref<1x80xi32, #tpu.memory_space<vmem>> -> memref<80xi32, #tpu.memory_space<vmem>>
      %dma_start3A_770 = arith.constant 0 : i32
      %dma_start3A_771 = arith.constant 0 : i32
      %dma_start3A_772 = tpu.memref_slice %arg18[%dma_start3A_770, %dma_start3A_771] : memref<10112x64xf32, #tpu.memory_space<vmem_shared>> -> memref<10112x64xf32, #tpu.memory_space<vmem_shared>>
      tpu.enqueue_indirect_dma source(%arg10 : memref<80x64xf32, #tpu.memory_space<vmem>>) target(%dma_start3A_772 : memref<10112x64xf32, #tpu.memory_space<vmem_shared>>) offsets(%dma_start3A_769 : memref<80xi32, #tpu.memory_space<vmem>>) semaphore(%arg31 : memref<!tpu.dma_semaphore, #tpu.memory_space<semaphore_mem>>) {add = true}
      %add3A_773 = arith.constant 3 : i32
      %add3A_774 = arith.addi %mul3A_724, %add3A_773 : i32
      %dma_wait3A_775 = arith.constant 0 : i32
      %dma_wait3A_776 = tpu.memref_slice %arg6[%add3A_774, %dma_wait3A_775] : memref<125x80xi32, #tpu.memory_space<vmem>> -> memref<1x80xi32, #tpu.memory_space<vmem>>
      %dma_wait3A_777 = tpu.memref_squeeze %dma_wait3A_776 : memref<1x80xi32, #tpu.memory_space<vmem>> -> memref<80xi32, #tpu.memory_space<vmem>>
      %dma_wait3A_778 = arith.constant 0 : i32
      %dma_wait3A_779 = arith.constant 0 : i32
      %dma_wait3A_780 = tpu.memref_slice %arg2[%dma_wait3A_778, %dma_wait3A_779] : memref<10000x64xf32, #tpu.memory_space<hbm>> -> memref<10000x64xf32, #tpu.memory_space<hbm>>
      tpu.wait_indirect_dma semaphore(%arg22 : memref<!tpu.dma_semaphore, #tpu.memory_space<semaphore_mem>>) src(%dma_wait3A_780 : memref<10000x64xf32, #tpu.memory_space<hbm>>) dst(%arg11 : memref<80x64xf32, #tpu.memory_space<vmem>>)
      %add3A_781 = arith.constant 3 : i32
      %add3A_782 = arith.addi %mul3A_724, %add3A_781 : i32
      %dma_start3A_783 = arith.constant 0 : i32
      %dma_start3A_784 = tpu.memref_slice %arg7[%add3A_782, %dma_start3A_783] : memref<125x80xi32, #tpu.memory_space<vmem>> -> memref<1x80xi32, #tpu.memory_space<vmem>>
      %dma_start3A_785 = tpu.memref_squeeze %dma_start3A_784 : memref<1x80xi32, #tpu.memory_space<vmem>> -> memref<80xi32, #tpu.memory_space<vmem>>
      %dma_start3A_786 = arith.constant 0 : i32
      %dma_start3A_787 = arith.constant 0 : i32
      %dma_start3A_788 = tpu.memref_slice %arg18[%dma_start3A_786, %dma_start3A_787] : memref<10112x64xf32, #tpu.memory_space<vmem_shared>> -> memref<10112x64xf32, #tpu.memory_space<vmem_shared>>
      tpu.enqueue_indirect_dma source(%arg11 : memref<80x64xf32, #tpu.memory_space<vmem>>) target(%dma_start3A_788 : memref<10112x64xf32, #tpu.memory_space<vmem_shared>>) offsets(%dma_start3A_785 : memref<80xi32, #tpu.memory_space<vmem>>) semaphore(%arg32 : memref<!tpu.dma_semaphore, #tpu.memory_space<semaphore_mem>>) {add = true}
      %add3A_789 = arith.constant 4 : i32
      %add3A_790 = arith.addi %mul3A_724, %add3A_789 : i32
      %dma_wait3A_791 = arith.constant 0 : i32
      %dma_wait3A_792 = tpu.memref_slice %arg6[%add3A_790, %dma_wait3A_791] : memref<125x80xi32, #tpu.memory_space<vmem>> -> memref<1x80xi32, #tpu.memory_space<vmem>>
      %dma_wait3A_793 = tpu.memref_squeeze %dma_wait3A_792 : memref<1x80xi32, #tpu.memory_space<vmem>> -> memref<80xi32, #tpu.memory_space<vmem>>
      %dma_wait3A_794 = arith.constant 0 : i32
      %dma_wait3A_795 = arith.constant 0 : i32
      %dma_wait3A_796 = tpu.memref_slice %arg2[%dma_wait3A_794, %dma_wait3A_795] : memref<10000x64xf32, #tpu.memory_space<hbm>> -> memref<10000x64xf32, #tpu.memory_space<hbm>>
      tpu.wait_indirect_dma semaphore(%arg23 : memref<!tpu.dma_semaphore, #tpu.memory_space<semaphore_mem>>) src(%dma_wait3A_796 : memref<10000x64xf32, #tpu.memory_space<hbm>>) dst(%arg12 : memref<80x64xf32, #tpu.memory_space<vmem>>)
      %add3A_797 = arith.constant 4 : i32
      %add3A_798 = arith.addi %mul3A_724, %add3A_797 : i32
      %dma_start3A_799 = arith.constant 0 : i32
      %dma_start3A_800 = tpu.memref_slice %arg7[%add3A_798, %dma_start3A_799] : memref<125x80xi32, #tpu.memory_space<vmem>> -> memref<1x80xi32, #tpu.memory_space<vmem>>
      %dma_start3A_801 = tpu.memref_squeeze %dma_start3A_800 : memref<1x80xi32, #tpu.memory_space<vmem>> -> memref<80xi32, #tpu.memory_space<vmem>>
      %dma_start3A_802 = arith.constant 0 : i32
      %dma_start3A_803 = arith.constant 0 : i32
      %dma_start3A_804 = tpu.memref_slice %arg18[%dma_start3A_802, %dma_start3A_803] : memref<10112x64xf32, #tpu.memory_space<vmem_shared>> -> memref<10112x64xf32, #tpu.memory_space<vmem_shared>>
      tpu.enqueue_indirect_dma source(%arg12 : memref<80x64xf32, #tpu.memory_space<vmem>>) target(%dma_start3A_804 : memref<10112x64xf32, #tpu.memory_space<vmem_shared>>) offsets(%dma_start3A_801 : memref<80xi32, #tpu.memory_space<vmem>>) semaphore(%arg33 : memref<!tpu.dma_semaphore, #tpu.memory_space<semaphore_mem>>) {add = true}
      %add3A_805 = arith.constant 5 : i32
      %add3A_806 = arith.addi %mul3A_724, %add3A_805 : i32
      %dma_wait3A_807 = arith.constant 0 : i32
      %dma_wait3A_808 = tpu.memref_slice %arg6[%add3A_806, %dma_wait3A_807] : memref<125x80xi32, #tpu.memory_space<vmem>> -> memref<1x80xi32, #tpu.memory_space<vmem>>
      %dma_wait3A_809 = tpu.memref_squeeze %dma_wait3A_808 : memref<1x80xi32, #tpu.memory_space<vmem>> -> memref<80xi32, #tpu.memory_space<vmem>>
      %dma_wait3A_810 = arith.constant 0 : i32
      %dma_wait3A_811 = arith.constant 0 : i32
      %dma_wait3A_812 = tpu.memref_slice %arg2[%dma_wait3A_810, %dma_wait3A_811] : memref<10000x64xf32, #tpu.memory_space<hbm>> -> memref<10000x64xf32, #tpu.memory_space<hbm>>
      tpu.wait_indirect_dma semaphore(%arg24 : memref<!tpu.dma_semaphore, #tpu.memory_space<semaphore_mem>>) src(%dma_wait3A_812 : memref<10000x64xf32, #tpu.memory_space<hbm>>) dst(%arg13 : memref<80x64xf32, #tpu.memory_space<vmem>>)
      %add3A_813 = arith.constant 5 : i32
      %add3A_814 = arith.addi %mul3A_724, %add3A_813 : i32
      %dma_start3A_815 = arith.constant 0 : i32
      %dma_start3A_816 = tpu.memref_slice %arg7[%add3A_814, %dma_start3A_815] : memref<125x80xi32, #tpu.memory_space<vmem>> -> memref<1x80xi32, #tpu.memory_space<vmem>>
      %dma_start3A_817 = tpu.memref_squeeze %dma_start3A_816 : memref<1x80xi32, #tpu.memory_space<vmem>> -> memref<80xi32, #tpu.memory_space<vmem>>
      %dma_start3A_818 = arith.constant 0 : i32
      %dma_start3A_819 = arith.constant 0 : i32
      %dma_start3A_820 = tpu.memref_slice %arg18[%dma_start3A_818, %dma_start3A_819] : memref<10112x64xf32, #tpu.memory_space<vmem_shared>> -> memref<10112x64xf32, #tpu.memory_space<vmem_shared>>
      tpu.enqueue_indirect_dma source(%arg13 : memref<80x64xf32, #tpu.memory_space<vmem>>) target(%dma_start3A_820 : memref<10112x64xf32, #tpu.memory_space<vmem_shared>>) offsets(%dma_start3A_817 : memref<80xi32, #tpu.memory_space<vmem>>) semaphore(%arg34 : memref<!tpu.dma_semaphore, #tpu.memory_space<semaphore_mem>>) {add = true}
      %add3A_821 = arith.constant 6 : i32
      %add3A_822 = arith.addi %mul3A_724, %add3A_821 : i32
      %dma_wait3A_823 = arith.constant 0 : i32
      %dma_wait3A_824 = tpu.memref_slice %arg6[%add3A_822, %dma_wait3A_823] : memref<125x80xi32, #tpu.memory_space<vmem>> -> memref<1x80xi32, #tpu.memory_space<vmem>>
      %dma_wait3A_825 = tpu.memref_squeeze %dma_wait3A_824 : memref<1x80xi32, #tpu.memory_space<vmem>> -> memref<80xi32, #tpu.memory_space<vmem>>
      %dma_wait3A_826 = arith.constant 0 : i32
      %dma_wait3A_827 = arith.constant 0 : i32
      %dma_wait3A_828 = tpu.memref_slice %arg2[%dma_wait3A_826, %dma_wait3A_827] : memref<10000x64xf32, #tpu.memory_space<hbm>> -> memref<10000x64xf32, #tpu.memory_space<hbm>>
      tpu.wait_indirect_dma semaphore(%arg25 : memref<!tpu.dma_semaphore, #tpu.memory_space<semaphore_mem>>) src(%dma_wait3A_828 : memref<10000x64xf32, #tpu.memory_space<hbm>>) dst(%arg14 : memref<80x64xf32, #tpu.memory_space<vmem>>)
      %add3A_829 = arith.constant 6 : i32
      %add3A_830 = arith.addi %mul3A_724, %add3A_829 : i32
      %dma_start3A_831 = arith.constant 0 : i32
      %dma_start3A_832 = tpu.memref_slice %arg7[%add3A_830, %dma_start3A_831] : memref<125x80xi32, #tpu.memory_space<vmem>> -> memref<1x80xi32, #tpu.memory_space<vmem>>
      %dma_start3A_833 = tpu.memref_squeeze %dma_start3A_832 : memref<1x80xi32, #tpu.memory_space<vmem>> -> memref<80xi32, #tpu.memory_space<vmem>>
      %dma_start3A_834 = arith.constant 0 : i32
      %dma_start3A_835 = arith.constant 0 : i32
      %dma_start3A_836 = tpu.memref_slice %arg18[%dma_start3A_834, %dma_start3A_835] : memref<10112x64xf32, #tpu.memory_space<vmem_shared>> -> memref<10112x64xf32, #tpu.memory_space<vmem_shared>>
      tpu.enqueue_indirect_dma source(%arg14 : memref<80x64xf32, #tpu.memory_space<vmem>>) target(%dma_start3A_836 : memref<10112x64xf32, #tpu.memory_space<vmem_shared>>) offsets(%dma_start3A_833 : memref<80xi32, #tpu.memory_space<vmem>>) semaphore(%arg35 : memref<!tpu.dma_semaphore, #tpu.memory_space<semaphore_mem>>) {add = true}
      %add3A_837 = arith.constant 7 : i32
      %add3A_838 = arith.addi %mul3A_724, %add3A_837 : i32
      %dma_wait3A_839 = arith.constant 0 : i32
      %dma_wait3A_840 = tpu.memref_slice %arg6[%add3A_838, %dma_wait3A_839] : memref<125x80xi32, #tpu.memory_space<vmem>> -> memref<1x80xi32, #tpu.memory_space<vmem>>
      %dma_wait3A_841 = tpu.memref_squeeze %dma_wait3A_840 : memref<1x80xi32, #tpu.memory_space<vmem>> -> memref<80xi32, #tpu.memory_space<vmem>>
      %dma_wait3A_842 = arith.constant 0 : i32
      %dma_wait3A_843 = arith.constant 0 : i32
      %dma_wait3A_844 = tpu.memref_slice %arg2[%dma_wait3A_842, %dma_wait3A_843] : memref<10000x64xf32, #tpu.memory_space<hbm>> -> memref<10000x64xf32, #tpu.memory_space<hbm>>
      tpu.wait_indirect_dma semaphore(%arg26 : memref<!tpu.dma_semaphore, #tpu.memory_space<semaphore_mem>>) src(%dma_wait3A_844 : memref<10000x64xf32, #tpu.memory_space<hbm>>) dst(%arg15 : memref<80x64xf32, #tpu.memory_space<vmem>>)
      %add3A_845 = arith.constant 7 : i32
      %add3A_846 = arith.addi %mul3A_724, %add3A_845 : i32
      %dma_start3A_847 = arith.constant 0 : i32
      %dma_start3A_848 = tpu.memref_slice %arg7[%add3A_846, %dma_start3A_847] : memref<125x80xi32, #tpu.memory_space<vmem>> -> memref<1x80xi32, #tpu.memory_space<vmem>>
      %dma_start3A_849 = tpu.memref_squeeze %dma_start3A_848 : memref<1x80xi32, #tpu.memory_space<vmem>> -> memref<80xi32, #tpu.memory_space<vmem>>
      %dma_start3A_850 = arith.constant 0 : i32
      %dma_start3A_851 = arith.constant 0 : i32
      %dma_start3A_852 = tpu.memref_slice %arg18[%dma_start3A_850, %dma_start3A_851] : memref<10112x64xf32, #tpu.memory_space<vmem_shared>> -> memref<10112x64xf32, #tpu.memory_space<vmem_shared>>
      tpu.enqueue_indirect_dma source(%arg15 : memref<80x64xf32, #tpu.memory_space<vmem>>) target(%dma_start3A_852 : memref<10112x64xf32, #tpu.memory_space<vmem_shared>>) offsets(%dma_start3A_849 : memref<80xi32, #tpu.memory_space<vmem>>) semaphore(%arg36 : memref<!tpu.dma_semaphore, #tpu.memory_space<semaphore_mem>>) {add = true}
      %add3A_853 = arith.constant 8 : i32
      %add3A_854 = arith.addi %mul3A_724, %add3A_853 : i32
      %dma_wait3A_855 = arith.constant 0 : i32
      %dma_wait3A_856 = tpu.memref_slice %arg6[%add3A_854, %dma_wait3A_855] : memref<125x80xi32, #tpu.memory_space<vmem>> -> memref<1x80xi32, #tpu.memory_space<vmem>>
      %dma_wait3A_857 = tpu.memref_squeeze %dma_wait3A_856 : memref<1x80xi32, #tpu.memory_space<vmem>> -> memref<80xi32, #tpu.memory_space<vmem>>
      %dma_wait3A_858 = arith.constant 0 : i32
      %dma_wait3A_859 = arith.constant 0 : i32
      %dma_wait3A_860 = tpu.memref_slice %arg2[%dma_wait3A_858, %dma_wait3A_859] : memref<10000x64xf32, #tpu.memory_space<hbm>> -> memref<10000x64xf32, #tpu.memory_space<hbm>>
      tpu.wait_indirect_dma semaphore(%arg27 : memref<!tpu.dma_semaphore, #tpu.memory_space<semaphore_mem>>) src(%dma_wait3A_860 : memref<10000x64xf32, #tpu.memory_space<hbm>>) dst(%arg16 : memref<80x64xf32, #tpu.memory_space<vmem>>)
      %add3A_861 = arith.constant 8 : i32
      %add3A_862 = arith.addi %mul3A_724, %add3A_861 : i32
      %dma_start3A_863 = arith.constant 0 : i32
      %dma_start3A_864 = tpu.memref_slice %arg7[%add3A_862, %dma_start3A_863] : memref<125x80xi32, #tpu.memory_space<vmem>> -> memref<1x80xi32, #tpu.memory_space<vmem>>
      %dma_start3A_865 = tpu.memref_squeeze %dma_start3A_864 : memref<1x80xi32, #tpu.memory_space<vmem>> -> memref<80xi32, #tpu.memory_space<vmem>>
      %dma_start3A_866 = arith.constant 0 : i32
      %dma_start3A_867 = arith.constant 0 : i32
      %dma_start3A_868 = tpu.memref_slice %arg18[%dma_start3A_866, %dma_start3A_867] : memref<10112x64xf32, #tpu.memory_space<vmem_shared>> -> memref<10112x64xf32, #tpu.memory_space<vmem_shared>>
      tpu.enqueue_indirect_dma source(%arg16 : memref<80x64xf32, #tpu.memory_space<vmem>>) target(%dma_start3A_868 : memref<10112x64xf32, #tpu.memory_space<vmem_shared>>) offsets(%dma_start3A_865 : memref<80xi32, #tpu.memory_space<vmem>>) semaphore(%arg37 : memref<!tpu.dma_semaphore, #tpu.memory_space<semaphore_mem>>) {add = true}
      %add3A_869 = arith.constant 9 : i32
      %add3A_870 = arith.addi %mul3A_724, %add3A_869 : i32
      %dma_wait3A_871 = arith.constant 0 : i32
      %dma_wait3A_872 = tpu.memref_slice %arg6[%add3A_870, %dma_wait3A_871] : memref<125x80xi32, #tpu.memory_space<vmem>> -> memref<1x80xi32, #tpu.memory_space<vmem>>
      %dma_wait3A_873 = tpu.memref_squeeze %dma_wait3A_872 : memref<1x80xi32, #tpu.memory_space<vmem>> -> memref<80xi32, #tpu.memory_space<vmem>>
      %dma_wait3A_874 = arith.constant 0 : i32
      %dma_wait3A_875 = arith.constant 0 : i32
      %dma_wait3A_876 = tpu.memref_slice %arg2[%dma_wait3A_874, %dma_wait3A_875] : memref<10000x64xf32, #tpu.memory_space<hbm>> -> memref<10000x64xf32, #tpu.memory_space<hbm>>
      tpu.wait_indirect_dma semaphore(%arg28 : memref<!tpu.dma_semaphore, #tpu.memory_space<semaphore_mem>>) src(%dma_wait3A_876 : memref<10000x64xf32, #tpu.memory_space<hbm>>) dst(%arg17 : memref<80x64xf32, #tpu.memory_space<vmem>>)
      %add3A_877 = arith.constant 9 : i32
      %add3A_878 = arith.addi %mul3A_724, %add3A_877 : i32
      %dma_start3A_879 = arith.constant 0 : i32
      %dma_start3A_880 = tpu.memref_slice %arg7[%add3A_878, %dma_start3A_879] : memref<125x80xi32, #tpu.memory_space<vmem>> -> memref<1x80xi32, #tpu.memory_space<vmem>>
      %dma_start3A_881 = tpu.memref_squeeze %dma_start3A_880 : memref<1x80xi32, #tpu.memory_space<vmem>> -> memref<80xi32, #tpu.memory_space<vmem>>
      %dma_start3A_882 = arith.constant 0 : i32
      %dma_start3A_883 = arith.constant 0 : i32
      %dma_start3A_884 = tpu.memref_slice %arg18[%dma_start3A_882, %dma_start3A_883] : memref<10112x64xf32, #tpu.memory_space<vmem_shared>> -> memref<10112x64xf32, #tpu.memory_space<vmem_shared>>
      tpu.enqueue_indirect_dma source(%arg17 : memref<80x64xf32, #tpu.memory_space<vmem>>) target(%dma_start3A_884 : memref<10112x64xf32, #tpu.memory_space<vmem_shared>>) offsets(%dma_start3A_881 : memref<80xi32, #tpu.memory_space<vmem>>) semaphore(%arg38 : memref<!tpu.dma_semaphore, #tpu.memory_space<semaphore_mem>>) {add = true}
      %add3A_885 = arith.constant 0 : i32
      %add3A_886 = arith.addi %mul3A_724, %add3A_885 : i32
      %dma_wait3A_887 = arith.constant 0 : i32
      %dma_wait3A_888 = tpu.memref_slice %arg7[%add3A_886, %dma_wait3A_887] : memref<125x80xi32, #tpu.memory_space<vmem>> -> memref<1x80xi32, #tpu.memory_space<vmem>>
      %dma_wait3A_889 = tpu.memref_squeeze %dma_wait3A_888 : memref<1x80xi32, #tpu.memory_space<vmem>> -> memref<80xi32, #tpu.memory_space<vmem>>
      %dma_wait3A_890 = arith.constant 0 : i32
      %dma_wait3A_891 = arith.constant 0 : i32
      %dma_wait3A_892 = tpu.memref_slice %arg18[%dma_wait3A_890, %dma_wait3A_891] : memref<10112x64xf32, #tpu.memory_space<vmem_shared>> -> memref<10112x64xf32, #tpu.memory_space<vmem_shared>>
      tpu.wait_indirect_dma semaphore(%arg29 : memref<!tpu.dma_semaphore, #tpu.memory_space<semaphore_mem>>) src(%arg8 : memref<80x64xf32, #tpu.memory_space<vmem>>) dst(%dma_wait3A_892 : memref<10112x64xf32, #tpu.memory_space<vmem_shared>>)
      %add3A_893 = arith.constant 0 : i32
      %add3A_894 = arith.addi %mul3A_724, %add3A_893 : i32
      %add3A_895 = arith.constant 10 : i32
      %add3A_896 = arith.addi %add3A_894, %add3A_895 : i32
      %lt3A = arith.constant 125 : i32
      %lt3A_897 = arith.cmpi slt, %add3A_896, %lt3A : i32
      %convert_element_type3A = arith.extui %lt3A_897 : i1 to i32
      %cond3A = arith.constant 0 : i32
      %cond3A_898 = arith.cmpi ne, %convert_element_type3A, %cond3A : i32
      scf.if %cond3A_898 {
        %add3A_1052 = arith.constant 0 : i32
        %add3A_1053 = arith.addi %mul3A_724, %add3A_1052 : i32
        %add3A_1054 = arith.constant 10 : i32
        %add3A_1055 = arith.addi %add3A_1053, %add3A_1054 : i32
        %dma_start3A_1056 = arith.constant 0 : i32
        %dma_start3A_1057 = tpu.memref_slice %arg6[%add3A_1055, %dma_start3A_1056] : memref<125x80xi32, #tpu.memory_space<vmem>> -> memref<1x80xi32, #tpu.memory_space<vmem>>
        %dma_start3A_1058 = tpu.memref_squeeze %dma_start3A_1057 : memref<1x80xi32, #tpu.memory_space<vmem>> -> memref<80xi32, #tpu.memory_space<vmem>>
        %dma_start3A_1059 = arith.constant 0 : i32
        %dma_start3A_1060 = arith.constant 0 : i32
        %dma_start3A_1061 = tpu.memref_slice %arg2[%dma_start3A_1059, %dma_start3A_1060] : memref<10000x64xf32, #tpu.memory_space<hbm>> -> memref<10000x64xf32, #tpu.memory_space<hbm>>
        tpu.enqueue_indirect_dma source(%dma_start3A_1061 : memref<10000x64xf32, #tpu.memory_space<hbm>>) target(%arg8 : memref<80x64xf32, #tpu.memory_space<vmem>>) offsets(%dma_start3A_1058 : memref<80xi32, #tpu.memory_space<vmem>>) semaphore(%arg19 : memref<!tpu.dma_semaphore, #tpu.memory_space<semaphore_mem>>)
      } else {
      }
      %add3A_899 = arith.constant 1 : i32
      %add3A_900 = arith.addi %mul3A_724, %add3A_899 : i32
      %dma_wait3A_901 = arith.constant 0 : i32
      %dma_wait3A_902 = tpu.memref_slice %arg7[%add3A_900, %dma_wait3A_901] : memref<125x80xi32, #tpu.memory_space<vmem>> -> memref<1x80xi32, #tpu.memory_space<vmem>>
      %dma_wait3A_903 = tpu.memref_squeeze %dma_wait3A_902 : memref<1x80xi32, #tpu.memory_space<vmem>> -> memref<80xi32, #tpu.memory_space<vmem>>
      %dma_wait3A_904 = arith.constant 0 : i32
      %dma_wait3A_905 = arith.constant 0 : i32
      %dma_wait3A_906 = tpu.memref_slice %arg18[%dma_wait3A_904, %dma_wait3A_905] : memref<10112x64xf32, #tpu.memory_space<vmem_shared>> -> memref<10112x64xf32, #tpu.memory_space<vmem_shared>>
      tpu.wait_indirect_dma semaphore(%arg30 : memref<!tpu.dma_semaphore, #tpu.memory_space<semaphore_mem>>) src(%arg9 : memref<80x64xf32, #tpu.memory_space<vmem>>) dst(%dma_wait3A_906 : memref<10112x64xf32, #tpu.memory_space<vmem_shared>>)
      %add3A_907 = arith.constant 1 : i32
      %add3A_908 = arith.addi %mul3A_724, %add3A_907 : i32
      %add3A_909 = arith.constant 10 : i32
      %add3A_910 = arith.addi %add3A_908, %add3A_909 : i32
      %lt3A_911 = arith.constant 125 : i32
      %lt3A_912 = arith.cmpi slt, %add3A_910, %lt3A_911 : i32
      %convert_element_type3A_913 = arith.extui %lt3A_912 : i1 to i32
      %cond3A_914 = arith.constant 0 : i32
      %cond3A_915 = arith.cmpi ne, %convert_element_type3A_913, %cond3A_914 : i32
      scf.if %cond3A_915 {
        %add3A_1052 = arith.constant 1 : i32
        %add3A_1053 = arith.addi %mul3A_724, %add3A_1052 : i32
        %add3A_1054 = arith.constant 10 : i32
        %add3A_1055 = arith.addi %add3A_1053, %add3A_1054 : i32
        %dma_start3A_1056 = arith.constant 0 : i32
        %dma_start3A_1057 = tpu.memref_slice %arg6[%add3A_1055, %dma_start3A_1056] : memref<125x80xi32, #tpu.memory_space<vmem>> -> memref<1x80xi32, #tpu.memory_space<vmem>>
        %dma_start3A_1058 = tpu.memref_squeeze %dma_start3A_1057 : memref<1x80xi32, #tpu.memory_space<vmem>> -> memref<80xi32, #tpu.memory_space<vmem>>
        %dma_start3A_1059 = arith.constant 0 : i32
        %dma_start3A_1060 = arith.constant 0 : i32
        %dma_start3A_1061 = tpu.memref_slice %arg2[%dma_start3A_1059, %dma_start3A_1060] : memref<10000x64xf32, #tpu.memory_space<hbm>> -> memref<10000x64xf32, #tpu.memory_space<hbm>>
        tpu.enqueue_indirect_dma source(%dma_start3A_1061 : memref<10000x64xf32, #tpu.memory_space<hbm>>) target(%arg9 : memref<80x64xf32, #tpu.memory_space<vmem>>) offsets(%dma_start3A_1058 : memref<80xi32, #tpu.memory_space<vmem>>) semaphore(%arg20 : memref<!tpu.dma_semaphore, #tpu.memory_space<semaphore_mem>>)
      } else {
      }
      %add3A_916 = arith.constant 2 : i32
      %add3A_917 = arith.addi %mul3A_724, %add3A_916 : i32
      %dma_wait3A_918 = arith.constant 0 : i32
      %dma_wait3A_919 = tpu.memref_slice %arg7[%add3A_917, %dma_wait3A_918] : memref<125x80xi32, #tpu.memory_space<vmem>> -> memref<1x80xi32, #tpu.memory_space<vmem>>
      %dma_wait3A_920 = tpu.memref_squeeze %dma_wait3A_919 : memref<1x80xi32, #tpu.memory_space<vmem>> -> memref<80xi32, #tpu.memory_space<vmem>>
      %dma_wait3A_921 = arith.constant 0 : i32
      %dma_wait3A_922 = arith.constant 0 : i32
      %dma_wait3A_923 = tpu.memref_slice %arg18[%dma_wait3A_921, %dma_wait3A_922] : memref<10112x64xf32, #tpu.memory_space<vmem_shared>> -> memref<10112x64xf32, #tpu.memory_space<vmem_shared>>
      tpu.wait_indirect_dma semaphore(%arg31 : memref<!tpu.dma_semaphore, #tpu.memory_space<semaphore_mem>>) src(%arg10 : memref<80x64xf32, #tpu.memory_space<vmem>>) dst(%dma_wait3A_923 : memref<10112x64xf32, #tpu.memory_space<vmem_shared>>)
      %add3A_924 = arith.constant 2 : i32
      %add3A_925 = arith.addi %mul3A_724, %add3A_924 : i32
      %add3A_926 = arith.constant 10 : i32
      %add3A_927 = arith.addi %add3A_925, %add3A_926 : i32
      %lt3A_928 = arith.constant 125 : i32
      %lt3A_929 = arith.cmpi slt, %add3A_927, %lt3A_928 : i32
      %convert_element_type3A_930 = arith.extui %lt3A_929 : i1 to i32
      %cond3A_931 = arith.constant 0 : i32
      %cond3A_932 = arith.cmpi ne, %convert_element_type3A_930, %cond3A_931 : i32
      scf.if %cond3A_932 {
        %add3A_1052 = arith.constant 2 : i32
        %add3A_1053 = arith.addi %mul3A_724, %add3A_1052 : i32
        %add3A_1054 = arith.constant 10 : i32
        %add3A_1055 = arith.addi %add3A_1053, %add3A_1054 : i32
        %dma_start3A_1056 = arith.constant 0 : i32
        %dma_start3A_1057 = tpu.memref_slice %arg6[%add3A_1055, %dma_start3A_1056] : memref<125x80xi32, #tpu.memory_space<vmem>> -> memref<1x80xi32, #tpu.memory_space<vmem>>
        %dma_start3A_1058 = tpu.memref_squeeze %dma_start3A_1057 : memref<1x80xi32, #tpu.memory_space<vmem>> -> memref<80xi32, #tpu.memory_space<vmem>>
        %dma_start3A_1059 = arith.constant 0 : i32
        %dma_start3A_1060 = arith.constant 0 : i32
        %dma_start3A_1061 = tpu.memref_slice %arg2[%dma_start3A_1059, %dma_start3A_1060] : memref<10000x64xf32, #tpu.memory_space<hbm>> -> memref<10000x64xf32, #tpu.memory_space<hbm>>
        tpu.enqueue_indirect_dma source(%dma_start3A_1061 : memref<10000x64xf32, #tpu.memory_space<hbm>>) target(%arg10 : memref<80x64xf32, #tpu.memory_space<vmem>>) offsets(%dma_start3A_1058 : memref<80xi32, #tpu.memory_space<vmem>>) semaphore(%arg21 : memref<!tpu.dma_semaphore, #tpu.memory_space<semaphore_mem>>)
      } else {
      }
      %add3A_933 = arith.constant 3 : i32
      %add3A_934 = arith.addi %mul3A_724, %add3A_933 : i32
      %dma_wait3A_935 = arith.constant 0 : i32
      %dma_wait3A_936 = tpu.memref_slice %arg7[%add3A_934, %dma_wait3A_935] : memref<125x80xi32, #tpu.memory_space<vmem>> -> memref<1x80xi32, #tpu.memory_space<vmem>>
      %dma_wait3A_937 = tpu.memref_squeeze %dma_wait3A_936 : memref<1x80xi32, #tpu.memory_space<vmem>> -> memref<80xi32, #tpu.memory_space<vmem>>
      %dma_wait3A_938 = arith.constant 0 : i32
      %dma_wait3A_939 = arith.constant 0 : i32
      %dma_wait3A_940 = tpu.memref_slice %arg18[%dma_wait3A_938, %dma_wait3A_939] : memref<10112x64xf32, #tpu.memory_space<vmem_shared>> -> memref<10112x64xf32, #tpu.memory_space<vmem_shared>>
      tpu.wait_indirect_dma semaphore(%arg32 : memref<!tpu.dma_semaphore, #tpu.memory_space<semaphore_mem>>) src(%arg11 : memref<80x64xf32, #tpu.memory_space<vmem>>) dst(%dma_wait3A_940 : memref<10112x64xf32, #tpu.memory_space<vmem_shared>>)
      %add3A_941 = arith.constant 3 : i32
      %add3A_942 = arith.addi %mul3A_724, %add3A_941 : i32
      %add3A_943 = arith.constant 10 : i32
      %add3A_944 = arith.addi %add3A_942, %add3A_943 : i32
      %lt3A_945 = arith.constant 125 : i32
      %lt3A_946 = arith.cmpi slt, %add3A_944, %lt3A_945 : i32
      %convert_element_type3A_947 = arith.extui %lt3A_946 : i1 to i32
      %cond3A_948 = arith.constant 0 : i32
      %cond3A_949 = arith.cmpi ne, %convert_element_type3A_947, %cond3A_948 : i32
      scf.if %cond3A_949 {
        %add3A_1052 = arith.constant 3 : i32
        %add3A_1053 = arith.addi %mul3A_724, %add3A_1052 : i32
        %add3A_1054 = arith.constant 10 : i32
        %add3A_1055 = arith.addi %add3A_1053, %add3A_1054 : i32
        %dma_start3A_1056 = arith.constant 0 : i32
        %dma_start3A_1057 = tpu.memref_slice %arg6[%add3A_1055, %dma_start3A_1056] : memref<125x80xi32, #tpu.memory_space<vmem>> -> memref<1x80xi32, #tpu.memory_space<vmem>>
        %dma_start3A_1058 = tpu.memref_squeeze %dma_start3A_1057 : memref<1x80xi32, #tpu.memory_space<vmem>> -> memref<80xi32, #tpu.memory_space<vmem>>
        %dma_start3A_1059 = arith.constant 0 : i32
        %dma_start3A_1060 = arith.constant 0 : i32
        %dma_start3A_1061 = tpu.memref_slice %arg2[%dma_start3A_1059, %dma_start3A_1060] : memref<10000x64xf32, #tpu.memory_space<hbm>> -> memref<10000x64xf32, #tpu.memory_space<hbm>>
        tpu.enqueue_indirect_dma source(%dma_start3A_1061 : memref<10000x64xf32, #tpu.memory_space<hbm>>) target(%arg11 : memref<80x64xf32, #tpu.memory_space<vmem>>) offsets(%dma_start3A_1058 : memref<80xi32, #tpu.memory_space<vmem>>) semaphore(%arg22 : memref<!tpu.dma_semaphore, #tpu.memory_space<semaphore_mem>>)
      } else {
      }
      %add3A_950 = arith.constant 4 : i32
      %add3A_951 = arith.addi %mul3A_724, %add3A_950 : i32
      %dma_wait3A_952 = arith.constant 0 : i32
      %dma_wait3A_953 = tpu.memref_slice %arg7[%add3A_951, %dma_wait3A_952] : memref<125x80xi32, #tpu.memory_space<vmem>> -> memref<1x80xi32, #tpu.memory_space<vmem>>
      %dma_wait3A_954 = tpu.memref_squeeze %dma_wait3A_953 : memref<1x80xi32, #tpu.memory_space<vmem>> -> memref<80xi32, #tpu.memory_space<vmem>>
      %dma_wait3A_955 = arith.constant 0 : i32
      %dma_wait3A_956 = arith.constant 0 : i32
      %dma_wait3A_957 = tpu.memref_slice %arg18[%dma_wait3A_955, %dma_wait3A_956] : memref<10112x64xf32, #tpu.memory_space<vmem_shared>> -> memref<10112x64xf32, #tpu.memory_space<vmem_shared>>
      tpu.wait_indirect_dma semaphore(%arg33 : memref<!tpu.dma_semaphore, #tpu.memory_space<semaphore_mem>>) src(%arg12 : memref<80x64xf32, #tpu.memory_space<vmem>>) dst(%dma_wait3A_957 : memref<10112x64xf32, #tpu.memory_space<vmem_shared>>)
      %add3A_958 = arith.constant 4 : i32
      %add3A_959 = arith.addi %mul3A_724, %add3A_958 : i32
      %add3A_960 = arith.constant 10 : i32
      %add3A_961 = arith.addi %add3A_959, %add3A_960 : i32
      %lt3A_962 = arith.constant 125 : i32
      %lt3A_963 = arith.cmpi slt, %add3A_961, %lt3A_962 : i32
      %convert_element_type3A_964 = arith.extui %lt3A_963 : i1 to i32
      %cond3A_965 = arith.constant 0 : i32
      %cond3A_966 = arith.cmpi ne, %convert_element_type3A_964, %cond3A_965 : i32
      scf.if %cond3A_966 {
        %add3A_1052 = arith.constant 4 : i32
        %add3A_1053 = arith.addi %mul3A_724, %add3A_1052 : i32
        %add3A_1054 = arith.constant 10 : i32
        %add3A_1055 = arith.addi %add3A_1053, %add3A_1054 : i32
        %dma_start3A_1056 = arith.constant 0 : i32
        %dma_start3A_1057 = tpu.memref_slice %arg6[%add3A_1055, %dma_start3A_1056] : memref<125x80xi32, #tpu.memory_space<vmem>> -> memref<1x80xi32, #tpu.memory_space<vmem>>
        %dma_start3A_1058 = tpu.memref_squeeze %dma_start3A_1057 : memref<1x80xi32, #tpu.memory_space<vmem>> -> memref<80xi32, #tpu.memory_space<vmem>>
        %dma_start3A_1059 = arith.constant 0 : i32
        %dma_start3A_1060 = arith.constant 0 : i32
        %dma_start3A_1061 = tpu.memref_slice %arg2[%dma_start3A_1059, %dma_start3A_1060] : memref<10000x64xf32, #tpu.memory_space<hbm>> -> memref<10000x64xf32, #tpu.memory_space<hbm>>
        tpu.enqueue_indirect_dma source(%dma_start3A_1061 : memref<10000x64xf32, #tpu.memory_space<hbm>>) target(%arg12 : memref<80x64xf32, #tpu.memory_space<vmem>>) offsets(%dma_start3A_1058 : memref<80xi32, #tpu.memory_space<vmem>>) semaphore(%arg23 : memref<!tpu.dma_semaphore, #tpu.memory_space<semaphore_mem>>)
      } else {
      }
      %add3A_967 = arith.constant 5 : i32
      %add3A_968 = arith.addi %mul3A_724, %add3A_967 : i32
      %dma_wait3A_969 = arith.constant 0 : i32
      %dma_wait3A_970 = tpu.memref_slice %arg7[%add3A_968, %dma_wait3A_969] : memref<125x80xi32, #tpu.memory_space<vmem>> -> memref<1x80xi32, #tpu.memory_space<vmem>>
      %dma_wait3A_971 = tpu.memref_squeeze %dma_wait3A_970 : memref<1x80xi32, #tpu.memory_space<vmem>> -> memref<80xi32, #tpu.memory_space<vmem>>
      %dma_wait3A_972 = arith.constant 0 : i32
      %dma_wait3A_973 = arith.constant 0 : i32
      %dma_wait3A_974 = tpu.memref_slice %arg18[%dma_wait3A_972, %dma_wait3A_973] : memref<10112x64xf32, #tpu.memory_space<vmem_shared>> -> memref<10112x64xf32, #tpu.memory_space<vmem_shared>>
      tpu.wait_indirect_dma semaphore(%arg34 : memref<!tpu.dma_semaphore, #tpu.memory_space<semaphore_mem>>) src(%arg13 : memref<80x64xf32, #tpu.memory_space<vmem>>) dst(%dma_wait3A_974 : memref<10112x64xf32, #tpu.memory_space<vmem_shared>>)
      %add3A_975 = arith.constant 5 : i32
      %add3A_976 = arith.addi %mul3A_724, %add3A_975 : i32
      %add3A_977 = arith.constant 10 : i32
      %add3A_978 = arith.addi %add3A_976, %add3A_977 : i32
      %lt3A_979 = arith.constant 125 : i32
      %lt3A_980 = arith.cmpi slt, %add3A_978, %lt3A_979 : i32
      %convert_element_type3A_981 = arith.extui %lt3A_980 : i1 to i32
      %cond3A_982 = arith.constant 0 : i32
      %cond3A_983 = arith.cmpi ne, %convert_element_type3A_981, %cond3A_982 : i32
      scf.if %cond3A_983 {
        %add3A_1052 = arith.constant 5 : i32
        %add3A_1053 = arith.addi %mul3A_724, %add3A_1052 : i32
        %add3A_1054 = arith.constant 10 : i32
        %add3A_1055 = arith.addi %add3A_1053, %add3A_1054 : i32
        %dma_start3A_1056 = arith.constant 0 : i32
        %dma_start3A_1057 = tpu.memref_slice %arg6[%add3A_1055, %dma_start3A_1056] : memref<125x80xi32, #tpu.memory_space<vmem>> -> memref<1x80xi32, #tpu.memory_space<vmem>>
        %dma_start3A_1058 = tpu.memref_squeeze %dma_start3A_1057 : memref<1x80xi32, #tpu.memory_space<vmem>> -> memref<80xi32, #tpu.memory_space<vmem>>
        %dma_start3A_1059 = arith.constant 0 : i32
        %dma_start3A_1060 = arith.constant 0 : i32
        %dma_start3A_1061 = tpu.memref_slice %arg2[%dma_start3A_1059, %dma_start3A_1060] : memref<10000x64xf32, #tpu.memory_space<hbm>> -> memref<10000x64xf32, #tpu.memory_space<hbm>>
        tpu.enqueue_indirect_dma source(%dma_start3A_1061 : memref<10000x64xf32, #tpu.memory_space<hbm>>) target(%arg13 : memref<80x64xf32, #tpu.memory_space<vmem>>) offsets(%dma_start3A_1058 : memref<80xi32, #tpu.memory_space<vmem>>) semaphore(%arg24 : memref<!tpu.dma_semaphore, #tpu.memory_space<semaphore_mem>>)
      } else {
      }
      %add3A_984 = arith.constant 6 : i32
      %add3A_985 = arith.addi %mul3A_724, %add3A_984 : i32
      %dma_wait3A_986 = arith.constant 0 : i32
      %dma_wait3A_987 = tpu.memref_slice %arg7[%add3A_985, %dma_wait3A_986] : memref<125x80xi32, #tpu.memory_space<vmem>> -> memref<1x80xi32, #tpu.memory_space<vmem>>
      %dma_wait3A_988 = tpu.memref_squeeze %dma_wait3A_987 : memref<1x80xi32, #tpu.memory_space<vmem>> -> memref<80xi32, #tpu.memory_space<vmem>>
      %dma_wait3A_989 = arith.constant 0 : i32
      %dma_wait3A_990 = arith.constant 0 : i32
      %dma_wait3A_991 = tpu.memref_slice %arg18[%dma_wait3A_989, %dma_wait3A_990] : memref<10112x64xf32, #tpu.memory_space<vmem_shared>> -> memref<10112x64xf32, #tpu.memory_space<vmem_shared>>
      tpu.wait_indirect_dma semaphore(%arg35 : memref<!tpu.dma_semaphore, #tpu.memory_space<semaphore_mem>>) src(%arg14 : memref<80x64xf32, #tpu.memory_space<vmem>>) dst(%dma_wait3A_991 : memref<10112x64xf32, #tpu.memory_space<vmem_shared>>)
      %add3A_992 = arith.constant 6 : i32
      %add3A_993 = arith.addi %mul3A_724, %add3A_992 : i32
      %add3A_994 = arith.constant 10 : i32
      %add3A_995 = arith.addi %add3A_993, %add3A_994 : i32
      %lt3A_996 = arith.constant 125 : i32
      %lt3A_997 = arith.cmpi slt, %add3A_995, %lt3A_996 : i32
      %convert_element_type3A_998 = arith.extui %lt3A_997 : i1 to i32
      %cond3A_999 = arith.constant 0 : i32
      %cond3A_1000 = arith.cmpi ne, %convert_element_type3A_998, %cond3A_999 : i32
      scf.if %cond3A_1000 {
        %add3A_1052 = arith.constant 6 : i32
        %add3A_1053 = arith.addi %mul3A_724, %add3A_1052 : i32
        %add3A_1054 = arith.constant 10 : i32
        %add3A_1055 = arith.addi %add3A_1053, %add3A_1054 : i32
        %dma_start3A_1056 = arith.constant 0 : i32
        %dma_start3A_1057 = tpu.memref_slice %arg6[%add3A_1055, %dma_start3A_1056] : memref<125x80xi32, #tpu.memory_space<vmem>> -> memref<1x80xi32, #tpu.memory_space<vmem>>
        %dma_start3A_1058 = tpu.memref_squeeze %dma_start3A_1057 : memref<1x80xi32, #tpu.memory_space<vmem>> -> memref<80xi32, #tpu.memory_space<vmem>>
        %dma_start3A_1059 = arith.constant 0 : i32
        %dma_start3A_1060 = arith.constant 0 : i32
        %dma_start3A_1061 = tpu.memref_slice %arg2[%dma_start3A_1059, %dma_start3A_1060] : memref<10000x64xf32, #tpu.memory_space<hbm>> -> memref<10000x64xf32, #tpu.memory_space<hbm>>
        tpu.enqueue_indirect_dma source(%dma_start3A_1061 : memref<10000x64xf32, #tpu.memory_space<hbm>>) target(%arg14 : memref<80x64xf32, #tpu.memory_space<vmem>>) offsets(%dma_start3A_1058 : memref<80xi32, #tpu.memory_space<vmem>>) semaphore(%arg25 : memref<!tpu.dma_semaphore, #tpu.memory_space<semaphore_mem>>)
      } else {
      }
      %add3A_1001 = arith.constant 7 : i32
      %add3A_1002 = arith.addi %mul3A_724, %add3A_1001 : i32
      %dma_wait3A_1003 = arith.constant 0 : i32
      %dma_wait3A_1004 = tpu.memref_slice %arg7[%add3A_1002, %dma_wait3A_1003] : memref<125x80xi32, #tpu.memory_space<vmem>> -> memref<1x80xi32, #tpu.memory_space<vmem>>
      %dma_wait3A_1005 = tpu.memref_squeeze %dma_wait3A_1004 : memref<1x80xi32, #tpu.memory_space<vmem>> -> memref<80xi32, #tpu.memory_space<vmem>>
      %dma_wait3A_1006 = arith.constant 0 : i32
      %dma_wait3A_1007 = arith.constant 0 : i32
      %dma_wait3A_1008 = tpu.memref_slice %arg18[%dma_wait3A_1006, %dma_wait3A_1007] : memref<10112x64xf32, #tpu.memory_space<vmem_shared>> -> memref<10112x64xf32, #tpu.memory_space<vmem_shared>>
      tpu.wait_indirect_dma semaphore(%arg36 : memref<!tpu.dma_semaphore, #tpu.memory_space<semaphore_mem>>) src(%arg15 : memref<80x64xf32, #tpu.memory_space<vmem>>) dst(%dma_wait3A_1008 : memref<10112x64xf32, #tpu.memory_space<vmem_shared>>)
      %add3A_1009 = arith.constant 7 : i32
      %add3A_1010 = arith.addi %mul3A_724, %add3A_1009 : i32
      %add3A_1011 = arith.constant 10 : i32
      %add3A_1012 = arith.addi %add3A_1010, %add3A_1011 : i32
      %lt3A_1013 = arith.constant 125 : i32
      %lt3A_1014 = arith.cmpi slt, %add3A_1012, %lt3A_1013 : i32
      %convert_element_type3A_1015 = arith.extui %lt3A_1014 : i1 to i32
      %cond3A_1016 = arith.constant 0 : i32
      %cond3A_1017 = arith.cmpi ne, %convert_element_type3A_1015, %cond3A_1016 : i32
      scf.if %cond3A_1017 {
        %add3A_1052 = arith.constant 7 : i32
        %add3A_1053 = arith.addi %mul3A_724, %add3A_1052 : i32
        %add3A_1054 = arith.constant 10 : i32
        %add3A_1055 = arith.addi %add3A_1053, %add3A_1054 : i32
        %dma_start3A_1056 = arith.constant 0 : i32
        %dma_start3A_1057 = tpu.memref_slice %arg6[%add3A_1055, %dma_start3A_1056] : memref<125x80xi32, #tpu.memory_space<vmem>> -> memref<1x80xi32, #tpu.memory_space<vmem>>
        %dma_start3A_1058 = tpu.memref_squeeze %dma_start3A_1057 : memref<1x80xi32, #tpu.memory_space<vmem>> -> memref<80xi32, #tpu.memory_space<vmem>>
        %dma_start3A_1059 = arith.constant 0 : i32
        %dma_start3A_1060 = arith.constant 0 : i32
        %dma_start3A_1061 = tpu.memref_slice %arg2[%dma_start3A_1059, %dma_start3A_1060] : memref<10000x64xf32, #tpu.memory_space<hbm>> -> memref<10000x64xf32, #tpu.memory_space<hbm>>
        tpu.enqueue_indirect_dma source(%dma_start3A_1061 : memref<10000x64xf32, #tpu.memory_space<hbm>>) target(%arg15 : memref<80x64xf32, #tpu.memory_space<vmem>>) offsets(%dma_start3A_1058 : memref<80xi32, #tpu.memory_space<vmem>>) semaphore(%arg26 : memref<!tpu.dma_semaphore, #tpu.memory_space<semaphore_mem>>)
      } else {
      }
      %add3A_1018 = arith.constant 8 : i32
      %add3A_1019 = arith.addi %mul3A_724, %add3A_1018 : i32
      %dma_wait3A_1020 = arith.constant 0 : i32
      %dma_wait3A_1021 = tpu.memref_slice %arg7[%add3A_1019, %dma_wait3A_1020] : memref<125x80xi32, #tpu.memory_space<vmem>> -> memref<1x80xi32, #tpu.memory_space<vmem>>
      %dma_wait3A_1022 = tpu.memref_squeeze %dma_wait3A_1021 : memref<1x80xi32, #tpu.memory_space<vmem>> -> memref<80xi32, #tpu.memory_space<vmem>>
      %dma_wait3A_1023 = arith.constant 0 : i32
      %dma_wait3A_1024 = arith.constant 0 : i32
      %dma_wait3A_1025 = tpu.memref_slice %arg18[%dma_wait3A_1023, %dma_wait3A_1024] : memref<10112x64xf32, #tpu.memory_space<vmem_shared>> -> memref<10112x64xf32, #tpu.memory_space<vmem_shared>>
      tpu.wait_indirect_dma semaphore(%arg37 : memref<!tpu.dma_semaphore, #tpu.memory_space<semaphore_mem>>) src(%arg16 : memref<80x64xf32, #tpu.memory_space<vmem>>) dst(%dma_wait3A_1025 : memref<10112x64xf32, #tpu.memory_space<vmem_shared>>)
      %add3A_1026 = arith.constant 8 : i32
      %add3A_1027 = arith.addi %mul3A_724, %add3A_1026 : i32
      %add3A_1028 = arith.constant 10 : i32
      %add3A_1029 = arith.addi %add3A_1027, %add3A_1028 : i32
      %lt3A_1030 = arith.constant 125 : i32
      %lt3A_1031 = arith.cmpi slt, %add3A_1029, %lt3A_1030 : i32
      %convert_element_type3A_1032 = arith.extui %lt3A_1031 : i1 to i32
      %cond3A_1033 = arith.constant 0 : i32
      %cond3A_1034 = arith.cmpi ne, %convert_element_type3A_1032, %cond3A_1033 : i32
      scf.if %cond3A_1034 {
        %add3A_1052 = arith.constant 8 : i32
        %add3A_1053 = arith.addi %mul3A_724, %add3A_1052 : i32
        %add3A_1054 = arith.constant 10 : i32
        %add3A_1055 = arith.addi %add3A_1053, %add3A_1054 : i32
        %dma_start3A_1056 = arith.constant 0 : i32
        %dma_start3A_1057 = tpu.memref_slice %arg6[%add3A_1055, %dma_start3A_1056] : memref<125x80xi32, #tpu.memory_space<vmem>> -> memref<1x80xi32, #tpu.memory_space<vmem>>
        %dma_start3A_1058 = tpu.memref_squeeze %dma_start3A_1057 : memref<1x80xi32, #tpu.memory_space<vmem>> -> memref<80xi32, #tpu.memory_space<vmem>>
        %dma_start3A_1059 = arith.constant 0 : i32
        %dma_start3A_1060 = arith.constant 0 : i32
        %dma_start3A_1061 = tpu.memref_slice %arg2[%dma_start3A_1059, %dma_start3A_1060] : memref<10000x64xf32, #tpu.memory_space<hbm>> -> memref<10000x64xf32, #tpu.memory_space<hbm>>
        tpu.enqueue_indirect_dma source(%dma_start3A_1061 : memref<10000x64xf32, #tpu.memory_space<hbm>>) target(%arg16 : memref<80x64xf32, #tpu.memory_space<vmem>>) offsets(%dma_start3A_1058 : memref<80xi32, #tpu.memory_space<vmem>>) semaphore(%arg27 : memref<!tpu.dma_semaphore, #tpu.memory_space<semaphore_mem>>)
      } else {
      }
      %add3A_1035 = arith.constant 9 : i32
      %add3A_1036 = arith.addi %mul3A_724, %add3A_1035 : i32
      %dma_wait3A_1037 = arith.constant 0 : i32
      %dma_wait3A_1038 = tpu.memref_slice %arg7[%add3A_1036, %dma_wait3A_1037] : memref<125x80xi32, #tpu.memory_space<vmem>> -> memref<1x80xi32, #tpu.memory_space<vmem>>
      %dma_wait3A_1039 = tpu.memref_squeeze %dma_wait3A_1038 : memref<1x80xi32, #tpu.memory_space<vmem>> -> memref<80xi32, #tpu.memory_space<vmem>>
      %dma_wait3A_1040 = arith.constant 0 : i32
      %dma_wait3A_1041 = arith.constant 0 : i32
      %dma_wait3A_1042 = tpu.memref_slice %arg18[%dma_wait3A_1040, %dma_wait3A_1041] : memref<10112x64xf32, #tpu.memory_space<vmem_shared>> -> memref<10112x64xf32, #tpu.memory_space<vmem_shared>>
      tpu.wait_indirect_dma semaphore(%arg38 : memref<!tpu.dma_semaphore, #tpu.memory_space<semaphore_mem>>) src(%arg17 : memref<80x64xf32, #tpu.memory_space<vmem>>) dst(%dma_wait3A_1042 : memref<10112x64xf32, #tpu.memory_space<vmem_shared>>)
      %add3A_1043 = arith.constant 9 : i32
      %add3A_1044 = arith.addi %mul3A_724, %add3A_1043 : i32
      %add3A_1045 = arith.constant 10 : i32
      %add3A_1046 = arith.addi %add3A_1044, %add3A_1045 : i32
      %lt3A_1047 = arith.constant 125 : i32
      %lt3A_1048 = arith.cmpi slt, %add3A_1046, %lt3A_1047 : i32
      %convert_element_type3A_1049 = arith.extui %lt3A_1048 : i1 to i32
      %cond3A_1050 = arith.constant 0 : i32
      %cond3A_1051 = arith.cmpi ne, %convert_element_type3A_1049, %cond3A_1050 : i32
      scf.if %cond3A_1051 {
        %add3A_1052 = arith.constant 9 : i32
        %add3A_1053 = arith.addi %mul3A_724, %add3A_1052 : i32
        %add3A_1054 = arith.constant 10 : i32
        %add3A_1055 = arith.addi %add3A_1053, %add3A_1054 : i32
        %dma_start3A_1056 = arith.constant 0 : i32
        %dma_start3A_1057 = tpu.memref_slice %arg6[%add3A_1055, %dma_start3A_1056] : memref<125x80xi32, #tpu.memory_space<vmem>> -> memref<1x80xi32, #tpu.memory_space<vmem>>
        %dma_start3A_1058 = tpu.memref_squeeze %dma_start3A_1057 : memref<1x80xi32, #tpu.memory_space<vmem>> -> memref<80xi32, #tpu.memory_space<vmem>>
        %dma_start3A_1059 = arith.constant 0 : i32
        %dma_start3A_1060 = arith.constant 0 : i32
        %dma_start3A_1061 = tpu.memref_slice %arg2[%dma_start3A_1059, %dma_start3A_1060] : memref<10000x64xf32, #tpu.memory_space<hbm>> -> memref<10000x64xf32, #tpu.memory_space<hbm>>
        tpu.enqueue_indirect_dma source(%dma_start3A_1061 : memref<10000x64xf32, #tpu.memory_space<hbm>>) target(%arg17 : memref<80x64xf32, #tpu.memory_space<vmem>>) offsets(%dma_start3A_1058 : memref<80xi32, #tpu.memory_space<vmem>>) semaphore(%arg28 : memref<!tpu.dma_semaphore, #tpu.memory_space<semaphore_mem>>)
      } else {
      }
    }
    %scan3A_135 = arith.constant 12 : i32
    %dma_wait3A_136 = arith.constant 120 : i32
    %dma_wait3A_137 = arith.constant 0 : i32
    %dma_wait3A_138 = tpu.memref_slice %arg6[%dma_wait3A_136, %dma_wait3A_137] : memref<125x80xi32, #tpu.memory_space<vmem>> -> memref<1x80xi32, #tpu.memory_space<vmem>>
    %dma_wait3A_139 = tpu.memref_squeeze %dma_wait3A_138 : memref<1x80xi32, #tpu.memory_space<vmem>> -> memref<80xi32, #tpu.memory_space<vmem>>
    %dma_wait3A_140 = arith.constant 0 : i32
    %dma_wait3A_141 = arith.constant 0 : i32
    %dma_wait3A_142 = tpu.memref_slice %arg2[%dma_wait3A_140, %dma_wait3A_141] : memref<10000x64xf32, #tpu.memory_space<hbm>> -> memref<10000x64xf32, #tpu.memory_space<hbm>>
    tpu.wait_indirect_dma semaphore(%arg19 : memref<!tpu.dma_semaphore, #tpu.memory_space<semaphore_mem>>) src(%dma_wait3A_142 : memref<10000x64xf32, #tpu.memory_space<hbm>>) dst(%arg8 : memref<80x64xf32, #tpu.memory_space<vmem>>)
    %dma_start3A_143 = arith.constant 120 : i32
    %dma_start3A_144 = arith.constant 0 : i32
    %dma_start3A_145 = tpu.memref_slice %arg7[%dma_start3A_143, %dma_start3A_144] : memref<125x80xi32, #tpu.memory_space<vmem>> -> memref<1x80xi32, #tpu.memory_space<vmem>>
    %dma_start3A_146 = tpu.memref_squeeze %dma_start3A_145 : memref<1x80xi32, #tpu.memory_space<vmem>> -> memref<80xi32, #tpu.memory_space<vmem>>
    %dma_start3A_147 = arith.constant 0 : i32
    %dma_start3A_148 = arith.constant 0 : i32
    %dma_start3A_149 = tpu.memref_slice %arg18[%dma_start3A_147, %dma_start3A_148] : memref<10112x64xf32, #tpu.memory_space<vmem_shared>> -> memref<10112x64xf32, #tpu.memory_space<vmem_shared>>
    tpu.enqueue_indirect_dma source(%arg8 : memref<80x64xf32, #tpu.memory_space<vmem>>) target(%dma_start3A_149 : memref<10112x64xf32, #tpu.memory_space<vmem_shared>>) offsets(%dma_start3A_146 : memref<80xi32, #tpu.memory_space<vmem>>) semaphore(%arg29 : memref<!tpu.dma_semaphore, #tpu.memory_space<semaphore_mem>>) {add = true}
    %dma_wait3A_150 = arith.constant 121 : i32
    %dma_wait3A_151 = arith.constant 0 : i32
    %dma_wait3A_152 = tpu.memref_slice %arg6[%dma_wait3A_150, %dma_wait3A_151] : memref<125x80xi32, #tpu.memory_space<vmem>> -> memref<1x80xi32, #tpu.memory_space<vmem>>
    %dma_wait3A_153 = tpu.memref_squeeze %dma_wait3A_152 : memref<1x80xi32, #tpu.memory_space<vmem>> -> memref<80xi32, #tpu.memory_space<vmem>>
    %dma_wait3A_154 = arith.constant 0 : i32
    %dma_wait3A_155 = arith.constant 0 : i32
    %dma_wait3A_156 = tpu.memref_slice %arg2[%dma_wait3A_154, %dma_wait3A_155] : memref<10000x64xf32, #tpu.memory_space<hbm>> -> memref<10000x64xf32, #tpu.memory_space<hbm>>
    tpu.wait_indirect_dma semaphore(%arg20 : memref<!tpu.dma_semaphore, #tpu.memory_space<semaphore_mem>>) src(%dma_wait3A_156 : memref<10000x64xf32, #tpu.memory_space<hbm>>) dst(%arg9 : memref<80x64xf32, #tpu.memory_space<vmem>>)
    %dma_start3A_157 = arith.constant 121 : i32
    %dma_start3A_158 = arith.constant 0 : i32
    %dma_start3A_159 = tpu.memref_slice %arg7[%dma_start3A_157, %dma_start3A_158] : memref<125x80xi32, #tpu.memory_space<vmem>> -> memref<1x80xi32, #tpu.memory_space<vmem>>
    %dma_start3A_160 = tpu.memref_squeeze %dma_start3A_159 : memref<1x80xi32, #tpu.memory_space<vmem>> -> memref<80xi32, #tpu.memory_space<vmem>>
    %dma_start3A_161 = arith.constant 0 : i32
    %dma_start3A_162 = arith.constant 0 : i32
    %dma_start3A_163 = tpu.memref_slice %arg18[%dma_start3A_161, %dma_start3A_162] : memref<10112x64xf32, #tpu.memory_space<vmem_shared>> -> memref<10112x64xf32, #tpu.memory_space<vmem_shared>>
    tpu.enqueue_indirect_dma source(%arg9 : memref<80x64xf32, #tpu.memory_space<vmem>>) target(%dma_start3A_163 : memref<10112x64xf32, #tpu.memory_space<vmem_shared>>) offsets(%dma_start3A_160 : memref<80xi32, #tpu.memory_space<vmem>>) semaphore(%arg30 : memref<!tpu.dma_semaphore, #tpu.memory_space<semaphore_mem>>) {add = true}
    %dma_wait3A_164 = arith.constant 122 : i32
    %dma_wait3A_165 = arith.constant 0 : i32
    %dma_wait3A_166 = tpu.memref_slice %arg6[%dma_wait3A_164, %dma_wait3A_165] : memref<125x80xi32, #tpu.memory_space<vmem>> -> memref<1x80xi32, #tpu.memory_space<vmem>>
    %dma_wait3A_167 = tpu.memref_squeeze %dma_wait3A_166 : memref<1x80xi32, #tpu.memory_space<vmem>> -> memref<80xi32, #tpu.memory_space<vmem>>
    %dma_wait3A_168 = arith.constant 0 : i32
    %dma_wait3A_169 = arith.constant 0 : i32
    %dma_wait3A_170 = tpu.memref_slice %arg2[%dma_wait3A_168, %dma_wait3A_169] : memref<10000x64xf32, #tpu.memory_space<hbm>> -> memref<10000x64xf32, #tpu.memory_space<hbm>>
    tpu.wait_indirect_dma semaphore(%arg21 : memref<!tpu.dma_semaphore, #tpu.memory_space<semaphore_mem>>) src(%dma_wait3A_170 : memref<10000x64xf32, #tpu.memory_space<hbm>>) dst(%arg10 : memref<80x64xf32, #tpu.memory_space<vmem>>)
    %dma_start3A_171 = arith.constant 122 : i32
    %dma_start3A_172 = arith.constant 0 : i32
    %dma_start3A_173 = tpu.memref_slice %arg7[%dma_start3A_171, %dma_start3A_172] : memref<125x80xi32, #tpu.memory_space<vmem>> -> memref<1x80xi32, #tpu.memory_space<vmem>>
    %dma_start3A_174 = tpu.memref_squeeze %dma_start3A_173 : memref<1x80xi32, #tpu.memory_space<vmem>> -> memref<80xi32, #tpu.memory_space<vmem>>
    %dma_start3A_175 = arith.constant 0 : i32
    %dma_start3A_176 = arith.constant 0 : i32
    %dma_start3A_177 = tpu.memref_slice %arg18[%dma_start3A_175, %dma_start3A_176] : memref<10112x64xf32, #tpu.memory_space<vmem_shared>> -> memref<10112x64xf32, #tpu.memory_space<vmem_shared>>
    tpu.enqueue_indirect_dma source(%arg10 : memref<80x64xf32, #tpu.memory_space<vmem>>) target(%dma_start3A_177 : memref<10112x64xf32, #tpu.memory_space<vmem_shared>>) offsets(%dma_start3A_174 : memref<80xi32, #tpu.memory_space<vmem>>) semaphore(%arg31 : memref<!tpu.dma_semaphore, #tpu.memory_space<semaphore_mem>>) {add = true}
    %dma_wait3A_178 = arith.constant 123 : i32
    %dma_wait3A_179 = arith.constant 0 : i32
    %dma_wait3A_180 = tpu.memref_slice %arg6[%dma_wait3A_178, %dma_wait3A_179] : memref<125x80xi32, #tpu.memory_space<vmem>> -> memref<1x80xi32, #tpu.memory_space<vmem>>
    %dma_wait3A_181 = tpu.memref_squeeze %dma_wait3A_180 : memref<1x80xi32, #tpu.memory_space<vmem>> -> memref<80xi32, #tpu.memory_space<vmem>>
    %dma_wait3A_182 = arith.constant 0 : i32
    %dma_wait3A_183 = arith.constant 0 : i32
    %dma_wait3A_184 = tpu.memref_slice %arg2[%dma_wait3A_182, %dma_wait3A_183] : memref<10000x64xf32, #tpu.memory_space<hbm>> -> memref<10000x64xf32, #tpu.memory_space<hbm>>
    tpu.wait_indirect_dma semaphore(%arg22 : memref<!tpu.dma_semaphore, #tpu.memory_space<semaphore_mem>>) src(%dma_wait3A_184 : memref<10000x64xf32, #tpu.memory_space<hbm>>) dst(%arg11 : memref<80x64xf32, #tpu.memory_space<vmem>>)
    %dma_start3A_185 = arith.constant 123 : i32
    %dma_start3A_186 = arith.constant 0 : i32
    %dma_start3A_187 = tpu.memref_slice %arg7[%dma_start3A_185, %dma_start3A_186] : memref<125x80xi32, #tpu.memory_space<vmem>> -> memref<1x80xi32, #tpu.memory_space<vmem>>
    %dma_start3A_188 = tpu.memref_squeeze %dma_start3A_187 : memref<1x80xi32, #tpu.memory_space<vmem>> -> memref<80xi32, #tpu.memory_space<vmem>>
    %dma_start3A_189 = arith.constant 0 : i32
    %dma_start3A_190 = arith.constant 0 : i32
    %dma_start3A_191 = tpu.memref_slice %arg18[%dma_start3A_189, %dma_start3A_190] : memref<10112x64xf32, #tpu.memory_space<vmem_shared>> -> memref<10112x64xf32, #tpu.memory_space<vmem_shared>>
    tpu.enqueue_indirect_dma source(%arg11 : memref<80x64xf32, #tpu.memory_space<vmem>>) target(%dma_start3A_191 : memref<10112x64xf32, #tpu.memory_space<vmem_shared>>) offsets(%dma_start3A_188 : memref<80xi32, #tpu.memory_space<vmem>>) semaphore(%arg32 : memref<!tpu.dma_semaphore, #tpu.memory_space<semaphore_mem>>) {add = true}
    %dma_wait3A_192 = arith.constant 124 : i32
    %dma_wait3A_193 = arith.constant 0 : i32
    %dma_wait3A_194 = tpu.memref_slice %arg6[%dma_wait3A_192, %dma_wait3A_193] : memref<125x80xi32, #tpu.memory_space<vmem>> -> memref<1x80xi32, #tpu.memory_space<vmem>>
    %dma_wait3A_195 = tpu.memref_squeeze %dma_wait3A_194 : memref<1x80xi32, #tpu.memory_space<vmem>> -> memref<80xi32, #tpu.memory_space<vmem>>
    %dma_wait3A_196 = arith.constant 0 : i32
    %dma_wait3A_197 = arith.constant 0 : i32
    %dma_wait3A_198 = tpu.memref_slice %arg2[%dma_wait3A_196, %dma_wait3A_197] : memref<10000x64xf32, #tpu.memory_space<hbm>> -> memref<10000x64xf32, #tpu.memory_space<hbm>>
    tpu.wait_indirect_dma semaphore(%arg23 : memref<!tpu.dma_semaphore, #tpu.memory_space<semaphore_mem>>) src(%dma_wait3A_198 : memref<10000x64xf32, #tpu.memory_space<hbm>>) dst(%arg12 : memref<80x64xf32, #tpu.memory_space<vmem>>)
    %dma_start3A_199 = arith.constant 124 : i32
    %dma_start3A_200 = arith.constant 0 : i32
    %dma_start3A_201 = tpu.memref_slice %arg7[%dma_start3A_199, %dma_start3A_200] : memref<125x80xi32, #tpu.memory_space<vmem>> -> memref<1x80xi32, #tpu.memory_space<vmem>>
    %dma_start3A_202 = tpu.memref_squeeze %dma_start3A_201 : memref<1x80xi32, #tpu.memory_space<vmem>> -> memref<80xi32, #tpu.memory_space<vmem>>
    %dma_start3A_203 = arith.constant 0 : i32
    %dma_start3A_204 = arith.constant 0 : i32
    %dma_start3A_205 = tpu.memref_slice %arg18[%dma_start3A_203, %dma_start3A_204] : memref<10112x64xf32, #tpu.memory_space<vmem_shared>> -> memref<10112x64xf32, #tpu.memory_space<vmem_shared>>
    tpu.enqueue_indirect_dma source(%arg12 : memref<80x64xf32, #tpu.memory_space<vmem>>) target(%dma_start3A_205 : memref<10112x64xf32, #tpu.memory_space<vmem_shared>>) offsets(%dma_start3A_202 : memref<80xi32, #tpu.memory_space<vmem>>) semaphore(%arg33 : memref<!tpu.dma_semaphore, #tpu.memory_space<semaphore_mem>>) {add = true}
    %dma_wait3A_206 = arith.constant 120 : i32
    %dma_wait3A_207 = arith.constant 0 : i32
    %dma_wait3A_208 = tpu.memref_slice %arg7[%dma_wait3A_206, %dma_wait3A_207] : memref<125x80xi32, #tpu.memory_space<vmem>> -> memref<1x80xi32, #tpu.memory_space<vmem>>
    %dma_wait3A_209 = tpu.memref_squeeze %dma_wait3A_208 : memref<1x80xi32, #tpu.memory_space<vmem>> -> memref<80xi32, #tpu.memory_space<vmem>>
    %dma_wait3A_210 = arith.constant 0 : i32
    %dma_wait3A_211 = arith.constant 0 : i32
    %dma_wait3A_212 = tpu.memref_slice %arg18[%dma_wait3A_210, %dma_wait3A_211] : memref<10112x64xf32, #tpu.memory_space<vmem_shared>> -> memref<10112x64xf32, #tpu.memory_space<vmem_shared>>
    tpu.wait_indirect_dma semaphore(%arg29 : memref<!tpu.dma_semaphore, #tpu.memory_space<semaphore_mem>>) src(%arg8 : memref<80x64xf32, #tpu.memory_space<vmem>>) dst(%dma_wait3A_212 : memref<10112x64xf32, #tpu.memory_space<vmem_shared>>)
    %dma_wait3A_213 = arith.constant 121 : i32
    %dma_wait3A_214 = arith.constant 0 : i32
    %dma_wait3A_215 = tpu.memref_slice %arg7[%dma_wait3A_213, %dma_wait3A_214] : memref<125x80xi32, #tpu.memory_space<vmem>> -> memref<1x80xi32, #tpu.memory_space<vmem>>
    %dma_wait3A_216 = tpu.memref_squeeze %dma_wait3A_215 : memref<1x80xi32, #tpu.memory_space<vmem>> -> memref<80xi32, #tpu.memory_space<vmem>>
    %dma_wait3A_217 = arith.constant 0 : i32
    %dma_wait3A_218 = arith.constant 0 : i32
    %dma_wait3A_219 = tpu.memref_slice %arg18[%dma_wait3A_217, %dma_wait3A_218] : memref<10112x64xf32, #tpu.memory_space<vmem_shared>> -> memref<10112x64xf32, #tpu.memory_space<vmem_shared>>
    tpu.wait_indirect_dma semaphore(%arg30 : memref<!tpu.dma_semaphore, #tpu.memory_space<semaphore_mem>>) src(%arg9 : memref<80x64xf32, #tpu.memory_space<vmem>>) dst(%dma_wait3A_219 : memref<10112x64xf32, #tpu.memory_space<vmem_shared>>)
    %dma_wait3A_220 = arith.constant 122 : i32
    %dma_wait3A_221 = arith.constant 0 : i32
    %dma_wait3A_222 = tpu.memref_slice %arg7[%dma_wait3A_220, %dma_wait3A_221] : memref<125x80xi32, #tpu.memory_space<vmem>> -> memref<1x80xi32, #tpu.memory_space<vmem>>
    %dma_wait3A_223 = tpu.memref_squeeze %dma_wait3A_222 : memref<1x80xi32, #tpu.memory_space<vmem>> -> memref<80xi32, #tpu.memory_space<vmem>>
    %dma_wait3A_224 = arith.constant 0 : i32
    %dma_wait3A_225 = arith.constant 0 : i32
    %dma_wait3A_226 = tpu.memref_slice %arg18[%dma_wait3A_224, %dma_wait3A_225] : memref<10112x64xf32, #tpu.memory_space<vmem_shared>> -> memref<10112x64xf32, #tpu.memory_space<vmem_shared>>
    tpu.wait_indirect_dma semaphore(%arg31 : memref<!tpu.dma_semaphore, #tpu.memory_space<semaphore_mem>>) src(%arg10 : memref<80x64xf32, #tpu.memory_space<vmem>>) dst(%dma_wait3A_226 : memref<10112x64xf32, #tpu.memory_space<vmem_shared>>)
    %dma_wait3A_227 = arith.constant 123 : i32
    %dma_wait3A_228 = arith.constant 0 : i32
    %dma_wait3A_229 = tpu.memref_slice %arg7[%dma_wait3A_227, %dma_wait3A_228] : memref<125x80xi32, #tpu.memory_space<vmem>> -> memref<1x80xi32, #tpu.memory_space<vmem>>
    %dma_wait3A_230 = tpu.memref_squeeze %dma_wait3A_229 : memref<1x80xi32, #tpu.memory_space<vmem>> -> memref<80xi32, #tpu.memory_space<vmem>>
    %dma_wait3A_231 = arith.constant 0 : i32
    %dma_wait3A_232 = arith.constant 0 : i32
    %dma_wait3A_233 = tpu.memref_slice %arg18[%dma_wait3A_231, %dma_wait3A_232] : memref<10112x64xf32, #tpu.memory_space<vmem_shared>> -> memref<10112x64xf32, #tpu.memory_space<vmem_shared>>
    tpu.wait_indirect_dma semaphore(%arg32 : memref<!tpu.dma_semaphore, #tpu.memory_space<semaphore_mem>>) src(%arg11 : memref<80x64xf32, #tpu.memory_space<vmem>>) dst(%dma_wait3A_233 : memref<10112x64xf32, #tpu.memory_space<vmem_shared>>)
    %dma_wait3A_234 = arith.constant 124 : i32
    %dma_wait3A_235 = arith.constant 0 : i32
    %dma_wait3A_236 = tpu.memref_slice %arg7[%dma_wait3A_234, %dma_wait3A_235] : memref<125x80xi32, #tpu.memory_space<vmem>> -> memref<1x80xi32, #tpu.memory_space<vmem>>
    %dma_wait3A_237 = tpu.memref_squeeze %dma_wait3A_236 : memref<1x80xi32, #tpu.memory_space<vmem>> -> memref<80xi32, #tpu.memory_space<vmem>>
    %dma_wait3A_238 = arith.constant 0 : i32
    %dma_wait3A_239 = arith.constant 0 : i32
    %dma_wait3A_240 = tpu.memref_slice %arg18[%dma_wait3A_238, %dma_wait3A_239] : memref<10112x64xf32, #tpu.memory_space<vmem_shared>> -> memref<10112x64xf32, #tpu.memory_space<vmem_shared>>
    tpu.wait_indirect_dma semaphore(%arg33 : memref<!tpu.dma_semaphore, #tpu.memory_space<semaphore_mem>>) src(%arg12 : memref<80x64xf32, #tpu.memory_space<vmem>>) dst(%dma_wait3A_240 : memref<10112x64xf32, #tpu.memory_space<vmem_shared>>)
    %barrier3A_241 = arith.constant 0 : index
    tpu.barrier barrier_id(%barrier3A_241)
    %mul3A_242 = arith.constant 632 : i32
    %mul3A_243 = arith.muli %arg1, %mul3A_242 : i32
    %add3A_244 = arith.constant 0 : i32
    %add3A_245 = arith.addi %mul3A_243, %add3A_244 : i32
    %dma_start3A_246 = arith.constant 0 : i32
    %dma_start3A_247 = arith.constant 0 : i32
    %dma_start3A_248 = tpu.memref_slice %arg8[%dma_start3A_246, %dma_start3A_247] : memref<80x64xf32, #tpu.memory_space<vmem>> -> memref<80x64xf32, #tpu.memory_space<vmem>>
    %dma_start3A_249 = arith.constant 0 : i32
    %dma_start3A_250 = tpu.memref_slice %arg18[%add3A_245, %dma_start3A_249] : memref<10112x64xf32, #tpu.memory_space<vmem_shared>> -> memref<80x64xf32, #tpu.memory_space<vmem_shared>>
    %dma_start3A_251 = arith.constant 0 : i32
    %dma_start3A_252 = arith.constant 0 : i32
    %dma_start3A_253 = tpu.memref_slice %arg8[%dma_start3A_251, %dma_start3A_252] : memref<80x64xf32, #tpu.memory_space<vmem>> -> memref<80x64xf32, #tpu.memory_space<vmem>>
    %dma_start3A_254 = arith.constant 0 : i32
    %dma_start3A_255 = tpu.memref_slice %arg18[%add3A_245, %dma_start3A_254] : memref<10112x64xf32, #tpu.memory_space<vmem_shared>> -> memref<80x64xf32, #tpu.memory_space<vmem_shared>>
    tpu.enqueue_dma source(%dma_start3A_255 : memref<80x64xf32, #tpu.memory_space<vmem_shared>>) target(%dma_start3A_253 : memref<80x64xf32, #tpu.memory_space<vmem>>) target_semaphore(%arg19 : memref<!tpu.dma_semaphore, #tpu.memory_space<semaphore_mem>>)
    %mul3A_256 = arith.constant 632 : i32
    %mul3A_257 = arith.muli %arg1, %mul3A_256 : i32
    %add3A_258 = arith.constant 80 : i32
    %add3A_259 = arith.addi %mul3A_257, %add3A_258 : i32
    %dma_start3A_260 = arith.constant 0 : i32
    %dma_start3A_261 = arith.constant 0 : i32
    %dma_start3A_262 = tpu.memref_slice %arg9[%dma_start3A_260, %dma_start3A_261] : memref<80x64xf32, #tpu.memory_space<vmem>> -> memref<80x64xf32, #tpu.memory_space<vmem>>
    %dma_start3A_263 = arith.constant 0 : i32
    %dma_start3A_264 = tpu.memref_slice %arg18[%add3A_259, %dma_start3A_263] : memref<10112x64xf32, #tpu.memory_space<vmem_shared>> -> memref<80x64xf32, #tpu.memory_space<vmem_shared>>
    %dma_start3A_265 = arith.constant 0 : i32
    %dma_start3A_266 = arith.constant 0 : i32
    %dma_start3A_267 = tpu.memref_slice %arg9[%dma_start3A_265, %dma_start3A_266] : memref<80x64xf32, #tpu.memory_space<vmem>> -> memref<80x64xf32, #tpu.memory_space<vmem>>
    %dma_start3A_268 = arith.constant 0 : i32
    %dma_start3A_269 = tpu.memref_slice %arg18[%add3A_259, %dma_start3A_268] : memref<10112x64xf32, #tpu.memory_space<vmem_shared>> -> memref<80x64xf32, #tpu.memory_space<vmem_shared>>
    tpu.enqueue_dma source(%dma_start3A_269 : memref<80x64xf32, #tpu.memory_space<vmem_shared>>) target(%dma_start3A_267 : memref<80x64xf32, #tpu.memory_space<vmem>>) target_semaphore(%arg20 : memref<!tpu.dma_semaphore, #tpu.memory_space<semaphore_mem>>)
    %mul3A_270 = arith.constant 632 : i32
    %mul3A_271 = arith.muli %arg1, %mul3A_270 : i32
    %add3A_272 = arith.constant 160 : i32
    %add3A_273 = arith.addi %mul3A_271, %add3A_272 : i32
    %dma_start3A_274 = arith.constant 0 : i32
    %dma_start3A_275 = arith.constant 0 : i32
    %dma_start3A_276 = tpu.memref_slice %arg10[%dma_start3A_274, %dma_start3A_275] : memref<80x64xf32, #tpu.memory_space<vmem>> -> memref<80x64xf32, #tpu.memory_space<vmem>>
    %dma_start3A_277 = arith.constant 0 : i32
    %dma_start3A_278 = tpu.memref_slice %arg18[%add3A_273, %dma_start3A_277] : memref<10112x64xf32, #tpu.memory_space<vmem_shared>> -> memref<80x64xf32, #tpu.memory_space<vmem_shared>>
    %dma_start3A_279 = arith.constant 0 : i32
    %dma_start3A_280 = arith.constant 0 : i32
    %dma_start3A_281 = tpu.memref_slice %arg10[%dma_start3A_279, %dma_start3A_280] : memref<80x64xf32, #tpu.memory_space<vmem>> -> memref<80x64xf32, #tpu.memory_space<vmem>>
    %dma_start3A_282 = arith.constant 0 : i32
    %dma_start3A_283 = tpu.memref_slice %arg18[%add3A_273, %dma_start3A_282] : memref<10112x64xf32, #tpu.memory_space<vmem_shared>> -> memref<80x64xf32, #tpu.memory_space<vmem_shared>>
    tpu.enqueue_dma source(%dma_start3A_283 : memref<80x64xf32, #tpu.memory_space<vmem_shared>>) target(%dma_start3A_281 : memref<80x64xf32, #tpu.memory_space<vmem>>) target_semaphore(%arg21 : memref<!tpu.dma_semaphore, #tpu.memory_space<semaphore_mem>>)
    %mul3A_284 = arith.constant 632 : i32
    %mul3A_285 = arith.muli %arg1, %mul3A_284 : i32
    %add3A_286 = arith.constant 240 : i32
    %add3A_287 = arith.addi %mul3A_285, %add3A_286 : i32
    %dma_start3A_288 = arith.constant 0 : i32
    %dma_start3A_289 = arith.constant 0 : i32
    %dma_start3A_290 = tpu.memref_slice %arg11[%dma_start3A_288, %dma_start3A_289] : memref<80x64xf32, #tpu.memory_space<vmem>> -> memref<80x64xf32, #tpu.memory_space<vmem>>
    %dma_start3A_291 = arith.constant 0 : i32
    %dma_start3A_292 = tpu.memref_slice %arg18[%add3A_287, %dma_start3A_291] : memref<10112x64xf32, #tpu.memory_space<vmem_shared>> -> memref<80x64xf32, #tpu.memory_space<vmem_shared>>
    %dma_start3A_293 = arith.constant 0 : i32
    %dma_start3A_294 = arith.constant 0 : i32
    %dma_start3A_295 = tpu.memref_slice %arg11[%dma_start3A_293, %dma_start3A_294] : memref<80x64xf32, #tpu.memory_space<vmem>> -> memref<80x64xf32, #tpu.memory_space<vmem>>
    %dma_start3A_296 = arith.constant 0 : i32
    %dma_start3A_297 = tpu.memref_slice %arg18[%add3A_287, %dma_start3A_296] : memref<10112x64xf32, #tpu.memory_space<vmem_shared>> -> memref<80x64xf32, #tpu.memory_space<vmem_shared>>
    tpu.enqueue_dma source(%dma_start3A_297 : memref<80x64xf32, #tpu.memory_space<vmem_shared>>) target(%dma_start3A_295 : memref<80x64xf32, #tpu.memory_space<vmem>>) target_semaphore(%arg22 : memref<!tpu.dma_semaphore, #tpu.memory_space<semaphore_mem>>)
    %mul3A_298 = arith.constant 632 : i32
    %mul3A_299 = arith.muli %arg1, %mul3A_298 : i32
    %add3A_300 = arith.constant 320 : i32
    %add3A_301 = arith.addi %mul3A_299, %add3A_300 : i32
    %dma_start3A_302 = arith.constant 0 : i32
    %dma_start3A_303 = arith.constant 0 : i32
    %dma_start3A_304 = tpu.memref_slice %arg12[%dma_start3A_302, %dma_start3A_303] : memref<80x64xf32, #tpu.memory_space<vmem>> -> memref<80x64xf32, #tpu.memory_space<vmem>>
    %dma_start3A_305 = arith.constant 0 : i32
    %dma_start3A_306 = tpu.memref_slice %arg18[%add3A_301, %dma_start3A_305] : memref<10112x64xf32, #tpu.memory_space<vmem_shared>> -> memref<80x64xf32, #tpu.memory_space<vmem_shared>>
    %dma_start3A_307 = arith.constant 0 : i32
    %dma_start3A_308 = arith.constant 0 : i32
    %dma_start3A_309 = tpu.memref_slice %arg12[%dma_start3A_307, %dma_start3A_308] : memref<80x64xf32, #tpu.memory_space<vmem>> -> memref<80x64xf32, #tpu.memory_space<vmem>>
    %dma_start3A_310 = arith.constant 0 : i32
    %dma_start3A_311 = tpu.memref_slice %arg18[%add3A_301, %dma_start3A_310] : memref<10112x64xf32, #tpu.memory_space<vmem_shared>> -> memref<80x64xf32, #tpu.memory_space<vmem_shared>>
    tpu.enqueue_dma source(%dma_start3A_311 : memref<80x64xf32, #tpu.memory_space<vmem_shared>>) target(%dma_start3A_309 : memref<80x64xf32, #tpu.memory_space<vmem>>) target_semaphore(%arg23 : memref<!tpu.dma_semaphore, #tpu.memory_space<semaphore_mem>>)
    %mul3A_312 = arith.constant 632 : i32
    %mul3A_313 = arith.muli %arg1, %mul3A_312 : i32
    %add3A_314 = arith.constant 400 : i32
    %add3A_315 = arith.addi %mul3A_313, %add3A_314 : i32
    %dma_start3A_316 = arith.constant 0 : i32
    %dma_start3A_317 = arith.constant 0 : i32
    %dma_start3A_318 = tpu.memref_slice %arg13[%dma_start3A_316, %dma_start3A_317] : memref<80x64xf32, #tpu.memory_space<vmem>> -> memref<80x64xf32, #tpu.memory_space<vmem>>
    %dma_start3A_319 = arith.constant 0 : i32
    %dma_start3A_320 = tpu.memref_slice %arg18[%add3A_315, %dma_start3A_319] : memref<10112x64xf32, #tpu.memory_space<vmem_shared>> -> memref<80x64xf32, #tpu.memory_space<vmem_shared>>
    %dma_start3A_321 = arith.constant 0 : i32
    %dma_start3A_322 = arith.constant 0 : i32
    %dma_start3A_323 = tpu.memref_slice %arg13[%dma_start3A_321, %dma_start3A_322] : memref<80x64xf32, #tpu.memory_space<vmem>> -> memref<80x64xf32, #tpu.memory_space<vmem>>
    %dma_start3A_324 = arith.constant 0 : i32
    %dma_start3A_325 = tpu.memref_slice %arg18[%add3A_315, %dma_start3A_324] : memref<10112x64xf32, #tpu.memory_space<vmem_shared>> -> memref<80x64xf32, #tpu.memory_space<vmem_shared>>
    tpu.enqueue_dma source(%dma_start3A_325 : memref<80x64xf32, #tpu.memory_space<vmem_shared>>) target(%dma_start3A_323 : memref<80x64xf32, #tpu.memory_space<vmem>>) target_semaphore(%arg24 : memref<!tpu.dma_semaphore, #tpu.memory_space<semaphore_mem>>)
    %mul3A_326 = arith.constant 632 : i32
    %mul3A_327 = arith.muli %arg1, %mul3A_326 : i32
    %add3A_328 = arith.constant 480 : i32
    %add3A_329 = arith.addi %mul3A_327, %add3A_328 : i32
    %dma_start3A_330 = arith.constant 0 : i32
    %dma_start3A_331 = arith.constant 0 : i32
    %dma_start3A_332 = tpu.memref_slice %arg14[%dma_start3A_330, %dma_start3A_331] : memref<80x64xf32, #tpu.memory_space<vmem>> -> memref<80x64xf32, #tpu.memory_space<vmem>>
    %dma_start3A_333 = arith.constant 0 : i32
    %dma_start3A_334 = tpu.memref_slice %arg18[%add3A_329, %dma_start3A_333] : memref<10112x64xf32, #tpu.memory_space<vmem_shared>> -> memref<80x64xf32, #tpu.memory_space<vmem_shared>>
    %dma_start3A_335 = arith.constant 0 : i32
    %dma_start3A_336 = arith.constant 0 : i32
    %dma_start3A_337 = tpu.memref_slice %arg14[%dma_start3A_335, %dma_start3A_336] : memref<80x64xf32, #tpu.memory_space<vmem>> -> memref<80x64xf32, #tpu.memory_space<vmem>>
    %dma_start3A_338 = arith.constant 0 : i32
    %dma_start3A_339 = tpu.memref_slice %arg18[%add3A_329, %dma_start3A_338] : memref<10112x64xf32, #tpu.memory_space<vmem_shared>> -> memref<80x64xf32, #tpu.memory_space<vmem_shared>>
    tpu.enqueue_dma source(%dma_start3A_339 : memref<80x64xf32, #tpu.memory_space<vmem_shared>>) target(%dma_start3A_337 : memref<80x64xf32, #tpu.memory_space<vmem>>) target_semaphore(%arg25 : memref<!tpu.dma_semaphore, #tpu.memory_space<semaphore_mem>>)
    %mul3A_340 = arith.constant 632 : i32
    %mul3A_341 = arith.muli %arg1, %mul3A_340 : i32
    %add3A_342 = arith.constant 560 : i32
    %add3A_343 = arith.addi %mul3A_341, %add3A_342 : i32
    %dma_start3A_344 = arith.constant 0 : i32
    %dma_start3A_345 = arith.constant 0 : i32
    %dma_start3A_346 = tpu.memref_slice %arg15[%dma_start3A_344, %dma_start3A_345] : memref<80x64xf32, #tpu.memory_space<vmem>> -> memref<72x64xf32, #tpu.memory_space<vmem>>
    %dma_start3A_347 = arith.constant 0 : i32
    %dma_start3A_348 = tpu.memref_slice %arg18[%add3A_343, %dma_start3A_347] : memref<10112x64xf32, #tpu.memory_space<vmem_shared>> -> memref<72x64xf32, #tpu.memory_space<vmem_shared>>
    %dma_start3A_349 = arith.constant 0 : i32
    %dma_start3A_350 = arith.constant 0 : i32
    %dma_start3A_351 = tpu.memref_slice %arg15[%dma_start3A_349, %dma_start3A_350] : memref<80x64xf32, #tpu.memory_space<vmem>> -> memref<72x64xf32, #tpu.memory_space<vmem>>
    %dma_start3A_352 = arith.constant 0 : i32
    %dma_start3A_353 = tpu.memref_slice %arg18[%add3A_343, %dma_start3A_352] : memref<10112x64xf32, #tpu.memory_space<vmem_shared>> -> memref<72x64xf32, #tpu.memory_space<vmem_shared>>
    tpu.enqueue_dma source(%dma_start3A_353 : memref<72x64xf32, #tpu.memory_space<vmem_shared>>) target(%dma_start3A_351 : memref<72x64xf32, #tpu.memory_space<vmem>>) target_semaphore(%arg26 : memref<!tpu.dma_semaphore, #tpu.memory_space<semaphore_mem>>)
    %mul3A_354 = arith.constant 632 : i32
    %mul3A_355 = arith.muli %arg1, %mul3A_354 : i32
    %add3A_356 = arith.constant 0 : i32
    %add3A_357 = arith.addi %mul3A_355, %add3A_356 : i32
    %dma_wait3A_358 = arith.constant 0 : i32
    %dma_wait3A_359 = arith.constant 0 : i32
    %dma_wait3A_360 = tpu.memref_slice %arg8[%dma_wait3A_358, %dma_wait3A_359] : memref<80x64xf32, #tpu.memory_space<vmem>> -> memref<80x64xf32, #tpu.memory_space<vmem>>
    %dma_wait3A_361 = arith.constant 0 : i32
    %dma_wait3A_362 = tpu.memref_slice %arg18[%add3A_357, %dma_wait3A_361] : memref<10112x64xf32, #tpu.memory_space<vmem_shared>> -> memref<80x64xf32, #tpu.memory_space<vmem_shared>>
    %dma_wait3A_363 = arith.constant 0 : i32
    %dma_wait3A_364 = arith.constant 0 : i32
    %dma_wait3A_365 = tpu.memref_slice %arg8[%dma_wait3A_363, %dma_wait3A_364] : memref<80x64xf32, #tpu.memory_space<vmem>> -> memref<80x64xf32, #tpu.memory_space<vmem>>
    %dma_wait3A_366 = arith.constant 0 : i32
    %dma_wait3A_367 = tpu.memref_slice %arg18[%add3A_357, %dma_wait3A_366] : memref<10112x64xf32, #tpu.memory_space<vmem_shared>> -> memref<80x64xf32, #tpu.memory_space<vmem_shared>>
    tpu.wait_dma2 semaphore(%arg19 : memref<!tpu.dma_semaphore, #tpu.memory_space<semaphore_mem>>) src(%dma_wait3A_367 : memref<80x64xf32, #tpu.memory_space<vmem_shared>>) dst(%dma_wait3A_365 : memref<80x64xf32, #tpu.memory_space<vmem>>)
    %mul3A_368 = arith.constant 632 : i32
    %mul3A_369 = arith.muli %arg1, %mul3A_368 : i32
    %add3A_370 = arith.constant 0 : i32
    %add3A_371 = arith.addi %mul3A_369, %add3A_370 : i32
    %dma_start3A_372 = arith.constant 0 : i32
    %dma_start3A_373 = arith.constant 0 : i32
    %dma_start3A_374 = tpu.memref_slice %arg8[%dma_start3A_372, %dma_start3A_373] : memref<80x64xf32, #tpu.memory_space<vmem>> -> memref<80x64xf32, #tpu.memory_space<vmem>>
    %dma_start3A_375 = arith.constant 0 : i32
    %dma_start3A_376 = tpu.memref_slice %arg5[%arg0, %add3A_371, %dma_start3A_375] : memref<2x10112x64xf32, #tpu.memory_space<hbm>> -> memref<1x80x64xf32, #tpu.memory_space<hbm>>
    %dma_start3A_377 = tpu.memref_squeeze %dma_start3A_376 : memref<1x80x64xf32, #tpu.memory_space<hbm>> -> memref<80x64xf32, #tpu.memory_space<hbm>>
    %dma_start3A_378 = arith.constant 0 : i32
    %dma_start3A_379 = tpu.memref_slice %arg5[%arg0, %add3A_371, %dma_start3A_378] : memref<2x10112x64xf32, #tpu.memory_space<hbm>> -> memref<1x80x64xf32, #tpu.memory_space<hbm>>
    %dma_start3A_380 = tpu.memref_squeeze %dma_start3A_379 : memref<1x80x64xf32, #tpu.memory_space<hbm>> -> memref<80x64xf32, #tpu.memory_space<hbm>>
    %dma_start3A_381 = arith.constant 0 : i32
    %dma_start3A_382 = arith.constant 0 : i32
    %dma_start3A_383 = tpu.memref_slice %arg8[%dma_start3A_381, %dma_start3A_382] : memref<80x64xf32, #tpu.memory_space<vmem>> -> memref<80x64xf32, #tpu.memory_space<vmem>>
    tpu.enqueue_dma source(%dma_start3A_383 : memref<80x64xf32, #tpu.memory_space<vmem>>) target(%dma_start3A_380 : memref<80x64xf32, #tpu.memory_space<hbm>>) target_semaphore(%arg29 : memref<!tpu.dma_semaphore, #tpu.memory_space<semaphore_mem>>)
    %mul3A_384 = arith.constant 632 : i32
    %mul3A_385 = arith.muli %arg1, %mul3A_384 : i32
    %add3A_386 = arith.constant 80 : i32
    %add3A_387 = arith.addi %mul3A_385, %add3A_386 : i32
    %dma_wait3A_388 = arith.constant 0 : i32
    %dma_wait3A_389 = arith.constant 0 : i32
    %dma_wait3A_390 = tpu.memref_slice %arg9[%dma_wait3A_388, %dma_wait3A_389] : memref<80x64xf32, #tpu.memory_space<vmem>> -> memref<80x64xf32, #tpu.memory_space<vmem>>
    %dma_wait3A_391 = arith.constant 0 : i32
    %dma_wait3A_392 = tpu.memref_slice %arg18[%add3A_387, %dma_wait3A_391] : memref<10112x64xf32, #tpu.memory_space<vmem_shared>> -> memref<80x64xf32, #tpu.memory_space<vmem_shared>>
    %dma_wait3A_393 = arith.constant 0 : i32
    %dma_wait3A_394 = arith.constant 0 : i32
    %dma_wait3A_395 = tpu.memref_slice %arg9[%dma_wait3A_393, %dma_wait3A_394] : memref<80x64xf32, #tpu.memory_space<vmem>> -> memref<80x64xf32, #tpu.memory_space<vmem>>
    %dma_wait3A_396 = arith.constant 0 : i32
    %dma_wait3A_397 = tpu.memref_slice %arg18[%add3A_387, %dma_wait3A_396] : memref<10112x64xf32, #tpu.memory_space<vmem_shared>> -> memref<80x64xf32, #tpu.memory_space<vmem_shared>>
    tpu.wait_dma2 semaphore(%arg20 : memref<!tpu.dma_semaphore, #tpu.memory_space<semaphore_mem>>) src(%dma_wait3A_397 : memref<80x64xf32, #tpu.memory_space<vmem_shared>>) dst(%dma_wait3A_395 : memref<80x64xf32, #tpu.memory_space<vmem>>)
    %mul3A_398 = arith.constant 632 : i32
    %mul3A_399 = arith.muli %arg1, %mul3A_398 : i32
    %add3A_400 = arith.constant 80 : i32
    %add3A_401 = arith.addi %mul3A_399, %add3A_400 : i32
    %dma_start3A_402 = arith.constant 0 : i32
    %dma_start3A_403 = arith.constant 0 : i32
    %dma_start3A_404 = tpu.memref_slice %arg9[%dma_start3A_402, %dma_start3A_403] : memref<80x64xf32, #tpu.memory_space<vmem>> -> memref<80x64xf32, #tpu.memory_space<vmem>>
    %dma_start3A_405 = arith.constant 0 : i32
    %dma_start3A_406 = tpu.memref_slice %arg5[%arg0, %add3A_401, %dma_start3A_405] : memref<2x10112x64xf32, #tpu.memory_space<hbm>> -> memref<1x80x64xf32, #tpu.memory_space<hbm>>
    %dma_start3A_407 = tpu.memref_squeeze %dma_start3A_406 : memref<1x80x64xf32, #tpu.memory_space<hbm>> -> memref<80x64xf32, #tpu.memory_space<hbm>>
    %dma_start3A_408 = arith.constant 0 : i32
    %dma_start3A_409 = tpu.memref_slice %arg5[%arg0, %add3A_401, %dma_start3A_408] : memref<2x10112x64xf32, #tpu.memory_space<hbm>> -> memref<1x80x64xf32, #tpu.memory_space<hbm>>
    %dma_start3A_410 = tpu.memref_squeeze %dma_start3A_409 : memref<1x80x64xf32, #tpu.memory_space<hbm>> -> memref<80x64xf32, #tpu.memory_space<hbm>>
    %dma_start3A_411 = arith.constant 0 : i32
    %dma_start3A_412 = arith.constant 0 : i32
    %dma_start3A_413 = tpu.memref_slice %arg9[%dma_start3A_411, %dma_start3A_412] : memref<80x64xf32, #tpu.memory_space<vmem>> -> memref<80x64xf32, #tpu.memory_space<vmem>>
    tpu.enqueue_dma source(%dma_start3A_413 : memref<80x64xf32, #tpu.memory_space<vmem>>) target(%dma_start3A_410 : memref<80x64xf32, #tpu.memory_space<hbm>>) target_semaphore(%arg30 : memref<!tpu.dma_semaphore, #tpu.memory_space<semaphore_mem>>)
    %mul3A_414 = arith.constant 632 : i32
    %mul3A_415 = arith.muli %arg1, %mul3A_414 : i32
    %add3A_416 = arith.constant 160 : i32
    %add3A_417 = arith.addi %mul3A_415, %add3A_416 : i32
    %dma_wait3A_418 = arith.constant 0 : i32
    %dma_wait3A_419 = arith.constant 0 : i32
    %dma_wait3A_420 = tpu.memref_slice %arg10[%dma_wait3A_418, %dma_wait3A_419] : memref<80x64xf32, #tpu.memory_space<vmem>> -> memref<80x64xf32, #tpu.memory_space<vmem>>
    %dma_wait3A_421 = arith.constant 0 : i32
    %dma_wait3A_422 = tpu.memref_slice %arg18[%add3A_417, %dma_wait3A_421] : memref<10112x64xf32, #tpu.memory_space<vmem_shared>> -> memref<80x64xf32, #tpu.memory_space<vmem_shared>>
    %dma_wait3A_423 = arith.constant 0 : i32
    %dma_wait3A_424 = arith.constant 0 : i32
    %dma_wait3A_425 = tpu.memref_slice %arg10[%dma_wait3A_423, %dma_wait3A_424] : memref<80x64xf32, #tpu.memory_space<vmem>> -> memref<80x64xf32, #tpu.memory_space<vmem>>
    %dma_wait3A_426 = arith.constant 0 : i32
    %dma_wait3A_427 = tpu.memref_slice %arg18[%add3A_417, %dma_wait3A_426] : memref<10112x64xf32, #tpu.memory_space<vmem_shared>> -> memref<80x64xf32, #tpu.memory_space<vmem_shared>>
    tpu.wait_dma2 semaphore(%arg21 : memref<!tpu.dma_semaphore, #tpu.memory_space<semaphore_mem>>) src(%dma_wait3A_427 : memref<80x64xf32, #tpu.memory_space<vmem_shared>>) dst(%dma_wait3A_425 : memref<80x64xf32, #tpu.memory_space<vmem>>)
    %mul3A_428 = arith.constant 632 : i32
    %mul3A_429 = arith.muli %arg1, %mul3A_428 : i32
    %add3A_430 = arith.constant 160 : i32
    %add3A_431 = arith.addi %mul3A_429, %add3A_430 : i32
    %dma_start3A_432 = arith.constant 0 : i32
    %dma_start3A_433 = arith.constant 0 : i32
    %dma_start3A_434 = tpu.memref_slice %arg10[%dma_start3A_432, %dma_start3A_433] : memref<80x64xf32, #tpu.memory_space<vmem>> -> memref<80x64xf32, #tpu.memory_space<vmem>>
    %dma_start3A_435 = arith.constant 0 : i32
    %dma_start3A_436 = tpu.memref_slice %arg5[%arg0, %add3A_431, %dma_start3A_435] : memref<2x10112x64xf32, #tpu.memory_space<hbm>> -> memref<1x80x64xf32, #tpu.memory_space<hbm>>
    %dma_start3A_437 = tpu.memref_squeeze %dma_start3A_436 : memref<1x80x64xf32, #tpu.memory_space<hbm>> -> memref<80x64xf32, #tpu.memory_space<hbm>>
    %dma_start3A_438 = arith.constant 0 : i32
    %dma_start3A_439 = tpu.memref_slice %arg5[%arg0, %add3A_431, %dma_start3A_438] : memref<2x10112x64xf32, #tpu.memory_space<hbm>> -> memref<1x80x64xf32, #tpu.memory_space<hbm>>
    %dma_start3A_440 = tpu.memref_squeeze %dma_start3A_439 : memref<1x80x64xf32, #tpu.memory_space<hbm>> -> memref<80x64xf32, #tpu.memory_space<hbm>>
    %dma_start3A_441 = arith.constant 0 : i32
    %dma_start3A_442 = arith.constant 0 : i32
    %dma_start3A_443 = tpu.memref_slice %arg10[%dma_start3A_441, %dma_start3A_442] : memref<80x64xf32, #tpu.memory_space<vmem>> -> memref<80x64xf32, #tpu.memory_space<vmem>>
    tpu.enqueue_dma source(%dma_start3A_443 : memref<80x64xf32, #tpu.memory_space<vmem>>) target(%dma_start3A_440 : memref<80x64xf32, #tpu.memory_space<hbm>>) target_semaphore(%arg31 : memref<!tpu.dma_semaphore, #tpu.memory_space<semaphore_mem>>)
    %mul3A_444 = arith.constant 632 : i32
    %mul3A_445 = arith.muli %arg1, %mul3A_444 : i32
    %add3A_446 = arith.constant 240 : i32
    %add3A_447 = arith.addi %mul3A_445, %add3A_446 : i32
    %dma_wait3A_448 = arith.constant 0 : i32
    %dma_wait3A_449 = arith.constant 0 : i32
    %dma_wait3A_450 = tpu.memref_slice %arg11[%dma_wait3A_448, %dma_wait3A_449] : memref<80x64xf32, #tpu.memory_space<vmem>> -> memref<80x64xf32, #tpu.memory_space<vmem>>
    %dma_wait3A_451 = arith.constant 0 : i32
    %dma_wait3A_452 = tpu.memref_slice %arg18[%add3A_447, %dma_wait3A_451] : memref<10112x64xf32, #tpu.memory_space<vmem_shared>> -> memref<80x64xf32, #tpu.memory_space<vmem_shared>>
    %dma_wait3A_453 = arith.constant 0 : i32
    %dma_wait3A_454 = arith.constant 0 : i32
    %dma_wait3A_455 = tpu.memref_slice %arg11[%dma_wait3A_453, %dma_wait3A_454] : memref<80x64xf32, #tpu.memory_space<vmem>> -> memref<80x64xf32, #tpu.memory_space<vmem>>
    %dma_wait3A_456 = arith.constant 0 : i32
    %dma_wait3A_457 = tpu.memref_slice %arg18[%add3A_447, %dma_wait3A_456] : memref<10112x64xf32, #tpu.memory_space<vmem_shared>> -> memref<80x64xf32, #tpu.memory_space<vmem_shared>>
    tpu.wait_dma2 semaphore(%arg22 : memref<!tpu.dma_semaphore, #tpu.memory_space<semaphore_mem>>) src(%dma_wait3A_457 : memref<80x64xf32, #tpu.memory_space<vmem_shared>>) dst(%dma_wait3A_455 : memref<80x64xf32, #tpu.memory_space<vmem>>)
    %mul3A_458 = arith.constant 632 : i32
    %mul3A_459 = arith.muli %arg1, %mul3A_458 : i32
    %add3A_460 = arith.constant 240 : i32
    %add3A_461 = arith.addi %mul3A_459, %add3A_460 : i32
    %dma_start3A_462 = arith.constant 0 : i32
    %dma_start3A_463 = arith.constant 0 : i32
    %dma_start3A_464 = tpu.memref_slice %arg11[%dma_start3A_462, %dma_start3A_463] : memref<80x64xf32, #tpu.memory_space<vmem>> -> memref<80x64xf32, #tpu.memory_space<vmem>>
    %dma_start3A_465 = arith.constant 0 : i32
    %dma_start3A_466 = tpu.memref_slice %arg5[%arg0, %add3A_461, %dma_start3A_465] : memref<2x10112x64xf32, #tpu.memory_space<hbm>> -> memref<1x80x64xf32, #tpu.memory_space<hbm>>
    %dma_start3A_467 = tpu.memref_squeeze %dma_start3A_466 : memref<1x80x64xf32, #tpu.memory_space<hbm>> -> memref<80x64xf32, #tpu.memory_space<hbm>>
    %dma_start3A_468 = arith.constant 0 : i32
    %dma_start3A_469 = tpu.memref_slice %arg5[%arg0, %add3A_461, %dma_start3A_468] : memref<2x10112x64xf32, #tpu.memory_space<hbm>> -> memref<1x80x64xf32, #tpu.memory_space<hbm>>
    %dma_start3A_470 = tpu.memref_squeeze %dma_start3A_469 : memref<1x80x64xf32, #tpu.memory_space<hbm>> -> memref<80x64xf32, #tpu.memory_space<hbm>>
    %dma_start3A_471 = arith.constant 0 : i32
    %dma_start3A_472 = arith.constant 0 : i32
    %dma_start3A_473 = tpu.memref_slice %arg11[%dma_start3A_471, %dma_start3A_472] : memref<80x64xf32, #tpu.memory_space<vmem>> -> memref<80x64xf32, #tpu.memory_space<vmem>>
    tpu.enqueue_dma source(%dma_start3A_473 : memref<80x64xf32, #tpu.memory_space<vmem>>) target(%dma_start3A_470 : memref<80x64xf32, #tpu.memory_space<hbm>>) target_semaphore(%arg32 : memref<!tpu.dma_semaphore, #tpu.memory_space<semaphore_mem>>)
    %mul3A_474 = arith.constant 632 : i32
    %mul3A_475 = arith.muli %arg1, %mul3A_474 : i32
    %add3A_476 = arith.constant 320 : i32
    %add3A_477 = arith.addi %mul3A_475, %add3A_476 : i32
    %dma_wait3A_478 = arith.constant 0 : i32
    %dma_wait3A_479 = arith.constant 0 : i32
    %dma_wait3A_480 = tpu.memref_slice %arg12[%dma_wait3A_478, %dma_wait3A_479] : memref<80x64xf32, #tpu.memory_space<vmem>> -> memref<80x64xf32, #tpu.memory_space<vmem>>
    %dma_wait3A_481 = arith.constant 0 : i32
    %dma_wait3A_482 = tpu.memref_slice %arg18[%add3A_477, %dma_wait3A_481] : memref<10112x64xf32, #tpu.memory_space<vmem_shared>> -> memref<80x64xf32, #tpu.memory_space<vmem_shared>>
    %dma_wait3A_483 = arith.constant 0 : i32
    %dma_wait3A_484 = arith.constant 0 : i32
    %dma_wait3A_485 = tpu.memref_slice %arg12[%dma_wait3A_483, %dma_wait3A_484] : memref<80x64xf32, #tpu.memory_space<vmem>> -> memref<80x64xf32, #tpu.memory_space<vmem>>
    %dma_wait3A_486 = arith.constant 0 : i32
    %dma_wait3A_487 = tpu.memref_slice %arg18[%add3A_477, %dma_wait3A_486] : memref<10112x64xf32, #tpu.memory_space<vmem_shared>> -> memref<80x64xf32, #tpu.memory_space<vmem_shared>>
    tpu.wait_dma2 semaphore(%arg23 : memref<!tpu.dma_semaphore, #tpu.memory_space<semaphore_mem>>) src(%dma_wait3A_487 : memref<80x64xf32, #tpu.memory_space<vmem_shared>>) dst(%dma_wait3A_485 : memref<80x64xf32, #tpu.memory_space<vmem>>)
    %mul3A_488 = arith.constant 632 : i32
    %mul3A_489 = arith.muli %arg1, %mul3A_488 : i32
    %add3A_490 = arith.constant 320 : i32
    %add3A_491 = arith.addi %mul3A_489, %add3A_490 : i32
    %dma_start3A_492 = arith.constant 0 : i32
    %dma_start3A_493 = arith.constant 0 : i32
    %dma_start3A_494 = tpu.memref_slice %arg12[%dma_start3A_492, %dma_start3A_493] : memref<80x64xf32, #tpu.memory_space<vmem>> -> memref<80x64xf32, #tpu.memory_space<vmem>>
    %dma_start3A_495 = arith.constant 0 : i32
    %dma_start3A_496 = tpu.memref_slice %arg5[%arg0, %add3A_491, %dma_start3A_495] : memref<2x10112x64xf32, #tpu.memory_space<hbm>> -> memref<1x80x64xf32, #tpu.memory_space<hbm>>
    %dma_start3A_497 = tpu.memref_squeeze %dma_start3A_496 : memref<1x80x64xf32, #tpu.memory_space<hbm>> -> memref<80x64xf32, #tpu.memory_space<hbm>>
    %dma_start3A_498 = arith.constant 0 : i32
    %dma_start3A_499 = tpu.memref_slice %arg5[%arg0, %add3A_491, %dma_start3A_498] : memref<2x10112x64xf32, #tpu.memory_space<hbm>> -> memref<1x80x64xf32, #tpu.memory_space<hbm>>
    %dma_start3A_500 = tpu.memref_squeeze %dma_start3A_499 : memref<1x80x64xf32, #tpu.memory_space<hbm>> -> memref<80x64xf32, #tpu.memory_space<hbm>>
    %dma_start3A_501 = arith.constant 0 : i32
    %dma_start3A_502 = arith.constant 0 : i32
    %dma_start3A_503 = tpu.memref_slice %arg12[%dma_start3A_501, %dma_start3A_502] : memref<80x64xf32, #tpu.memory_space<vmem>> -> memref<80x64xf32, #tpu.memory_space<vmem>>
    tpu.enqueue_dma source(%dma_start3A_503 : memref<80x64xf32, #tpu.memory_space<vmem>>) target(%dma_start3A_500 : memref<80x64xf32, #tpu.memory_space<hbm>>) target_semaphore(%arg33 : memref<!tpu.dma_semaphore, #tpu.memory_space<semaphore_mem>>)
    %mul3A_504 = arith.constant 632 : i32
    %mul3A_505 = arith.muli %arg1, %mul3A_504 : i32
    %add3A_506 = arith.constant 400 : i32
    %add3A_507 = arith.addi %mul3A_505, %add3A_506 : i32
    %dma_wait3A_508 = arith.constant 0 : i32
    %dma_wait3A_509 = arith.constant 0 : i32
    %dma_wait3A_510 = tpu.memref_slice %arg13[%dma_wait3A_508, %dma_wait3A_509] : memref<80x64xf32, #tpu.memory_space<vmem>> -> memref<80x64xf32, #tpu.memory_space<vmem>>
    %dma_wait3A_511 = arith.constant 0 : i32
    %dma_wait3A_512 = tpu.memref_slice %arg18[%add3A_507, %dma_wait3A_511] : memref<10112x64xf32, #tpu.memory_space<vmem_shared>> -> memref<80x64xf32, #tpu.memory_space<vmem_shared>>
    %dma_wait3A_513 = arith.constant 0 : i32
    %dma_wait3A_514 = arith.constant 0 : i32
    %dma_wait3A_515 = tpu.memref_slice %arg13[%dma_wait3A_513, %dma_wait3A_514] : memref<80x64xf32, #tpu.memory_space<vmem>> -> memref<80x64xf32, #tpu.memory_space<vmem>>
    %dma_wait3A_516 = arith.constant 0 : i32
    %dma_wait3A_517 = tpu.memref_slice %arg18[%add3A_507, %dma_wait3A_516] : memref<10112x64xf32, #tpu.memory_space<vmem_shared>> -> memref<80x64xf32, #tpu.memory_space<vmem_shared>>
    tpu.wait_dma2 semaphore(%arg24 : memref<!tpu.dma_semaphore, #tpu.memory_space<semaphore_mem>>) src(%dma_wait3A_517 : memref<80x64xf32, #tpu.memory_space<vmem_shared>>) dst(%dma_wait3A_515 : memref<80x64xf32, #tpu.memory_space<vmem>>)
    %mul3A_518 = arith.constant 632 : i32
    %mul3A_519 = arith.muli %arg1, %mul3A_518 : i32
    %add3A_520 = arith.constant 400 : i32
    %add3A_521 = arith.addi %mul3A_519, %add3A_520 : i32
    %dma_start3A_522 = arith.constant 0 : i32
    %dma_start3A_523 = arith.constant 0 : i32
    %dma_start3A_524 = tpu.memref_slice %arg13[%dma_start3A_522, %dma_start3A_523] : memref<80x64xf32, #tpu.memory_space<vmem>> -> memref<80x64xf32, #tpu.memory_space<vmem>>
    %dma_start3A_525 = arith.constant 0 : i32
    %dma_start3A_526 = tpu.memref_slice %arg5[%arg0, %add3A_521, %dma_start3A_525] : memref<2x10112x64xf32, #tpu.memory_space<hbm>> -> memref<1x80x64xf32, #tpu.memory_space<hbm>>
    %dma_start3A_527 = tpu.memref_squeeze %dma_start3A_526 : memref<1x80x64xf32, #tpu.memory_space<hbm>> -> memref<80x64xf32, #tpu.memory_space<hbm>>
    %dma_start3A_528 = arith.constant 0 : i32
    %dma_start3A_529 = tpu.memref_slice %arg5[%arg0, %add3A_521, %dma_start3A_528] : memref<2x10112x64xf32, #tpu.memory_space<hbm>> -> memref<1x80x64xf32, #tpu.memory_space<hbm>>
    %dma_start3A_530 = tpu.memref_squeeze %dma_start3A_529 : memref<1x80x64xf32, #tpu.memory_space<hbm>> -> memref<80x64xf32, #tpu.memory_space<hbm>>
    %dma_start3A_531 = arith.constant 0 : i32
    %dma_start3A_532 = arith.constant 0 : i32
    %dma_start3A_533 = tpu.memref_slice %arg13[%dma_start3A_531, %dma_start3A_532] : memref<80x64xf32, #tpu.memory_space<vmem>> -> memref<80x64xf32, #tpu.memory_space<vmem>>
    tpu.enqueue_dma source(%dma_start3A_533 : memref<80x64xf32, #tpu.memory_space<vmem>>) target(%dma_start3A_530 : memref<80x64xf32, #tpu.memory_space<hbm>>) target_semaphore(%arg34 : memref<!tpu.dma_semaphore, #tpu.memory_space<semaphore_mem>>)
    %mul3A_534 = arith.constant 632 : i32
    %mul3A_535 = arith.muli %arg1, %mul3A_534 : i32
    %add3A_536 = arith.constant 480 : i32
    %add3A_537 = arith.addi %mul3A_535, %add3A_536 : i32
    %dma_wait3A_538 = arith.constant 0 : i32
    %dma_wait3A_539 = arith.constant 0 : i32
    %dma_wait3A_540 = tpu.memref_slice %arg14[%dma_wait3A_538, %dma_wait3A_539] : memref<80x64xf32, #tpu.memory_space<vmem>> -> memref<80x64xf32, #tpu.memory_space<vmem>>
    %dma_wait3A_541 = arith.constant 0 : i32
    %dma_wait3A_542 = tpu.memref_slice %arg18[%add3A_537, %dma_wait3A_541] : memref<10112x64xf32, #tpu.memory_space<vmem_shared>> -> memref<80x64xf32, #tpu.memory_space<vmem_shared>>
    %dma_wait3A_543 = arith.constant 0 : i32
    %dma_wait3A_544 = arith.constant 0 : i32
    %dma_wait3A_545 = tpu.memref_slice %arg14[%dma_wait3A_543, %dma_wait3A_544] : memref<80x64xf32, #tpu.memory_space<vmem>> -> memref<80x64xf32, #tpu.memory_space<vmem>>
    %dma_wait3A_546 = arith.constant 0 : i32
    %dma_wait3A_547 = tpu.memref_slice %arg18[%add3A_537, %dma_wait3A_546] : memref<10112x64xf32, #tpu.memory_space<vmem_shared>> -> memref<80x64xf32, #tpu.memory_space<vmem_shared>>
    tpu.wait_dma2 semaphore(%arg25 : memref<!tpu.dma_semaphore, #tpu.memory_space<semaphore_mem>>) src(%dma_wait3A_547 : memref<80x64xf32, #tpu.memory_space<vmem_shared>>) dst(%dma_wait3A_545 : memref<80x64xf32, #tpu.memory_space<vmem>>)
    %mul3A_548 = arith.constant 632 : i32
    %mul3A_549 = arith.muli %arg1, %mul3A_548 : i32
    %add3A_550 = arith.constant 480 : i32
    %add3A_551 = arith.addi %mul3A_549, %add3A_550 : i32
    %dma_start3A_552 = arith.constant 0 : i32
    %dma_start3A_553 = arith.constant 0 : i32
    %dma_start3A_554 = tpu.memref_slice %arg14[%dma_start3A_552, %dma_start3A_553] : memref<80x64xf32, #tpu.memory_space<vmem>> -> memref<80x64xf32, #tpu.memory_space<vmem>>
    %dma_start3A_555 = arith.constant 0 : i32
    %dma_start3A_556 = tpu.memref_slice %arg5[%arg0, %add3A_551, %dma_start3A_555] : memref<2x10112x64xf32, #tpu.memory_space<hbm>> -> memref<1x80x64xf32, #tpu.memory_space<hbm>>
    %dma_start3A_557 = tpu.memref_squeeze %dma_start3A_556 : memref<1x80x64xf32, #tpu.memory_space<hbm>> -> memref<80x64xf32, #tpu.memory_space<hbm>>
    %dma_start3A_558 = arith.constant 0 : i32
    %dma_start3A_559 = tpu.memref_slice %arg5[%arg0, %add3A_551, %dma_start3A_558] : memref<2x10112x64xf32, #tpu.memory_space<hbm>> -> memref<1x80x64xf32, #tpu.memory_space<hbm>>
    %dma_start3A_560 = tpu.memref_squeeze %dma_start3A_559 : memref<1x80x64xf32, #tpu.memory_space<hbm>> -> memref<80x64xf32, #tpu.memory_space<hbm>>
    %dma_start3A_561 = arith.constant 0 : i32
    %dma_start3A_562 = arith.constant 0 : i32
    %dma_start3A_563 = tpu.memref_slice %arg14[%dma_start3A_561, %dma_start3A_562] : memref<80x64xf32, #tpu.memory_space<vmem>> -> memref<80x64xf32, #tpu.memory_space<vmem>>
    tpu.enqueue_dma source(%dma_start3A_563 : memref<80x64xf32, #tpu.memory_space<vmem>>) target(%dma_start3A_560 : memref<80x64xf32, #tpu.memory_space<hbm>>) target_semaphore(%arg35 : memref<!tpu.dma_semaphore, #tpu.memory_space<semaphore_mem>>)
    %mul3A_564 = arith.constant 632 : i32
    %mul3A_565 = arith.muli %arg1, %mul3A_564 : i32
    %add3A_566 = arith.constant 560 : i32
    %add3A_567 = arith.addi %mul3A_565, %add3A_566 : i32
    %dma_wait3A_568 = arith.constant 0 : i32
    %dma_wait3A_569 = arith.constant 0 : i32
    %dma_wait3A_570 = tpu.memref_slice %arg15[%dma_wait3A_568, %dma_wait3A_569] : memref<80x64xf32, #tpu.memory_space<vmem>> -> memref<72x64xf32, #tpu.memory_space<vmem>>
    %dma_wait3A_571 = arith.constant 0 : i32
    %dma_wait3A_572 = tpu.memref_slice %arg18[%add3A_567, %dma_wait3A_571] : memref<10112x64xf32, #tpu.memory_space<vmem_shared>> -> memref<72x64xf32, #tpu.memory_space<vmem_shared>>
    %dma_wait3A_573 = arith.constant 0 : i32
    %dma_wait3A_574 = arith.constant 0 : i32
    %dma_wait3A_575 = tpu.memref_slice %arg15[%dma_wait3A_573, %dma_wait3A_574] : memref<80x64xf32, #tpu.memory_space<vmem>> -> memref<72x64xf32, #tpu.memory_space<vmem>>
    %dma_wait3A_576 = arith.constant 0 : i32
    %dma_wait3A_577 = tpu.memref_slice %arg18[%add3A_567, %dma_wait3A_576] : memref<10112x64xf32, #tpu.memory_space<vmem_shared>> -> memref<72x64xf32, #tpu.memory_space<vmem_shared>>
    tpu.wait_dma2 semaphore(%arg26 : memref<!tpu.dma_semaphore, #tpu.memory_space<semaphore_mem>>) src(%dma_wait3A_577 : memref<72x64xf32, #tpu.memory_space<vmem_shared>>) dst(%dma_wait3A_575 : memref<72x64xf32, #tpu.memory_space<vmem>>)
    %mul3A_578 = arith.constant 632 : i32
    %mul3A_579 = arith.muli %arg1, %mul3A_578 : i32
    %add3A_580 = arith.constant 560 : i32
    %add3A_581 = arith.addi %mul3A_579, %add3A_580 : i32
    %dma_start3A_582 = arith.constant 0 : i32
    %dma_start3A_583 = arith.constant 0 : i32
    %dma_start3A_584 = tpu.memref_slice %arg15[%dma_start3A_582, %dma_start3A_583] : memref<80x64xf32, #tpu.memory_space<vmem>> -> memref<72x64xf32, #tpu.memory_space<vmem>>
    %dma_start3A_585 = arith.constant 0 : i32
    %dma_start3A_586 = tpu.memref_slice %arg5[%arg0, %add3A_581, %dma_start3A_585] : memref<2x10112x64xf32, #tpu.memory_space<hbm>> -> memref<1x72x64xf32, #tpu.memory_space<hbm>>
    %dma_start3A_587 = tpu.memref_squeeze %dma_start3A_586 : memref<1x72x64xf32, #tpu.memory_space<hbm>> -> memref<72x64xf32, #tpu.memory_space<hbm>>
    %dma_start3A_588 = arith.constant 0 : i32
    %dma_start3A_589 = tpu.memref_slice %arg5[%arg0, %add3A_581, %dma_start3A_588] : memref<2x10112x64xf32, #tpu.memory_space<hbm>> -> memref<1x72x64xf32, #tpu.memory_space<hbm>>
    %dma_start3A_590 = tpu.memref_squeeze %dma_start3A_589 : memref<1x72x64xf32, #tpu.memory_space<hbm>> -> memref<72x64xf32, #tpu.memory_space<hbm>>
    %dma_start3A_591 = arith.constant 0 : i32
    %dma_start3A_592 = arith.constant 0 : i32
    %dma_start3A_593 = tpu.memref_slice %arg15[%dma_start3A_591, %dma_start3A_592] : memref<80x64xf32, #tpu.memory_space<vmem>> -> memref<72x64xf32, #tpu.memory_space<vmem>>
    tpu.enqueue_dma source(%dma_start3A_593 : memref<72x64xf32, #tpu.memory_space<vmem>>) target(%dma_start3A_590 : memref<72x64xf32, #tpu.memory_space<hbm>>) target_semaphore(%arg36 : memref<!tpu.dma_semaphore, #tpu.memory_space<semaphore_mem>>)
    %mul3A_594 = arith.constant 632 : i32
    %mul3A_595 = arith.muli %arg1, %mul3A_594 : i32
    %add3A_596 = arith.constant 0 : i32
    %add3A_597 = arith.addi %mul3A_595, %add3A_596 : i32
    %dma_wait3A_598 = arith.constant 0 : i32
    %dma_wait3A_599 = arith.constant 0 : i32
    %dma_wait3A_600 = tpu.memref_slice %arg8[%dma_wait3A_598, %dma_wait3A_599] : memref<80x64xf32, #tpu.memory_space<vmem>> -> memref<80x64xf32, #tpu.memory_space<vmem>>
    %dma_wait3A_601 = arith.constant 0 : i32
    %dma_wait3A_602 = tpu.memref_slice %arg5[%arg0, %add3A_597, %dma_wait3A_601] : memref<2x10112x64xf32, #tpu.memory_space<hbm>> -> memref<1x80x64xf32, #tpu.memory_space<hbm>>
    %dma_wait3A_603 = tpu.memref_squeeze %dma_wait3A_602 : memref<1x80x64xf32, #tpu.memory_space<hbm>> -> memref<80x64xf32, #tpu.memory_space<hbm>>
    %dma_wait3A_604 = arith.constant 0 : i32
    %dma_wait3A_605 = tpu.memref_slice %arg5[%arg0, %add3A_597, %dma_wait3A_604] : memref<2x10112x64xf32, #tpu.memory_space<hbm>> -> memref<1x80x64xf32, #tpu.memory_space<hbm>>
    %dma_wait3A_606 = tpu.memref_squeeze %dma_wait3A_605 : memref<1x80x64xf32, #tpu.memory_space<hbm>> -> memref<80x64xf32, #tpu.memory_space<hbm>>
    %dma_wait3A_607 = arith.constant 0 : i32
    %dma_wait3A_608 = arith.constant 0 : i32
    %dma_wait3A_609 = tpu.memref_slice %arg8[%dma_wait3A_607, %dma_wait3A_608] : memref<80x64xf32, #tpu.memory_space<vmem>> -> memref<80x64xf32, #tpu.memory_space<vmem>>
    tpu.wait_dma2 semaphore(%arg29 : memref<!tpu.dma_semaphore, #tpu.memory_space<semaphore_mem>>) src(%dma_wait3A_609 : memref<80x64xf32, #tpu.memory_space<vmem>>) dst(%dma_wait3A_606 : memref<80x64xf32, #tpu.memory_space<hbm>>)
    %mul3A_610 = arith.constant 632 : i32
    %mul3A_611 = arith.muli %arg1, %mul3A_610 : i32
    %add3A_612 = arith.constant 80 : i32
    %add3A_613 = arith.addi %mul3A_611, %add3A_612 : i32
    %dma_wait3A_614 = arith.constant 0 : i32
    %dma_wait3A_615 = arith.constant 0 : i32
    %dma_wait3A_616 = tpu.memref_slice %arg9[%dma_wait3A_614, %dma_wait3A_615] : memref<80x64xf32, #tpu.memory_space<vmem>> -> memref<80x64xf32, #tpu.memory_space<vmem>>
    %dma_wait3A_617 = arith.constant 0 : i32
    %dma_wait3A_618 = tpu.memref_slice %arg5[%arg0, %add3A_613, %dma_wait3A_617] : memref<2x10112x64xf32, #tpu.memory_space<hbm>> -> memref<1x80x64xf32, #tpu.memory_space<hbm>>
    %dma_wait3A_619 = tpu.memref_squeeze %dma_wait3A_618 : memref<1x80x64xf32, #tpu.memory_space<hbm>> -> memref<80x64xf32, #tpu.memory_space<hbm>>
    %dma_wait3A_620 = arith.constant 0 : i32
    %dma_wait3A_621 = tpu.memref_slice %arg5[%arg0, %add3A_613, %dma_wait3A_620] : memref<2x10112x64xf32, #tpu.memory_space<hbm>> -> memref<1x80x64xf32, #tpu.memory_space<hbm>>
    %dma_wait3A_622 = tpu.memref_squeeze %dma_wait3A_621 : memref<1x80x64xf32, #tpu.memory_space<hbm>> -> memref<80x64xf32, #tpu.memory_space<hbm>>
    %dma_wait3A_623 = arith.constant 0 : i32
    %dma_wait3A_624 = arith.constant 0 : i32
    %dma_wait3A_625 = tpu.memref_slice %arg9[%dma_wait3A_623, %dma_wait3A_624] : memref<80x64xf32, #tpu.memory_space<vmem>> -> memref<80x64xf32, #tpu.memory_space<vmem>>
    tpu.wait_dma2 semaphore(%arg30 : memref<!tpu.dma_semaphore, #tpu.memory_space<semaphore_mem>>) src(%dma_wait3A_625 : memref<80x64xf32, #tpu.memory_space<vmem>>) dst(%dma_wait3A_622 : memref<80x64xf32, #tpu.memory_space<hbm>>)
    %mul3A_626 = arith.constant 632 : i32
    %mul3A_627 = arith.muli %arg1, %mul3A_626 : i32
    %add3A_628 = arith.constant 160 : i32
    %add3A_629 = arith.addi %mul3A_627, %add3A_628 : i32
    %dma_wait3A_630 = arith.constant 0 : i32
    %dma_wait3A_631 = arith.constant 0 : i32
    %dma_wait3A_632 = tpu.memref_slice %arg10[%dma_wait3A_630, %dma_wait3A_631] : memref<80x64xf32, #tpu.memory_space<vmem>> -> memref<80x64xf32, #tpu.memory_space<vmem>>
    %dma_wait3A_633 = arith.constant 0 : i32
    %dma_wait3A_634 = tpu.memref_slice %arg5[%arg0, %add3A_629, %dma_wait3A_633] : memref<2x10112x64xf32, #tpu.memory_space<hbm>> -> memref<1x80x64xf32, #tpu.memory_space<hbm>>
    %dma_wait3A_635 = tpu.memref_squeeze %dma_wait3A_634 : memref<1x80x64xf32, #tpu.memory_space<hbm>> -> memref<80x64xf32, #tpu.memory_space<hbm>>
    %dma_wait3A_636 = arith.constant 0 : i32
    %dma_wait3A_637 = tpu.memref_slice %arg5[%arg0, %add3A_629, %dma_wait3A_636] : memref<2x10112x64xf32, #tpu.memory_space<hbm>> -> memref<1x80x64xf32, #tpu.memory_space<hbm>>
    %dma_wait3A_638 = tpu.memref_squeeze %dma_wait3A_637 : memref<1x80x64xf32, #tpu.memory_space<hbm>> -> memref<80x64xf32, #tpu.memory_space<hbm>>
    %dma_wait3A_639 = arith.constant 0 : i32
    %dma_wait3A_640 = arith.constant 0 : i32
    %dma_wait3A_641 = tpu.memref_slice %arg10[%dma_wait3A_639, %dma_wait3A_640] : memref<80x64xf32, #tpu.memory_space<vmem>> -> memref<80x64xf32, #tpu.memory_space<vmem>>
    tpu.wait_dma2 semaphore(%arg31 : memref<!tpu.dma_semaphore, #tpu.memory_space<semaphore_mem>>) src(%dma_wait3A_641 : memref<80x64xf32, #tpu.memory_space<vmem>>) dst(%dma_wait3A_638 : memref<80x64xf32, #tpu.memory_space<hbm>>)
    %mul3A_642 = arith.constant 632 : i32
    %mul3A_643 = arith.muli %arg1, %mul3A_642 : i32
    %add3A_644 = arith.constant 240 : i32
    %add3A_645 = arith.addi %mul3A_643, %add3A_644 : i32
    %dma_wait3A_646 = arith.constant 0 : i32
    %dma_wait3A_647 = arith.constant 0 : i32
    %dma_wait3A_648 = tpu.memref_slice %arg11[%dma_wait3A_646, %dma_wait3A_647] : memref<80x64xf32, #tpu.memory_space<vmem>> -> memref<80x64xf32, #tpu.memory_space<vmem>>
    %dma_wait3A_649 = arith.constant 0 : i32
    %dma_wait3A_650 = tpu.memref_slice %arg5[%arg0, %add3A_645, %dma_wait3A_649] : memref<2x10112x64xf32, #tpu.memory_space<hbm>> -> memref<1x80x64xf32, #tpu.memory_space<hbm>>
    %dma_wait3A_651 = tpu.memref_squeeze %dma_wait3A_650 : memref<1x80x64xf32, #tpu.memory_space<hbm>> -> memref<80x64xf32, #tpu.memory_space<hbm>>
    %dma_wait3A_652 = arith.constant 0 : i32
    %dma_wait3A_653 = tpu.memref_slice %arg5[%arg0, %add3A_645, %dma_wait3A_652] : memref<2x10112x64xf32, #tpu.memory_space<hbm>> -> memref<1x80x64xf32, #tpu.memory_space<hbm>>
    %dma_wait3A_654 = tpu.memref_squeeze %dma_wait3A_653 : memref<1x80x64xf32, #tpu.memory_space<hbm>> -> memref<80x64xf32, #tpu.memory_space<hbm>>
    %dma_wait3A_655 = arith.constant 0 : i32
    %dma_wait3A_656 = arith.constant 0 : i32
    %dma_wait3A_657 = tpu.memref_slice %arg11[%dma_wait3A_655, %dma_wait3A_656] : memref<80x64xf32, #tpu.memory_space<vmem>> -> memref<80x64xf32, #tpu.memory_space<vmem>>
    tpu.wait_dma2 semaphore(%arg32 : memref<!tpu.dma_semaphore, #tpu.memory_space<semaphore_mem>>) src(%dma_wait3A_657 : memref<80x64xf32, #tpu.memory_space<vmem>>) dst(%dma_wait3A_654 : memref<80x64xf32, #tpu.memory_space<hbm>>)
    %mul3A_658 = arith.constant 632 : i32
    %mul3A_659 = arith.muli %arg1, %mul3A_658 : i32
    %add3A_660 = arith.constant 320 : i32
    %add3A_661 = arith.addi %mul3A_659, %add3A_660 : i32
    %dma_wait3A_662 = arith.constant 0 : i32
    %dma_wait3A_663 = arith.constant 0 : i32
    %dma_wait3A_664 = tpu.memref_slice %arg12[%dma_wait3A_662, %dma_wait3A_663] : memref<80x64xf32, #tpu.memory_space<vmem>> -> memref<80x64xf32, #tpu.memory_space<vmem>>
    %dma_wait3A_665 = arith.constant 0 : i32
    %dma_wait3A_666 = tpu.memref_slice %arg5[%arg0, %add3A_661, %dma_wait3A_665] : memref<2x10112x64xf32, #tpu.memory_space<hbm>> -> memref<1x80x64xf32, #tpu.memory_space<hbm>>
    %dma_wait3A_667 = tpu.memref_squeeze %dma_wait3A_666 : memref<1x80x64xf32, #tpu.memory_space<hbm>> -> memref<80x64xf32, #tpu.memory_space<hbm>>
    %dma_wait3A_668 = arith.constant 0 : i32
    %dma_wait3A_669 = tpu.memref_slice %arg5[%arg0, %add3A_661, %dma_wait3A_668] : memref<2x10112x64xf32, #tpu.memory_space<hbm>> -> memref<1x80x64xf32, #tpu.memory_space<hbm>>
    %dma_wait3A_670 = tpu.memref_squeeze %dma_wait3A_669 : memref<1x80x64xf32, #tpu.memory_space<hbm>> -> memref<80x64xf32, #tpu.memory_space<hbm>>
    %dma_wait3A_671 = arith.constant 0 : i32
    %dma_wait3A_672 = arith.constant 0 : i32
    %dma_wait3A_673 = tpu.memref_slice %arg12[%dma_wait3A_671, %dma_wait3A_672] : memref<80x64xf32, #tpu.memory_space<vmem>> -> memref<80x64xf32, #tpu.memory_space<vmem>>
    tpu.wait_dma2 semaphore(%arg33 : memref<!tpu.dma_semaphore, #tpu.memory_space<semaphore_mem>>) src(%dma_wait3A_673 : memref<80x64xf32, #tpu.memory_space<vmem>>) dst(%dma_wait3A_670 : memref<80x64xf32, #tpu.memory_space<hbm>>)
    %mul3A_674 = arith.constant 632 : i32
    %mul3A_675 = arith.muli %arg1, %mul3A_674 : i32
    %add3A_676 = arith.constant 400 : i32
    %add3A_677 = arith.addi %mul3A_675, %add3A_676 : i32
    %dma_wait3A_678 = arith.constant 0 : i32
    %dma_wait3A_679 = arith.constant 0 : i32
    %dma_wait3A_680 = tpu.memref_slice %arg13[%dma_wait3A_678, %dma_wait3A_679] : memref<80x64xf32, #tpu.memory_space<vmem>> -> memref<80x64xf32, #tpu.memory_space<vmem>>
    %dma_wait3A_681 = arith.constant 0 : i32
    %dma_wait3A_682 = tpu.memref_slice %arg5[%arg0, %add3A_677, %dma_wait3A_681] : memref<2x10112x64xf32, #tpu.memory_space<hbm>> -> memref<1x80x64xf32, #tpu.memory_space<hbm>>
    %dma_wait3A_683 = tpu.memref_squeeze %dma_wait3A_682 : memref<1x80x64xf32, #tpu.memory_space<hbm>> -> memref<80x64xf32, #tpu.memory_space<hbm>>
    %dma_wait3A_684 = arith.constant 0 : i32
    %dma_wait3A_685 = tpu.memref_slice %arg5[%arg0, %add3A_677, %dma_wait3A_684] : memref<2x10112x64xf32, #tpu.memory_space<hbm>> -> memref<1x80x64xf32, #tpu.memory_space<hbm>>
    %dma_wait3A_686 = tpu.memref_squeeze %dma_wait3A_685 : memref<1x80x64xf32, #tpu.memory_space<hbm>> -> memref<80x64xf32, #tpu.memory_space<hbm>>
    %dma_wait3A_687 = arith.constant 0 : i32
    %dma_wait3A_688 = arith.constant 0 : i32
    %dma_wait3A_689 = tpu.memref_slice %arg13[%dma_wait3A_687, %dma_wait3A_688] : memref<80x64xf32, #tpu.memory_space<vmem>> -> memref<80x64xf32, #tpu.memory_space<vmem>>
    tpu.wait_dma2 semaphore(%arg34 : memref<!tpu.dma_semaphore, #tpu.memory_space<semaphore_mem>>) src(%dma_wait3A_689 : memref<80x64xf32, #tpu.memory_space<vmem>>) dst(%dma_wait3A_686 : memref<80x64xf32, #tpu.memory_space<hbm>>)
    %mul3A_690 = arith.constant 632 : i32
    %mul3A_691 = arith.muli %arg1, %mul3A_690 : i32
    %add3A_692 = arith.constant 480 : i32
    %add3A_693 = arith.addi %mul3A_691, %add3A_692 : i32
    %dma_wait3A_694 = arith.constant 0 : i32
    %dma_wait3A_695 = arith.constant 0 : i32
    %dma_wait3A_696 = tpu.memref_slice %arg14[%dma_wait3A_694, %dma_wait3A_695] : memref<80x64xf32, #tpu.memory_space<vmem>> -> memref<80x64xf32, #tpu.memory_space<vmem>>
    %dma_wait3A_697 = arith.constant 0 : i32
    %dma_wait3A_698 = tpu.memref_slice %arg5[%arg0, %add3A_693, %dma_wait3A_697] : memref<2x10112x64xf32, #tpu.memory_space<hbm>> -> memref<1x80x64xf32, #tpu.memory_space<hbm>>
    %dma_wait3A_699 = tpu.memref_squeeze %dma_wait3A_698 : memref<1x80x64xf32, #tpu.memory_space<hbm>> -> memref<80x64xf32, #tpu.memory_space<hbm>>
    %dma_wait3A_700 = arith.constant 0 : i32
    %dma_wait3A_701 = tpu.memref_slice %arg5[%arg0, %add3A_693, %dma_wait3A_700] : memref<2x10112x64xf32, #tpu.memory_space<hbm>> -> memref<1x80x64xf32, #tpu.memory_space<hbm>>
    %dma_wait3A_702 = tpu.memref_squeeze %dma_wait3A_701 : memref<1x80x64xf32, #tpu.memory_space<hbm>> -> memref<80x64xf32, #tpu.memory_space<hbm>>
    %dma_wait3A_703 = arith.constant 0 : i32
    %dma_wait3A_704 = arith.constant 0 : i32
    %dma_wait3A_705 = tpu.memref_slice %arg14[%dma_wait3A_703, %dma_wait3A_704] : memref<80x64xf32, #tpu.memory_space<vmem>> -> memref<80x64xf32, #tpu.memory_space<vmem>>
    tpu.wait_dma2 semaphore(%arg35 : memref<!tpu.dma_semaphore, #tpu.memory_space<semaphore_mem>>) src(%dma_wait3A_705 : memref<80x64xf32, #tpu.memory_space<vmem>>) dst(%dma_wait3A_702 : memref<80x64xf32, #tpu.memory_space<hbm>>)
    %mul3A_706 = arith.constant 632 : i32
    %mul3A_707 = arith.muli %arg1, %mul3A_706 : i32
    %add3A_708 = arith.constant 560 : i32
    %add3A_709 = arith.addi %mul3A_707, %add3A_708 : i32
    %dma_wait3A_710 = arith.constant 0 : i32
    %dma_wait3A_711 = arith.constant 0 : i32
    %dma_wait3A_712 = tpu.memref_slice %arg15[%dma_wait3A_710, %dma_wait3A_711] : memref<80x64xf32, #tpu.memory_space<vmem>> -> memref<72x64xf32, #tpu.memory_space<vmem>>
    %dma_wait3A_713 = arith.constant 0 : i32
    %dma_wait3A_714 = tpu.memref_slice %arg5[%arg0, %add3A_709, %dma_wait3A_713] : memref<2x10112x64xf32, #tpu.memory_space<hbm>> -> memref<1x72x64xf32, #tpu.memory_space<hbm>>
    %dma_wait3A_715 = tpu.memref_squeeze %dma_wait3A_714 : memref<1x72x64xf32, #tpu.memory_space<hbm>> -> memref<72x64xf32, #tpu.memory_space<hbm>>
    %dma_wait3A_716 = arith.constant 0 : i32
    %dma_wait3A_717 = tpu.memref_slice %arg5[%arg0, %add3A_709, %dma_wait3A_716] : memref<2x10112x64xf32, #tpu.memory_space<hbm>> -> memref<1x72x64xf32, #tpu.memory_space<hbm>>
    %dma_wait3A_718 = tpu.memref_squeeze %dma_wait3A_717 : memref<1x72x64xf32, #tpu.memory_space<hbm>> -> memref<72x64xf32, #tpu.memory_space<hbm>>
    %dma_wait3A_719 = arith.constant 0 : i32
    %dma_wait3A_720 = arith.constant 0 : i32
    %dma_wait3A_721 = tpu.memref_slice %arg15[%dma_wait3A_719, %dma_wait3A_720] : memref<80x64xf32, #tpu.memory_space<vmem>> -> memref<72x64xf32, #tpu.memory_space<vmem>>
    tpu.wait_dma2 semaphore(%arg36 : memref<!tpu.dma_semaphore, #tpu.memory_space<semaphore_mem>>) src(%dma_wait3A_721 : memref<72x64xf32, #tpu.memory_space<vmem>>) dst(%dma_wait3A_718 : memref<72x64xf32, #tpu.memory_space<hbm>>)
    return
  }
}

#map = affine_map<(d0, d1) -> (0, 0)>
#map1 = affine_map<(d0, d1) -> (0, 0, 0)>
module attributes {stable_mosaic.version = 14 : i64} {
  func.func @scatter_kernel(%arg0: i32, %arg1: i32, %arg2: memref<10000x64xf32, #tpu.memory_space<hbm>>, %arg3: memref<4000x80xi32, #tpu.memory_space<hbm>>, %arg4: memref<4000x80xi32, #tpu.memory_space<hbm>>, %arg5: memref<2x10112x64xf32, #tpu.memory_space<hbm>>, %arg6: memref<125x80xi32, #tpu.memory_space<vmem>>, %arg7: memref<125x80xi32, #tpu.memory_space<vmem>>, %arg8: memref<80x64xf32, #tpu.memory_space<vmem>>, %arg9: memref<80x64xf32, #tpu.memory_space<vmem>>, %arg10: memref<80x64xf32, #tpu.memory_space<vmem>>, %arg11: memref<80x64xf32, #tpu.memory_space<vmem>>, %arg12: memref<80x64xf32, #tpu.memory_space<vmem>>, %arg13: memref<80x64xf32, #tpu.memory_space<vmem>>, %arg14: memref<80x64xf32, #tpu.memory_space<vmem>>, %arg15: memref<80x64xf32, #tpu.memory_space<vmem>>, %arg16: memref<80x64xf32, #tpu.memory_space<vmem>>, %arg17: memref<80x64xf32, #tpu.memory_space<vmem>>, %arg18: memref<10112x64xf32, #tpu.memory_space<vmem_shared>>, %arg19: memref<!tpu.dma_semaphore, #tpu.memory_space<semaphore_mem>>, %arg20: memref<!tpu.dma_semaphore, #tpu.memory_space<semaphore_mem>>, %arg21: memref<!tpu.dma_semaphore, #tpu.memory_space<semaphore_mem>>, %arg22: memref<!tpu.dma_semaphore, #tpu.memory_space<semaphore_mem>>, %arg23: memref<!tpu.dma_semaphore, #tpu.memory_space<semaphore_mem>>, %arg24: memref<!tpu.dma_semaphore, #tpu.memory_space<semaphore_mem>>, %arg25: memref<!tpu.dma_semaphore, #tpu.memory_space<semaphore_mem>>, %arg26: memref<!tpu.dma_semaphore, #tpu.memory_space<semaphore_mem>>, %arg27: memref<!tpu.dma_semaphore, #tpu.memory_space<semaphore_mem>>, %arg28: memref<!tpu.dma_semaphore, #tpu.memory_space<semaphore_mem>>, %arg29: memref<!tpu.dma_semaphore, #tpu.memory_space<semaphore_mem>>, %arg30: memref<!tpu.dma_semaphore, #tpu.memory_space<semaphore_mem>>, %arg31: memref<!tpu.dma_semaphore, #tpu.memory_space<semaphore_mem>>, %arg32: memref<!tpu.dma_semaphore, #tpu.memory_space<semaphore_mem>>, %arg33: memref<!tpu.dma_semaphore, #tpu.memory_space<semaphore_mem>>, %arg34: memref<!tpu.dma_semaphore, #tpu.memory_space<semaphore_mem>>, %arg35: memref<!tpu.dma_semaphore, #tpu.memory_space<semaphore_mem>>, %arg36: memref<!tpu.dma_semaphore, #tpu.memory_space<semaphore_mem>>, %arg37: memref<!tpu.dma_semaphore, #tpu.memory_space<semaphore_mem>>, %arg38: memref<!tpu.dma_semaphore, #tpu.memory_space<semaphore_mem>>) attributes {dimension_semantics = [#tpu.dimension_semantics<core_parallel>, #tpu.dimension_semantics<subcore_parallel>], iteration_bounds = array<i64: 2, 16>, scalar_prefetch = 0 : i64, scratch_operands = 33 : i64, tpu.core_type = #tpu.core_type<sc_vector_subcore>, window_params = [{transform_indices = #map}, {transform_indices = #map}, {transform_indices = #map}, {transform_indices = #map1}]} {
    %mul3A = arith.constant 16 : i32
    %mul3A_0 = arith.muli %arg0, %mul3A : i32
    %add3A = arith.addi %mul3A_0, %arg1 : i32
    %mul3A_1 = arith.constant 125 : i32
    %mul3A_2 = arith.muli %add3A, %mul3A_1 : i32
    %dma_start3A = arith.constant 0 : i32
    %dma_start3A_3 = tpu.memref_slice %arg3[%mul3A_2, %dma_start3A] : memref<4000x80xi32, #tpu.memory_space<hbm>> -> memref<125x80xi32, #tpu.memory_space<hbm>>
    %dma_start3A_4 = arith.constant 0 : i32
    %dma_start3A_5 = tpu.memref_slice %arg3[%mul3A_2, %dma_start3A_4] : memref<4000x80xi32, #tpu.memory_space<hbm>> -> memref<125x80xi32, #tpu.memory_space<hbm>>
    tpu.enqueue_dma source(%dma_start3A_5 : memref<125x80xi32, #tpu.memory_space<hbm>>) target(%arg6 : memref<125x80xi32, #tpu.memory_space<vmem>>) target_semaphore(%arg19 : memref<!tpu.dma_semaphore, #tpu.memory_space<semaphore_mem>>)
    %mul3A_6 = arith.constant 125 : i32
    %mul3A_7 = arith.muli %add3A, %mul3A_6 : i32
    %dma_start3A_8 = arith.constant 0 : i32
    %dma_start3A_9 = tpu.memref_slice %arg4[%mul3A_7, %dma_start3A_8] : memref<4000x80xi32, #tpu.memory_space<hbm>> -> memref<125x80xi32, #tpu.memory_space<hbm>>
    %dma_start3A_10 = arith.constant 0 : i32
    %dma_start3A_11 = tpu.memref_slice %arg4[%mul3A_7, %dma_start3A_10] : memref<4000x80xi32, #tpu.memory_space<hbm>> -> memref<125x80xi32, #tpu.memory_space<hbm>>
    tpu.enqueue_dma source(%dma_start3A_11 : memref<125x80xi32, #tpu.memory_space<hbm>>) target(%arg7 : memref<125x80xi32, #tpu.memory_space<vmem>>) target_semaphore(%arg20 : memref<!tpu.dma_semaphore, #tpu.memory_space<semaphore_mem>>)
    %scan3A = arith.constant 0 : i32
    %scan3A_12 = arith.constant 0 : i32
    %scan3A_13 = arith.constant 80 : i32
    %scan3A_14 = arith.addi %scan3A_12, %scan3A_13 : i32
    %scan3A_15 = arith.constant 1 : i32
    scf.for %scan3A_722 = %scan3A_12 to %scan3A_14 step %scan3A_15  : i32 {
      %broadcast_in_dim3A = arith.constant 0.000000e+00 : f32
      %broadcast_in_dim3A_723 = vector.broadcast %broadcast_in_dim3A : f32 to vector<16xf32>
      %swap3A = arith.index_cast %scan3A_722 : i32 to index
      %swap3A_724 = arith.constant 0 : index
      %swap3A_725 = tpu.vector_load %arg8[%swap3A, %swap3A_724] {strides = array<i32>} : memref<80x64xf32, #tpu.memory_space<vmem>>, vector<1x16xf32>,
      %swap3A_726 = vector.shape_cast %swap3A_725 : vector<1x16xf32> to vector<16xf32>
      %swap3A_727 = vector.shape_cast %broadcast_in_dim3A_723 : vector<16xf32> to vector<1x16xf32>
      tpu.vector_store %arg8[%swap3A, %swap3A_724], %swap3A_727 {strides = array<i32>} : memref<80x64xf32, #tpu.memory_space<vmem>>, vector<1x16xf32>,
      %broadcast_in_dim3A_728 = arith.constant 0.000000e+00 : f32
      %broadcast_in_dim3A_729 = vector.broadcast %broadcast_in_dim3A_728 : f32 to vector<16xf32>
      %swap3A_730 = arith.index_cast %scan3A_722 : i32 to index
      %swap3A_731 = arith.constant 16 : index
      %swap3A_732 = tpu.vector_load %arg8[%swap3A_730, %swap3A_731] {strides = array<i32>} : memref<80x64xf32, #tpu.memory_space<vmem>>, vector<1x16xf32>,
      %swap3A_733 = vector.shape_cast %swap3A_732 : vector<1x16xf32> to vector<16xf32>
      %swap3A_734 = vector.shape_cast %broadcast_in_dim3A_729 : vector<16xf32> to vector<1x16xf32>
      tpu.vector_store %arg8[%swap3A_730, %swap3A_731], %swap3A_734 {strides = array<i32>} : memref<80x64xf32, #tpu.memory_space<vmem>>, vector<1x16xf32>,
      %broadcast_in_dim3A_735 = arith.constant 0.000000e+00 : f32
      %broadcast_in_dim3A_736 = vector.broadcast %broadcast_in_dim3A_735 : f32 to vector<16xf32>
      %swap3A_737 = arith.index_cast %scan3A_722 : i32 to index
      %swap3A_738 = arith.constant 32 : index
      %swap3A_739 = tpu.vector_load %arg8[%swap3A_737, %swap3A_738] {strides = array<i32>} : memref<80x64xf32, #tpu.memory_space<vmem>>, vector<1x16xf32>,
      %swap3A_740 = vector.shape_cast %swap3A_739 : vector<1x16xf32> to vector<16xf32>
      %swap3A_741 = vector.shape_cast %broadcast_in_dim3A_736 : vector<16xf32> to vector<1x16xf32>
      tpu.vector_store %arg8[%swap3A_737, %swap3A_738], %swap3A_741 {strides = array<i32>} : memref<80x64xf32, #tpu.memory_space<vmem>>, vector<1x16xf32>,
      %broadcast_in_dim3A_742 = arith.constant 0.000000e+00 : f32
      %broadcast_in_dim3A_743 = vector.broadcast %broadcast_in_dim3A_742 : f32 to vector<16xf32>
      %swap3A_744 = arith.index_cast %scan3A_722 : i32 to index
      %swap3A_745 = arith.constant 48 : index
      %swap3A_746 = tpu.vector_load %arg8[%swap3A_744, %swap3A_745] {strides = array<i32>} : memref<80x64xf32, #tpu.memory_space<vmem>>, vector<1x16xf32>,
      %swap3A_747 = vector.shape_cast %swap3A_746 : vector<1x16xf32> to vector<16xf32>
      %swap3A_748 = vector.shape_cast %broadcast_in_dim3A_743 : vector<16xf32> to vector<1x16xf32>
      tpu.vector_store %arg8[%swap3A_744, %swap3A_745], %swap3A_748 {strides = array<i32>} : memref<80x64xf32, #tpu.memory_space<vmem>>, vector<1x16xf32>,
    }
    %scan3A_16 = arith.constant 80 : i32
    %mul3A_17 = arith.constant 632 : i32
    %mul3A_18 = arith.muli %arg1, %mul3A_17 : i32
    %add3A_19 = arith.constant 0 : i32
    %add3A_20 = arith.addi %mul3A_18, %add3A_19 : i32
    "tpu.region"() ({
      %run_scoped3A = tpu.sem_alloc : memref<!tpu.dma_semaphore, #tpu.memory_space<semaphore_mem>>
      %dma_start3A_722 = arith.constant 0 : i32
      %dma_start3A_723 = arith.constant 0 : i32
      %dma_start3A_724 = tpu.memref_slice %arg8[%dma_start3A_722, %dma_start3A_723] : memref<80x64xf32, #tpu.memory_space<vmem>> -> memref<80x64xf32, #tpu.memory_space<vmem>>
      %dma_start3A_725 = arith.constant 0 : i32
      %dma_start3A_726 = tpu.memref_slice %arg18[%add3A_20, %dma_start3A_725] : memref<10112x64xf32, #tpu.memory_space<vmem_shared>> -> memref<80x64xf32, #tpu.memory_space<vmem_shared>>
      %dma_start3A_727 = arith.constant 0 : i32
      %dma_start3A_728 = tpu.memref_slice %arg18[%add3A_20, %dma_start3A_727] : memref<10112x64xf32, #tpu.memory_space<vmem_shared>> -> memref<80x64xf32, #tpu.memory_space<vmem_shared>>
      %dma_start3A_729 = arith.constant 0 : i32
      %dma_start3A_730 = arith.constant 0 : i32
      %dma_start3A_731 = tpu.memref_slice %arg8[%dma_start3A_729, %dma_start3A_730] : memref<80x64xf32, #tpu.memory_space<vmem>> -> memref<80x64xf32, #tpu.memory_space<vmem>>
      tpu.enqueue_dma source(%dma_start3A_731 : memref<80x64xf32, #tpu.memory_space<vmem>>) target(%dma_start3A_728 : memref<80x64xf32, #tpu.memory_space<vmem_shared>>) target_semaphore(%run_scoped3A : memref<!tpu.dma_semaphore, #tpu.memory_space<semaphore_mem>>)
      %dma_wait3A_732 = arith.constant 0 : i32
      %dma_wait3A_733 = arith.constant 0 : i32
      %dma_wait3A_734 = tpu.memref_slice %arg8[%dma_wait3A_732, %dma_wait3A_733] : memref<80x64xf32, #tpu.memory_space<vmem>> -> memref<80x64xf32, #tpu.memory_space<vmem>>
      %dma_wait3A_735 = arith.constant 0 : i32
      %dma_wait3A_736 = tpu.memref_slice %arg18[%add3A_20, %dma_wait3A_735] : memref<10112x64xf32, #tpu.memory_space<vmem_shared>> -> memref<80x64xf32, #tpu.memory_space<vmem_shared>>
      %dma_wait3A_737 = arith.constant 0 : i32
      %dma_wait3A_738 = tpu.memref_slice %arg18[%add3A_20, %dma_wait3A_737] : memref<10112x64xf32, #tpu.memory_space<vmem_shared>> -> memref<80x64xf32, #tpu.memory_space<vmem_shared>>
      %dma_wait3A_739 = arith.constant 0 : i32
      %dma_wait3A_740 = arith.constant 0 : i32
      %dma_wait3A_741 = tpu.memref_slice %arg8[%dma_wait3A_739, %dma_wait3A_740] : memref<80x64xf32, #tpu.memory_space<vmem>> -> memref<80x64xf32, #tpu.memory_space<vmem>>
      tpu.wait_dma2 semaphore(%run_scoped3A : memref<!tpu.dma_semaphore, #tpu.memory_space<semaphore_mem>>) src(%dma_wait3A_741 : memref<80x64xf32, #tpu.memory_space<vmem>>) dst(%dma_wait3A_738 : memref<80x64xf32, #tpu.memory_space<vmem_shared>>)
      tpu.yield
    }) : () -> ()
    %mul3A_21 = arith.constant 632 : i32
    %mul3A_22 = arith.muli %arg1, %mul3A_21 : i32
    %add3A_23 = arith.constant 80 : i32
    %add3A_24 = arith.addi %mul3A_22, %add3A_23 : i32
    "tpu.region"() ({
      %run_scoped3A = tpu.sem_alloc : memref<!tpu.dma_semaphore, #tpu.memory_space<semaphore_mem>>
      %dma_start3A_722 = arith.constant 0 : i32
      %dma_start3A_723 = arith.constant 0 : i32
      %dma_start3A_724 = tpu.memref_slice %arg8[%dma_start3A_722, %dma_start3A_723] : memref<80x64xf32, #tpu.memory_space<vmem>> -> memref<80x64xf32, #tpu.memory_space<vmem>>
      %dma_start3A_725 = arith.constant 0 : i32
      %dma_start3A_726 = tpu.memref_slice %arg18[%add3A_24, %dma_start3A_725] : memref<10112x64xf32, #tpu.memory_space<vmem_shared>> -> memref<80x64xf32, #tpu.memory_space<vmem_shared>>
      %dma_start3A_727 = arith.constant 0 : i32
      %dma_start3A_728 = tpu.memref_slice %arg18[%add3A_24, %dma_start3A_727] : memref<10112x64xf32, #tpu.memory_space<vmem_shared>> -> memref<80x64xf32, #tpu.memory_space<vmem_shared>>
      %dma_start3A_729 = arith.constant 0 : i32
      %dma_start3A_730 = arith.constant 0 : i32
      %dma_start3A_731 = tpu.memref_slice %arg8[%dma_start3A_729, %dma_start3A_730] : memref<80x64xf32, #tpu.memory_space<vmem>> -> memref<80x64xf32, #tpu.memory_space<vmem>>
      tpu.enqueue_dma source(%dma_start3A_731 : memref<80x64xf32, #tpu.memory_space<vmem>>) target(%dma_start3A_728 : memref<80x64xf32, #tpu.memory_space<vmem_shared>>) target_semaphore(%run_scoped3A : memref<!tpu.dma_semaphore, #tpu.memory_space<semaphore_mem>>)
      %dma_wait3A_732 = arith.constant 0 : i32
      %dma_wait3A_733 = arith.constant 0 : i32
      %dma_wait3A_734 = tpu.memref_slice %arg8[%dma_wait3A_732, %dma_wait3A_733] : memref<80x64xf32, #tpu.memory_space<vmem>> -> memref<80x64xf32, #tpu.memory_space<vmem>>
      %dma_wait3A_735 = arith.constant 0 : i32
      %dma_wait3A_736 = tpu.memref_slice %arg18[%add3A_24, %dma_wait3A_735] : memref<10112x64xf32, #tpu.memory_space<vmem_shared>> -> memref<80x64xf32, #tpu.memory_space<vmem_shared>>
      %dma_wait3A_737 = arith.constant 0 : i32
      %dma_wait3A_738 = tpu.memref_slice %arg18[%add3A_24, %dma_wait3A_737] : memref<10112x64xf32, #tpu.memory_space<vmem_shared>> -> memref<80x64xf32, #tpu.memory_space<vmem_shared>>
      %dma_wait3A_739 = arith.constant 0 : i32
      %dma_wait3A_740 = arith.constant 0 : i32
      %dma_wait3A_741 = tpu.memref_slice %arg8[%dma_wait3A_739, %dma_wait3A_740] : memref<80x64xf32, #tpu.memory_space<vmem>> -> memref<80x64xf32, #tpu.memory_space<vmem>>
      tpu.wait_dma2 semaphore(%run_scoped3A : memref<!tpu.dma_semaphore, #tpu.memory_space<semaphore_mem>>) src(%dma_wait3A_741 : memref<80x64xf32, #tpu.memory_space<vmem>>) dst(%dma_wait3A_738 : memref<80x64xf32, #tpu.memory_space<vmem_shared>>)
      tpu.yield
    }) : () -> ()
    %mul3A_25 = arith.constant 632 : i32
    %mul3A_26 = arith.muli %arg1, %mul3A_25 : i32
    %add3A_27 = arith.constant 160 : i32
    %add3A_28 = arith.addi %mul3A_26, %add3A_27 : i32
    "tpu.region"() ({
      %run_scoped3A = tpu.sem_alloc : memref<!tpu.dma_semaphore, #tpu.memory_space<semaphore_mem>>
      %dma_start3A_722 = arith.constant 0 : i32
      %dma_start3A_723 = arith.constant 0 : i32
      %dma_start3A_724 = tpu.memref_slice %arg8[%dma_start3A_722, %dma_start3A_723] : memref<80x64xf32, #tpu.memory_space<vmem>> -> memref<80x64xf32, #tpu.memory_space<vmem>>
      %dma_start3A_725 = arith.constant 0 : i32
      %dma_start3A_726 = tpu.memref_slice %arg18[%add3A_28, %dma_start3A_725] : memref<10112x64xf32, #tpu.memory_space<vmem_shared>> -> memref<80x64xf32, #tpu.memory_space<vmem_shared>>
      %dma_start3A_727 = arith.constant 0 : i32
      %dma_start3A_728 = tpu.memref_slice %arg18[%add3A_28, %dma_start3A_727] : memref<10112x64xf32, #tpu.memory_space<vmem_shared>> -> memref<80x64xf32, #tpu.memory_space<vmem_shared>>
      %dma_start3A_729 = arith.constant 0 : i32
      %dma_start3A_730 = arith.constant 0 : i32
      %dma_start3A_731 = tpu.memref_slice %arg8[%dma_start3A_729, %dma_start3A_730] : memref<80x64xf32, #tpu.memory_space<vmem>> -> memref<80x64xf32, #tpu.memory_space<vmem>>
      tpu.enqueue_dma source(%dma_start3A_731 : memref<80x64xf32, #tpu.memory_space<vmem>>) target(%dma_start3A_728 : memref<80x64xf32, #tpu.memory_space<vmem_shared>>) target_semaphore(%run_scoped3A : memref<!tpu.dma_semaphore, #tpu.memory_space<semaphore_mem>>)
      %dma_wait3A_732 = arith.constant 0 : i32
      %dma_wait3A_733 = arith.constant 0 : i32
      %dma_wait3A_734 = tpu.memref_slice %arg8[%dma_wait3A_732, %dma_wait3A_733] : memref<80x64xf32, #tpu.memory_space<vmem>> -> memref<80x64xf32, #tpu.memory_space<vmem>>
      %dma_wait3A_735 = arith.constant 0 : i32
      %dma_wait3A_736 = tpu.memref_slice %arg18[%add3A_28, %dma_wait3A_735] : memref<10112x64xf32, #tpu.memory_space<vmem_shared>> -> memref<80x64xf32, #tpu.memory_space<vmem_shared>>
      %dma_wait3A_737 = arith.constant 0 : i32
      %dma_wait3A_738 = tpu.memref_slice %arg18[%add3A_28, %dma_wait3A_737] : memref<10112x64xf32, #tpu.memory_space<vmem_shared>> -> memref<80x64xf32, #tpu.memory_space<vmem_shared>>
      %dma_wait3A_739 = arith.constant 0 : i32
      %dma_wait3A_740 = arith.constant 0 : i32
      %dma_wait3A_741 = tpu.memref_slice %arg8[%dma_wait3A_739, %dma_wait3A_740] : memref<80x64xf32, #tpu.memory_space<vmem>> -> memref<80x64xf32, #tpu.memory_space<vmem>>
      tpu.wait_dma2 semaphore(%run_scoped3A : memref<!tpu.dma_semaphore, #tpu.memory_space<semaphore_mem>>) src(%dma_wait3A_741 : memref<80x64xf32, #tpu.memory_space<vmem>>) dst(%dma_wait3A_738 : memref<80x64xf32, #tpu.memory_space<vmem_shared>>)
      tpu.yield
    }) : () -> ()
    %mul3A_29 = arith.constant 632 : i32
    %mul3A_30 = arith.muli %arg1, %mul3A_29 : i32
    %add3A_31 = arith.constant 240 : i32
    %add3A_32 = arith.addi %mul3A_30, %add3A_31 : i32
    "tpu.region"() ({
      %run_scoped3A = tpu.sem_alloc : memref<!tpu.dma_semaphore, #tpu.memory_space<semaphore_mem>>
      %dma_start3A_722 = arith.constant 0 : i32
      %dma_start3A_723 = arith.constant 0 : i32
      %dma_start3A_724 = tpu.memref_slice %arg8[%dma_start3A_722, %dma_start3A_723] : memref<80x64xf32, #tpu.memory_space<vmem>> -> memref<80x64xf32, #tpu.memory_space<vmem>>
      %dma_start3A_725 = arith.constant 0 : i32
      %dma_start3A_726 = tpu.memref_slice %arg18[%add3A_32, %dma_start3A_725] : memref<10112x64xf32, #tpu.memory_space<vmem_shared>> -> memref<80x64xf32, #tpu.memory_space<vmem_shared>>
      %dma_start3A_727 = arith.constant 0 : i32
      %dma_start3A_728 = tpu.memref_slice %arg18[%add3A_32, %dma_start3A_727] : memref<10112x64xf32, #tpu.memory_space<vmem_shared>> -> memref<80x64xf32, #tpu.memory_space<vmem_shared>>
      %dma_start3A_729 = arith.constant 0 : i32
      %dma_start3A_730 = arith.constant 0 : i32
      %dma_start3A_731 = tpu.memref_slice %arg8[%dma_start3A_729, %dma_start3A_730] : memref<80x64xf32, #tpu.memory_space<vmem>> -> memref<80x64xf32, #tpu.memory_space<vmem>>
      tpu.enqueue_dma source(%dma_start3A_731 : memref<80x64xf32, #tpu.memory_space<vmem>>) target(%dma_start3A_728 : memref<80x64xf32, #tpu.memory_space<vmem_shared>>) target_semaphore(%run_scoped3A : memref<!tpu.dma_semaphore, #tpu.memory_space<semaphore_mem>>)
      %dma_wait3A_732 = arith.constant 0 : i32
      %dma_wait3A_733 = arith.constant 0 : i32
      %dma_wait3A_734 = tpu.memref_slice %arg8[%dma_wait3A_732, %dma_wait3A_733] : memref<80x64xf32, #tpu.memory_space<vmem>> -> memref<80x64xf32, #tpu.memory_space<vmem>>
      %dma_wait3A_735 = arith.constant 0 : i32
      %dma_wait3A_736 = tpu.memref_slice %arg18[%add3A_32, %dma_wait3A_735] : memref<10112x64xf32, #tpu.memory_space<vmem_shared>> -> memref<80x64xf32, #tpu.memory_space<vmem_shared>>
      %dma_wait3A_737 = arith.constant 0 : i32
      %dma_wait3A_738 = tpu.memref_slice %arg18[%add3A_32, %dma_wait3A_737] : memref<10112x64xf32, #tpu.memory_space<vmem_shared>> -> memref<80x64xf32, #tpu.memory_space<vmem_shared>>
      %dma_wait3A_739 = arith.constant 0 : i32
      %dma_wait3A_740 = arith.constant 0 : i32
      %dma_wait3A_741 = tpu.memref_slice %arg8[%dma_wait3A_739, %dma_wait3A_740] : memref<80x64xf32, #tpu.memory_space<vmem>> -> memref<80x64xf32, #tpu.memory_space<vmem>>
      tpu.wait_dma2 semaphore(%run_scoped3A : memref<!tpu.dma_semaphore, #tpu.memory_space<semaphore_mem>>) src(%dma_wait3A_741 : memref<80x64xf32, #tpu.memory_space<vmem>>) dst(%dma_wait3A_738 : memref<80x64xf32, #tpu.memory_space<vmem_shared>>)
      tpu.yield
    }) : () -> ()
    %mul3A_33 = arith.constant 632 : i32
    %mul3A_34 = arith.muli %arg1, %mul3A_33 : i32
    %add3A_35 = arith.constant 320 : i32
    %add3A_36 = arith.addi %mul3A_34, %add3A_35 : i32
    "tpu.region"() ({
      %run_scoped3A = tpu.sem_alloc : memref<!tpu.dma_semaphore, #tpu.memory_space<semaphore_mem>>
      %dma_start3A_722 = arith.constant 0 : i32
      %dma_start3A_723 = arith.constant 0 : i32
      %dma_start3A_724 = tpu.memref_slice %arg8[%dma_start3A_722, %dma_start3A_723] : memref<80x64xf32, #tpu.memory_space<vmem>> -> memref<80x64xf32, #tpu.memory_space<vmem>>
      %dma_start3A_725 = arith.constant 0 : i32
      %dma_start3A_726 = tpu.memref_slice %arg18[%add3A_36, %dma_start3A_725] : memref<10112x64xf32, #tpu.memory_space<vmem_shared>> -> memref<80x64xf32, #tpu.memory_space<vmem_shared>>
      %dma_start3A_727 = arith.constant 0 : i32
      %dma_start3A_728 = tpu.memref_slice %arg18[%add3A_36, %dma_start3A_727] : memref<10112x64xf32, #tpu.memory_space<vmem_shared>> -> memref<80x64xf32, #tpu.memory_space<vmem_shared>>
      %dma_start3A_729 = arith.constant 0 : i32
      %dma_start3A_730 = arith.constant 0 : i32
      %dma_start3A_731 = tpu.memref_slice %arg8[%dma_start3A_729, %dma_start3A_730] : memref<80x64xf32, #tpu.memory_space<vmem>> -> memref<80x64xf32, #tpu.memory_space<vmem>>
      tpu.enqueue_dma source(%dma_start3A_731 : memref<80x64xf32, #tpu.memory_space<vmem>>) target(%dma_start3A_728 : memref<80x64xf32, #tpu.memory_space<vmem_shared>>) target_semaphore(%run_scoped3A : memref<!tpu.dma_semaphore, #tpu.memory_space<semaphore_mem>>)
      %dma_wait3A_732 = arith.constant 0 : i32
      %dma_wait3A_733 = arith.constant 0 : i32
      %dma_wait3A_734 = tpu.memref_slice %arg8[%dma_wait3A_732, %dma_wait3A_733] : memref<80x64xf32, #tpu.memory_space<vmem>> -> memref<80x64xf32, #tpu.memory_space<vmem>>
      %dma_wait3A_735 = arith.constant 0 : i32
      %dma_wait3A_736 = tpu.memref_slice %arg18[%add3A_36, %dma_wait3A_735] : memref<10112x64xf32, #tpu.memory_space<vmem_shared>> -> memref<80x64xf32, #tpu.memory_space<vmem_shared>>
      %dma_wait3A_737 = arith.constant 0 : i32
      %dma_wait3A_738 = tpu.memref_slice %arg18[%add3A_36, %dma_wait3A_737] : memref<10112x64xf32, #tpu.memory_space<vmem_shared>> -> memref<80x64xf32, #tpu.memory_space<vmem_shared>>
      %dma_wait3A_739 = arith.constant 0 : i32
      %dma_wait3A_740 = arith.constant 0 : i32
      %dma_wait3A_741 = tpu.memref_slice %arg8[%dma_wait3A_739, %dma_wait3A_740] : memref<80x64xf32, #tpu.memory_space<vmem>> -> memref<80x64xf32, #tpu.memory_space<vmem>>
      tpu.wait_dma2 semaphore(%run_scoped3A : memref<!tpu.dma_semaphore, #tpu.memory_space<semaphore_mem>>) src(%dma_wait3A_741 : memref<80x64xf32, #tpu.memory_space<vmem>>) dst(%dma_wait3A_738 : memref<80x64xf32, #tpu.memory_space<vmem_shared>>)
      tpu.yield
    }) : () -> ()
    %mul3A_37 = arith.constant 632 : i32
    %mul3A_38 = arith.muli %arg1, %mul3A_37 : i32
    %add3A_39 = arith.constant 400 : i32
    %add3A_40 = arith.addi %mul3A_38, %add3A_39 : i32
    "tpu.region"() ({
      %run_scoped3A = tpu.sem_alloc : memref<!tpu.dma_semaphore, #tpu.memory_space<semaphore_mem>>
      %dma_start3A_722 = arith.constant 0 : i32
      %dma_start3A_723 = arith.constant 0 : i32
      %dma_start3A_724 = tpu.memref_slice %arg8[%dma_start3A_722, %dma_start3A_723] : memref<80x64xf32, #tpu.memory_space<vmem>> -> memref<80x64xf32, #tpu.memory_space<vmem>>
      %dma_start3A_725 = arith.constant 0 : i32
      %dma_start3A_726 = tpu.memref_slice %arg18[%add3A_40, %dma_start3A_725] : memref<10112x64xf32, #tpu.memory_space<vmem_shared>> -> memref<80x64xf32, #tpu.memory_space<vmem_shared>>
      %dma_start3A_727 = arith.constant 0 : i32
      %dma_start3A_728 = tpu.memref_slice %arg18[%add3A_40, %dma_start3A_727] : memref<10112x64xf32, #tpu.memory_space<vmem_shared>> -> memref<80x64xf32, #tpu.memory_space<vmem_shared>>
      %dma_start3A_729 = arith.constant 0 : i32
      %dma_start3A_730 = arith.constant 0 : i32
      %dma_start3A_731 = tpu.memref_slice %arg8[%dma_start3A_729, %dma_start3A_730] : memref<80x64xf32, #tpu.memory_space<vmem>> -> memref<80x64xf32, #tpu.memory_space<vmem>>
      tpu.enqueue_dma source(%dma_start3A_731 : memref<80x64xf32, #tpu.memory_space<vmem>>) target(%dma_start3A_728 : memref<80x64xf32, #tpu.memory_space<vmem_shared>>) target_semaphore(%run_scoped3A : memref<!tpu.dma_semaphore, #tpu.memory_space<semaphore_mem>>)
      %dma_wait3A_732 = arith.constant 0 : i32
      %dma_wait3A_733 = arith.constant 0 : i32
      %dma_wait3A_734 = tpu.memref_slice %arg8[%dma_wait3A_732, %dma_wait3A_733] : memref<80x64xf32, #tpu.memory_space<vmem>> -> memref<80x64xf32, #tpu.memory_space<vmem>>
      %dma_wait3A_735 = arith.constant 0 : i32
      %dma_wait3A_736 = tpu.memref_slice %arg18[%add3A_40, %dma_wait3A_735] : memref<10112x64xf32, #tpu.memory_space<vmem_shared>> -> memref<80x64xf32, #tpu.memory_space<vmem_shared>>
      %dma_wait3A_737 = arith.constant 0 : i32
      %dma_wait3A_738 = tpu.memref_slice %arg18[%add3A_40, %dma_wait3A_737] : memref<10112x64xf32, #tpu.memory_space<vmem_shared>> -> memref<80x64xf32, #tpu.memory_space<vmem_shared>>
      %dma_wait3A_739 = arith.constant 0 : i32
      %dma_wait3A_740 = arith.constant 0 : i32
      %dma_wait3A_741 = tpu.memref_slice %arg8[%dma_wait3A_739, %dma_wait3A_740] : memref<80x64xf32, #tpu.memory_space<vmem>> -> memref<80x64xf32, #tpu.memory_space<vmem>>
      tpu.wait_dma2 semaphore(%run_scoped3A : memref<!tpu.dma_semaphore, #tpu.memory_space<semaphore_mem>>) src(%dma_wait3A_741 : memref<80x64xf32, #tpu.memory_space<vmem>>) dst(%dma_wait3A_738 : memref<80x64xf32, #tpu.memory_space<vmem_shared>>)
      tpu.yield
    }) : () -> ()
    %mul3A_41 = arith.constant 632 : i32
    %mul3A_42 = arith.muli %arg1, %mul3A_41 : i32
    %add3A_43 = arith.constant 480 : i32
    %add3A_44 = arith.addi %mul3A_42, %add3A_43 : i32
    "tpu.region"() ({
      %run_scoped3A = tpu.sem_alloc : memref<!tpu.dma_semaphore, #tpu.memory_space<semaphore_mem>>
      %dma_start3A_722 = arith.constant 0 : i32
      %dma_start3A_723 = arith.constant 0 : i32
      %dma_start3A_724 = tpu.memref_slice %arg8[%dma_start3A_722, %dma_start3A_723] : memref<80x64xf32, #tpu.memory_space<vmem>> -> memref<80x64xf32, #tpu.memory_space<vmem>>
      %dma_start3A_725 = arith.constant 0 : i32
      %dma_start3A_726 = tpu.memref_slice %arg18[%add3A_44, %dma_start3A_725] : memref<10112x64xf32, #tpu.memory_space<vmem_shared>> -> memref<80x64xf32, #tpu.memory_space<vmem_shared>>
      %dma_start3A_727 = arith.constant 0 : i32
      %dma_start3A_728 = tpu.memref_slice %arg18[%add3A_44, %dma_start3A_727] : memref<10112x64xf32, #tpu.memory_space<vmem_shared>> -> memref<80x64xf32, #tpu.memory_space<vmem_shared>>
      %dma_start3A_729 = arith.constant 0 : i32
      %dma_start3A_730 = arith.constant 0 : i32
      %dma_start3A_731 = tpu.memref_slice %arg8[%dma_start3A_729, %dma_start3A_730] : memref<80x64xf32, #tpu.memory_space<vmem>> -> memref<80x64xf32, #tpu.memory_space<vmem>>
      tpu.enqueue_dma source(%dma_start3A_731 : memref<80x64xf32, #tpu.memory_space<vmem>>) target(%dma_start3A_728 : memref<80x64xf32, #tpu.memory_space<vmem_shared>>) target_semaphore(%run_scoped3A : memref<!tpu.dma_semaphore, #tpu.memory_space<semaphore_mem>>)
      %dma_wait3A_732 = arith.constant 0 : i32
      %dma_wait3A_733 = arith.constant 0 : i32
      %dma_wait3A_734 = tpu.memref_slice %arg8[%dma_wait3A_732, %dma_wait3A_733] : memref<80x64xf32, #tpu.memory_space<vmem>> -> memref<80x64xf32, #tpu.memory_space<vmem>>
      %dma_wait3A_735 = arith.constant 0 : i32
      %dma_wait3A_736 = tpu.memref_slice %arg18[%add3A_44, %dma_wait3A_735] : memref<10112x64xf32, #tpu.memory_space<vmem_shared>> -> memref<80x64xf32, #tpu.memory_space<vmem_shared>>
      %dma_wait3A_737 = arith.constant 0 : i32
      %dma_wait3A_738 = tpu.memref_slice %arg18[%add3A_44, %dma_wait3A_737] : memref<10112x64xf32, #tpu.memory_space<vmem_shared>> -> memref<80x64xf32, #tpu.memory_space<vmem_shared>>
      %dma_wait3A_739 = arith.constant 0 : i32
      %dma_wait3A_740 = arith.constant 0 : i32
      %dma_wait3A_741 = tpu.memref_slice %arg8[%dma_wait3A_739, %dma_wait3A_740] : memref<80x64xf32, #tpu.memory_space<vmem>> -> memref<80x64xf32, #tpu.memory_space<vmem>>
      tpu.wait_dma2 semaphore(%run_scoped3A : memref<!tpu.dma_semaphore, #tpu.memory_space<semaphore_mem>>) src(%dma_wait3A_741 : memref<80x64xf32, #tpu.memory_space<vmem>>) dst(%dma_wait3A_738 : memref<80x64xf32, #tpu.memory_space<vmem_shared>>)
      tpu.yield
    }) : () -> ()
    %mul3A_45 = arith.constant 632 : i32
    %mul3A_46 = arith.muli %arg1, %mul3A_45 : i32
    %add3A_47 = arith.constant 560 : i32
    %add3A_48 = arith.addi %mul3A_46, %add3A_47 : i32
    "tpu.region"() ({
      %run_scoped3A = tpu.sem_alloc : memref<!tpu.dma_semaphore, #tpu.memory_space<semaphore_mem>>
      %dma_start3A_722 = arith.constant 0 : i32
      %dma_start3A_723 = arith.constant 0 : i32
      %dma_start3A_724 = tpu.memref_slice %arg8[%dma_start3A_722, %dma_start3A_723] : memref<80x64xf32, #tpu.memory_space<vmem>> -> memref<72x64xf32, #tpu.memory_space<vmem>>
      %dma_start3A_725 = arith.constant 0 : i32
      %dma_start3A_726 = tpu.memref_slice %arg18[%add3A_48, %dma_start3A_725] : memref<10112x64xf32, #tpu.memory_space<vmem_shared>> -> memref<72x64xf32, #tpu.memory_space<vmem_shared>>
      %dma_start3A_727 = arith.constant 0 : i32
      %dma_start3A_728 = tpu.memref_slice %arg18[%add3A_48, %dma_start3A_727] : memref<10112x64xf32, #tpu.memory_space<vmem_shared>> -> memref<72x64xf32, #tpu.memory_space<vmem_shared>>
      %dma_start3A_729 = arith.constant 0 : i32
      %dma_start3A_730 = arith.constant 0 : i32
      %dma_start3A_731 = tpu.memref_slice %arg8[%dma_start3A_729, %dma_start3A_730] : memref<80x64xf32, #tpu.memory_space<vmem>> -> memref<72x64xf32, #tpu.memory_space<vmem>>
      tpu.enqueue_dma source(%dma_start3A_731 : memref<72x64xf32, #tpu.memory_space<vmem>>) target(%dma_start3A_728 : memref<72x64xf32, #tpu.memory_space<vmem_shared>>) target_semaphore(%run_scoped3A : memref<!tpu.dma_semaphore, #tpu.memory_space<semaphore_mem>>)
      %dma_wait3A_732 = arith.constant 0 : i32
      %dma_wait3A_733 = arith.constant 0 : i32
      %dma_wait3A_734 = tpu.memref_slice %arg8[%dma_wait3A_732, %dma_wait3A_733] : memref<80x64xf32, #tpu.memory_space<vmem>> -> memref<72x64xf32, #tpu.memory_space<vmem>>
      %dma_wait3A_735 = arith.constant 0 : i32
      %dma_wait3A_736 = tpu.memref_slice %arg18[%add3A_48, %dma_wait3A_735] : memref<10112x64xf32, #tpu.memory_space<vmem_shared>> -> memref<72x64xf32, #tpu.memory_space<vmem_shared>>
      %dma_wait3A_737 = arith.constant 0 : i32
      %dma_wait3A_738 = tpu.memref_slice %arg18[%add3A_48, %dma_wait3A_737] : memref<10112x64xf32, #tpu.memory_space<vmem_shared>> -> memref<72x64xf32, #tpu.memory_space<vmem_shared>>
      %dma_wait3A_739 = arith.constant 0 : i32
      %dma_wait3A_740 = arith.constant 0 : i32
      %dma_wait3A_741 = tpu.memref_slice %arg8[%dma_wait3A_739, %dma_wait3A_740] : memref<80x64xf32, #tpu.memory_space<vmem>> -> memref<72x64xf32, #tpu.memory_space<vmem>>
      tpu.wait_dma2 semaphore(%run_scoped3A : memref<!tpu.dma_semaphore, #tpu.memory_space<semaphore_mem>>) src(%dma_wait3A_741 : memref<72x64xf32, #tpu.memory_space<vmem>>) dst(%dma_wait3A_738 : memref<72x64xf32, #tpu.memory_space<vmem_shared>>)
      tpu.yield
    }) : () -> ()
    %mul3A_49 = arith.constant 125 : i32
    %mul3A_50 = arith.muli %add3A, %mul3A_49 : i32
    %dma_wait3A = arith.constant 0 : i32
    %dma_wait3A_51 = tpu.memref_slice %arg3[%mul3A_50, %dma_wait3A] : memref<4000x80xi32, #tpu.memory_space<hbm>> -> memref<125x80xi32, #tpu.memory_space<hbm>>
    %dma_wait3A_52 = arith.constant 0 : i32
    %dma_wait3A_53 = tpu.memref_slice %arg3[%mul3A_50, %dma_wait3A_52] : memref<4000x80xi32, #tpu.memory_space<hbm>> -> memref<125x80xi32, #tpu.memory_space<hbm>>
    tpu.wait_dma2 semaphore(%arg19 : memref<!tpu.dma_semaphore, #tpu.memory_space<semaphore_mem>>) src(%dma_wait3A_53 : memref<125x80xi32, #tpu.memory_space<hbm>>) dst(%arg6 : memref<125x80xi32, #tpu.memory_space<vmem>>)
    %mul3A_54 = arith.constant 125 : i32
    %mul3A_55 = arith.muli %add3A, %mul3A_54 : i32
    %dma_wait3A_56 = arith.constant 0 : i32
    %dma_wait3A_57 = tpu.memref_slice %arg4[%mul3A_55, %dma_wait3A_56] : memref<4000x80xi32, #tpu.memory_space<hbm>> -> memref<125x80xi32, #tpu.memory_space<hbm>>
    %dma_wait3A_58 = arith.constant 0 : i32
    %dma_wait3A_59 = tpu.memref_slice %arg4[%mul3A_55, %dma_wait3A_58] : memref<4000x80xi32, #tpu.memory_space<hbm>> -> memref<125x80xi32, #tpu.memory_space<hbm>>
    tpu.wait_dma2 semaphore(%arg20 : memref<!tpu.dma_semaphore, #tpu.memory_space<semaphore_mem>>) src(%dma_wait3A_59 : memref<125x80xi32, #tpu.memory_space<hbm>>) dst(%arg7 : memref<125x80xi32, #tpu.memory_space<vmem>>)
    %barrier3A = arith.constant 0 : index
    tpu.barrier barrier_id(%barrier3A)
    %dma_start3A_60 = arith.constant 0 : i32
    %dma_start3A_61 = arith.constant 0 : i32
    %dma_start3A_62 = tpu.memref_slice %arg6[%dma_start3A_60, %dma_start3A_61] : memref<125x80xi32, #tpu.memory_space<vmem>> -> memref<1x80xi32, #tpu.memory_space<vmem>>
    %dma_start3A_63 = tpu.memref_squeeze %dma_start3A_62 : memref<1x80xi32, #tpu.memory_space<vmem>> -> memref<80xi32, #tpu.memory_space<vmem>>
    %dma_start3A_64 = arith.constant 0 : i32
    %dma_start3A_65 = arith.constant 0 : i32
    %dma_start3A_66 = tpu.memref_slice %arg2[%dma_start3A_64, %dma_start3A_65] : memref<10000x64xf32, #tpu.memory_space<hbm>> -> memref<10000x64xf32, #tpu.memory_space<hbm>>
    tpu.enqueue_indirect_dma source(%dma_start3A_66 : memref<10000x64xf32, #tpu.memory_space<hbm>>) target(%arg8 : memref<80x64xf32, #tpu.memory_space<vmem>>) offsets(%dma_start3A_63 : memref<80xi32, #tpu.memory_space<vmem>>) semaphore(%arg19 : memref<!tpu.dma_semaphore, #tpu.memory_space<semaphore_mem>>)
    %dma_start3A_67 = arith.constant 1 : i32
    %dma_start3A_68 = arith.constant 0 : i32
    %dma_start3A_69 = tpu.memref_slice %arg6[%dma_start3A_67, %dma_start3A_68] : memref<125x80xi32, #tpu.memory_space<vmem>> -> memref<1x80xi32, #tpu.memory_space<vmem>>
    %dma_start3A_70 = tpu.memref_squeeze %dma_start3A_69 : memref<1x80xi32, #tpu.memory_space<vmem>> -> memref<80xi32, #tpu.memory_space<vmem>>
    %dma_start3A_71 = arith.constant 0 : i32
    %dma_start3A_72 = arith.constant 0 : i32
    %dma_start3A_73 = tpu.memref_slice %arg2[%dma_start3A_71, %dma_start3A_72] : memref<10000x64xf32, #tpu.memory_space<hbm>> -> memref<10000x64xf32, #tpu.memory_space<hbm>>
    tpu.enqueue_indirect_dma source(%dma_start3A_73 : memref<10000x64xf32, #tpu.memory_space<hbm>>) target(%arg9 : memref<80x64xf32, #tpu.memory_space<vmem>>) offsets(%dma_start3A_70 : memref<80xi32, #tpu.memory_space<vmem>>) semaphore(%arg20 : memref<!tpu.dma_semaphore, #tpu.memory_space<semaphore_mem>>)
    %dma_start3A_74 = arith.constant 2 : i32
    %dma_start3A_75 = arith.constant 0 : i32
    %dma_start3A_76 = tpu.memref_slice %arg6[%dma_start3A_74, %dma_start3A_75] : memref<125x80xi32, #tpu.memory_space<vmem>> -> memref<1x80xi32, #tpu.memory_space<vmem>>
    %dma_start3A_77 = tpu.memref_squeeze %dma_start3A_76 : memref<1x80xi32, #tpu.memory_space<vmem>> -> memref<80xi32, #tpu.memory_space<vmem>>
    %dma_start3A_78 = arith.constant 0 : i32
    %dma_start3A_79 = arith.constant 0 : i32
    %dma_start3A_80 = tpu.memref_slice %arg2[%dma_start3A_78, %dma_start3A_79] : memref<10000x64xf32, #tpu.memory_space<hbm>> -> memref<10000x64xf32, #tpu.memory_space<hbm>>
    tpu.enqueue_indirect_dma source(%dma_start3A_80 : memref<10000x64xf32, #tpu.memory_space<hbm>>) target(%arg10 : memref<80x64xf32, #tpu.memory_space<vmem>>) offsets(%dma_start3A_77 : memref<80xi32, #tpu.memory_space<vmem>>) semaphore(%arg21 : memref<!tpu.dma_semaphore, #tpu.memory_space<semaphore_mem>>)
    %dma_start3A_81 = arith.constant 3 : i32
    %dma_start3A_82 = arith.constant 0 : i32
    %dma_start3A_83 = tpu.memref_slice %arg6[%dma_start3A_81, %dma_start3A_82] : memref<125x80xi32, #tpu.memory_space<vmem>> -> memref<1x80xi32, #tpu.memory_space<vmem>>
    %dma_start3A_84 = tpu.memref_squeeze %dma_start3A_83 : memref<1x80xi32, #tpu.memory_space<vmem>> -> memref<80xi32, #tpu.memory_space<vmem>>
    %dma_start3A_85 = arith.constant 0 : i32
    %dma_start3A_86 = arith.constant 0 : i32
    %dma_start3A_87 = tpu.memref_slice %arg2[%dma_start3A_85, %dma_start3A_86] : memref<10000x64xf32, #tpu.memory_space<hbm>> -> memref<10000x64xf32, #tpu.memory_space<hbm>>
    tpu.enqueue_indirect_dma source(%dma_start3A_87 : memref<10000x64xf32, #tpu.memory_space<hbm>>) target(%arg11 : memref<80x64xf32, #tpu.memory_space<vmem>>) offsets(%dma_start3A_84 : memref<80xi32, #tpu.memory_space<vmem>>) semaphore(%arg22 : memref<!tpu.dma_semaphore, #tpu.memory_space<semaphore_mem>>)
    %dma_start3A_88 = arith.constant 4 : i32
    %dma_start3A_89 = arith.constant 0 : i32
    %dma_start3A_90 = tpu.memref_slice %arg6[%dma_start3A_88, %dma_start3A_89] : memref<125x80xi32, #tpu.memory_space<vmem>> -> memref<1x80xi32, #tpu.memory_space<vmem>>
    %dma_start3A_91 = tpu.memref_squeeze %dma_start3A_90 : memref<1x80xi32, #tpu.memory_space<vmem>> -> memref<80xi32, #tpu.memory_space<vmem>>
    %dma_start3A_92 = arith.constant 0 : i32
    %dma_start3A_93 = arith.constant 0 : i32
    %dma_start3A_94 = tpu.memref_slice %arg2[%dma_start3A_92, %dma_start3A_93] : memref<10000x64xf32, #tpu.memory_space<hbm>> -> memref<10000x64xf32, #tpu.memory_space<hbm>>
    tpu.enqueue_indirect_dma source(%dma_start3A_94 : memref<10000x64xf32, #tpu.memory_space<hbm>>) target(%arg12 : memref<80x64xf32, #tpu.memory_space<vmem>>) offsets(%dma_start3A_91 : memref<80xi32, #tpu.memory_space<vmem>>) semaphore(%arg23 : memref<!tpu.dma_semaphore, #tpu.memory_space<semaphore_mem>>)
    %dma_start3A_95 = arith.constant 5 : i32
    %dma_start3A_96 = arith.constant 0 : i32
    %dma_start3A_97 = tpu.memref_slice %arg6[%dma_start3A_95, %dma_start3A_96] : memref<125x80xi32, #tpu.memory_space<vmem>> -> memref<1x80xi32, #tpu.memory_space<vmem>>
    %dma_start3A_98 = tpu.memref_squeeze %dma_start3A_97 : memref<1x80xi32, #tpu.memory_space<vmem>> -> memref<80xi32, #tpu.memory_space<vmem>>
    %dma_start3A_99 = arith.constant 0 : i32
    %dma_start3A_100 = arith.constant 0 : i32
    %dma_start3A_101 = tpu.memref_slice %arg2[%dma_start3A_99, %dma_start3A_100] : memref<10000x64xf32, #tpu.memory_space<hbm>> -> memref<10000x64xf32, #tpu.memory_space<hbm>>
    tpu.enqueue_indirect_dma source(%dma_start3A_101 : memref<10000x64xf32, #tpu.memory_space<hbm>>) target(%arg13 : memref<80x64xf32, #tpu.memory_space<vmem>>) offsets(%dma_start3A_98 : memref<80xi32, #tpu.memory_space<vmem>>) semaphore(%arg24 : memref<!tpu.dma_semaphore, #tpu.memory_space<semaphore_mem>>)
    %dma_start3A_102 = arith.constant 6 : i32
    %dma_start3A_103 = arith.constant 0 : i32
    %dma_start3A_104 = tpu.memref_slice %arg6[%dma_start3A_102, %dma_start3A_103] : memref<125x80xi32, #tpu.memory_space<vmem>> -> memref<1x80xi32, #tpu.memory_space<vmem>>
    %dma_start3A_105 = tpu.memref_squeeze %dma_start3A_104 : memref<1x80xi32, #tpu.memory_space<vmem>> -> memref<80xi32, #tpu.memory_space<vmem>>
    %dma_start3A_106 = arith.constant 0 : i32
    %dma_start3A_107 = arith.constant 0 : i32
    %dma_start3A_108 = tpu.memref_slice %arg2[%dma_start3A_106, %dma_start3A_107] : memref<10000x64xf32, #tpu.memory_space<hbm>> -> memref<10000x64xf32, #tpu.memory_space<hbm>>
    tpu.enqueue_indirect_dma source(%dma_start3A_108 : memref<10000x64xf32, #tpu.memory_space<hbm>>) target(%arg14 : memref<80x64xf32, #tpu.memory_space<vmem>>) offsets(%dma_start3A_105 : memref<80xi32, #tpu.memory_space<vmem>>) semaphore(%arg25 : memref<!tpu.dma_semaphore, #tpu.memory_space<semaphore_mem>>)
    %dma_start3A_109 = arith.constant 7 : i32
    %dma_start3A_110 = arith.constant 0 : i32
    %dma_start3A_111 = tpu.memref_slice %arg6[%dma_start3A_109, %dma_start3A_110] : memref<125x80xi32, #tpu.memory_space<vmem>> -> memref<1x80xi32, #tpu.memory_space<vmem>>
    %dma_start3A_112 = tpu.memref_squeeze %dma_start3A_111 : memref<1x80xi32, #tpu.memory_space<vmem>> -> memref<80xi32, #tpu.memory_space<vmem>>
    %dma_start3A_113 = arith.constant 0 : i32
    %dma_start3A_114 = arith.constant 0 : i32
    %dma_start3A_115 = tpu.memref_slice %arg2[%dma_start3A_113, %dma_start3A_114] : memref<10000x64xf32, #tpu.memory_space<hbm>> -> memref<10000x64xf32, #tpu.memory_space<hbm>>
    tpu.enqueue_indirect_dma source(%dma_start3A_115 : memref<10000x64xf32, #tpu.memory_space<hbm>>) target(%arg15 : memref<80x64xf32, #tpu.memory_space<vmem>>) offsets(%dma_start3A_112 : memref<80xi32, #tpu.memory_space<vmem>>) semaphore(%arg26 : memref<!tpu.dma_semaphore, #tpu.memory_space<semaphore_mem>>)
    %dma_start3A_116 = arith.constant 8 : i32
    %dma_start3A_117 = arith.constant 0 : i32
    %dma_start3A_118 = tpu.memref_slice %arg6[%dma_start3A_116, %dma_start3A_117] : memref<125x80xi32, #tpu.memory_space<vmem>> -> memref<1x80xi32, #tpu.memory_space<vmem>>
    %dma_start3A_119 = tpu.memref_squeeze %dma_start3A_118 : memref<1x80xi32, #tpu.memory_space<vmem>> -> memref<80xi32, #tpu.memory_space<vmem>>
    %dma_start3A_120 = arith.constant 0 : i32
    %dma_start3A_121 = arith.constant 0 : i32
    %dma_start3A_122 = tpu.memref_slice %arg2[%dma_start3A_120, %dma_start3A_121] : memref<10000x64xf32, #tpu.memory_space<hbm>> -> memref<10000x64xf32, #tpu.memory_space<hbm>>
    tpu.enqueue_indirect_dma source(%dma_start3A_122 : memref<10000x64xf32, #tpu.memory_space<hbm>>) target(%arg16 : memref<80x64xf32, #tpu.memory_space<vmem>>) offsets(%dma_start3A_119 : memref<80xi32, #tpu.memory_space<vmem>>) semaphore(%arg27 : memref<!tpu.dma_semaphore, #tpu.memory_space<semaphore_mem>>)
    %dma_start3A_123 = arith.constant 9 : i32
    %dma_start3A_124 = arith.constant 0 : i32
    %dma_start3A_125 = tpu.memref_slice %arg6[%dma_start3A_123, %dma_start3A_124] : memref<125x80xi32, #tpu.memory_space<vmem>> -> memref<1x80xi32, #tpu.memory_space<vmem>>
    %dma_start3A_126 = tpu.memref_squeeze %dma_start3A_125 : memref<1x80xi32, #tpu.memory_space<vmem>> -> memref<80xi32, #tpu.memory_space<vmem>>
    %dma_start3A_127 = arith.constant 0 : i32
    %dma_start3A_128 = arith.constant 0 : i32
    %dma_start3A_129 = tpu.memref_slice %arg2[%dma_start3A_127, %dma_start3A_128] : memref<10000x64xf32, #tpu.memory_space<hbm>> -> memref<10000x64xf32, #tpu.memory_space<hbm>>
    tpu.enqueue_indirect_dma source(%dma_start3A_129 : memref<10000x64xf32, #tpu.memory_space<hbm>>) target(%arg17 : memref<80x64xf32, #tpu.memory_space<vmem>>) offsets(%dma_start3A_126 : memref<80xi32, #tpu.memory_space<vmem>>) semaphore(%arg28 : memref<!tpu.dma_semaphore, #tpu.memory_space<semaphore_mem>>)
    %scan3A_130 = arith.constant 0 : i32
    %scan3A_131 = arith.constant 0 : i32
    %scan3A_132 = arith.constant 12 : i32
    %scan3A_133 = arith.addi %scan3A_131, %scan3A_132 : i32
    %scan3A_134 = arith.constant 1 : i32
    scf.for %scan3A_722 = %scan3A_131 to %scan3A_133 step %scan3A_134  : i32 {
      %mul3A_723 = arith.constant 10 : i32
      %mul3A_724 = arith.muli %scan3A_722, %mul3A_723 : i32
      %add3A_725 = arith.constant 0 : i32
      %add3A_726 = arith.addi %mul3A_724, %add3A_725 : i32
      %dma_wait3A_727 = arith.constant 0 : i32
      %dma_wait3A_728 = tpu.memref_slice %arg6[%add3A_726, %dma_wait3A_727] : memref<125x80xi32, #tpu.memory_space<vmem>> -> memref<1x80xi32, #tpu.memory_space<vmem>>
      %dma_wait3A_729 = tpu.memref_squeeze %dma_wait3A_728 : memref<1x80xi32, #tpu.memory_space<vmem>> -> memref<80xi32, #tpu.memory_space<vmem>>
      %dma_wait3A_730 = arith.constant 0 : i32
      %dma_wait3A_731 = arith.constant 0 : i32
      %dma_wait3A_732 = tpu.memref_slice %arg2[%dma_wait3A_730, %dma_wait3A_731] : memref<10000x64xf32, #tpu.memory_space<hbm>> -> memref<10000x64xf32, #tpu.memory_space<hbm>>
      tpu.wait_indirect_dma semaphore(%arg19 : memref<!tpu.dma_semaphore, #tpu.memory_space<semaphore_mem>>) src(%dma_wait3A_732 : memref<10000x64xf32, #tpu.memory_space<hbm>>) dst(%arg8 : memref<80x64xf32, #tpu.memory_space<vmem>>)
      %add3A_733 = arith.constant 0 : i32
      %add3A_734 = arith.addi %mul3A_724, %add3A_733 : i32
      %dma_start3A_735 = arith.constant 0 : i32
      %dma_start3A_736 = tpu.memref_slice %arg7[%add3A_734, %dma_start3A_735] : memref<125x80xi32, #tpu.memory_space<vmem>> -> memref<1x80xi32, #tpu.memory_space<vmem>>
      %dma_start3A_737 = tpu.memref_squeeze %dma_start3A_736 : memref<1x80xi32, #tpu.memory_space<vmem>> -> memref<80xi32, #tpu.memory_space<vmem>>
      %dma_start3A_738 = arith.constant 0 : i32
      %dma_start3A_739 = arith.constant 0 : i32
      %dma_start3A_740 = tpu.memref_slice %arg18[%dma_start3A_738, %dma_start3A_739] : memref<10112x64xf32, #tpu.memory_space<vmem_shared>> -> memref<10112x64xf32, #tpu.memory_space<vmem_shared>>
      tpu.enqueue_indirect_dma source(%arg8 : memref<80x64xf32, #tpu.memory_space<vmem>>) target(%dma_start3A_740 : memref<10112x64xf32, #tpu.memory_space<vmem_shared>>) offsets(%dma_start3A_737 : memref<80xi32, #tpu.memory_space<vmem>>) semaphore(%arg29 : memref<!tpu.dma_semaphore, #tpu.memory_space<semaphore_mem>>) {add = true}
      %add3A_741 = arith.constant 1 : i32
      %add3A_742 = arith.addi %mul3A_724, %add3A_741 : i32
      %dma_wait3A_743 = arith.constant 0 : i32
      %dma_wait3A_744 = tpu.memref_slice %arg6[%add3A_742, %dma_wait3A_743] : memref<125x80xi32, #tpu.memory_space<vmem>> -> memref<1x80xi32, #tpu.memory_space<vmem>>
      %dma_wait3A_745 = tpu.memref_squeeze %dma_wait3A_744 : memref<1x80xi32, #tpu.memory_space<vmem>> -> memref<80xi32, #tpu.memory_space<vmem>>
      %dma_wait3A_746 = arith.constant 0 : i32
      %dma_wait3A_747 = arith.constant 0 : i32
      %dma_wait3A_748 = tpu.memref_slice %arg2[%dma_wait3A_746, %dma_wait3A_747] : memref<10000x64xf32, #tpu.memory_space<hbm>> -> memref<10000x64xf32, #tpu.memory_space<hbm>>
      tpu.wait_indirect_dma semaphore(%arg20 : memref<!tpu.dma_semaphore, #tpu.memory_space<semaphore_mem>>) src(%dma_wait3A_748 : memref<10000x64xf32, #tpu.memory_space<hbm>>) dst(%arg9 : memref<80x64xf32, #tpu.memory_space<vmem>>)
      %add3A_749 = arith.constant 1 : i32
      %add3A_750 = arith.addi %mul3A_724, %add3A_749 : i32
      %dma_start3A_751 = arith.constant 0 : i32
      %dma_start3A_752 = tpu.memref_slice %arg7[%add3A_750, %dma_start3A_751] : memref<125x80xi32, #tpu.memory_space<vmem>> -> memref<1x80xi32, #tpu.memory_space<vmem>>
      %dma_start3A_753 = tpu.memref_squeeze %dma_start3A_752 : memref<1x80xi32, #tpu.memory_space<vmem>> -> memref<80xi32, #tpu.memory_space<vmem>>
      %dma_start3A_754 = arith.constant 0 : i32
      %dma_start3A_755 = arith.constant 0 : i32
      %dma_start3A_756 = tpu.memref_slice %arg18[%dma_start3A_754, %dma_start3A_755] : memref<10112x64xf32, #tpu.memory_space<vmem_shared>> -> memref<10112x64xf32, #tpu.memory_space<vmem_shared>>
      tpu.enqueue_indirect_dma source(%arg9 : memref<80x64xf32, #tpu.memory_space<vmem>>) target(%dma_start3A_756 : memref<10112x64xf32, #tpu.memory_space<vmem_shared>>) offsets(%dma_start3A_753 : memref<80xi32, #tpu.memory_space<vmem>>) semaphore(%arg30 : memref<!tpu.dma_semaphore, #tpu.memory_space<semaphore_mem>>) {add = true}
      %add3A_757 = arith.constant 2 : i32
      %add3A_758 = arith.addi %mul3A_724, %add3A_757 : i32
      %dma_wait3A_759 = arith.constant 0 : i32
      %dma_wait3A_760 = tpu.memref_slice %arg6[%add3A_758, %dma_wait3A_759] : memref<125x80xi32, #tpu.memory_space<vmem>> -> memref<1x80xi32, #tpu.memory_space<vmem>>
      %dma_wait3A_761 = tpu.memref_squeeze %dma_wait3A_760 : memref<1x80xi32, #tpu.memory_space<vmem>> -> memref<80xi32, #tpu.memory_space<vmem>>
      %dma_wait3A_762 = arith.constant 0 : i32
      %dma_wait3A_763 = arith.constant 0 : i32
      %dma_wait3A_764 = tpu.memref_slice %arg2[%dma_wait3A_762, %dma_wait3A_763] : memref<10000x64xf32, #tpu.memory_space<hbm>> -> memref<10000x64xf32, #tpu.memory_space<hbm>>
      tpu.wait_indirect_dma semaphore(%arg21 : memref<!tpu.dma_semaphore, #tpu.memory_space<semaphore_mem>>) src(%dma_wait3A_764 : memref<10000x64xf32, #tpu.memory_space<hbm>>) dst(%arg10 : memref<80x64xf32, #tpu.memory_space<vmem>>)
      %add3A_765 = arith.constant 2 : i32
      %add3A_766 = arith.addi %mul3A_724, %add3A_765 : i32
      %dma_start3A_767 = arith.constant 0 : i32
      %dma_start3A_768 = tpu.memref_slice %arg7[%add3A_766, %dma_start3A_767] : memref<125x80xi32, #tpu.memory_space<vmem>> -> memref<1x80xi32, #tpu.memory_space<vmem>>
      %dma_start3A_769 = tpu.memref_squeeze %dma_start3A_768 : memref<1x80xi32, #tpu.memory_space<vmem>> -> memref<80xi32, #tpu.memory_space<vmem>>
      %dma_start3A_770 = arith.constant 0 : i32
      %dma_start3A_771 = arith.constant 0 : i32
      %dma_start3A_772 = tpu.memref_slice %arg18[%dma_start3A_770, %dma_start3A_771] : memref<10112x64xf32, #tpu.memory_space<vmem_shared>> -> memref<10112x64xf32, #tpu.memory_space<vmem_shared>>
      tpu.enqueue_indirect_dma source(%arg10 : memref<80x64xf32, #tpu.memory_space<vmem>>) target(%dma_start3A_772 : memref<10112x64xf32, #tpu.memory_space<vmem_shared>>) offsets(%dma_start3A_769 : memref<80xi32, #tpu.memory_space<vmem>>) semaphore(%arg31 : memref<!tpu.dma_semaphore, #tpu.memory_space<semaphore_mem>>) {add = true}
      %add3A_773 = arith.constant 3 : i32
      %add3A_774 = arith.addi %mul3A_724, %add3A_773 : i32
      %dma_wait3A_775 = arith.constant 0 : i32
      %dma_wait3A_776 = tpu.memref_slice %arg6[%add3A_774, %dma_wait3A_775] : memref<125x80xi32, #tpu.memory_space<vmem>> -> memref<1x80xi32, #tpu.memory_space<vmem>>
      %dma_wait3A_777 = tpu.memref_squeeze %dma_wait3A_776 : memref<1x80xi32, #tpu.memory_space<vmem>> -> memref<80xi32, #tpu.memory_space<vmem>>
      %dma_wait3A_778 = arith.constant 0 : i32
      %dma_wait3A_779 = arith.constant 0 : i32
      %dma_wait3A_780 = tpu.memref_slice %arg2[%dma_wait3A_778, %dma_wait3A_779] : memref<10000x64xf32, #tpu.memory_space<hbm>> -> memref<10000x64xf32, #tpu.memory_space<hbm>>
      tpu.wait_indirect_dma semaphore(%arg22 : memref<!tpu.dma_semaphore, #tpu.memory_space<semaphore_mem>>) src(%dma_wait3A_780 : memref<10000x64xf32, #tpu.memory_space<hbm>>) dst(%arg11 : memref<80x64xf32, #tpu.memory_space<vmem>>)
      %add3A_781 = arith.constant 3 : i32
      %add3A_782 = arith.addi %mul3A_724, %add3A_781 : i32
      %dma_start3A_783 = arith.constant 0 : i32
      %dma_start3A_784 = tpu.memref_slice %arg7[%add3A_782, %dma_start3A_783] : memref<125x80xi32, #tpu.memory_space<vmem>> -> memref<1x80xi32, #tpu.memory_space<vmem>>
      %dma_start3A_785 = tpu.memref_squeeze %dma_start3A_784 : memref<1x80xi32, #tpu.memory_space<vmem>> -> memref<80xi32, #tpu.memory_space<vmem>>
      %dma_start3A_786 = arith.constant 0 : i32
      %dma_start3A_787 = arith.constant 0 : i32
      %dma_start3A_788 = tpu.memref_slice %arg18[%dma_start3A_786, %dma_start3A_787] : memref<10112x64xf32, #tpu.memory_space<vmem_shared>> -> memref<10112x64xf32, #tpu.memory_space<vmem_shared>>
      tpu.enqueue_indirect_dma source(%arg11 : memref<80x64xf32, #tpu.memory_space<vmem>>) target(%dma_start3A_788 : memref<10112x64xf32, #tpu.memory_space<vmem_shared>>) offsets(%dma_start3A_785 : memref<80xi32, #tpu.memory_space<vmem>>) semaphore(%arg32 : memref<!tpu.dma_semaphore, #tpu.memory_space<semaphore_mem>>) {add = true}
      %add3A_789 = arith.constant 4 : i32
      %add3A_790 = arith.addi %mul3A_724, %add3A_789 : i32
      %dma_wait3A_791 = arith.constant 0 : i32
      %dma_wait3A_792 = tpu.memref_slice %arg6[%add3A_790, %dma_wait3A_791] : memref<125x80xi32, #tpu.memory_space<vmem>> -> memref<1x80xi32, #tpu.memory_space<vmem>>
      %dma_wait3A_793 = tpu.memref_squeeze %dma_wait3A_792 : memref<1x80xi32, #tpu.memory_space<vmem>> -> memref<80xi32, #tpu.memory_space<vmem>>
      %dma_wait3A_794 = arith.constant 0 : i32
      %dma_wait3A_795 = arith.constant 0 : i32
      %dma_wait3A_796 = tpu.memref_slice %arg2[%dma_wait3A_794, %dma_wait3A_795] : memref<10000x64xf32, #tpu.memory_space<hbm>> -> memref<10000x64xf32, #tpu.memory_space<hbm>>
      tpu.wait_indirect_dma semaphore(%arg23 : memref<!tpu.dma_semaphore, #tpu.memory_space<semaphore_mem>>) src(%dma_wait3A_796 : memref<10000x64xf32, #tpu.memory_space<hbm>>) dst(%arg12 : memref<80x64xf32, #tpu.memory_space<vmem>>)
      %add3A_797 = arith.constant 4 : i32
      %add3A_798 = arith.addi %mul3A_724, %add3A_797 : i32
      %dma_start3A_799 = arith.constant 0 : i32
      %dma_start3A_800 = tpu.memref_slice %arg7[%add3A_798, %dma_start3A_799] : memref<125x80xi32, #tpu.memory_space<vmem>> -> memref<1x80xi32, #tpu.memory_space<vmem>>
      %dma_start3A_801 = tpu.memref_squeeze %dma_start3A_800 : memref<1x80xi32, #tpu.memory_space<vmem>> -> memref<80xi32, #tpu.memory_space<vmem>>
      %dma_start3A_802 = arith.constant 0 : i32
      %dma_start3A_803 = arith.constant 0 : i32
      %dma_start3A_804 = tpu.memref_slice %arg18[%dma_start3A_802, %dma_start3A_803] : memref<10112x64xf32, #tpu.memory_space<vmem_shared>> -> memref<10112x64xf32, #tpu.memory_space<vmem_shared>>
      tpu.enqueue_indirect_dma source(%arg12 : memref<80x64xf32, #tpu.memory_space<vmem>>) target(%dma_start3A_804 : memref<10112x64xf32, #tpu.memory_space<vmem_shared>>) offsets(%dma_start3A_801 : memref<80xi32, #tpu.memory_space<vmem>>) semaphore(%arg33 : memref<!tpu.dma_semaphore, #tpu.memory_space<semaphore_mem>>) {add = true}
      %add3A_805 = arith.constant 5 : i32
      %add3A_806 = arith.addi %mul3A_724, %add3A_805 : i32
      %dma_wait3A_807 = arith.constant 0 : i32
      %dma_wait3A_808 = tpu.memref_slice %arg6[%add3A_806, %dma_wait3A_807] : memref<125x80xi32, #tpu.memory_space<vmem>> -> memref<1x80xi32, #tpu.memory_space<vmem>>
      %dma_wait3A_809 = tpu.memref_squeeze %dma_wait3A_808 : memref<1x80xi32, #tpu.memory_space<vmem>> -> memref<80xi32, #tpu.memory_space<vmem>>
      %dma_wait3A_810 = arith.constant 0 : i32
      %dma_wait3A_811 = arith.constant 0 : i32
      %dma_wait3A_812 = tpu.memref_slice %arg2[%dma_wait3A_810, %dma_wait3A_811] : memref<10000x64xf32, #tpu.memory_space<hbm>> -> memref<10000x64xf32, #tpu.memory_space<hbm>>
      tpu.wait_indirect_dma semaphore(%arg24 : memref<!tpu.dma_semaphore, #tpu.memory_space<semaphore_mem>>) src(%dma_wait3A_812 : memref<10000x64xf32, #tpu.memory_space<hbm>>) dst(%arg13 : memref<80x64xf32, #tpu.memory_space<vmem>>)
      %add3A_813 = arith.constant 5 : i32
      %add3A_814 = arith.addi %mul3A_724, %add3A_813 : i32
      %dma_start3A_815 = arith.constant 0 : i32
      %dma_start3A_816 = tpu.memref_slice %arg7[%add3A_814, %dma_start3A_815] : memref<125x80xi32, #tpu.memory_space<vmem>> -> memref<1x80xi32, #tpu.memory_space<vmem>>
      %dma_start3A_817 = tpu.memref_squeeze %dma_start3A_816 : memref<1x80xi32, #tpu.memory_space<vmem>> -> memref<80xi32, #tpu.memory_space<vmem>>
      %dma_start3A_818 = arith.constant 0 : i32
      %dma_start3A_819 = arith.constant 0 : i32
      %dma_start3A_820 = tpu.memref_slice %arg18[%dma_start3A_818, %dma_start3A_819] : memref<10112x64xf32, #tpu.memory_space<vmem_shared>> -> memref<10112x64xf32, #tpu.memory_space<vmem_shared>>
      tpu.enqueue_indirect_dma source(%arg13 : memref<80x64xf32, #tpu.memory_space<vmem>>) target(%dma_start3A_820 : memref<10112x64xf32, #tpu.memory_space<vmem_shared>>) offsets(%dma_start3A_817 : memref<80xi32, #tpu.memory_space<vmem>>) semaphore(%arg34 : memref<!tpu.dma_semaphore, #tpu.memory_space<semaphore_mem>>) {add = true}
      %add3A_821 = arith.constant 6 : i32
      %add3A_822 = arith.addi %mul3A_724, %add3A_821 : i32
      %dma_wait3A_823 = arith.constant 0 : i32
      %dma_wait3A_824 = tpu.memref_slice %arg6[%add3A_822, %dma_wait3A_823] : memref<125x80xi32, #tpu.memory_space<vmem>> -> memref<1x80xi32, #tpu.memory_space<vmem>>
      %dma_wait3A_825 = tpu.memref_squeeze %dma_wait3A_824 : memref<1x80xi32, #tpu.memory_space<vmem>> -> memref<80xi32, #tpu.memory_space<vmem>>
      %dma_wait3A_826 = arith.constant 0 : i32
      %dma_wait3A_827 = arith.constant 0 : i32
      %dma_wait3A_828 = tpu.memref_slice %arg2[%dma_wait3A_826, %dma_wait3A_827] : memref<10000x64xf32, #tpu.memory_space<hbm>> -> memref<10000x64xf32, #tpu.memory_space<hbm>>
      tpu.wait_indirect_dma semaphore(%arg25 : memref<!tpu.dma_semaphore, #tpu.memory_space<semaphore_mem>>) src(%dma_wait3A_828 : memref<10000x64xf32, #tpu.memory_space<hbm>>) dst(%arg14 : memref<80x64xf32, #tpu.memory_space<vmem>>)
      %add3A_829 = arith.constant 6 : i32
      %add3A_830 = arith.addi %mul3A_724, %add3A_829 : i32
      %dma_start3A_831 = arith.constant 0 : i32
      %dma_start3A_832 = tpu.memref_slice %arg7[%add3A_830, %dma_start3A_831] : memref<125x80xi32, #tpu.memory_space<vmem>> -> memref<1x80xi32, #tpu.memory_space<vmem>>
      %dma_start3A_833 = tpu.memref_squeeze %dma_start3A_832 : memref<1x80xi32, #tpu.memory_space<vmem>> -> memref<80xi32, #tpu.memory_space<vmem>>
      %dma_start3A_834 = arith.constant 0 : i32
      %dma_start3A_835 = arith.constant 0 : i32
      %dma_start3A_836 = tpu.memref_slice %arg18[%dma_start3A_834, %dma_start3A_835] : memref<10112x64xf32, #tpu.memory_space<vmem_shared>> -> memref<10112x64xf32, #tpu.memory_space<vmem_shared>>
      tpu.enqueue_indirect_dma source(%arg14 : memref<80x64xf32, #tpu.memory_space<vmem>>) target(%dma_start3A_836 : memref<10112x64xf32, #tpu.memory_space<vmem_shared>>) offsets(%dma_start3A_833 : memref<80xi32, #tpu.memory_space<vmem>>) semaphore(%arg35 : memref<!tpu.dma_semaphore, #tpu.memory_space<semaphore_mem>>) {add = true}
      %add3A_837 = arith.constant 7 : i32
      %add3A_838 = arith.addi %mul3A_724, %add3A_837 : i32
      %dma_wait3A_839 = arith.constant 0 : i32
      %dma_wait3A_840 = tpu.memref_slice %arg6[%add3A_838, %dma_wait3A_839] : memref<125x80xi32, #tpu.memory_space<vmem>> -> memref<1x80xi32, #tpu.memory_space<vmem>>
      %dma_wait3A_841 = tpu.memref_squeeze %dma_wait3A_840 : memref<1x80xi32, #tpu.memory_space<vmem>> -> memref<80xi32, #tpu.memory_space<vmem>>
      %dma_wait3A_842 = arith.constant 0 : i32
      %dma_wait3A_843 = arith.constant 0 : i32
      %dma_wait3A_844 = tpu.memref_slice %arg2[%dma_wait3A_842, %dma_wait3A_843] : memref<10000x64xf32, #tpu.memory_space<hbm>> -> memref<10000x64xf32, #tpu.memory_space<hbm>>
      tpu.wait_indirect_dma semaphore(%arg26 : memref<!tpu.dma_semaphore, #tpu.memory_space<semaphore_mem>>) src(%dma_wait3A_844 : memref<10000x64xf32, #tpu.memory_space<hbm>>) dst(%arg15 : memref<80x64xf32, #tpu.memory_space<vmem>>)
      %add3A_845 = arith.constant 7 : i32
      %add3A_846 = arith.addi %mul3A_724, %add3A_845 : i32
      %dma_start3A_847 = arith.constant 0 : i32
      %dma_start3A_848 = tpu.memref_slice %arg7[%add3A_846, %dma_start3A_847] : memref<125x80xi32, #tpu.memory_space<vmem>> -> memref<1x80xi32, #tpu.memory_space<vmem>>
      %dma_start3A_849 = tpu.memref_squeeze %dma_start3A_848 : memref<1x80xi32, #tpu.memory_space<vmem>> -> memref<80xi32, #tpu.memory_space<vmem>>
      %dma_start3A_850 = arith.constant 0 : i32
      %dma_start3A_851 = arith.constant 0 : i32
      %dma_start3A_852 = tpu.memref_slice %arg18[%dma_start3A_850, %dma_start3A_851] : memref<10112x64xf32, #tpu.memory_space<vmem_shared>> -> memref<10112x64xf32, #tpu.memory_space<vmem_shared>>
      tpu.enqueue_indirect_dma source(%arg15 : memref<80x64xf32, #tpu.memory_space<vmem>>) target(%dma_start3A_852 : memref<10112x64xf32, #tpu.memory_space<vmem_shared>>) offsets(%dma_start3A_849 : memref<80xi32, #tpu.memory_space<vmem>>) semaphore(%arg36 : memref<!tpu.dma_semaphore, #tpu.memory_space<semaphore_mem>>) {add = true}
      %add3A_853 = arith.constant 8 : i32
      %add3A_854 = arith.addi %mul3A_724, %add3A_853 : i32
      %dma_wait3A_855 = arith.constant 0 : i32
      %dma_wait3A_856 = tpu.memref_slice %arg6[%add3A_854, %dma_wait3A_855] : memref<125x80xi32, #tpu.memory_space<vmem>> -> memref<1x80xi32, #tpu.memory_space<vmem>>
      %dma_wait3A_857 = tpu.memref_squeeze %dma_wait3A_856 : memref<1x80xi32, #tpu.memory_space<vmem>> -> memref<80xi32, #tpu.memory_space<vmem>>
      %dma_wait3A_858 = arith.constant 0 : i32
      %dma_wait3A_859 = arith.constant 0 : i32
      %dma_wait3A_860 = tpu.memref_slice %arg2[%dma_wait3A_858, %dma_wait3A_859] : memref<10000x64xf32, #tpu.memory_space<hbm>> -> memref<10000x64xf32, #tpu.memory_space<hbm>>
      tpu.wait_indirect_dma semaphore(%arg27 : memref<!tpu.dma_semaphore, #tpu.memory_space<semaphore_mem>>) src(%dma_wait3A_860 : memref<10000x64xf32, #tpu.memory_space<hbm>>) dst(%arg16 : memref<80x64xf32, #tpu.memory_space<vmem>>)
      %add3A_861 = arith.constant 8 : i32
      %add3A_862 = arith.addi %mul3A_724, %add3A_861 : i32
      %dma_start3A_863 = arith.constant 0 : i32
      %dma_start3A_864 = tpu.memref_slice %arg7[%add3A_862, %dma_start3A_863] : memref<125x80xi32, #tpu.memory_space<vmem>> -> memref<1x80xi32, #tpu.memory_space<vmem>>
      %dma_start3A_865 = tpu.memref_squeeze %dma_start3A_864 : memref<1x80xi32, #tpu.memory_space<vmem>> -> memref<80xi32, #tpu.memory_space<vmem>>
      %dma_start3A_866 = arith.constant 0 : i32
      %dma_start3A_867 = arith.constant 0 : i32
      %dma_start3A_868 = tpu.memref_slice %arg18[%dma_start3A_866, %dma_start3A_867] : memref<10112x64xf32, #tpu.memory_space<vmem_shared>> -> memref<10112x64xf32, #tpu.memory_space<vmem_shared>>
      tpu.enqueue_indirect_dma source(%arg16 : memref<80x64xf32, #tpu.memory_space<vmem>>) target(%dma_start3A_868 : memref<10112x64xf32, #tpu.memory_space<vmem_shared>>) offsets(%dma_start3A_865 : memref<80xi32, #tpu.memory_space<vmem>>) semaphore(%arg37 : memref<!tpu.dma_semaphore, #tpu.memory_space<semaphore_mem>>) {add = true}
      %add3A_869 = arith.constant 9 : i32
      %add3A_870 = arith.addi %mul3A_724, %add3A_869 : i32
      %dma_wait3A_871 = arith.constant 0 : i32
      %dma_wait3A_872 = tpu.memref_slice %arg6[%add3A_870, %dma_wait3A_871] : memref<125x80xi32, #tpu.memory_space<vmem>> -> memref<1x80xi32, #tpu.memory_space<vmem>>
      %dma_wait3A_873 = tpu.memref_squeeze %dma_wait3A_872 : memref<1x80xi32, #tpu.memory_space<vmem>> -> memref<80xi32, #tpu.memory_space<vmem>>
      %dma_wait3A_874 = arith.constant 0 : i32
      %dma_wait3A_875 = arith.constant 0 : i32
      %dma_wait3A_876 = tpu.memref_slice %arg2[%dma_wait3A_874, %dma_wait3A_875] : memref<10000x64xf32, #tpu.memory_space<hbm>> -> memref<10000x64xf32, #tpu.memory_space<hbm>>
      tpu.wait_indirect_dma semaphore(%arg28 : memref<!tpu.dma_semaphore, #tpu.memory_space<semaphore_mem>>) src(%dma_wait3A_876 : memref<10000x64xf32, #tpu.memory_space<hbm>>) dst(%arg17 : memref<80x64xf32, #tpu.memory_space<vmem>>)
      %add3A_877 = arith.constant 9 : i32
      %add3A_878 = arith.addi %mul3A_724, %add3A_877 : i32
      %dma_start3A_879 = arith.constant 0 : i32
      %dma_start3A_880 = tpu.memref_slice %arg7[%add3A_878, %dma_start3A_879] : memref<125x80xi32, #tpu.memory_space<vmem>> -> memref<1x80xi32, #tpu.memory_space<vmem>>
      %dma_start3A_881 = tpu.memref_squeeze %dma_start3A_880 : memref<1x80xi32, #tpu.memory_space<vmem>> -> memref<80xi32, #tpu.memory_space<vmem>>
      %dma_start3A_882 = arith.constant 0 : i32
      %dma_start3A_883 = arith.constant 0 : i32
      %dma_start3A_884 = tpu.memref_slice %arg18[%dma_start3A_882, %dma_start3A_883] : memref<10112x64xf32, #tpu.memory_space<vmem_shared>> -> memref<10112x64xf32, #tpu.memory_space<vmem_shared>>
      tpu.enqueue_indirect_dma source(%arg17 : memref<80x64xf32, #tpu.memory_space<vmem>>) target(%dma_start3A_884 : memref<10112x64xf32, #tpu.memory_space<vmem_shared>>) offsets(%dma_start3A_881 : memref<80xi32, #tpu.memory_space<vmem>>) semaphore(%arg38 : memref<!tpu.dma_semaphore, #tpu.memory_space<semaphore_mem>>) {add = true}
      %add3A_885 = arith.constant 0 : i32
      %add3A_886 = arith.addi %mul3A_724, %add3A_885 : i32
      %dma_wait3A_887 = arith.constant 0 : i32
      %dma_wait3A_888 = tpu.memref_slice %arg7[%add3A_886, %dma_wait3A_887] : memref<125x80xi32, #tpu.memory_space<vmem>> -> memref<1x80xi32, #tpu.memory_space<vmem>>
      %dma_wait3A_889 = tpu.memref_squeeze %dma_wait3A_888 : memref<1x80xi32, #tpu.memory_space<vmem>> -> memref<80xi32, #tpu.memory_space<vmem>>
      %dma_wait3A_890 = arith.constant 0 : i32
      %dma_wait3A_891 = arith.constant 0 : i32
      %dma_wait3A_892 = tpu.memref_slice %arg18[%dma_wait3A_890, %dma_wait3A_891] : memref<10112x64xf32, #tpu.memory_space<vmem_shared>> -> memref<10112x64xf32, #tpu.memory_space<vmem_shared>>
      tpu.wait_indirect_dma semaphore(%arg29 : memref<!tpu.dma_semaphore, #tpu.memory_space<semaphore_mem>>) src(%arg8 : memref<80x64xf32, #tpu.memory_space<vmem>>) dst(%dma_wait3A_892 : memref<10112x64xf32, #tpu.memory_space<vmem_shared>>)
      %add3A_893 = arith.constant 0 : i32
      %add3A_894 = arith.addi %mul3A_724, %add3A_893 : i32
      %add3A_895 = arith.constant 10 : i32
      %add3A_896 = arith.addi %add3A_894, %add3A_895 : i32
      %lt3A = arith.constant 125 : i32
      %lt3A_897 = arith.cmpi slt, %add3A_896, %lt3A : i32
      %convert_element_type3A = arith.extui %lt3A_897 : i1 to i32
      %cond3A = arith.constant 0 : i32
      %cond3A_898 = arith.cmpi ne, %convert_element_type3A, %cond3A : i32
      scf.if %cond3A_898 {
        %add3A_1052 = arith.constant 0 : i32
        %add3A_1053 = arith.addi %mul3A_724, %add3A_1052 : i32
        %add3A_1054 = arith.constant 10 : i32
        %add3A_1055 = arith.addi %add3A_1053, %add3A_1054 : i32
        %dma_start3A_1056 = arith.constant 0 : i32
        %dma_start3A_1057 = tpu.memref_slice %arg6[%add3A_1055, %dma_start3A_1056] : memref<125x80xi32, #tpu.memory_space<vmem>> -> memref<1x80xi32, #tpu.memory_space<vmem>>
        %dma_start3A_1058 = tpu.memref_squeeze %dma_start3A_1057 : memref<1x80xi32, #tpu.memory_space<vmem>> -> memref<80xi32, #tpu.memory_space<vmem>>
        %dma_start3A_1059 = arith.constant 0 : i32
        %dma_start3A_1060 = arith.constant 0 : i32
        %dma_start3A_1061 = tpu.memref_slice %arg2[%dma_start3A_1059, %dma_start3A_1060] : memref<10000x64xf32, #tpu.memory_space<hbm>> -> memref<10000x64xf32, #tpu.memory_space<hbm>>
        tpu.enqueue_indirect_dma source(%dma_start3A_1061 : memref<10000x64xf32, #tpu.memory_space<hbm>>) target(%arg8 : memref<80x64xf32, #tpu.memory_space<vmem>>) offsets(%dma_start3A_1058 : memref<80xi32, #tpu.memory_space<vmem>>) semaphore(%arg19 : memref<!tpu.dma_semaphore, #tpu.memory_space<semaphore_mem>>)
      } else {
      }
      %add3A_899 = arith.constant 1 : i32
      %add3A_900 = arith.addi %mul3A_724, %add3A_899 : i32
      %dma_wait3A_901 = arith.constant 0 : i32
      %dma_wait3A_902 = tpu.memref_slice %arg7[%add3A_900, %dma_wait3A_901] : memref<125x80xi32, #tpu.memory_space<vmem>> -> memref<1x80xi32, #tpu.memory_space<vmem>>
      %dma_wait3A_903 = tpu.memref_squeeze %dma_wait3A_902 : memref<1x80xi32, #tpu.memory_space<vmem>> -> memref<80xi32, #tpu.memory_space<vmem>>
      %dma_wait3A_904 = arith.constant 0 : i32
      %dma_wait3A_905 = arith.constant 0 : i32
      %dma_wait3A_906 = tpu.memref_slice %arg18[%dma_wait3A_904, %dma_wait3A_905] : memref<10112x64xf32, #tpu.memory_space<vmem_shared>> -> memref<10112x64xf32, #tpu.memory_space<vmem_shared>>
      tpu.wait_indirect_dma semaphore(%arg30 : memref<!tpu.dma_semaphore, #tpu.memory_space<semaphore_mem>>) src(%arg9 : memref<80x64xf32, #tpu.memory_space<vmem>>) dst(%dma_wait3A_906 : memref<10112x64xf32, #tpu.memory_space<vmem_shared>>)
      %add3A_907 = arith.constant 1 : i32
      %add3A_908 = arith.addi %mul3A_724, %add3A_907 : i32
      %add3A_909 = arith.constant 10 : i32
      %add3A_910 = arith.addi %add3A_908, %add3A_909 : i32
      %lt3A_911 = arith.constant 125 : i32
      %lt3A_912 = arith.cmpi slt, %add3A_910, %lt3A_911 : i32
      %convert_element_type3A_913 = arith.extui %lt3A_912 : i1 to i32
      %cond3A_914 = arith.constant 0 : i32
      %cond3A_915 = arith.cmpi ne, %convert_element_type3A_913, %cond3A_914 : i32
      scf.if %cond3A_915 {
        %add3A_1052 = arith.constant 1 : i32
        %add3A_1053 = arith.addi %mul3A_724, %add3A_1052 : i32
        %add3A_1054 = arith.constant 10 : i32
        %add3A_1055 = arith.addi %add3A_1053, %add3A_1054 : i32
        %dma_start3A_1056 = arith.constant 0 : i32
        %dma_start3A_1057 = tpu.memref_slice %arg6[%add3A_1055, %dma_start3A_1056] : memref<125x80xi32, #tpu.memory_space<vmem>> -> memref<1x80xi32, #tpu.memory_space<vmem>>
        %dma_start3A_1058 = tpu.memref_squeeze %dma_start3A_1057 : memref<1x80xi32, #tpu.memory_space<vmem>> -> memref<80xi32, #tpu.memory_space<vmem>>
        %dma_start3A_1059 = arith.constant 0 : i32
        %dma_start3A_1060 = arith.constant 0 : i32
        %dma_start3A_1061 = tpu.memref_slice %arg2[%dma_start3A_1059, %dma_start3A_1060] : memref<10000x64xf32, #tpu.memory_space<hbm>> -> memref<10000x64xf32, #tpu.memory_space<hbm>>
        tpu.enqueue_indirect_dma source(%dma_start3A_1061 : memref<10000x64xf32, #tpu.memory_space<hbm>>) target(%arg9 : memref<80x64xf32, #tpu.memory_space<vmem>>) offsets(%dma_start3A_1058 : memref<80xi32, #tpu.memory_space<vmem>>) semaphore(%arg20 : memref<!tpu.dma_semaphore, #tpu.memory_space<semaphore_mem>>)
      } else {
      }
      %add3A_916 = arith.constant 2 : i32
      %add3A_917 = arith.addi %mul3A_724, %add3A_916 : i32
      %dma_wait3A_918 = arith.constant 0 : i32
      %dma_wait3A_919 = tpu.memref_slice %arg7[%add3A_917, %dma_wait3A_918] : memref<125x80xi32, #tpu.memory_space<vmem>> -> memref<1x80xi32, #tpu.memory_space<vmem>>
      %dma_wait3A_920 = tpu.memref_squeeze %dma_wait3A_919 : memref<1x80xi32, #tpu.memory_space<vmem>> -> memref<80xi32, #tpu.memory_space<vmem>>
      %dma_wait3A_921 = arith.constant 0 : i32
      %dma_wait3A_922 = arith.constant 0 : i32
      %dma_wait3A_923 = tpu.memref_slice %arg18[%dma_wait3A_921, %dma_wait3A_922] : memref<10112x64xf32, #tpu.memory_space<vmem_shared>> -> memref<10112x64xf32, #tpu.memory_space<vmem_shared>>
      tpu.wait_indirect_dma semaphore(%arg31 : memref<!tpu.dma_semaphore, #tpu.memory_space<semaphore_mem>>) src(%arg10 : memref<80x64xf32, #tpu.memory_space<vmem>>) dst(%dma_wait3A_923 : memref<10112x64xf32, #tpu.memory_space<vmem_shared>>)
      %add3A_924 = arith.constant 2 : i32
      %add3A_925 = arith.addi %mul3A_724, %add3A_924 : i32
      %add3A_926 = arith.constant 10 : i32
      %add3A_927 = arith.addi %add3A_925, %add3A_926 : i32
      %lt3A_928 = arith.constant 125 : i32
      %lt3A_929 = arith.cmpi slt, %add3A_927, %lt3A_928 : i32
      %convert_element_type3A_930 = arith.extui %lt3A_929 : i1 to i32
      %cond3A_931 = arith.constant 0 : i32
      %cond3A_932 = arith.cmpi ne, %convert_element_type3A_930, %cond3A_931 : i32
      scf.if %cond3A_932 {
        %add3A_1052 = arith.constant 2 : i32
        %add3A_1053 = arith.addi %mul3A_724, %add3A_1052 : i32
        %add3A_1054 = arith.constant 10 : i32
        %add3A_1055 = arith.addi %add3A_1053, %add3A_1054 : i32
        %dma_start3A_1056 = arith.constant 0 : i32
        %dma_start3A_1057 = tpu.memref_slice %arg6[%add3A_1055, %dma_start3A_1056] : memref<125x80xi32, #tpu.memory_space<vmem>> -> memref<1x80xi32, #tpu.memory_space<vmem>>
        %dma_start3A_1058 = tpu.memref_squeeze %dma_start3A_1057 : memref<1x80xi32, #tpu.memory_space<vmem>> -> memref<80xi32, #tpu.memory_space<vmem>>
        %dma_start3A_1059 = arith.constant 0 : i32
        %dma_start3A_1060 = arith.constant 0 : i32
        %dma_start3A_1061 = tpu.memref_slice %arg2[%dma_start3A_1059, %dma_start3A_1060] : memref<10000x64xf32, #tpu.memory_space<hbm>> -> memref<10000x64xf32, #tpu.memory_space<hbm>>
        tpu.enqueue_indirect_dma source(%dma_start3A_1061 : memref<10000x64xf32, #tpu.memory_space<hbm>>) target(%arg10 : memref<80x64xf32, #tpu.memory_space<vmem>>) offsets(%dma_start3A_1058 : memref<80xi32, #tpu.memory_space<vmem>>) semaphore(%arg21 : memref<!tpu.dma_semaphore, #tpu.memory_space<semaphore_mem>>)
      } else {
      }
      %add3A_933 = arith.constant 3 : i32
      %add3A_934 = arith.addi %mul3A_724, %add3A_933 : i32
      %dma_wait3A_935 = arith.constant 0 : i32
      %dma_wait3A_936 = tpu.memref_slice %arg7[%add3A_934, %dma_wait3A_935] : memref<125x80xi32, #tpu.memory_space<vmem>> -> memref<1x80xi32, #tpu.memory_space<vmem>>
      %dma_wait3A_937 = tpu.memref_squeeze %dma_wait3A_936 : memref<1x80xi32, #tpu.memory_space<vmem>> -> memref<80xi32, #tpu.memory_space<vmem>>
      %dma_wait3A_938 = arith.constant 0 : i32
      %dma_wait3A_939 = arith.constant 0 : i32
      %dma_wait3A_940 = tpu.memref_slice %arg18[%dma_wait3A_938, %dma_wait3A_939] : memref<10112x64xf32, #tpu.memory_space<vmem_shared>> -> memref<10112x64xf32, #tpu.memory_space<vmem_shared>>
      tpu.wait_indirect_dma semaphore(%arg32 : memref<!tpu.dma_semaphore, #tpu.memory_space<semaphore_mem>>) src(%arg11 : memref<80x64xf32, #tpu.memory_space<vmem>>) dst(%dma_wait3A_940 : memref<10112x64xf32, #tpu.memory_space<vmem_shared>>)
      %add3A_941 = arith.constant 3 : i32
      %add3A_942 = arith.addi %mul3A_724, %add3A_941 : i32
      %add3A_943 = arith.constant 10 : i32
      %add3A_944 = arith.addi %add3A_942, %add3A_943 : i32
      %lt3A_945 = arith.constant 125 : i32
      %lt3A_946 = arith.cmpi slt, %add3A_944, %lt3A_945 : i32
      %convert_element_type3A_947 = arith.extui %lt3A_946 : i1 to i32
      %cond3A_948 = arith.constant 0 : i32
      %cond3A_949 = arith.cmpi ne, %convert_element_type3A_947, %cond3A_948 : i32
      scf.if %cond3A_949 {
        %add3A_1052 = arith.constant 3 : i32
        %add3A_1053 = arith.addi %mul3A_724, %add3A_1052 : i32
        %add3A_1054 = arith.constant 10 : i32
        %add3A_1055 = arith.addi %add3A_1053, %add3A_1054 : i32
        %dma_start3A_1056 = arith.constant 0 : i32
        %dma_start3A_1057 = tpu.memref_slice %arg6[%add3A_1055, %dma_start3A_1056] : memref<125x80xi32, #tpu.memory_space<vmem>> -> memref<1x80xi32, #tpu.memory_space<vmem>>
        %dma_start3A_1058 = tpu.memref_squeeze %dma_start3A_1057 : memref<1x80xi32, #tpu.memory_space<vmem>> -> memref<80xi32, #tpu.memory_space<vmem>>
        %dma_start3A_1059 = arith.constant 0 : i32
        %dma_start3A_1060 = arith.constant 0 : i32
        %dma_start3A_1061 = tpu.memref_slice %arg2[%dma_start3A_1059, %dma_start3A_1060] : memref<10000x64xf32, #tpu.memory_space<hbm>> -> memref<10000x64xf32, #tpu.memory_space<hbm>>
        tpu.enqueue_indirect_dma source(%dma_start3A_1061 : memref<10000x64xf32, #tpu.memory_space<hbm>>) target(%arg11 : memref<80x64xf32, #tpu.memory_space<vmem>>) offsets(%dma_start3A_1058 : memref<80xi32, #tpu.memory_space<vmem>>) semaphore(%arg22 : memref<!tpu.dma_semaphore, #tpu.memory_space<semaphore_mem>>)
      } else {
      }
      %add3A_950 = arith.constant 4 : i32
      %add3A_951 = arith.addi %mul3A_724, %add3A_950 : i32
      %dma_wait3A_952 = arith.constant 0 : i32
      %dma_wait3A_953 = tpu.memref_slice %arg7[%add3A_951, %dma_wait3A_952] : memref<125x80xi32, #tpu.memory_space<vmem>> -> memref<1x80xi32, #tpu.memory_space<vmem>>
      %dma_wait3A_954 = tpu.memref_squeeze %dma_wait3A_953 : memref<1x80xi32, #tpu.memory_space<vmem>> -> memref<80xi32, #tpu.memory_space<vmem>>
      %dma_wait3A_955 = arith.constant 0 : i32
      %dma_wait3A_956 = arith.constant 0 : i32
      %dma_wait3A_957 = tpu.memref_slice %arg18[%dma_wait3A_955, %dma_wait3A_956] : memref<10112x64xf32, #tpu.memory_space<vmem_shared>> -> memref<10112x64xf32, #tpu.memory_space<vmem_shared>>
      tpu.wait_indirect_dma semaphore(%arg33 : memref<!tpu.dma_semaphore, #tpu.memory_space<semaphore_mem>>) src(%arg12 : memref<80x64xf32, #tpu.memory_space<vmem>>) dst(%dma_wait3A_957 : memref<10112x64xf32, #tpu.memory_space<vmem_shared>>)
      %add3A_958 = arith.constant 4 : i32
      %add3A_959 = arith.addi %mul3A_724, %add3A_958 : i32
      %add3A_960 = arith.constant 10 : i32
      %add3A_961 = arith.addi %add3A_959, %add3A_960 : i32
      %lt3A_962 = arith.constant 125 : i32
      %lt3A_963 = arith.cmpi slt, %add3A_961, %lt3A_962 : i32
      %convert_element_type3A_964 = arith.extui %lt3A_963 : i1 to i32
      %cond3A_965 = arith.constant 0 : i32
      %cond3A_966 = arith.cmpi ne, %convert_element_type3A_964, %cond3A_965 : i32
      scf.if %cond3A_966 {
        %add3A_1052 = arith.constant 4 : i32
        %add3A_1053 = arith.addi %mul3A_724, %add3A_1052 : i32
        %add3A_1054 = arith.constant 10 : i32
        %add3A_1055 = arith.addi %add3A_1053, %add3A_1054 : i32
        %dma_start3A_1056 = arith.constant 0 : i32
        %dma_start3A_1057 = tpu.memref_slice %arg6[%add3A_1055, %dma_start3A_1056] : memref<125x80xi32, #tpu.memory_space<vmem>> -> memref<1x80xi32, #tpu.memory_space<vmem>>
        %dma_start3A_1058 = tpu.memref_squeeze %dma_start3A_1057 : memref<1x80xi32, #tpu.memory_space<vmem>> -> memref<80xi32, #tpu.memory_space<vmem>>
        %dma_start3A_1059 = arith.constant 0 : i32
        %dma_start3A_1060 = arith.constant 0 : i32
        %dma_start3A_1061 = tpu.memref_slice %arg2[%dma_start3A_1059, %dma_start3A_1060] : memref<10000x64xf32, #tpu.memory_space<hbm>> -> memref<10000x64xf32, #tpu.memory_space<hbm>>
        tpu.enqueue_indirect_dma source(%dma_start3A_1061 : memref<10000x64xf32, #tpu.memory_space<hbm>>) target(%arg12 : memref<80x64xf32, #tpu.memory_space<vmem>>) offsets(%dma_start3A_1058 : memref<80xi32, #tpu.memory_space<vmem>>) semaphore(%arg23 : memref<!tpu.dma_semaphore, #tpu.memory_space<semaphore_mem>>)
      } else {
      }
      %add3A_967 = arith.constant 5 : i32
      %add3A_968 = arith.addi %mul3A_724, %add3A_967 : i32
      %dma_wait3A_969 = arith.constant 0 : i32
      %dma_wait3A_970 = tpu.memref_slice %arg7[%add3A_968, %dma_wait3A_969] : memref<125x80xi32, #tpu.memory_space<vmem>> -> memref<1x80xi32, #tpu.memory_space<vmem>>
      %dma_wait3A_971 = tpu.memref_squeeze %dma_wait3A_970 : memref<1x80xi32, #tpu.memory_space<vmem>> -> memref<80xi32, #tpu.memory_space<vmem>>
      %dma_wait3A_972 = arith.constant 0 : i32
      %dma_wait3A_973 = arith.constant 0 : i32
      %dma_wait3A_974 = tpu.memref_slice %arg18[%dma_wait3A_972, %dma_wait3A_973] : memref<10112x64xf32, #tpu.memory_space<vmem_shared>> -> memref<10112x64xf32, #tpu.memory_space<vmem_shared>>
      tpu.wait_indirect_dma semaphore(%arg34 : memref<!tpu.dma_semaphore, #tpu.memory_space<semaphore_mem>>) src(%arg13 : memref<80x64xf32, #tpu.memory_space<vmem>>) dst(%dma_wait3A_974 : memref<10112x64xf32, #tpu.memory_space<vmem_shared>>)
      %add3A_975 = arith.constant 5 : i32
      %add3A_976 = arith.addi %mul3A_724, %add3A_975 : i32
      %add3A_977 = arith.constant 10 : i32
      %add3A_978 = arith.addi %add3A_976, %add3A_977 : i32
      %lt3A_979 = arith.constant 125 : i32
      %lt3A_980 = arith.cmpi slt, %add3A_978, %lt3A_979 : i32
      %convert_element_type3A_981 = arith.extui %lt3A_980 : i1 to i32
      %cond3A_982 = arith.constant 0 : i32
      %cond3A_983 = arith.cmpi ne, %convert_element_type3A_981, %cond3A_982 : i32
      scf.if %cond3A_983 {
        %add3A_1052 = arith.constant 5 : i32
        %add3A_1053 = arith.addi %mul3A_724, %add3A_1052 : i32
        %add3A_1054 = arith.constant 10 : i32
        %add3A_1055 = arith.addi %add3A_1053, %add3A_1054 : i32
        %dma_start3A_1056 = arith.constant 0 : i32
        %dma_start3A_1057 = tpu.memref_slice %arg6[%add3A_1055, %dma_start3A_1056] : memref<125x80xi32, #tpu.memory_space<vmem>> -> memref<1x80xi32, #tpu.memory_space<vmem>>
        %dma_start3A_1058 = tpu.memref_squeeze %dma_start3A_1057 : memref<1x80xi32, #tpu.memory_space<vmem>> -> memref<80xi32, #tpu.memory_space<vmem>>
        %dma_start3A_1059 = arith.constant 0 : i32
        %dma_start3A_1060 = arith.constant 0 : i32
        %dma_start3A_1061 = tpu.memref_slice %arg2[%dma_start3A_1059, %dma_start3A_1060] : memref<10000x64xf32, #tpu.memory_space<hbm>> -> memref<10000x64xf32, #tpu.memory_space<hbm>>
        tpu.enqueue_indirect_dma source(%dma_start3A_1061 : memref<10000x64xf32, #tpu.memory_space<hbm>>) target(%arg13 : memref<80x64xf32, #tpu.memory_space<vmem>>) offsets(%dma_start3A_1058 : memref<80xi32, #tpu.memory_space<vmem>>) semaphore(%arg24 : memref<!tpu.dma_semaphore, #tpu.memory_space<semaphore_mem>>)
      } else {
      }
      %add3A_984 = arith.constant 6 : i32
      %add3A_985 = arith.addi %mul3A_724, %add3A_984 : i32
      %dma_wait3A_986 = arith.constant 0 : i32
      %dma_wait3A_987 = tpu.memref_slice %arg7[%add3A_985, %dma_wait3A_986] : memref<125x80xi32, #tpu.memory_space<vmem>> -> memref<1x80xi32, #tpu.memory_space<vmem>>
      %dma_wait3A_988 = tpu.memref_squeeze %dma_wait3A_987 : memref<1x80xi32, #tpu.memory_space<vmem>> -> memref<80xi32, #tpu.memory_space<vmem>>
      %dma_wait3A_989 = arith.constant 0 : i32
      %dma_wait3A_990 = arith.constant 0 : i32
      %dma_wait3A_991 = tpu.memref_slice %arg18[%dma_wait3A_989, %dma_wait3A_990] : memref<10112x64xf32, #tpu.memory_space<vmem_shared>> -> memref<10112x64xf32, #tpu.memory_space<vmem_shared>>
      tpu.wait_indirect_dma semaphore(%arg35 : memref<!tpu.dma_semaphore, #tpu.memory_space<semaphore_mem>>) src(%arg14 : memref<80x64xf32, #tpu.memory_space<vmem>>) dst(%dma_wait3A_991 : memref<10112x64xf32, #tpu.memory_space<vmem_shared>>)
      %add3A_992 = arith.constant 6 : i32
      %add3A_993 = arith.addi %mul3A_724, %add3A_992 : i32
      %add3A_994 = arith.constant 10 : i32
      %add3A_995 = arith.addi %add3A_993, %add3A_994 : i32
      %lt3A_996 = arith.constant 125 : i32
      %lt3A_997 = arith.cmpi slt, %add3A_995, %lt3A_996 : i32
      %convert_element_type3A_998 = arith.extui %lt3A_997 : i1 to i32
      %cond3A_999 = arith.constant 0 : i32
      %cond3A_1000 = arith.cmpi ne, %convert_element_type3A_998, %cond3A_999 : i32
      scf.if %cond3A_1000 {
        %add3A_1052 = arith.constant 6 : i32
        %add3A_1053 = arith.addi %mul3A_724, %add3A_1052 : i32
        %add3A_1054 = arith.constant 10 : i32
        %add3A_1055 = arith.addi %add3A_1053, %add3A_1054 : i32
        %dma_start3A_1056 = arith.constant 0 : i32
        %dma_start3A_1057 = tpu.memref_slice %arg6[%add3A_1055, %dma_start3A_1056] : memref<125x80xi32, #tpu.memory_space<vmem>> -> memref<1x80xi32, #tpu.memory_space<vmem>>
        %dma_start3A_1058 = tpu.memref_squeeze %dma_start3A_1057 : memref<1x80xi32, #tpu.memory_space<vmem>> -> memref<80xi32, #tpu.memory_space<vmem>>
        %dma_start3A_1059 = arith.constant 0 : i32
        %dma_start3A_1060 = arith.constant 0 : i32
        %dma_start3A_1061 = tpu.memref_slice %arg2[%dma_start3A_1059, %dma_start3A_1060] : memref<10000x64xf32, #tpu.memory_space<hbm>> -> memref<10000x64xf32, #tpu.memory_space<hbm>>
        tpu.enqueue_indirect_dma source(%dma_start3A_1061 : memref<10000x64xf32, #tpu.memory_space<hbm>>) target(%arg14 : memref<80x64xf32, #tpu.memory_space<vmem>>) offsets(%dma_start3A_1058 : memref<80xi32, #tpu.memory_space<vmem>>) semaphore(%arg25 : memref<!tpu.dma_semaphore, #tpu.memory_space<semaphore_mem>>)
      } else {
      }
      %add3A_1001 = arith.constant 7 : i32
      %add3A_1002 = arith.addi %mul3A_724, %add3A_1001 : i32
      %dma_wait3A_1003 = arith.constant 0 : i32
      %dma_wait3A_1004 = tpu.memref_slice %arg7[%add3A_1002, %dma_wait3A_1003] : memref<125x80xi32, #tpu.memory_space<vmem>> -> memref<1x80xi32, #tpu.memory_space<vmem>>
      %dma_wait3A_1005 = tpu.memref_squeeze %dma_wait3A_1004 : memref<1x80xi32, #tpu.memory_space<vmem>> -> memref<80xi32, #tpu.memory_space<vmem>>
      %dma_wait3A_1006 = arith.constant 0 : i32
      %dma_wait3A_1007 = arith.constant 0 : i32
      %dma_wait3A_1008 = tpu.memref_slice %arg18[%dma_wait3A_1006, %dma_wait3A_1007] : memref<10112x64xf32, #tpu.memory_space<vmem_shared>> -> memref<10112x64xf32, #tpu.memory_space<vmem_shared>>
      tpu.wait_indirect_dma semaphore(%arg36 : memref<!tpu.dma_semaphore, #tpu.memory_space<semaphore_mem>>) src(%arg15 : memref<80x64xf32, #tpu.memory_space<vmem>>) dst(%dma_wait3A_1008 : memref<10112x64xf32, #tpu.memory_space<vmem_shared>>)
      %add3A_1009 = arith.constant 7 : i32
      %add3A_1010 = arith.addi %mul3A_724, %add3A_1009 : i32
      %add3A_1011 = arith.constant 10 : i32
      %add3A_1012 = arith.addi %add3A_1010, %add3A_1011 : i32
      %lt3A_1013 = arith.constant 125 : i32
      %lt3A_1014 = arith.cmpi slt, %add3A_1012, %lt3A_1013 : i32
      %convert_element_type3A_1015 = arith.extui %lt3A_1014 : i1 to i32
      %cond3A_1016 = arith.constant 0 : i32
      %cond3A_1017 = arith.cmpi ne, %convert_element_type3A_1015, %cond3A_1016 : i32
      scf.if %cond3A_1017 {
        %add3A_1052 = arith.constant 7 : i32
        %add3A_1053 = arith.addi %mul3A_724, %add3A_1052 : i32
        %add3A_1054 = arith.constant 10 : i32
        %add3A_1055 = arith.addi %add3A_1053, %add3A_1054 : i32
        %dma_start3A_1056 = arith.constant 0 : i32
        %dma_start3A_1057 = tpu.memref_slice %arg6[%add3A_1055, %dma_start3A_1056] : memref<125x80xi32, #tpu.memory_space<vmem>> -> memref<1x80xi32, #tpu.memory_space<vmem>>
        %dma_start3A_1058 = tpu.memref_squeeze %dma_start3A_1057 : memref<1x80xi32, #tpu.memory_space<vmem>> -> memref<80xi32, #tpu.memory_space<vmem>>
        %dma_start3A_1059 = arith.constant 0 : i32
        %dma_start3A_1060 = arith.constant 0 : i32
        %dma_start3A_1061 = tpu.memref_slice %arg2[%dma_start3A_1059, %dma_start3A_1060] : memref<10000x64xf32, #tpu.memory_space<hbm>> -> memref<10000x64xf32, #tpu.memory_space<hbm>>
        tpu.enqueue_indirect_dma source(%dma_start3A_1061 : memref<10000x64xf32, #tpu.memory_space<hbm>>) target(%arg15 : memref<80x64xf32, #tpu.memory_space<vmem>>) offsets(%dma_start3A_1058 : memref<80xi32, #tpu.memory_space<vmem>>) semaphore(%arg26 : memref<!tpu.dma_semaphore, #tpu.memory_space<semaphore_mem>>)
      } else {
      }
      %add3A_1018 = arith.constant 8 : i32
      %add3A_1019 = arith.addi %mul3A_724, %add3A_1018 : i32
      %dma_wait3A_1020 = arith.constant 0 : i32
      %dma_wait3A_1021 = tpu.memref_slice %arg7[%add3A_1019, %dma_wait3A_1020] : memref<125x80xi32, #tpu.memory_space<vmem>> -> memref<1x80xi32, #tpu.memory_space<vmem>>
      %dma_wait3A_1022 = tpu.memref_squeeze %dma_wait3A_1021 : memref<1x80xi32, #tpu.memory_space<vmem>> -> memref<80xi32, #tpu.memory_space<vmem>>
      %dma_wait3A_1023 = arith.constant 0 : i32
      %dma_wait3A_1024 = arith.constant 0 : i32
      %dma_wait3A_1025 = tpu.memref_slice %arg18[%dma_wait3A_1023, %dma_wait3A_1024] : memref<10112x64xf32, #tpu.memory_space<vmem_shared>> -> memref<10112x64xf32, #tpu.memory_space<vmem_shared>>
      tpu.wait_indirect_dma semaphore(%arg37 : memref<!tpu.dma_semaphore, #tpu.memory_space<semaphore_mem>>) src(%arg16 : memref<80x64xf32, #tpu.memory_space<vmem>>) dst(%dma_wait3A_1025 : memref<10112x64xf32, #tpu.memory_space<vmem_shared>>)
      %add3A_1026 = arith.constant 8 : i32
      %add3A_1027 = arith.addi %mul3A_724, %add3A_1026 : i32
      %add3A_1028 = arith.constant 10 : i32
      %add3A_1029 = arith.addi %add3A_1027, %add3A_1028 : i32
      %lt3A_1030 = arith.constant 125 : i32
      %lt3A_1031 = arith.cmpi slt, %add3A_1029, %lt3A_1030 : i32
      %convert_element_type3A_1032 = arith.extui %lt3A_1031 : i1 to i32
      %cond3A_1033 = arith.constant 0 : i32
      %cond3A_1034 = arith.cmpi ne, %convert_element_type3A_1032, %cond3A_1033 : i32
      scf.if %cond3A_1034 {
        %add3A_1052 = arith.constant 8 : i32
        %add3A_1053 = arith.addi %mul3A_724, %add3A_1052 : i32
        %add3A_1054 = arith.constant 10 : i32
        %add3A_1055 = arith.addi %add3A_1053, %add3A_1054 : i32
        %dma_start3A_1056 = arith.constant 0 : i32
        %dma_start3A_1057 = tpu.memref_slice %arg6[%add3A_1055, %dma_start3A_1056] : memref<125x80xi32, #tpu.memory_space<vmem>> -> memref<1x80xi32, #tpu.memory_space<vmem>>
        %dma_start3A_1058 = tpu.memref_squeeze %dma_start3A_1057 : memref<1x80xi32, #tpu.memory_space<vmem>> -> memref<80xi32, #tpu.memory_space<vmem>>
        %dma_start3A_1059 = arith.constant 0 : i32
        %dma_start3A_1060 = arith.constant 0 : i32
        %dma_start3A_1061 = tpu.memref_slice %arg2[%dma_start3A_1059, %dma_start3A_1060] : memref<10000x64xf32, #tpu.memory_space<hbm>> -> memref<10000x64xf32, #tpu.memory_space<hbm>>
        tpu.enqueue_indirect_dma source(%dma_start3A_1061 : memref<10000x64xf32, #tpu.memory_space<hbm>>) target(%arg16 : memref<80x64xf32, #tpu.memory_space<vmem>>) offsets(%dma_start3A_1058 : memref<80xi32, #tpu.memory_space<vmem>>) semaphore(%arg27 : memref<!tpu.dma_semaphore, #tpu.memory_space<semaphore_mem>>)
      } else {
      }
      %add3A_1035 = arith.constant 9 : i32
      %add3A_1036 = arith.addi %mul3A_724, %add3A_1035 : i32
      %dma_wait3A_1037 = arith.constant 0 : i32
      %dma_wait3A_1038 = tpu.memref_slice %arg7[%add3A_1036, %dma_wait3A_1037] : memref<125x80xi32, #tpu.memory_space<vmem>> -> memref<1x80xi32, #tpu.memory_space<vmem>>
      %dma_wait3A_1039 = tpu.memref_squeeze %dma_wait3A_1038 : memref<1x80xi32, #tpu.memory_space<vmem>> -> memref<80xi32, #tpu.memory_space<vmem>>
      %dma_wait3A_1040 = arith.constant 0 : i32
      %dma_wait3A_1041 = arith.constant 0 : i32
      %dma_wait3A_1042 = tpu.memref_slice %arg18[%dma_wait3A_1040, %dma_wait3A_1041] : memref<10112x64xf32, #tpu.memory_space<vmem_shared>> -> memref<10112x64xf32, #tpu.memory_space<vmem_shared>>
      tpu.wait_indirect_dma semaphore(%arg38 : memref<!tpu.dma_semaphore, #tpu.memory_space<semaphore_mem>>) src(%arg17 : memref<80x64xf32, #tpu.memory_space<vmem>>) dst(%dma_wait3A_1042 : memref<10112x64xf32, #tpu.memory_space<vmem_shared>>)
      %add3A_1043 = arith.constant 9 : i32
      %add3A_1044 = arith.addi %mul3A_724, %add3A_1043 : i32
      %add3A_1045 = arith.constant 10 : i32
      %add3A_1046 = arith.addi %add3A_1044, %add3A_1045 : i32
      %lt3A_1047 = arith.constant 125 : i32
      %lt3A_1048 = arith.cmpi slt, %add3A_1046, %lt3A_1047 : i32
      %convert_element_type3A_1049 = arith.extui %lt3A_1048 : i1 to i32
      %cond3A_1050 = arith.constant 0 : i32
      %cond3A_1051 = arith.cmpi ne, %convert_element_type3A_1049, %cond3A_1050 : i32
      scf.if %cond3A_1051 {
        %add3A_1052 = arith.constant 9 : i32
        %add3A_1053 = arith.addi %mul3A_724, %add3A_1052 : i32
        %add3A_1054 = arith.constant 10 : i32
        %add3A_1055 = arith.addi %add3A_1053, %add3A_1054 : i32
        %dma_start3A_1056 = arith.constant 0 : i32
        %dma_start3A_1057 = tpu.memref_slice %arg6[%add3A_1055, %dma_start3A_1056] : memref<125x80xi32, #tpu.memory_space<vmem>> -> memref<1x80xi32, #tpu.memory_space<vmem>>
        %dma_start3A_1058 = tpu.memref_squeeze %dma_start3A_1057 : memref<1x80xi32, #tpu.memory_space<vmem>> -> memref<80xi32, #tpu.memory_space<vmem>>
        %dma_start3A_1059 = arith.constant 0 : i32
        %dma_start3A_1060 = arith.constant 0 : i32
        %dma_start3A_1061 = tpu.memref_slice %arg2[%dma_start3A_1059, %dma_start3A_1060] : memref<10000x64xf32, #tpu.memory_space<hbm>> -> memref<10000x64xf32, #tpu.memory_space<hbm>>
        tpu.enqueue_indirect_dma source(%dma_start3A_1061 : memref<10000x64xf32, #tpu.memory_space<hbm>>) target(%arg17 : memref<80x64xf32, #tpu.memory_space<vmem>>) offsets(%dma_start3A_1058 : memref<80xi32, #tpu.memory_space<vmem>>) semaphore(%arg28 : memref<!tpu.dma_semaphore, #tpu.memory_space<semaphore_mem>>)
      } else {
      }
    }
    %scan3A_135 = arith.constant 12 : i32
    %dma_wait3A_136 = arith.constant 120 : i32
    %dma_wait3A_137 = arith.constant 0 : i32
    %dma_wait3A_138 = tpu.memref_slice %arg6[%dma_wait3A_136, %dma_wait3A_137] : memref<125x80xi32, #tpu.memory_space<vmem>> -> memref<1x80xi32, #tpu.memory_space<vmem>>
    %dma_wait3A_139 = tpu.memref_squeeze %dma_wait3A_138 : memref<1x80xi32, #tpu.memory_space<vmem>> -> memref<80xi32, #tpu.memory_space<vmem>>
    %dma_wait3A_140 = arith.constant 0 : i32
    %dma_wait3A_141 = arith.constant 0 : i32
    %dma_wait3A_142 = tpu.memref_slice %arg2[%dma_wait3A_140, %dma_wait3A_141] : memref<10000x64xf32, #tpu.memory_space<hbm>> -> memref<10000x64xf32, #tpu.memory_space<hbm>>
    tpu.wait_indirect_dma semaphore(%arg19 : memref<!tpu.dma_semaphore, #tpu.memory_space<semaphore_mem>>) src(%dma_wait3A_142 : memref<10000x64xf32, #tpu.memory_space<hbm>>) dst(%arg8 : memref<80x64xf32, #tpu.memory_space<vmem>>)
    %dma_start3A_143 = arith.constant 120 : i32
    %dma_start3A_144 = arith.constant 0 : i32
    %dma_start3A_145 = tpu.memref_slice %arg7[%dma_start3A_143, %dma_start3A_144] : memref<125x80xi32, #tpu.memory_space<vmem>> -> memref<1x80xi32, #tpu.memory_space<vmem>>
    %dma_start3A_146 = tpu.memref_squeeze %dma_start3A_145 : memref<1x80xi32, #tpu.memory_space<vmem>> -> memref<80xi32, #tpu.memory_space<vmem>>
    %dma_start3A_147 = arith.constant 0 : i32
    %dma_start3A_148 = arith.constant 0 : i32
    %dma_start3A_149 = tpu.memref_slice %arg18[%dma_start3A_147, %dma_start3A_148] : memref<10112x64xf32, #tpu.memory_space<vmem_shared>> -> memref<10112x64xf32, #tpu.memory_space<vmem_shared>>
    tpu.enqueue_indirect_dma source(%arg8 : memref<80x64xf32, #tpu.memory_space<vmem>>) target(%dma_start3A_149 : memref<10112x64xf32, #tpu.memory_space<vmem_shared>>) offsets(%dma_start3A_146 : memref<80xi32, #tpu.memory_space<vmem>>) semaphore(%arg29 : memref<!tpu.dma_semaphore, #tpu.memory_space<semaphore_mem>>) {add = true}
    %dma_wait3A_150 = arith.constant 121 : i32
    %dma_wait3A_151 = arith.constant 0 : i32
    %dma_wait3A_152 = tpu.memref_slice %arg6[%dma_wait3A_150, %dma_wait3A_151] : memref<125x80xi32, #tpu.memory_space<vmem>> -> memref<1x80xi32, #tpu.memory_space<vmem>>
    %dma_wait3A_153 = tpu.memref_squeeze %dma_wait3A_152 : memref<1x80xi32, #tpu.memory_space<vmem>> -> memref<80xi32, #tpu.memory_space<vmem>>
    %dma_wait3A_154 = arith.constant 0 : i32
    %dma_wait3A_155 = arith.constant 0 : i32
    %dma_wait3A_156 = tpu.memref_slice %arg2[%dma_wait3A_154, %dma_wait3A_155] : memref<10000x64xf32, #tpu.memory_space<hbm>> -> memref<10000x64xf32, #tpu.memory_space<hbm>>
    tpu.wait_indirect_dma semaphore(%arg20 : memref<!tpu.dma_semaphore, #tpu.memory_space<semaphore_mem>>) src(%dma_wait3A_156 : memref<10000x64xf32, #tpu.memory_space<hbm>>) dst(%arg9 : memref<80x64xf32, #tpu.memory_space<vmem>>)
    %dma_start3A_157 = arith.constant 121 : i32
    %dma_start3A_158 = arith.constant 0 : i32
    %dma_start3A_159 = tpu.memref_slice %arg7[%dma_start3A_157, %dma_start3A_158] : memref<125x80xi32, #tpu.memory_space<vmem>> -> memref<1x80xi32, #tpu.memory_space<vmem>>
    %dma_start3A_160 = tpu.memref_squeeze %dma_start3A_159 : memref<1x80xi32, #tpu.memory_space<vmem>> -> memref<80xi32, #tpu.memory_space<vmem>>
    %dma_start3A_161 = arith.constant 0 : i32
    %dma_start3A_162 = arith.constant 0 : i32
    %dma_start3A_163 = tpu.memref_slice %arg18[%dma_start3A_161, %dma_start3A_162] : memref<10112x64xf32, #tpu.memory_space<vmem_shared>> -> memref<10112x64xf32, #tpu.memory_space<vmem_shared>>
    tpu.enqueue_indirect_dma source(%arg9 : memref<80x64xf32, #tpu.memory_space<vmem>>) target(%dma_start3A_163 : memref<10112x64xf32, #tpu.memory_space<vmem_shared>>) offsets(%dma_start3A_160 : memref<80xi32, #tpu.memory_space<vmem>>) semaphore(%arg30 : memref<!tpu.dma_semaphore, #tpu.memory_space<semaphore_mem>>) {add = true}
    %dma_wait3A_164 = arith.constant 122 : i32
    %dma_wait3A_165 = arith.constant 0 : i32
    %dma_wait3A_166 = tpu.memref_slice %arg6[%dma_wait3A_164, %dma_wait3A_165] : memref<125x80xi32, #tpu.memory_space<vmem>> -> memref<1x80xi32, #tpu.memory_space<vmem>>
    %dma_wait3A_167 = tpu.memref_squeeze %dma_wait3A_166 : memref<1x80xi32, #tpu.memory_space<vmem>> -> memref<80xi32, #tpu.memory_space<vmem>>
    %dma_wait3A_168 = arith.constant 0 : i32
    %dma_wait3A_169 = arith.constant 0 : i32
    %dma_wait3A_170 = tpu.memref_slice %arg2[%dma_wait3A_168, %dma_wait3A_169] : memref<10000x64xf32, #tpu.memory_space<hbm>> -> memref<10000x64xf32, #tpu.memory_space<hbm>>
    tpu.wait_indirect_dma semaphore(%arg21 : memref<!tpu.dma_semaphore, #tpu.memory_space<semaphore_mem>>) src(%dma_wait3A_170 : memref<10000x64xf32, #tpu.memory_space<hbm>>) dst(%arg10 : memref<80x64xf32, #tpu.memory_space<vmem>>)
    %dma_start3A_171 = arith.constant 122 : i32
    %dma_start3A_172 = arith.constant 0 : i32
    %dma_start3A_173 = tpu.memref_slice %arg7[%dma_start3A_171, %dma_start3A_172] : memref<125x80xi32, #tpu.memory_space<vmem>> -> memref<1x80xi32, #tpu.memory_space<vmem>>
    %dma_start3A_174 = tpu.memref_squeeze %dma_start3A_173 : memref<1x80xi32, #tpu.memory_space<vmem>> -> memref<80xi32, #tpu.memory_space<vmem>>
    %dma_start3A_175 = arith.constant 0 : i32
    %dma_start3A_176 = arith.constant 0 : i32
    %dma_start3A_177 = tpu.memref_slice %arg18[%dma_start3A_175, %dma_start3A_176] : memref<10112x64xf32, #tpu.memory_space<vmem_shared>> -> memref<10112x64xf32, #tpu.memory_space<vmem_shared>>
    tpu.enqueue_indirect_dma source(%arg10 : memref<80x64xf32, #tpu.memory_space<vmem>>) target(%dma_start3A_177 : memref<10112x64xf32, #tpu.memory_space<vmem_shared>>) offsets(%dma_start3A_174 : memref<80xi32, #tpu.memory_space<vmem>>) semaphore(%arg31 : memref<!tpu.dma_semaphore, #tpu.memory_space<semaphore_mem>>) {add = true}
    %dma_wait3A_178 = arith.constant 123 : i32
    %dma_wait3A_179 = arith.constant 0 : i32
    %dma_wait3A_180 = tpu.memref_slice %arg6[%dma_wait3A_178, %dma_wait3A_179] : memref<125x80xi32, #tpu.memory_space<vmem>> -> memref<1x80xi32, #tpu.memory_space<vmem>>
    %dma_wait3A_181 = tpu.memref_squeeze %dma_wait3A_180 : memref<1x80xi32, #tpu.memory_space<vmem>> -> memref<80xi32, #tpu.memory_space<vmem>>
    %dma_wait3A_182 = arith.constant 0 : i32
    %dma_wait3A_183 = arith.constant 0 : i32
    %dma_wait3A_184 = tpu.memref_slice %arg2[%dma_wait3A_182, %dma_wait3A_183] : memref<10000x64xf32, #tpu.memory_space<hbm>> -> memref<10000x64xf32, #tpu.memory_space<hbm>>
    tpu.wait_indirect_dma semaphore(%arg22 : memref<!tpu.dma_semaphore, #tpu.memory_space<semaphore_mem>>) src(%dma_wait3A_184 : memref<10000x64xf32, #tpu.memory_space<hbm>>) dst(%arg11 : memref<80x64xf32, #tpu.memory_space<vmem>>)
    %dma_start3A_185 = arith.constant 123 : i32
    %dma_start3A_186 = arith.constant 0 : i32
    %dma_start3A_187 = tpu.memref_slice %arg7[%dma_start3A_185, %dma_start3A_186] : memref<125x80xi32, #tpu.memory_space<vmem>> -> memref<1x80xi32, #tpu.memory_space<vmem>>
    %dma_start3A_188 = tpu.memref_squeeze %dma_start3A_187 : memref<1x80xi32, #tpu.memory_space<vmem>> -> memref<80xi32, #tpu.memory_space<vmem>>
    %dma_start3A_189 = arith.constant 0 : i32
    %dma_start3A_190 = arith.constant 0 : i32
    %dma_start3A_191 = tpu.memref_slice %arg18[%dma_start3A_189, %dma_start3A_190] : memref<10112x64xf32, #tpu.memory_space<vmem_shared>> -> memref<10112x64xf32, #tpu.memory_space<vmem_shared>>
    tpu.enqueue_indirect_dma source(%arg11 : memref<80x64xf32, #tpu.memory_space<vmem>>) target(%dma_start3A_191 : memref<10112x64xf32, #tpu.memory_space<vmem_shared>>) offsets(%dma_start3A_188 : memref<80xi32, #tpu.memory_space<vmem>>) semaphore(%arg32 : memref<!tpu.dma_semaphore, #tpu.memory_space<semaphore_mem>>) {add = true}
    %dma_wait3A_192 = arith.constant 124 : i32
    %dma_wait3A_193 = arith.constant 0 : i32
    %dma_wait3A_194 = tpu.memref_slice %arg6[%dma_wait3A_192, %dma_wait3A_193] : memref<125x80xi32, #tpu.memory_space<vmem>> -> memref<1x80xi32, #tpu.memory_space<vmem>>
    %dma_wait3A_195 = tpu.memref_squeeze %dma_wait3A_194 : memref<1x80xi32, #tpu.memory_space<vmem>> -> memref<80xi32, #tpu.memory_space<vmem>>
    %dma_wait3A_196 = arith.constant 0 : i32
    %dma_wait3A_197 = arith.constant 0 : i32
    %dma_wait3A_198 = tpu.memref_slice %arg2[%dma_wait3A_196, %dma_wait3A_197] : memref<10000x64xf32, #tpu.memory_space<hbm>> -> memref<10000x64xf32, #tpu.memory_space<hbm>>
    tpu.wait_indirect_dma semaphore(%arg23 : memref<!tpu.dma_semaphore, #tpu.memory_space<semaphore_mem>>) src(%dma_wait3A_198 : memref<10000x64xf32, #tpu.memory_space<hbm>>) dst(%arg12 : memref<80x64xf32, #tpu.memory_space<vmem>>)
    %dma_start3A_199 = arith.constant 124 : i32
    %dma_start3A_200 = arith.constant 0 : i32
    %dma_start3A_201 = tpu.memref_slice %arg7[%dma_start3A_199, %dma_start3A_200] : memref<125x80xi32, #tpu.memory_space<vmem>> -> memref<1x80xi32, #tpu.memory_space<vmem>>
    %dma_start3A_202 = tpu.memref_squeeze %dma_start3A_201 : memref<1x80xi32, #tpu.memory_space<vmem>> -> memref<80xi32, #tpu.memory_space<vmem>>
    %dma_start3A_203 = arith.constant 0 : i32
    %dma_start3A_204 = arith.constant 0 : i32
    %dma_start3A_205 = tpu.memref_slice %arg18[%dma_start3A_203, %dma_start3A_204] : memref<10112x64xf32, #tpu.memory_space<vmem_shared>> -> memref<10112x64xf32, #tpu.memory_space<vmem_shared>>
    tpu.enqueue_indirect_dma source(%arg12 : memref<80x64xf32, #tpu.memory_space<vmem>>) target(%dma_start3A_205 : memref<10112x64xf32, #tpu.memory_space<vmem_shared>>) offsets(%dma_start3A_202 : memref<80xi32, #tpu.memory_space<vmem>>) semaphore(%arg33 : memref<!tpu.dma_semaphore, #tpu.memory_space<semaphore_mem>>) {add = true}
    %dma_wait3A_206 = arith.constant 120 : i32
    %dma_wait3A_207 = arith.constant 0 : i32
    %dma_wait3A_208 = tpu.memref_slice %arg7[%dma_wait3A_206, %dma_wait3A_207] : memref<125x80xi32, #tpu.memory_space<vmem>> -> memref<1x80xi32, #tpu.memory_space<vmem>>
    %dma_wait3A_209 = tpu.memref_squeeze %dma_wait3A_208 : memref<1x80xi32, #tpu.memory_space<vmem>> -> memref<80xi32, #tpu.memory_space<vmem>>
    %dma_wait3A_210 = arith.constant 0 : i32
    %dma_wait3A_211 = arith.constant 0 : i32
    %dma_wait3A_212 = tpu.memref_slice %arg18[%dma_wait3A_210, %dma_wait3A_211] : memref<10112x64xf32, #tpu.memory_space<vmem_shared>> -> memref<10112x64xf32, #tpu.memory_space<vmem_shared>>
    tpu.wait_indirect_dma semaphore(%arg29 : memref<!tpu.dma_semaphore, #tpu.memory_space<semaphore_mem>>) src(%arg8 : memref<80x64xf32, #tpu.memory_space<vmem>>) dst(%dma_wait3A_212 : memref<10112x64xf32, #tpu.memory_space<vmem_shared>>)
    %dma_wait3A_213 = arith.constant 121 : i32
    %dma_wait3A_214 = arith.constant 0 : i32
    %dma_wait3A_215 = tpu.memref_slice %arg7[%dma_wait3A_213, %dma_wait3A_214] : memref<125x80xi32, #tpu.memory_space<vmem>> -> memref<1x80xi32, #tpu.memory_space<vmem>>
    %dma_wait3A_216 = tpu.memref_squeeze %dma_wait3A_215 : memref<1x80xi32, #tpu.memory_space<vmem>> -> memref<80xi32, #tpu.memory_space<vmem>>
    %dma_wait3A_217 = arith.constant 0 : i32
    %dma_wait3A_218 = arith.constant 0 : i32
    %dma_wait3A_219 = tpu.memref_slice %arg18[%dma_wait3A_217, %dma_wait3A_218] : memref<10112x64xf32, #tpu.memory_space<vmem_shared>> -> memref<10112x64xf32, #tpu.memory_space<vmem_shared>>
    tpu.wait_indirect_dma semaphore(%arg30 : memref<!tpu.dma_semaphore, #tpu.memory_space<semaphore_mem>>) src(%arg9 : memref<80x64xf32, #tpu.memory_space<vmem>>) dst(%dma_wait3A_219 : memref<10112x64xf32, #tpu.memory_space<vmem_shared>>)
    %dma_wait3A_220 = arith.constant 122 : i32
    %dma_wait3A_221 = arith.constant 0 : i32
    %dma_wait3A_222 = tpu.memref_slice %arg7[%dma_wait3A_220, %dma_wait3A_221] : memref<125x80xi32, #tpu.memory_space<vmem>> -> memref<1x80xi32, #tpu.memory_space<vmem>>
    %dma_wait3A_223 = tpu.memref_squeeze %dma_wait3A_222 : memref<1x80xi32, #tpu.memory_space<vmem>> -> memref<80xi32, #tpu.memory_space<vmem>>
    %dma_wait3A_224 = arith.constant 0 : i32
    %dma_wait3A_225 = arith.constant 0 : i32
    %dma_wait3A_226 = tpu.memref_slice %arg18[%dma_wait3A_224, %dma_wait3A_225] : memref<10112x64xf32, #tpu.memory_space<vmem_shared>> -> memref<10112x64xf32, #tpu.memory_space<vmem_shared>>
    tpu.wait_indirect_dma semaphore(%arg31 : memref<!tpu.dma_semaphore, #tpu.memory_space<semaphore_mem>>) src(%arg10 : memref<80x64xf32, #tpu.memory_space<vmem>>) dst(%dma_wait3A_226 : memref<10112x64xf32, #tpu.memory_space<vmem_shared>>)
    %dma_wait3A_227 = arith.constant 123 : i32
    %dma_wait3A_228 = arith.constant 0 : i32
    %dma_wait3A_229 = tpu.memref_slice %arg7[%dma_wait3A_227, %dma_wait3A_228] : memref<125x80xi32, #tpu.memory_space<vmem>> -> memref<1x80xi32, #tpu.memory_space<vmem>>
    %dma_wait3A_230 = tpu.memref_squeeze %dma_wait3A_229 : memref<1x80xi32, #tpu.memory_space<vmem>> -> memref<80xi32, #tpu.memory_space<vmem>>
    %dma_wait3A_231 = arith.constant 0 : i32
    %dma_wait3A_232 = arith.constant 0 : i32
    %dma_wait3A_233 = tpu.memref_slice %arg18[%dma_wait3A_231, %dma_wait3A_232] : memref<10112x64xf32, #tpu.memory_space<vmem_shared>> -> memref<10112x64xf32, #tpu.memory_space<vmem_shared>>
    tpu.wait_indirect_dma semaphore(%arg32 : memref<!tpu.dma_semaphore, #tpu.memory_space<semaphore_mem>>) src(%arg11 : memref<80x64xf32, #tpu.memory_space<vmem>>) dst(%dma_wait3A_233 : memref<10112x64xf32, #tpu.memory_space<vmem_shared>>)
    %dma_wait3A_234 = arith.constant 124 : i32
    %dma_wait3A_235 = arith.constant 0 : i32
    %dma_wait3A_236 = tpu.memref_slice %arg7[%dma_wait3A_234, %dma_wait3A_235] : memref<125x80xi32, #tpu.memory_space<vmem>> -> memref<1x80xi32, #tpu.memory_space<vmem>>
    %dma_wait3A_237 = tpu.memref_squeeze %dma_wait3A_236 : memref<1x80xi32, #tpu.memory_space<vmem>> -> memref<80xi32, #tpu.memory_space<vmem>>
    %dma_wait3A_238 = arith.constant 0 : i32
    %dma_wait3A_239 = arith.constant 0 : i32
    %dma_wait3A_240 = tpu.memref_slice %arg18[%dma_wait3A_238, %dma_wait3A_239] : memref<10112x64xf32, #tpu.memory_space<vmem_shared>> -> memref<10112x64xf32, #tpu.memory_space<vmem_shared>>
    tpu.wait_indirect_dma semaphore(%arg33 : memref<!tpu.dma_semaphore, #tpu.memory_space<semaphore_mem>>) src(%arg12 : memref<80x64xf32, #tpu.memory_space<vmem>>) dst(%dma_wait3A_240 : memref<10112x64xf32, #tpu.memory_space<vmem_shared>>)
    %barrier3A_241 = arith.constant 0 : index
    tpu.barrier barrier_id(%barrier3A_241)
    %mul3A_242 = arith.constant 632 : i32
    %mul3A_243 = arith.muli %arg1, %mul3A_242 : i32
    %add3A_244 = arith.constant 0 : i32
    %add3A_245 = arith.addi %mul3A_243, %add3A_244 : i32
    %dma_start3A_246 = arith.constant 0 : i32
    %dma_start3A_247 = arith.constant 0 : i32
    %dma_start3A_248 = tpu.memref_slice %arg8[%dma_start3A_246, %dma_start3A_247] : memref<80x64xf32, #tpu.memory_space<vmem>> -> memref<80x64xf32, #tpu.memory_space<vmem>>
    %dma_start3A_249 = arith.constant 0 : i32
    %dma_start3A_250 = tpu.memref_slice %arg18[%add3A_245, %dma_start3A_249] : memref<10112x64xf32, #tpu.memory_space<vmem_shared>> -> memref<80x64xf32, #tpu.memory_space<vmem_shared>>
    %dma_start3A_251 = arith.constant 0 : i32
    %dma_start3A_252 = arith.constant 0 : i32
    %dma_start3A_253 = tpu.memref_slice %arg8[%dma_start3A_251, %dma_start3A_252] : memref<80x64xf32, #tpu.memory_space<vmem>> -> memref<80x64xf32, #tpu.memory_space<vmem>>
    %dma_start3A_254 = arith.constant 0 : i32
    %dma_start3A_255 = tpu.memref_slice %arg18[%add3A_245, %dma_start3A_254] : memref<10112x64xf32, #tpu.memory_space<vmem_shared>> -> memref<80x64xf32, #tpu.memory_space<vmem_shared>>
    tpu.enqueue_dma source(%dma_start3A_255 : memref<80x64xf32, #tpu.memory_space<vmem_shared>>) target(%dma_start3A_253 : memref<80x64xf32, #tpu.memory_space<vmem>>) target_semaphore(%arg19 : memref<!tpu.dma_semaphore, #tpu.memory_space<semaphore_mem>>)
    %mul3A_256 = arith.constant 632 : i32
    %mul3A_257 = arith.muli %arg1, %mul3A_256 : i32
    %add3A_258 = arith.constant 80 : i32
    %add3A_259 = arith.addi %mul3A_257, %add3A_258 : i32
    %dma_start3A_260 = arith.constant 0 : i32
    %dma_start3A_261 = arith.constant 0 : i32
    %dma_start3A_262 = tpu.memref_slice %arg9[%dma_start3A_260, %dma_start3A_261] : memref<80x64xf32, #tpu.memory_space<vmem>> -> memref<80x64xf32, #tpu.memory_space<vmem>>
    %dma_start3A_263 = arith.constant 0 : i32
    %dma_start3A_264 = tpu.memref_slice %arg18[%add3A_259, %dma_start3A_263] : memref<10112x64xf32, #tpu.memory_space<vmem_shared>> -> memref<80x64xf32, #tpu.memory_space<vmem_shared>>
    %dma_start3A_265 = arith.constant 0 : i32
    %dma_start3A_266 = arith.constant 0 : i32
    %dma_start3A_267 = tpu.memref_slice %arg9[%dma_start3A_265, %dma_start3A_266] : memref<80x64xf32, #tpu.memory_space<vmem>> -> memref<80x64xf32, #tpu.memory_space<vmem>>
    %dma_start3A_268 = arith.constant 0 : i32
    %dma_start3A_269 = tpu.memref_slice %arg18[%add3A_259, %dma_start3A_268] : memref<10112x64xf32, #tpu.memory_space<vmem_shared>> -> memref<80x64xf32, #tpu.memory_space<vmem_shared>>
    tpu.enqueue_dma source(%dma_start3A_269 : memref<80x64xf32, #tpu.memory_space<vmem_shared>>) target(%dma_start3A_267 : memref<80x64xf32, #tpu.memory_space<vmem>>) target_semaphore(%arg20 : memref<!tpu.dma_semaphore, #tpu.memory_space<semaphore_mem>>)
    %mul3A_270 = arith.constant 632 : i32
    %mul3A_271 = arith.muli %arg1, %mul3A_270 : i32
    %add3A_272 = arith.constant 160 : i32
    %add3A_273 = arith.addi %mul3A_271, %add3A_272 : i32
    %dma_start3A_274 = arith.constant 0 : i32
    %dma_start3A_275 = arith.constant 0 : i32
    %dma_start3A_276 = tpu.memref_slice %arg10[%dma_start3A_274, %dma_start3A_275] : memref<80x64xf32, #tpu.memory_space<vmem>> -> memref<80x64xf32, #tpu.memory_space<vmem>>
    %dma_start3A_277 = arith.constant 0 : i32
    %dma_start3A_278 = tpu.memref_slice %arg18[%add3A_273, %dma_start3A_277] : memref<10112x64xf32, #tpu.memory_space<vmem_shared>> -> memref<80x64xf32, #tpu.memory_space<vmem_shared>>
    %dma_start3A_279 = arith.constant 0 : i32
    %dma_start3A_280 = arith.constant 0 : i32
    %dma_start3A_281 = tpu.memref_slice %arg10[%dma_start3A_279, %dma_start3A_280] : memref<80x64xf32, #tpu.memory_space<vmem>> -> memref<80x64xf32, #tpu.memory_space<vmem>>
    %dma_start3A_282 = arith.constant 0 : i32
    %dma_start3A_283 = tpu.memref_slice %arg18[%add3A_273, %dma_start3A_282] : memref<10112x64xf32, #tpu.memory_space<vmem_shared>> -> memref<80x64xf32, #tpu.memory_space<vmem_shared>>
    tpu.enqueue_dma source(%dma_start3A_283 : memref<80x64xf32, #tpu.memory_space<vmem_shared>>) target(%dma_start3A_281 : memref<80x64xf32, #tpu.memory_space<vmem>>) target_semaphore(%arg21 : memref<!tpu.dma_semaphore, #tpu.memory_space<semaphore_mem>>)
    %mul3A_284 = arith.constant 632 : i32
    %mul3A_285 = arith.muli %arg1, %mul3A_284 : i32
    %add3A_286 = arith.constant 240 : i32
    %add3A_287 = arith.addi %mul3A_285, %add3A_286 : i32
    %dma_start3A_288 = arith.constant 0 : i32
    %dma_start3A_289 = arith.constant 0 : i32
    %dma_start3A_290 = tpu.memref_slice %arg11[%dma_start3A_288, %dma_start3A_289] : memref<80x64xf32, #tpu.memory_space<vmem>> -> memref<80x64xf32, #tpu.memory_space<vmem>>
    %dma_start3A_291 = arith.constant 0 : i32
    %dma_start3A_292 = tpu.memref_slice %arg18[%add3A_287, %dma_start3A_291] : memref<10112x64xf32, #tpu.memory_space<vmem_shared>> -> memref<80x64xf32, #tpu.memory_space<vmem_shared>>
    %dma_start3A_293 = arith.constant 0 : i32
    %dma_start3A_294 = arith.constant 0 : i32
    %dma_start3A_295 = tpu.memref_slice %arg11[%dma_start3A_293, %dma_start3A_294] : memref<80x64xf32, #tpu.memory_space<vmem>> -> memref<80x64xf32, #tpu.memory_space<vmem>>
    %dma_start3A_296 = arith.constant 0 : i32
    %dma_start3A_297 = tpu.memref_slice %arg18[%add3A_287, %dma_start3A_296] : memref<10112x64xf32, #tpu.memory_space<vmem_shared>> -> memref<80x64xf32, #tpu.memory_space<vmem_shared>>
    tpu.enqueue_dma source(%dma_start3A_297 : memref<80x64xf32, #tpu.memory_space<vmem_shared>>) target(%dma_start3A_295 : memref<80x64xf32, #tpu.memory_space<vmem>>) target_semaphore(%arg22 : memref<!tpu.dma_semaphore, #tpu.memory_space<semaphore_mem>>)
    %mul3A_298 = arith.constant 632 : i32
    %mul3A_299 = arith.muli %arg1, %mul3A_298 : i32
    %add3A_300 = arith.constant 320 : i32
    %add3A_301 = arith.addi %mul3A_299, %add3A_300 : i32
    %dma_start3A_302 = arith.constant 0 : i32
    %dma_start3A_303 = arith.constant 0 : i32
    %dma_start3A_304 = tpu.memref_slice %arg12[%dma_start3A_302, %dma_start3A_303] : memref<80x64xf32, #tpu.memory_space<vmem>> -> memref<80x64xf32, #tpu.memory_space<vmem>>
    %dma_start3A_305 = arith.constant 0 : i32
    %dma_start3A_306 = tpu.memref_slice %arg18[%add3A_301, %dma_start3A_305] : memref<10112x64xf32, #tpu.memory_space<vmem_shared>> -> memref<80x64xf32, #tpu.memory_space<vmem_shared>>
    %dma_start3A_307 = arith.constant 0 : i32
    %dma_start3A_308 = arith.constant 0 : i32
    %dma_start3A_309 = tpu.memref_slice %arg12[%dma_start3A_307, %dma_start3A_308] : memref<80x64xf32, #tpu.memory_space<vmem>> -> memref<80x64xf32, #tpu.memory_space<vmem>>
    %dma_start3A_310 = arith.constant 0 : i32
    %dma_start3A_311 = tpu.memref_slice %arg18[%add3A_301, %dma_start3A_310] : memref<10112x64xf32, #tpu.memory_space<vmem_shared>> -> memref<80x64xf32, #tpu.memory_space<vmem_shared>>
    tpu.enqueue_dma source(%dma_start3A_311 : memref<80x64xf32, #tpu.memory_space<vmem_shared>>) target(%dma_start3A_309 : memref<80x64xf32, #tpu.memory_space<vmem>>) target_semaphore(%arg23 : memref<!tpu.dma_semaphore, #tpu.memory_space<semaphore_mem>>)
    %mul3A_312 = arith.constant 632 : i32
    %mul3A_313 = arith.muli %arg1, %mul3A_312 : i32
    %add3A_314 = arith.constant 400 : i32
    %add3A_315 = arith.addi %mul3A_313, %add3A_314 : i32
    %dma_start3A_316 = arith.constant 0 : i32
    %dma_start3A_317 = arith.constant 0 : i32
    %dma_start3A_318 = tpu.memref_slice %arg13[%dma_start3A_316, %dma_start3A_317] : memref<80x64xf32, #tpu.memory_space<vmem>> -> memref<80x64xf32, #tpu.memory_space<vmem>>
    %dma_start3A_319 = arith.constant 0 : i32
    %dma_start3A_320 = tpu.memref_slice %arg18[%add3A_315, %dma_start3A_319] : memref<10112x64xf32, #tpu.memory_space<vmem_shared>> -> memref<80x64xf32, #tpu.memory_space<vmem_shared>>
    %dma_start3A_321 = arith.constant 0 : i32
    %dma_start3A_322 = arith.constant 0 : i32
    %dma_start3A_323 = tpu.memref_slice %arg13[%dma_start3A_321, %dma_start3A_322] : memref<80x64xf32, #tpu.memory_space<vmem>> -> memref<80x64xf32, #tpu.memory_space<vmem>>
    %dma_start3A_324 = arith.constant 0 : i32
    %dma_start3A_325 = tpu.memref_slice %arg18[%add3A_315, %dma_start3A_324] : memref<10112x64xf32, #tpu.memory_space<vmem_shared>> -> memref<80x64xf32, #tpu.memory_space<vmem_shared>>
    tpu.enqueue_dma source(%dma_start3A_325 : memref<80x64xf32, #tpu.memory_space<vmem_shared>>) target(%dma_start3A_323 : memref<80x64xf32, #tpu.memory_space<vmem>>) target_semaphore(%arg24 : memref<!tpu.dma_semaphore, #tpu.memory_space<semaphore_mem>>)
    %mul3A_326 = arith.constant 632 : i32
    %mul3A_327 = arith.muli %arg1, %mul3A_326 : i32
    %add3A_328 = arith.constant 480 : i32
    %add3A_329 = arith.addi %mul3A_327, %add3A_328 : i32
    %dma_start3A_330 = arith.constant 0 : i32
    %dma_start3A_331 = arith.constant 0 : i32
    %dma_start3A_332 = tpu.memref_slice %arg14[%dma_start3A_330, %dma_start3A_331] : memref<80x64xf32, #tpu.memory_space<vmem>> -> memref<80x64xf32, #tpu.memory_space<vmem>>
    %dma_start3A_333 = arith.constant 0 : i32
    %dma_start3A_334 = tpu.memref_slice %arg18[%add3A_329, %dma_start3A_333] : memref<10112x64xf32, #tpu.memory_space<vmem_shared>> -> memref<80x64xf32, #tpu.memory_space<vmem_shared>>
    %dma_start3A_335 = arith.constant 0 : i32
    %dma_start3A_336 = arith.constant 0 : i32
    %dma_start3A_337 = tpu.memref_slice %arg14[%dma_start3A_335, %dma_start3A_336] : memref<80x64xf32, #tpu.memory_space<vmem>> -> memref<80x64xf32, #tpu.memory_space<vmem>>
    %dma_start3A_338 = arith.constant 0 : i32
    %dma_start3A_339 = tpu.memref_slice %arg18[%add3A_329, %dma_start3A_338] : memref<10112x64xf32, #tpu.memory_space<vmem_shared>> -> memref<80x64xf32, #tpu.memory_space<vmem_shared>>
    tpu.enqueue_dma source(%dma_start3A_339 : memref<80x64xf32, #tpu.memory_space<vmem_shared>>) target(%dma_start3A_337 : memref<80x64xf32, #tpu.memory_space<vmem>>) target_semaphore(%arg25 : memref<!tpu.dma_semaphore, #tpu.memory_space<semaphore_mem>>)
    %mul3A_340 = arith.constant 632 : i32
    %mul3A_341 = arith.muli %arg1, %mul3A_340 : i32
    %add3A_342 = arith.constant 560 : i32
    %add3A_343 = arith.addi %mul3A_341, %add3A_342 : i32
    %dma_start3A_344 = arith.constant 0 : i32
    %dma_start3A_345 = arith.constant 0 : i32
    %dma_start3A_346 = tpu.memref_slice %arg15[%dma_start3A_344, %dma_start3A_345] : memref<80x64xf32, #tpu.memory_space<vmem>> -> memref<72x64xf32, #tpu.memory_space<vmem>>
    %dma_start3A_347 = arith.constant 0 : i32
    %dma_start3A_348 = tpu.memref_slice %arg18[%add3A_343, %dma_start3A_347] : memref<10112x64xf32, #tpu.memory_space<vmem_shared>> -> memref<72x64xf32, #tpu.memory_space<vmem_shared>>
    %dma_start3A_349 = arith.constant 0 : i32
    %dma_start3A_350 = arith.constant 0 : i32
    %dma_start3A_351 = tpu.memref_slice %arg15[%dma_start3A_349, %dma_start3A_350] : memref<80x64xf32, #tpu.memory_space<vmem>> -> memref<72x64xf32, #tpu.memory_space<vmem>>
    %dma_start3A_352 = arith.constant 0 : i32
    %dma_start3A_353 = tpu.memref_slice %arg18[%add3A_343, %dma_start3A_352] : memref<10112x64xf32, #tpu.memory_space<vmem_shared>> -> memref<72x64xf32, #tpu.memory_space<vmem_shared>>
    tpu.enqueue_dma source(%dma_start3A_353 : memref<72x64xf32, #tpu.memory_space<vmem_shared>>) target(%dma_start3A_351 : memref<72x64xf32, #tpu.memory_space<vmem>>) target_semaphore(%arg26 : memref<!tpu.dma_semaphore, #tpu.memory_space<semaphore_mem>>)
    %mul3A_354 = arith.constant 632 : i32
    %mul3A_355 = arith.muli %arg1, %mul3A_354 : i32
    %add3A_356 = arith.constant 0 : i32
    %add3A_357 = arith.addi %mul3A_355, %add3A_356 : i32
    %dma_wait3A_358 = arith.constant 0 : i32
    %dma_wait3A_359 = arith.constant 0 : i32
    %dma_wait3A_360 = tpu.memref_slice %arg8[%dma_wait3A_358, %dma_wait3A_359] : memref<80x64xf32, #tpu.memory_space<vmem>> -> memref<80x64xf32, #tpu.memory_space<vmem>>
    %dma_wait3A_361 = arith.constant 0 : i32
    %dma_wait3A_362 = tpu.memref_slice %arg18[%add3A_357, %dma_wait3A_361] : memref<10112x64xf32, #tpu.memory_space<vmem_shared>> -> memref<80x64xf32, #tpu.memory_space<vmem_shared>>
    %dma_wait3A_363 = arith.constant 0 : i32
    %dma_wait3A_364 = arith.constant 0 : i32
    %dma_wait3A_365 = tpu.memref_slice %arg8[%dma_wait3A_363, %dma_wait3A_364] : memref<80x64xf32, #tpu.memory_space<vmem>> -> memref<80x64xf32, #tpu.memory_space<vmem>>
    %dma_wait3A_366 = arith.constant 0 : i32
    %dma_wait3A_367 = tpu.memref_slice %arg18[%add3A_357, %dma_wait3A_366] : memref<10112x64xf32, #tpu.memory_space<vmem_shared>> -> memref<80x64xf32, #tpu.memory_space<vmem_shared>>
    tpu.wait_dma2 semaphore(%arg19 : memref<!tpu.dma_semaphore, #tpu.memory_space<semaphore_mem>>) src(%dma_wait3A_367 : memref<80x64xf32, #tpu.memory_space<vmem_shared>>) dst(%dma_wait3A_365 : memref<80x64xf32, #tpu.memory_space<vmem>>)
    %mul3A_368 = arith.constant 632 : i32
    %mul3A_369 = arith.muli %arg1, %mul3A_368 : i32
    %add3A_370 = arith.constant 0 : i32
    %add3A_371 = arith.addi %mul3A_369, %add3A_370 : i32
    %dma_start3A_372 = arith.constant 0 : i32
    %dma_start3A_373 = arith.constant 0 : i32
    %dma_start3A_374 = tpu.memref_slice %arg8[%dma_start3A_372, %dma_start3A_373] : memref<80x64xf32, #tpu.memory_space<vmem>> -> memref<80x64xf32, #tpu.memory_space<vmem>>
    %dma_start3A_375 = arith.constant 0 : i32
    %dma_start3A_376 = tpu.memref_slice %arg5[%arg0, %add3A_371, %dma_start3A_375] : memref<2x10112x64xf32, #tpu.memory_space<hbm>> -> memref<1x80x64xf32, #tpu.memory_space<hbm>>
    %dma_start3A_377 = tpu.memref_squeeze %dma_start3A_376 : memref<1x80x64xf32, #tpu.memory_space<hbm>> -> memref<80x64xf32, #tpu.memory_space<hbm>>
    %dma_start3A_378 = arith.constant 0 : i32
    %dma_start3A_379 = tpu.memref_slice %arg5[%arg0, %add3A_371, %dma_start3A_378] : memref<2x10112x64xf32, #tpu.memory_space<hbm>> -> memref<1x80x64xf32, #tpu.memory_space<hbm>>
    %dma_start3A_380 = tpu.memref_squeeze %dma_start3A_379 : memref<1x80x64xf32, #tpu.memory_space<hbm>> -> memref<80x64xf32, #tpu.memory_space<hbm>>
    %dma_start3A_381 = arith.constant 0 : i32
    %dma_start3A_382 = arith.constant 0 : i32
    %dma_start3A_383 = tpu.memref_slice %arg8[%dma_start3A_381, %dma_start3A_382] : memref<80x64xf32, #tpu.memory_space<vmem>> -> memref<80x64xf32, #tpu.memory_space<vmem>>
    tpu.enqueue_dma source(%dma_start3A_383 : memref<80x64xf32, #tpu.memory_space<vmem>>) target(%dma_start3A_380 : memref<80x64xf32, #tpu.memory_space<hbm>>) target_semaphore(%arg29 : memref<!tpu.dma_semaphore, #tpu.memory_space<semaphore_mem>>)
    %mul3A_384 = arith.constant 632 : i32
    %mul3A_385 = arith.muli %arg1, %mul3A_384 : i32
    %add3A_386 = arith.constant 80 : i32
    %add3A_387 = arith.addi %mul3A_385, %add3A_386 : i32
    %dma_wait3A_388 = arith.constant 0 : i32
    %dma_wait3A_389 = arith.constant 0 : i32
    %dma_wait3A_390 = tpu.memref_slice %arg9[%dma_wait3A_388, %dma_wait3A_389] : memref<80x64xf32, #tpu.memory_space<vmem>> -> memref<80x64xf32, #tpu.memory_space<vmem>>
    %dma_wait3A_391 = arith.constant 0 : i32
    %dma_wait3A_392 = tpu.memref_slice %arg18[%add3A_387, %dma_wait3A_391] : memref<10112x64xf32, #tpu.memory_space<vmem_shared>> -> memref<80x64xf32, #tpu.memory_space<vmem_shared>>
    %dma_wait3A_393 = arith.constant 0 : i32
    %dma_wait3A_394 = arith.constant 0 : i32
    %dma_wait3A_395 = tpu.memref_slice %arg9[%dma_wait3A_393, %dma_wait3A_394] : memref<80x64xf32, #tpu.memory_space<vmem>> -> memref<80x64xf32, #tpu.memory_space<vmem>>
    %dma_wait3A_396 = arith.constant 0 : i32
    %dma_wait3A_397 = tpu.memref_slice %arg18[%add3A_387, %dma_wait3A_396] : memref<10112x64xf32, #tpu.memory_space<vmem_shared>> -> memref<80x64xf32, #tpu.memory_space<vmem_shared>>
    tpu.wait_dma2 semaphore(%arg20 : memref<!tpu.dma_semaphore, #tpu.memory_space<semaphore_mem>>) src(%dma_wait3A_397 : memref<80x64xf32, #tpu.memory_space<vmem_shared>>) dst(%dma_wait3A_395 : memref<80x64xf32, #tpu.memory_space<vmem>>)
    %mul3A_398 = arith.constant 632 : i32
    %mul3A_399 = arith.muli %arg1, %mul3A_398 : i32
    %add3A_400 = arith.constant 80 : i32
    %add3A_401 = arith.addi %mul3A_399, %add3A_400 : i32
    %dma_start3A_402 = arith.constant 0 : i32
    %dma_start3A_403 = arith.constant 0 : i32
    %dma_start3A_404 = tpu.memref_slice %arg9[%dma_start3A_402, %dma_start3A_403] : memref<80x64xf32, #tpu.memory_space<vmem>> -> memref<80x64xf32, #tpu.memory_space<vmem>>
    %dma_start3A_405 = arith.constant 0 : i32
    %dma_start3A_406 = tpu.memref_slice %arg5[%arg0, %add3A_401, %dma_start3A_405] : memref<2x10112x64xf32, #tpu.memory_space<hbm>> -> memref<1x80x64xf32, #tpu.memory_space<hbm>>
    %dma_start3A_407 = tpu.memref_squeeze %dma_start3A_406 : memref<1x80x64xf32, #tpu.memory_space<hbm>> -> memref<80x64xf32, #tpu.memory_space<hbm>>
    %dma_start3A_408 = arith.constant 0 : i32
    %dma_start3A_409 = tpu.memref_slice %arg5[%arg0, %add3A_401, %dma_start3A_408] : memref<2x10112x64xf32, #tpu.memory_space<hbm>> -> memref<1x80x64xf32, #tpu.memory_space<hbm>>
    %dma_start3A_410 = tpu.memref_squeeze %dma_start3A_409 : memref<1x80x64xf32, #tpu.memory_space<hbm>> -> memref<80x64xf32, #tpu.memory_space<hbm>>
    %dma_start3A_411 = arith.constant 0 : i32
    %dma_start3A_412 = arith.constant 0 : i32
    %dma_start3A_413 = tpu.memref_slice %arg9[%dma_start3A_411, %dma_start3A_412] : memref<80x64xf32, #tpu.memory_space<vmem>> -> memref<80x64xf32, #tpu.memory_space<vmem>>
    tpu.enqueue_dma source(%dma_start3A_413 : memref<80x64xf32, #tpu.memory_space<vmem>>) target(%dma_start3A_410 : memref<80x64xf32, #tpu.memory_space<hbm>>) target_semaphore(%arg30 : memref<!tpu.dma_semaphore, #tpu.memory_space<semaphore_mem>>)
    %mul3A_414 = arith.constant 632 : i32
    %mul3A_415 = arith.muli %arg1, %mul3A_414 : i32
    %add3A_416 = arith.constant 160 : i32
    %add3A_417 = arith.addi %mul3A_415, %add3A_416 : i32
    %dma_wait3A_418 = arith.constant 0 : i32
    %dma_wait3A_419 = arith.constant 0 : i32
    %dma_wait3A_420 = tpu.memref_slice %arg10[%dma_wait3A_418, %dma_wait3A_419] : memref<80x64xf32, #tpu.memory_space<vmem>> -> memref<80x64xf32, #tpu.memory_space<vmem>>
    %dma_wait3A_421 = arith.constant 0 : i32
    %dma_wait3A_422 = tpu.memref_slice %arg18[%add3A_417, %dma_wait3A_421] : memref<10112x64xf32, #tpu.memory_space<vmem_shared>> -> memref<80x64xf32, #tpu.memory_space<vmem_shared>>
    %dma_wait3A_423 = arith.constant 0 : i32
    %dma_wait3A_424 = arith.constant 0 : i32
    %dma_wait3A_425 = tpu.memref_slice %arg10[%dma_wait3A_423, %dma_wait3A_424] : memref<80x64xf32, #tpu.memory_space<vmem>> -> memref<80x64xf32, #tpu.memory_space<vmem>>
    %dma_wait3A_426 = arith.constant 0 : i32
    %dma_wait3A_427 = tpu.memref_slice %arg18[%add3A_417, %dma_wait3A_426] : memref<10112x64xf32, #tpu.memory_space<vmem_shared>> -> memref<80x64xf32, #tpu.memory_space<vmem_shared>>
    tpu.wait_dma2 semaphore(%arg21 : memref<!tpu.dma_semaphore, #tpu.memory_space<semaphore_mem>>) src(%dma_wait3A_427 : memref<80x64xf32, #tpu.memory_space<vmem_shared>>) dst(%dma_wait3A_425 : memref<80x64xf32, #tpu.memory_space<vmem>>)
    %mul3A_428 = arith.constant 632 : i32
    %mul3A_429 = arith.muli %arg1, %mul3A_428 : i32
    %add3A_430 = arith.constant 160 : i32
    %add3A_431 = arith.addi %mul3A_429, %add3A_430 : i32
    %dma_start3A_432 = arith.constant 0 : i32
    %dma_start3A_433 = arith.constant 0 : i32
    %dma_start3A_434 = tpu.memref_slice %arg10[%dma_start3A_432, %dma_start3A_433] : memref<80x64xf32, #tpu.memory_space<vmem>> -> memref<80x64xf32, #tpu.memory_space<vmem>>
    %dma_start3A_435 = arith.constant 0 : i32
    %dma_start3A_436 = tpu.memref_slice %arg5[%arg0, %add3A_431, %dma_start3A_435] : memref<2x10112x64xf32, #tpu.memory_space<hbm>> -> memref<1x80x64xf32, #tpu.memory_space<hbm>>
    %dma_start3A_437 = tpu.memref_squeeze %dma_start3A_436 : memref<1x80x64xf32, #tpu.memory_space<hbm>> -> memref<80x64xf32, #tpu.memory_space<hbm>>
    %dma_start3A_438 = arith.constant 0 : i32
    %dma_start3A_439 = tpu.memref_slice %arg5[%arg0, %add3A_431, %dma_start3A_438] : memref<2x10112x64xf32, #tpu.memory_space<hbm>> -> memref<1x80x64xf32, #tpu.memory_space<hbm>>
    %dma_start3A_440 = tpu.memref_squeeze %dma_start3A_439 : memref<1x80x64xf32, #tpu.memory_space<hbm>> -> memref<80x64xf32, #tpu.memory_space<hbm>>
    %dma_start3A_441 = arith.constant 0 : i32
    %dma_start3A_442 = arith.constant 0 : i32
    %dma_start3A_443 = tpu.memref_slice %arg10[%dma_start3A_441, %dma_start3A_442] : memref<80x64xf32, #tpu.memory_space<vmem>> -> memref<80x64xf32, #tpu.memory_space<vmem>>
    tpu.enqueue_dma source(%dma_start3A_443 : memref<80x64xf32, #tpu.memory_space<vmem>>) target(%dma_start3A_440 : memref<80x64xf32, #tpu.memory_space<hbm>>) target_semaphore(%arg31 : memref<!tpu.dma_semaphore, #tpu.memory_space<semaphore_mem>>)
    %mul3A_444 = arith.constant 632 : i32
    %mul3A_445 = arith.muli %arg1, %mul3A_444 : i32
    %add3A_446 = arith.constant 240 : i32
    %add3A_447 = arith.addi %mul3A_445, %add3A_446 : i32
    %dma_wait3A_448 = arith.constant 0 : i32
    %dma_wait3A_449 = arith.constant 0 : i32
    %dma_wait3A_450 = tpu.memref_slice %arg11[%dma_wait3A_448, %dma_wait3A_449] : memref<80x64xf32, #tpu.memory_space<vmem>> -> memref<80x64xf32, #tpu.memory_space<vmem>>
    %dma_wait3A_451 = arith.constant 0 : i32
    %dma_wait3A_452 = tpu.memref_slice %arg18[%add3A_447, %dma_wait3A_451] : memref<10112x64xf32, #tpu.memory_space<vmem_shared>> -> memref<80x64xf32, #tpu.memory_space<vmem_shared>>
    %dma_wait3A_453 = arith.constant 0 : i32
    %dma_wait3A_454 = arith.constant 0 : i32
    %dma_wait3A_455 = tpu.memref_slice %arg11[%dma_wait3A_453, %dma_wait3A_454] : memref<80x64xf32, #tpu.memory_space<vmem>> -> memref<80x64xf32, #tpu.memory_space<vmem>>
    %dma_wait3A_456 = arith.constant 0 : i32
    %dma_wait3A_457 = tpu.memref_slice %arg18[%add3A_447, %dma_wait3A_456] : memref<10112x64xf32, #tpu.memory_space<vmem_shared>> -> memref<80x64xf32, #tpu.memory_space<vmem_shared>>
    tpu.wait_dma2 semaphore(%arg22 : memref<!tpu.dma_semaphore, #tpu.memory_space<semaphore_mem>>) src(%dma_wait3A_457 : memref<80x64xf32, #tpu.memory_space<vmem_shared>>) dst(%dma_wait3A_455 : memref<80x64xf32, #tpu.memory_space<vmem>>)
    %mul3A_458 = arith.constant 632 : i32
    %mul3A_459 = arith.muli %arg1, %mul3A_458 : i32
    %add3A_460 = arith.constant 240 : i32
    %add3A_461 = arith.addi %mul3A_459, %add3A_460 : i32
    %dma_start3A_462 = arith.constant 0 : i32
    %dma_start3A_463 = arith.constant 0 : i32
    %dma_start3A_464 = tpu.memref_slice %arg11[%dma_start3A_462, %dma_start3A_463] : memref<80x64xf32, #tpu.memory_space<vmem>> -> memref<80x64xf32, #tpu.memory_space<vmem>>
    %dma_start3A_465 = arith.constant 0 : i32
    %dma_start3A_466 = tpu.memref_slice %arg5[%arg0, %add3A_461, %dma_start3A_465] : memref<2x10112x64xf32, #tpu.memory_space<hbm>> -> memref<1x80x64xf32, #tpu.memory_space<hbm>>
    %dma_start3A_467 = tpu.memref_squeeze %dma_start3A_466 : memref<1x80x64xf32, #tpu.memory_space<hbm>> -> memref<80x64xf32, #tpu.memory_space<hbm>>
    %dma_start3A_468 = arith.constant 0 : i32
    %dma_start3A_469 = tpu.memref_slice %arg5[%arg0, %add3A_461, %dma_start3A_468] : memref<2x10112x64xf32, #tpu.memory_space<hbm>> -> memref<1x80x64xf32, #tpu.memory_space<hbm>>
    %dma_start3A_470 = tpu.memref_squeeze %dma_start3A_469 : memref<1x80x64xf32, #tpu.memory_space<hbm>> -> memref<80x64xf32, #tpu.memory_space<hbm>>
    %dma_start3A_471 = arith.constant 0 : i32
    %dma_start3A_472 = arith.constant 0 : i32
    %dma_start3A_473 = tpu.memref_slice %arg11[%dma_start3A_471, %dma_start3A_472] : memref<80x64xf32, #tpu.memory_space<vmem>> -> memref<80x64xf32, #tpu.memory_space<vmem>>
    tpu.enqueue_dma source(%dma_start3A_473 : memref<80x64xf32, #tpu.memory_space<vmem>>) target(%dma_start3A_470 : memref<80x64xf32, #tpu.memory_space<hbm>>) target_semaphore(%arg32 : memref<!tpu.dma_semaphore, #tpu.memory_space<semaphore_mem>>)
    %mul3A_474 = arith.constant 632 : i32
    %mul3A_475 = arith.muli %arg1, %mul3A_474 : i32
    %add3A_476 = arith.constant 320 : i32
    %add3A_477 = arith.addi %mul3A_475, %add3A_476 : i32
    %dma_wait3A_478 = arith.constant 0 : i32
    %dma_wait3A_479 = arith.constant 0 : i32
    %dma_wait3A_480 = tpu.memref_slice %arg12[%dma_wait3A_478, %dma_wait3A_479] : memref<80x64xf32, #tpu.memory_space<vmem>> -> memref<80x64xf32, #tpu.memory_space<vmem>>
    %dma_wait3A_481 = arith.constant 0 : i32
    %dma_wait3A_482 = tpu.memref_slice %arg18[%add3A_477, %dma_wait3A_481] : memref<10112x64xf32, #tpu.memory_space<vmem_shared>> -> memref<80x64xf32, #tpu.memory_space<vmem_shared>>
    %dma_wait3A_483 = arith.constant 0 : i32
    %dma_wait3A_484 = arith.constant 0 : i32
    %dma_wait3A_485 = tpu.memref_slice %arg12[%dma_wait3A_483, %dma_wait3A_484] : memref<80x64xf32, #tpu.memory_space<vmem>> -> memref<80x64xf32, #tpu.memory_space<vmem>>
    %dma_wait3A_486 = arith.constant 0 : i32
    %dma_wait3A_487 = tpu.memref_slice %arg18[%add3A_477, %dma_wait3A_486] : memref<10112x64xf32, #tpu.memory_space<vmem_shared>> -> memref<80x64xf32, #tpu.memory_space<vmem_shared>>
    tpu.wait_dma2 semaphore(%arg23 : memref<!tpu.dma_semaphore, #tpu.memory_space<semaphore_mem>>) src(%dma_wait3A_487 : memref<80x64xf32, #tpu.memory_space<vmem_shared>>) dst(%dma_wait3A_485 : memref<80x64xf32, #tpu.memory_space<vmem>>)
    %mul3A_488 = arith.constant 632 : i32
    %mul3A_489 = arith.muli %arg1, %mul3A_488 : i32
    %add3A_490 = arith.constant 320 : i32
    %add3A_491 = arith.addi %mul3A_489, %add3A_490 : i32
    %dma_start3A_492 = arith.constant 0 : i32
    %dma_start3A_493 = arith.constant 0 : i32
    %dma_start3A_494 = tpu.memref_slice %arg12[%dma_start3A_492, %dma_start3A_493] : memref<80x64xf32, #tpu.memory_space<vmem>> -> memref<80x64xf32, #tpu.memory_space<vmem>>
    %dma_start3A_495 = arith.constant 0 : i32
    %dma_start3A_496 = tpu.memref_slice %arg5[%arg0, %add3A_491, %dma_start3A_495] : memref<2x10112x64xf32, #tpu.memory_space<hbm>> -> memref<1x80x64xf32, #tpu.memory_space<hbm>>
    %dma_start3A_497 = tpu.memref_squeeze %dma_start3A_496 : memref<1x80x64xf32, #tpu.memory_space<hbm>> -> memref<80x64xf32, #tpu.memory_space<hbm>>
    %dma_start3A_498 = arith.constant 0 : i32
    %dma_start3A_499 = tpu.memref_slice %arg5[%arg0, %add3A_491, %dma_start3A_498] : memref<2x10112x64xf32, #tpu.memory_space<hbm>> -> memref<1x80x64xf32, #tpu.memory_space<hbm>>
    %dma_start3A_500 = tpu.memref_squeeze %dma_start3A_499 : memref<1x80x64xf32, #tpu.memory_space<hbm>> -> memref<80x64xf32, #tpu.memory_space<hbm>>
    %dma_start3A_501 = arith.constant 0 : i32
    %dma_start3A_502 = arith.constant 0 : i32
    %dma_start3A_503 = tpu.memref_slice %arg12[%dma_start3A_501, %dma_start3A_502] : memref<80x64xf32, #tpu.memory_space<vmem>> -> memref<80x64xf32, #tpu.memory_space<vmem>>
    tpu.enqueue_dma source(%dma_start3A_503 : memref<80x64xf32, #tpu.memory_space<vmem>>) target(%dma_start3A_500 : memref<80x64xf32, #tpu.memory_space<hbm>>) target_semaphore(%arg33 : memref<!tpu.dma_semaphore, #tpu.memory_space<semaphore_mem>>)
    %mul3A_504 = arith.constant 632 : i32
    %mul3A_505 = arith.muli %arg1, %mul3A_504 : i32
    %add3A_506 = arith.constant 400 : i32
    %add3A_507 = arith.addi %mul3A_505, %add3A_506 : i32
    %dma_wait3A_508 = arith.constant 0 : i32
    %dma_wait3A_509 = arith.constant 0 : i32
    %dma_wait3A_510 = tpu.memref_slice %arg13[%dma_wait3A_508, %dma_wait3A_509] : memref<80x64xf32, #tpu.memory_space<vmem>> -> memref<80x64xf32, #tpu.memory_space<vmem>>
    %dma_wait3A_511 = arith.constant 0 : i32
    %dma_wait3A_512 = tpu.memref_slice %arg18[%add3A_507, %dma_wait3A_511] : memref<10112x64xf32, #tpu.memory_space<vmem_shared>> -> memref<80x64xf32, #tpu.memory_space<vmem_shared>>
    %dma_wait3A_513 = arith.constant 0 : i32
    %dma_wait3A_514 = arith.constant 0 : i32
    %dma_wait3A_515 = tpu.memref_slice %arg13[%dma_wait3A_513, %dma_wait3A_514] : memref<80x64xf32, #tpu.memory_space<vmem>> -> memref<80x64xf32, #tpu.memory_space<vmem>>
    %dma_wait3A_516 = arith.constant 0 : i32
    %dma_wait3A_517 = tpu.memref_slice %arg18[%add3A_507, %dma_wait3A_516] : memref<10112x64xf32, #tpu.memory_space<vmem_shared>> -> memref<80x64xf32, #tpu.memory_space<vmem_shared>>
    tpu.wait_dma2 semaphore(%arg24 : memref<!tpu.dma_semaphore, #tpu.memory_space<semaphore_mem>>) src(%dma_wait3A_517 : memref<80x64xf32, #tpu.memory_space<vmem_shared>>) dst(%dma_wait3A_515 : memref<80x64xf32, #tpu.memory_space<vmem>>)
    %mul3A_518 = arith.constant 632 : i32
    %mul3A_519 = arith.muli %arg1, %mul3A_518 : i32
    %add3A_520 = arith.constant 400 : i32
    %add3A_521 = arith.addi %mul3A_519, %add3A_520 : i32
    %dma_start3A_522 = arith.constant 0 : i32
    %dma_start3A_523 = arith.constant 0 : i32
    %dma_start3A_524 = tpu.memref_slice %arg13[%dma_start3A_522, %dma_start3A_523] : memref<80x64xf32, #tpu.memory_space<vmem>> -> memref<80x64xf32, #tpu.memory_space<vmem>>
    %dma_start3A_525 = arith.constant 0 : i32
    %dma_start3A_526 = tpu.memref_slice %arg5[%arg0, %add3A_521, %dma_start3A_525] : memref<2x10112x64xf32, #tpu.memory_space<hbm>> -> memref<1x80x64xf32, #tpu.memory_space<hbm>>
    %dma_start3A_527 = tpu.memref_squeeze %dma_start3A_526 : memref<1x80x64xf32, #tpu.memory_space<hbm>> -> memref<80x64xf32, #tpu.memory_space<hbm>>
    %dma_start3A_528 = arith.constant 0 : i32
    %dma_start3A_529 = tpu.memref_slice %arg5[%arg0, %add3A_521, %dma_start3A_528] : memref<2x10112x64xf32, #tpu.memory_space<hbm>> -> memref<1x80x64xf32, #tpu.memory_space<hbm>>
    %dma_start3A_530 = tpu.memref_squeeze %dma_start3A_529 : memref<1x80x64xf32, #tpu.memory_space<hbm>> -> memref<80x64xf32, #tpu.memory_space<hbm>>
    %dma_start3A_531 = arith.constant 0 : i32
    %dma_start3A_532 = arith.constant 0 : i32
    %dma_start3A_533 = tpu.memref_slice %arg13[%dma_start3A_531, %dma_start3A_532] : memref<80x64xf32, #tpu.memory_space<vmem>> -> memref<80x64xf32, #tpu.memory_space<vmem>>
    tpu.enqueue_dma source(%dma_start3A_533 : memref<80x64xf32, #tpu.memory_space<vmem>>) target(%dma_start3A_530 : memref<80x64xf32, #tpu.memory_space<hbm>>) target_semaphore(%arg34 : memref<!tpu.dma_semaphore, #tpu.memory_space<semaphore_mem>>)
    %mul3A_534 = arith.constant 632 : i32
    %mul3A_535 = arith.muli %arg1, %mul3A_534 : i32
    %add3A_536 = arith.constant 480 : i32
    %add3A_537 = arith.addi %mul3A_535, %add3A_536 : i32
    %dma_wait3A_538 = arith.constant 0 : i32
    %dma_wait3A_539 = arith.constant 0 : i32
    %dma_wait3A_540 = tpu.memref_slice %arg14[%dma_wait3A_538, %dma_wait3A_539] : memref<80x64xf32, #tpu.memory_space<vmem>> -> memref<80x64xf32, #tpu.memory_space<vmem>>
    %dma_wait3A_541 = arith.constant 0 : i32
    %dma_wait3A_542 = tpu.memref_slice %arg18[%add3A_537, %dma_wait3A_541] : memref<10112x64xf32, #tpu.memory_space<vmem_shared>> -> memref<80x64xf32, #tpu.memory_space<vmem_shared>>
    %dma_wait3A_543 = arith.constant 0 : i32
    %dma_wait3A_544 = arith.constant 0 : i32
    %dma_wait3A_545 = tpu.memref_slice %arg14[%dma_wait3A_543, %dma_wait3A_544] : memref<80x64xf32, #tpu.memory_space<vmem>> -> memref<80x64xf32, #tpu.memory_space<vmem>>
    %dma_wait3A_546 = arith.constant 0 : i32
    %dma_wait3A_547 = tpu.memref_slice %arg18[%add3A_537, %dma_wait3A_546] : memref<10112x64xf32, #tpu.memory_space<vmem_shared>> -> memref<80x64xf32, #tpu.memory_space<vmem_shared>>
    tpu.wait_dma2 semaphore(%arg25 : memref<!tpu.dma_semaphore, #tpu.memory_space<semaphore_mem>>) src(%dma_wait3A_547 : memref<80x64xf32, #tpu.memory_space<vmem_shared>>) dst(%dma_wait3A_545 : memref<80x64xf32, #tpu.memory_space<vmem>>)
    %mul3A_548 = arith.constant 632 : i32
    %mul3A_549 = arith.muli %arg1, %mul3A_548 : i32
    %add3A_550 = arith.constant 480 : i32
    %add3A_551 = arith.addi %mul3A_549, %add3A_550 : i32
    %dma_start3A_552 = arith.constant 0 : i32
    %dma_start3A_553 = arith.constant 0 : i32
    %dma_start3A_554 = tpu.memref_slice %arg14[%dma_start3A_552, %dma_start3A_553] : memref<80x64xf32, #tpu.memory_space<vmem>> -> memref<80x64xf32, #tpu.memory_space<vmem>>
    %dma_start3A_555 = arith.constant 0 : i32
    %dma_start3A_556 = tpu.memref_slice %arg5[%arg0, %add3A_551, %dma_start3A_555] : memref<2x10112x64xf32, #tpu.memory_space<hbm>> -> memref<1x80x64xf32, #tpu.memory_space<hbm>>
    %dma_start3A_557 = tpu.memref_squeeze %dma_start3A_556 : memref<1x80x64xf32, #tpu.memory_space<hbm>> -> memref<80x64xf32, #tpu.memory_space<hbm>>
    %dma_start3A_558 = arith.constant 0 : i32
    %dma_start3A_559 = tpu.memref_slice %arg5[%arg0, %add3A_551, %dma_start3A_558] : memref<2x10112x64xf32, #tpu.memory_space<hbm>> -> memref<1x80x64xf32, #tpu.memory_space<hbm>>
    %dma_start3A_560 = tpu.memref_squeeze %dma_start3A_559 : memref<1x80x64xf32, #tpu.memory_space<hbm>> -> memref<80x64xf32, #tpu.memory_space<hbm>>
    %dma_start3A_561 = arith.constant 0 : i32
    %dma_start3A_562 = arith.constant 0 : i32
    %dma_start3A_563 = tpu.memref_slice %arg14[%dma_start3A_561, %dma_start3A_562] : memref<80x64xf32, #tpu.memory_space<vmem>> -> memref<80x64xf32, #tpu.memory_space<vmem>>
    tpu.enqueue_dma source(%dma_start3A_563 : memref<80x64xf32, #tpu.memory_space<vmem>>) target(%dma_start3A_560 : memref<80x64xf32, #tpu.memory_space<hbm>>) target_semaphore(%arg35 : memref<!tpu.dma_semaphore, #tpu.memory_space<semaphore_mem>>)
    %mul3A_564 = arith.constant 632 : i32
    %mul3A_565 = arith.muli %arg1, %mul3A_564 : i32
    %add3A_566 = arith.constant 560 : i32
    %add3A_567 = arith.addi %mul3A_565, %add3A_566 : i32
    %dma_wait3A_568 = arith.constant 0 : i32
    %dma_wait3A_569 = arith.constant 0 : i32
    %dma_wait3A_570 = tpu.memref_slice %arg15[%dma_wait3A_568, %dma_wait3A_569] : memref<80x64xf32, #tpu.memory_space<vmem>> -> memref<72x64xf32, #tpu.memory_space<vmem>>
    %dma_wait3A_571 = arith.constant 0 : i32
    %dma_wait3A_572 = tpu.memref_slice %arg18[%add3A_567, %dma_wait3A_571] : memref<10112x64xf32, #tpu.memory_space<vmem_shared>> -> memref<72x64xf32, #tpu.memory_space<vmem_shared>>
    %dma_wait3A_573 = arith.constant 0 : i32
    %dma_wait3A_574 = arith.constant 0 : i32
    %dma_wait3A_575 = tpu.memref_slice %arg15[%dma_wait3A_573, %dma_wait3A_574] : memref<80x64xf32, #tpu.memory_space<vmem>> -> memref<72x64xf32, #tpu.memory_space<vmem>>
    %dma_wait3A_576 = arith.constant 0 : i32
    %dma_wait3A_577 = tpu.memref_slice %arg18[%add3A_567, %dma_wait3A_576] : memref<10112x64xf32, #tpu.memory_space<vmem_shared>> -> memref<72x64xf32, #tpu.memory_space<vmem_shared>>
    tpu.wait_dma2 semaphore(%arg26 : memref<!tpu.dma_semaphore, #tpu.memory_space<semaphore_mem>>) src(%dma_wait3A_577 : memref<72x64xf32, #tpu.memory_space<vmem_shared>>) dst(%dma_wait3A_575 : memref<72x64xf32, #tpu.memory_space<vmem>>)
    %mul3A_578 = arith.constant 632 : i32
    %mul3A_579 = arith.muli %arg1, %mul3A_578 : i32
    %add3A_580 = arith.constant 560 : i32
    %add3A_581 = arith.addi %mul3A_579, %add3A_580 : i32
    %dma_start3A_582 = arith.constant 0 : i32
    %dma_start3A_583 = arith.constant 0 : i32
    %dma_start3A_584 = tpu.memref_slice %arg15[%dma_start3A_582, %dma_start3A_583] : memref<80x64xf32, #tpu.memory_space<vmem>> -> memref<72x64xf32, #tpu.memory_space<vmem>>
    %dma_start3A_585 = arith.constant 0 : i32
    %dma_start3A_586 = tpu.memref_slice %arg5[%arg0, %add3A_581, %dma_start3A_585] : memref<2x10112x64xf32, #tpu.memory_space<hbm>> -> memref<1x72x64xf32, #tpu.memory_space<hbm>>
    %dma_start3A_587 = tpu.memref_squeeze %dma_start3A_586 : memref<1x72x64xf32, #tpu.memory_space<hbm>> -> memref<72x64xf32, #tpu.memory_space<hbm>>
    %dma_start3A_588 = arith.constant 0 : i32
    %dma_start3A_589 = tpu.memref_slice %arg5[%arg0, %add3A_581, %dma_start3A_588] : memref<2x10112x64xf32, #tpu.memory_space<hbm>> -> memref<1x72x64xf32, #tpu.memory_space<hbm>>
    %dma_start3A_590 = tpu.memref_squeeze %dma_start3A_589 : memref<1x72x64xf32, #tpu.memory_space<hbm>> -> memref<72x64xf32, #tpu.memory_space<hbm>>
    %dma_start3A_591 = arith.constant 0 : i32
    %dma_start3A_592 = arith.constant 0 : i32
    %dma_start3A_593 = tpu.memref_slice %arg15[%dma_start3A_591, %dma_start3A_592] : memref<80x64xf32, #tpu.memory_space<vmem>> -> memref<72x64xf32, #tpu.memory_space<vmem>>
    tpu.enqueue_dma source(%dma_start3A_593 : memref<72x64xf32, #tpu.memory_space<vmem>>) target(%dma_start3A_590 : memref<72x64xf32, #tpu.memory_space<hbm>>) target_semaphore(%arg36 : memref<!tpu.dma_semaphore, #tpu.memory_space<semaphore_mem>>)
    %mul3A_594 = arith.constant 632 : i32
    %mul3A_595 = arith.muli %arg1, %mul3A_594 : i32
    %add3A_596 = arith.constant 0 : i32
    %add3A_597 = arith.addi %mul3A_595, %add3A_596 : i32
    %dma_wait3A_598 = arith.constant 0 : i32
    %dma_wait3A_599 = arith.constant 0 : i32
    %dma_wait3A_600 = tpu.memref_slice %arg8[%dma_wait3A_598, %dma_wait3A_599] : memref<80x64xf32, #tpu.memory_space<vmem>> -> memref<80x64xf32, #tpu.memory_space<vmem>>
    %dma_wait3A_601 = arith.constant 0 : i32
    %dma_wait3A_602 = tpu.memref_slice %arg5[%arg0, %add3A_597, %dma_wait3A_601] : memref<2x10112x64xf32, #tpu.memory_space<hbm>> -> memref<1x80x64xf32, #tpu.memory_space<hbm>>
    %dma_wait3A_603 = tpu.memref_squeeze %dma_wait3A_602 : memref<1x80x64xf32, #tpu.memory_space<hbm>> -> memref<80x64xf32, #tpu.memory_space<hbm>>
    %dma_wait3A_604 = arith.constant 0 : i32
    %dma_wait3A_605 = tpu.memref_slice %arg5[%arg0, %add3A_597, %dma_wait3A_604] : memref<2x10112x64xf32, #tpu.memory_space<hbm>> -> memref<1x80x64xf32, #tpu.memory_space<hbm>>
    %dma_wait3A_606 = tpu.memref_squeeze %dma_wait3A_605 : memref<1x80x64xf32, #tpu.memory_space<hbm>> -> memref<80x64xf32, #tpu.memory_space<hbm>>
    %dma_wait3A_607 = arith.constant 0 : i32
    %dma_wait3A_608 = arith.constant 0 : i32
    %dma_wait3A_609 = tpu.memref_slice %arg8[%dma_wait3A_607, %dma_wait3A_608] : memref<80x64xf32, #tpu.memory_space<vmem>> -> memref<80x64xf32, #tpu.memory_space<vmem>>
    tpu.wait_dma2 semaphore(%arg29 : memref<!tpu.dma_semaphore, #tpu.memory_space<semaphore_mem>>) src(%dma_wait3A_609 : memref<80x64xf32, #tpu.memory_space<vmem>>) dst(%dma_wait3A_606 : memref<80x64xf32, #tpu.memory_space<hbm>>)
    %mul3A_610 = arith.constant 632 : i32
    %mul3A_611 = arith.muli %arg1, %mul3A_610 : i32
    %add3A_612 = arith.constant 80 : i32
    %add3A_613 = arith.addi %mul3A_611, %add3A_612 : i32
    %dma_wait3A_614 = arith.constant 0 : i32
    %dma_wait3A_615 = arith.constant 0 : i32
    %dma_wait3A_616 = tpu.memref_slice %arg9[%dma_wait3A_614, %dma_wait3A_615] : memref<80x64xf32, #tpu.memory_space<vmem>> -> memref<80x64xf32, #tpu.memory_space<vmem>>
    %dma_wait3A_617 = arith.constant 0 : i32
    %dma_wait3A_618 = tpu.memref_slice %arg5[%arg0, %add3A_613, %dma_wait3A_617] : memref<2x10112x64xf32, #tpu.memory_space<hbm>> -> memref<1x80x64xf32, #tpu.memory_space<hbm>>
    %dma_wait3A_619 = tpu.memref_squeeze %dma_wait3A_618 : memref<1x80x64xf32, #tpu.memory_space<hbm>> -> memref<80x64xf32, #tpu.memory_space<hbm>>
    %dma_wait3A_620 = arith.constant 0 : i32
    %dma_wait3A_621 = tpu.memref_slice %arg5[%arg0, %add3A_613, %dma_wait3A_620] : memref<2x10112x64xf32, #tpu.memory_space<hbm>> -> memref<1x80x64xf32, #tpu.memory_space<hbm>>
    %dma_wait3A_622 = tpu.memref_squeeze %dma_wait3A_621 : memref<1x80x64xf32, #tpu.memory_space<hbm>> -> memref<80x64xf32, #tpu.memory_space<hbm>>
    %dma_wait3A_623 = arith.constant 0 : i32
    %dma_wait3A_624 = arith.constant 0 : i32
    %dma_wait3A_625 = tpu.memref_slice %arg9[%dma_wait3A_623, %dma_wait3A_624] : memref<80x64xf32, #tpu.memory_space<vmem>> -> memref<80x64xf32, #tpu.memory_space<vmem>>
    tpu.wait_dma2 semaphore(%arg30 : memref<!tpu.dma_semaphore, #tpu.memory_space<semaphore_mem>>) src(%dma_wait3A_625 : memref<80x64xf32, #tpu.memory_space<vmem>>) dst(%dma_wait3A_622 : memref<80x64xf32, #tpu.memory_space<hbm>>)
    %mul3A_626 = arith.constant 632 : i32
    %mul3A_627 = arith.muli %arg1, %mul3A_626 : i32
    %add3A_628 = arith.constant 160 : i32
    %add3A_629 = arith.addi %mul3A_627, %add3A_628 : i32
    %dma_wait3A_630 = arith.constant 0 : i32
    %dma_wait3A_631 = arith.constant 0 : i32
    %dma_wait3A_632 = tpu.memref_slice %arg10[%dma_wait3A_630, %dma_wait3A_631] : memref<80x64xf32, #tpu.memory_space<vmem>> -> memref<80x64xf32, #tpu.memory_space<vmem>>
    %dma_wait3A_633 = arith.constant 0 : i32
    %dma_wait3A_634 = tpu.memref_slice %arg5[%arg0, %add3A_629, %dma_wait3A_633] : memref<2x10112x64xf32, #tpu.memory_space<hbm>> -> memref<1x80x64xf32, #tpu.memory_space<hbm>>
    %dma_wait3A_635 = tpu.memref_squeeze %dma_wait3A_634 : memref<1x80x64xf32, #tpu.memory_space<hbm>> -> memref<80x64xf32, #tpu.memory_space<hbm>>
    %dma_wait3A_636 = arith.constant 0 : i32
    %dma_wait3A_637 = tpu.memref_slice %arg5[%arg0, %add3A_629, %dma_wait3A_636] : memref<2x10112x64xf32, #tpu.memory_space<hbm>> -> memref<1x80x64xf32, #tpu.memory_space<hbm>>
    %dma_wait3A_638 = tpu.memref_squeeze %dma_wait3A_637 : memref<1x80x64xf32, #tpu.memory_space<hbm>> -> memref<80x64xf32, #tpu.memory_space<hbm>>
    %dma_wait3A_639 = arith.constant 0 : i32
    %dma_wait3A_640 = arith.constant 0 : i32
    %dma_wait3A_641 = tpu.memref_slice %arg10[%dma_wait3A_639, %dma_wait3A_640] : memref<80x64xf32, #tpu.memory_space<vmem>> -> memref<80x64xf32, #tpu.memory_space<vmem>>
    tpu.wait_dma2 semaphore(%arg31 : memref<!tpu.dma_semaphore, #tpu.memory_space<semaphore_mem>>) src(%dma_wait3A_641 : memref<80x64xf32, #tpu.memory_space<vmem>>) dst(%dma_wait3A_638 : memref<80x64xf32, #tpu.memory_space<hbm>>)
    %mul3A_642 = arith.constant 632 : i32
    %mul3A_643 = arith.muli %arg1, %mul3A_642 : i32
    %add3A_644 = arith.constant 240 : i32
    %add3A_645 = arith.addi %mul3A_643, %add3A_644 : i32
    %dma_wait3A_646 = arith.constant 0 : i32
    %dma_wait3A_647 = arith.constant 0 : i32
    %dma_wait3A_648 = tpu.memref_slice %arg11[%dma_wait3A_646, %dma_wait3A_647] : memref<80x64xf32, #tpu.memory_space<vmem>> -> memref<80x64xf32, #tpu.memory_space<vmem>>
    %dma_wait3A_649 = arith.constant 0 : i32
    %dma_wait3A_650 = tpu.memref_slice %arg5[%arg0, %add3A_645, %dma_wait3A_649] : memref<2x10112x64xf32, #tpu.memory_space<hbm>> -> memref<1x80x64xf32, #tpu.memory_space<hbm>>
    %dma_wait3A_651 = tpu.memref_squeeze %dma_wait3A_650 : memref<1x80x64xf32, #tpu.memory_space<hbm>> -> memref<80x64xf32, #tpu.memory_space<hbm>>
    %dma_wait3A_652 = arith.constant 0 : i32
    %dma_wait3A_653 = tpu.memref_slice %arg5[%arg0, %add3A_645, %dma_wait3A_652] : memref<2x10112x64xf32, #tpu.memory_space<hbm>> -> memref<1x80x64xf32, #tpu.memory_space<hbm>>
    %dma_wait3A_654 = tpu.memref_squeeze %dma_wait3A_653 : memref<1x80x64xf32, #tpu.memory_space<hbm>> -> memref<80x64xf32, #tpu.memory_space<hbm>>
    %dma_wait3A_655 = arith.constant 0 : i32
    %dma_wait3A_656 = arith.constant 0 : i32
    %dma_wait3A_657 = tpu.memref_slice %arg11[%dma_wait3A_655, %dma_wait3A_656] : memref<80x64xf32, #tpu.memory_space<vmem>> -> memref<80x64xf32, #tpu.memory_space<vmem>>
    tpu.wait_dma2 semaphore(%arg32 : memref<!tpu.dma_semaphore, #tpu.memory_space<semaphore_mem>>) src(%dma_wait3A_657 : memref<80x64xf32, #tpu.memory_space<vmem>>) dst(%dma_wait3A_654 : memref<80x64xf32, #tpu.memory_space<hbm>>)
    %mul3A_658 = arith.constant 632 : i32
    %mul3A_659 = arith.muli %arg1, %mul3A_658 : i32
    %add3A_660 = arith.constant 320 : i32
    %add3A_661 = arith.addi %mul3A_659, %add3A_660 : i32
    %dma_wait3A_662 = arith.constant 0 : i32
    %dma_wait3A_663 = arith.constant 0 : i32
    %dma_wait3A_664 = tpu.memref_slice %arg12[%dma_wait3A_662, %dma_wait3A_663] : memref<80x64xf32, #tpu.memory_space<vmem>> -> memref<80x64xf32, #tpu.memory_space<vmem>>
    %dma_wait3A_665 = arith.constant 0 : i32
    %dma_wait3A_666 = tpu.memref_slice %arg5[%arg0, %add3A_661, %dma_wait3A_665] : memref<2x10112x64xf32, #tpu.memory_space<hbm>> -> memref<1x80x64xf32, #tpu.memory_space<hbm>>
    %dma_wait3A_667 = tpu.memref_squeeze %dma_wait3A_666 : memref<1x80x64xf32, #tpu.memory_space<hbm>> -> memref<80x64xf32, #tpu.memory_space<hbm>>
    %dma_wait3A_668 = arith.constant 0 : i32
    %dma_wait3A_669 = tpu.memref_slice %arg5[%arg0, %add3A_661, %dma_wait3A_668] : memref<2x10112x64xf32, #tpu.memory_space<hbm>> -> memref<1x80x64xf32, #tpu.memory_space<hbm>>
    %dma_wait3A_670 = tpu.memref_squeeze %dma_wait3A_669 : memref<1x80x64xf32, #tpu.memory_space<hbm>> -> memref<80x64xf32, #tpu.memory_space<hbm>>
    %dma_wait3A_671 = arith.constant 0 : i32
    %dma_wait3A_672 = arith.constant 0 : i32
    %dma_wait3A_673 = tpu.memref_slice %arg12[%dma_wait3A_671, %dma_wait3A_672] : memref<80x64xf32, #tpu.memory_space<vmem>> -> memref<80x64xf32, #tpu.memory_space<vmem>>
    tpu.wait_dma2 semaphore(%arg33 : memref<!tpu.dma_semaphore, #tpu.memory_space<semaphore_mem>>) src(%dma_wait3A_673 : memref<80x64xf32, #tpu.memory_space<vmem>>) dst(%dma_wait3A_670 : memref<80x64xf32, #tpu.memory_space<hbm>>)
    %mul3A_674 = arith.constant 632 : i32
    %mul3A_675 = arith.muli %arg1, %mul3A_674 : i32
    %add3A_676 = arith.constant 400 : i32
    %add3A_677 = arith.addi %mul3A_675, %add3A_676 : i32
    %dma_wait3A_678 = arith.constant 0 : i32
    %dma_wait3A_679 = arith.constant 0 : i32
    %dma_wait3A_680 = tpu.memref_slice %arg13[%dma_wait3A_678, %dma_wait3A_679] : memref<80x64xf32, #tpu.memory_space<vmem>> -> memref<80x64xf32, #tpu.memory_space<vmem>>
    %dma_wait3A_681 = arith.constant 0 : i32
    %dma_wait3A_682 = tpu.memref_slice %arg5[%arg0, %add3A_677, %dma_wait3A_681] : memref<2x10112x64xf32, #tpu.memory_space<hbm>> -> memref<1x80x64xf32, #tpu.memory_space<hbm>>
    %dma_wait3A_683 = tpu.memref_squeeze %dma_wait3A_682 : memref<1x80x64xf32, #tpu.memory_space<hbm>> -> memref<80x64xf32, #tpu.memory_space<hbm>>
    %dma_wait3A_684 = arith.constant 0 : i32
    %dma_wait3A_685 = tpu.memref_slice %arg5[%arg0, %add3A_677, %dma_wait3A_684] : memref<2x10112x64xf32, #tpu.memory_space<hbm>> -> memref<1x80x64xf32, #tpu.memory_space<hbm>>
    %dma_wait3A_686 = tpu.memref_squeeze %dma_wait3A_685 : memref<1x80x64xf32, #tpu.memory_space<hbm>> -> memref<80x64xf32, #tpu.memory_space<hbm>>
    %dma_wait3A_687 = arith.constant 0 : i32
    %dma_wait3A_688 = arith.constant 0 : i32
    %dma_wait3A_689 = tpu.memref_slice %arg13[%dma_wait3A_687, %dma_wait3A_688] : memref<80x64xf32, #tpu.memory_space<vmem>> -> memref<80x64xf32, #tpu.memory_space<vmem>>
    tpu.wait_dma2 semaphore(%arg34 : memref<!tpu.dma_semaphore, #tpu.memory_space<semaphore_mem>>) src(%dma_wait3A_689 : memref<80x64xf32, #tpu.memory_space<vmem>>) dst(%dma_wait3A_686 : memref<80x64xf32, #tpu.memory_space<hbm>>)
    %mul3A_690 = arith.constant 632 : i32
    %mul3A_691 = arith.muli %arg1, %mul3A_690 : i32
    %add3A_692 = arith.constant 480 : i32
    %add3A_693 = arith.addi %mul3A_691, %add3A_692 : i32
    %dma_wait3A_694 = arith.constant 0 : i32
    %dma_wait3A_695 = arith.constant 0 : i32
    %dma_wait3A_696 = tpu.memref_slice %arg14[%dma_wait3A_694, %dma_wait3A_695] : memref<80x64xf32, #tpu.memory_space<vmem>> -> memref<80x64xf32, #tpu.memory_space<vmem>>
    %dma_wait3A_697 = arith.constant 0 : i32
    %dma_wait3A_698 = tpu.memref_slice %arg5[%arg0, %add3A_693, %dma_wait3A_697] : memref<2x10112x64xf32, #tpu.memory_space<hbm>> -> memref<1x80x64xf32, #tpu.memory_space<hbm>>
    %dma_wait3A_699 = tpu.memref_squeeze %dma_wait3A_698 : memref<1x80x64xf32, #tpu.memory_space<hbm>> -> memref<80x64xf32, #tpu.memory_space<hbm>>
    %dma_wait3A_700 = arith.constant 0 : i32
    %dma_wait3A_701 = tpu.memref_slice %arg5[%arg0, %add3A_693, %dma_wait3A_700] : memref<2x10112x64xf32, #tpu.memory_space<hbm>> -> memref<1x80x64xf32, #tpu.memory_space<hbm>>
    %dma_wait3A_702 = tpu.memref_squeeze %dma_wait3A_701 : memref<1x80x64xf32, #tpu.memory_space<hbm>> -> memref<80x64xf32, #tpu.memory_space<hbm>>
    %dma_wait3A_703 = arith.constant 0 : i32
    %dma_wait3A_704 = arith.constant 0 : i32
    %dma_wait3A_705 = tpu.memref_slice %arg14[%dma_wait3A_703, %dma_wait3A_704] : memref<80x64xf32, #tpu.memory_space<vmem>> -> memref<80x64xf32, #tpu.memory_space<vmem>>
    tpu.wait_dma2 semaphore(%arg35 : memref<!tpu.dma_semaphore, #tpu.memory_space<semaphore_mem>>) src(%dma_wait3A_705 : memref<80x64xf32, #tpu.memory_space<vmem>>) dst(%dma_wait3A_702 : memref<80x64xf32, #tpu.memory_space<hbm>>)
    %mul3A_706 = arith.constant 632 : i32
    %mul3A_707 = arith.muli %arg1, %mul3A_706 : i32
    %add3A_708 = arith.constant 560 : i32
    %add3A_709 = arith.addi %mul3A_707, %add3A_708 : i32
    %dma_wait3A_710 = arith.constant 0 : i32
    %dma_wait3A_711 = arith.constant 0 : i32
    %dma_wait3A_712 = tpu.memref_slice %arg15[%dma_wait3A_710, %dma_wait3A_711] : memref<80x64xf32, #tpu.memory_space<vmem>> -> memref<72x64xf32, #tpu.memory_space<vmem>>
    %dma_wait3A_713 = arith.constant 0 : i32
    %dma_wait3A_714 = tpu.memref_slice %arg5[%arg0, %add3A_709, %dma_wait3A_713] : memref<2x10112x64xf32, #tpu.memory_space<hbm>> -> memref<1x72x64xf32, #tpu.memory_space<hbm>>
    %dma_wait3A_715 = tpu.memref_squeeze %dma_wait3A_714 : memref<1x72x64xf32, #tpu.memory_space<hbm>> -> memref<72x64xf32, #tpu.memory_space<hbm>>
    %dma_wait3A_716 = arith.constant 0 : i32
    %dma_wait3A_717 = tpu.memref_slice %arg5[%arg0, %add3A_709, %dma_wait3A_716] : memref<2x10112x64xf32, #tpu.memory_space<hbm>> -> memref<1x72x64xf32, #tpu.memory_space<hbm>>
    %dma_wait3A_718 = tpu.memref_squeeze %dma_wait3A_717 : memref<1x72x64xf32, #tpu.memory_space<hbm>> -> memref<72x64xf32, #tpu.memory_space<hbm>>
    %dma_wait3A_719 = arith.constant 0 : i32
    %dma_wait3A_720 = arith.constant 0 : i32
    %dma_wait3A_721 = tpu.memref_slice %arg15[%dma_wait3A_719, %dma_wait3A_720] : memref<80x64xf32, #tpu.memory_space<vmem>> -> memref<72x64xf32, #tpu.memory_space<vmem>>
    tpu.wait_dma2 semaphore(%arg36 : memref<!tpu.dma_semaphore, #tpu.memory_space<semaphore_mem>>) src(%dma_wait3A_721 : memref<72x64xf32, #tpu.memory_space<vmem>>) dst(%dma_wait3A_718 : memref<72x64xf32, #tpu.memory_space<hbm>>)
    return
  }
}

module attributes {stable_mosaic.version = 14 : i64} {
  func.func @_tc1_body(%arg0: i32, %arg1: memref<2000x128xf32, #tpu.memory_space<vmem>>, %arg2: memref<128x64xf32, #tpu.memory_space<vmem>>, %arg3: memref<1000x1xf32, #tpu.memory_space<vmem>>, %arg4: memref<1000x1xf32, #tpu.memory_space<vmem>>, %arg5: memref<1000x1xf32, #tpu.memory_space<vmem>>, %arg6: memref<1000x1xf32, #tpu.memory_space<vmem>>, %arg7: memref<1000x128xf32, #tpu.memory_space<vmem>>) attributes {dimension_semantics = [#tpu.dimension_semantics<arbitrary>], iteration_bounds = array<i64: 5>, scalar_prefetch = 0 : i64, scratch_operands = 0 : i64, tpu.core_type = #tpu.core_type<tc>, window_params = [{transform_indices = @transform_0, window_bounds = array<i64: 2000, 128>}, {pipeline_mode = #tpu.pipeline_mode<synchronous>, transform_indices = @transform_1, window_bounds = array<i64: 128, 64>}, {transform_indices = @transform_2, window_bounds = array<i64: 1000, 1>}, {transform_indices = @transform_3, window_bounds = array<i64: 1000, 1>}, {transform_indices = @transform_4, window_bounds = array<i64: 1000, 1>}, {transform_indices = @transform_5, window_bounds = array<i64: 1000, 1>}, {transform_indices = @transform_6, window_bounds = array<i64: 1000, 128>}]} {
    %get3A = arith.constant 0 : index
    %get3A_0 = arith.constant 0 : index
    %get3A_1 = vector.load %arg3[%get3A, %get3A_0] : memref<1000x1xf32, #tpu.memory_space<vmem>>, vector<1000x1xf32>
    %get3A_2 = arith.constant 0 : index
    %get3A_3 = arith.constant 0 : index
    %get3A_4 = vector.load %arg5[%get3A_2, %get3A_3] : memref<1000x1xf32, #tpu.memory_space<vmem>>, vector<1000x1xf32>
    %add3A = arith.addf %get3A_1, %get3A_4 : vector<1000x1xf32>
    %add3A_5 = arith.constant 1.000000e+00 : f32
    %add3A_6 = vector.broadcast %add3A_5 : f32 to vector<1000x1xf32>
    %add3A_7 = arith.addf %add3A, %add3A_6 : vector<1000x1xf32>
    %rsqrt3A = math.rsqrt %add3A_7 : vector<1000x1xf32>
    %get3A_8 = arith.constant 0 : index
    %get3A_9 = arith.constant 0 : index
    %get3A_10 = vector.load %arg4[%get3A_8, %get3A_9] : memref<1000x1xf32, #tpu.memory_space<vmem>>, vector<1000x1xf32>
    %get3A_11 = arith.constant 0 : index
    %get3A_12 = arith.constant 0 : index
    %get3A_13 = vector.load %arg6[%get3A_11, %get3A_12] : memref<1000x1xf32, #tpu.memory_space<vmem>>, vector<1000x1xf32>
    %add3A_14 = arith.addf %get3A_10, %get3A_13 : vector<1000x1xf32>
    %add3A_15 = arith.constant 1.000000e+00 : f32
    %add3A_16 = vector.broadcast %add3A_15 : f32 to vector<1000x1xf32>
    %add3A_17 = arith.addf %add3A_14, %add3A_16 : vector<1000x1xf32>
    %rsqrt3A_18 = math.rsqrt %add3A_17 : vector<1000x1xf32>
    %get3A_19 = arith.constant 0 : index
    %get3A_20 = arith.constant 0 : index
    %get3A_21 = vector.load %arg2[%get3A_19, %get3A_20] : memref<128x64xf32, #tpu.memory_space<vmem>>, vector<128x64xf32>
    %get3A_22 = arith.constant 0 : index
    %get3A_23 = arith.constant 0 : index
    %get3A_24 = vector.load %arg1[%get3A_22, %get3A_23] : memref<2000x128xf32, #tpu.memory_space<vmem>>, vector<2000x128xf32>
    %reshape3A = vector.shape_cast %get3A_24 : vector<2000x128xf32> to vector<1000x2x128xf32>
    %slice3A = vector.extract_strided_slice %reshape3A {offsets = [0, 0, 0], sizes = [1000, 1, 128], strides = [1, 1, 1]} : vector<1000x2x128xf32> to vector<1000x1x128xf32>
    %squeeze3A = vector.shape_cast %slice3A : vector<1000x1x128xf32> to vector<1000x128xf32>
    %dot_general3A = arith.constant dense<0.000000e+00> : vector<1000x64xf32>
    %dot_general3A_25 = tpu.matmul %squeeze3A, %get3A_21, %dot_general3A {dimension_numbers = #tpu.dot_dimension_numbers<[1], [0], [0], [1], [0, 0, 1, 1], [], []>, transpose_lhs_hint = false} : vector<1000x128xf32>, vector<128x64xf32>, vector<1000x64xf32> -> vector<1000x64xf32>
    %slice3A_26 = vector.extract_strided_slice %reshape3A {offsets = [0, 1, 0], sizes = [1000, 1, 128], strides = [1, 1, 1]} : vector<1000x2x128xf32> to vector<1000x1x128xf32>
    %squeeze3A_27 = vector.shape_cast %slice3A_26 : vector<1000x1x128xf32> to vector<1000x128xf32>
    %dot_general3A_28 = arith.constant dense<0.000000e+00> : vector<1000x64xf32>
    %dot_general3A_29 = tpu.matmul %squeeze3A_27, %get3A_21, %dot_general3A_28 {dimension_numbers = #tpu.dot_dimension_numbers<[1], [0], [0], [1], [0, 0, 1, 1], [], []>, transpose_lhs_hint = false} : vector<1000x128xf32>, vector<128x64xf32>, vector<1000x64xf32> -> vector<1000x64xf32>
    %mul3A = vector.broadcast %rsqrt3A : vector<1000x1xf32> to vector<1000x64xf32>
    %mul3A_30 = arith.mulf %dot_general3A_25, %mul3A : vector<1000x64xf32>
    %mul3A_31 = vector.broadcast %rsqrt3A_18 : vector<1000x1xf32> to vector<1000x64xf32>
    %mul3A_32 = arith.mulf %dot_general3A_29, %mul3A_31 : vector<1000x64xf32>
    %concatenate3A = tpu.concatenate %mul3A_30, %mul3A_32 in 1 : vector<1000x64xf32>, vector<1000x64xf32> -> vector<1000x128xf32>
    %swap3A = arith.constant 0 : index
    %swap3A_33 = arith.constant 0 : index
    %swap3A_34 = vector.load %arg7[%swap3A, %swap3A_33] : memref<1000x128xf32, #tpu.memory_space<vmem>>, vector<1000x128xf32>
    tpu.vector_store %arg7[%swap3A, %swap3A_33], %concatenate3A {strides = array<i32>} : memref<1000x128xf32, #tpu.memory_space<vmem>>, vector<1000x128xf32>,
    return
  }
  func.func @transform_0(%arg0: i32) -> (i32, i32) {
    %c0_i32 = arith.constant 0 : i32
    %c0_i32_0 = arith.constant 0 : i32
    return %arg0, %c0_i32 : i32, i32
  }
  func.func @transform_1(%arg0: i32) -> (i32, i32) {
    %c0_i32 = arith.constant 0 : i32
    %c0_i32_0 = arith.constant 0 : i32
    %c0_i32_1 = arith.constant 0 : i32
    return %c0_i32, %c0_i32_0 : i32, i32
  }
  func.func @transform_2(%arg0: i32) -> (i32, i32) {
    %c0_i32 = arith.constant 0 : i32
    %c0_i32_0 = arith.constant 0 : i32
    return %arg0, %c0_i32 : i32, i32
  }
  func.func @transform_3(%arg0: i32) -> (i32, i32) {
    %c0_i32 = arith.constant 0 : i32
    %c0_i32_0 = arith.constant 0 : i32
    return %arg0, %c0_i32 : i32, i32
  }
  func.func @transform_4(%arg0: i32) -> (i32, i32) {
    %c0_i32 = arith.constant 0 : i32
    %c0_i32_0 = arith.constant 0 : i32
    return %arg0, %c0_i32 : i32, i32
  }
  func.func @transform_5(%arg0: i32) -> (i32, i32) {
    %c0_i32 = arith.constant 0 : i32
    %c0_i32_0 = arith.constant 0 : i32
    return %arg0, %c0_i32 : i32, i32
  }
  func.func @transform_6(%arg0: i32) -> (i32, i32) {
    %c0_i32 = arith.constant 0 : i32
    %c0_i32_0 = arith.constant 0 : i32
    return %arg0, %c0_i32 : i32, i32
  }
}

module attributes {stable_mosaic.version = 14 : i64} {
  func.func @_tc2_body(%arg0: i32, %arg1: memref<2x1000x128xf32, #tpu.memory_space<vmem>>, %arg2: memref<1000x128xf32, #tpu.memory_space<vmem>>, %arg3: memref<1000x1xf32, #tpu.memory_space<vmem>>, %arg4: memref<1000x1xf32, #tpu.memory_space<vmem>>, %arg5: memref<1000x1xf32, #tpu.memory_space<vmem>>, %arg6: memref<1000x1xf32, #tpu.memory_space<vmem>>, %arg7: memref<1x64xf32, #tpu.memory_space<vmem>>, %arg8: memref<64x64xf32, #tpu.memory_space<vmem>>, %arg9: memref<1000x128xf32, #tpu.memory_space<vmem>>) attributes {dimension_semantics = [#tpu.dimension_semantics<arbitrary>], iteration_bounds = array<i64: 5>, scalar_prefetch = 0 : i64, scratch_operands = 0 : i64, tpu.core_type = #tpu.core_type<tc>, window_params = [{transform_indices = @transform_0, window_bounds = array<i64: 2, 1000, 128>}, {transform_indices = @transform_1, window_bounds = array<i64: 1000, 128>}, {transform_indices = @transform_2, window_bounds = array<i64: 1000, 1>}, {transform_indices = @transform_3, window_bounds = array<i64: 1000, 1>}, {transform_indices = @transform_4, window_bounds = array<i64: 1000, 1>}, {transform_indices = @transform_5, window_bounds = array<i64: 1000, 1>}, {pipeline_mode = #tpu.pipeline_mode<synchronous>, transform_indices = @transform_6, window_bounds = array<i64: 1, 64>}, {pipeline_mode = #tpu.pipeline_mode<synchronous>, transform_indices = @transform_7, window_bounds = array<i64: 64, 64>}, {transform_indices = @transform_8, window_bounds = array<i64: 1000, 128>}]} {
    %get3A = arith.constant 0 : index
    %get3A_0 = arith.constant 0 : index
    %get3A_1 = vector.load %arg3[%get3A, %get3A_0] : memref<1000x1xf32, #tpu.memory_space<vmem>>, vector<1000x1xf32>
    %get3A_2 = arith.constant 0 : index
    %get3A_3 = arith.constant 0 : index
    %get3A_4 = vector.load %arg5[%get3A_2, %get3A_3] : memref<1000x1xf32, #tpu.memory_space<vmem>>, vector<1000x1xf32>
    %add3A = arith.addf %get3A_1, %get3A_4 : vector<1000x1xf32>
    %add3A_5 = arith.constant 1.000000e+00 : f32
    %add3A_6 = vector.broadcast %add3A_5 : f32 to vector<1000x1xf32>
    %add3A_7 = arith.addf %add3A, %add3A_6 : vector<1000x1xf32>
    %rsqrt3A = math.rsqrt %add3A_7 : vector<1000x1xf32>
    %get3A_8 = arith.constant 0 : index
    %get3A_9 = arith.constant 0 : index
    %get3A_10 = vector.load %arg4[%get3A_8, %get3A_9] : memref<1000x1xf32, #tpu.memory_space<vmem>>, vector<1000x1xf32>
    %get3A_11 = arith.constant 0 : index
    %get3A_12 = arith.constant 0 : index
    %get3A_13 = vector.load %arg6[%get3A_11, %get3A_12] : memref<1000x1xf32, #tpu.memory_space<vmem>>, vector<1000x1xf32>
    %add3A_14 = arith.addf %get3A_10, %get3A_13 : vector<1000x1xf32>
    %add3A_15 = arith.constant 1.000000e+00 : f32
    %add3A_16 = vector.broadcast %add3A_15 : f32 to vector<1000x1xf32>
    %add3A_17 = arith.addf %add3A_14, %add3A_16 : vector<1000x1xf32>
    %rsqrt3A_18 = math.rsqrt %add3A_17 : vector<1000x1xf32>
    %get3A_19 = arith.constant 0 : index
    %get3A_20 = arith.constant 0 : index
    %get3A_21 = arith.constant 0 : index
    %get3A_22 = vector.load %arg1[%get3A_19, %get3A_20, %get3A_21] : memref<2x1000x128xf32, #tpu.memory_space<vmem>>, vector<1x1000x128xf32>
    %get3A_23 = vector.shape_cast %get3A_22 : vector<1x1000x128xf32> to vector<1000x128xf32>
    %get3A_24 = arith.constant 1 : index
    %get3A_25 = arith.constant 0 : index
    %get3A_26 = arith.constant 0 : index
    %get3A_27 = vector.load %arg1[%get3A_24, %get3A_25, %get3A_26] : memref<2x1000x128xf32, #tpu.memory_space<vmem>>, vector<1x1000x128xf32>
    %get3A_28 = vector.shape_cast %get3A_27 : vector<1x1000x128xf32> to vector<1000x128xf32>
    %add3A_29 = arith.addf %get3A_23, %get3A_28 : vector<1000x128xf32>
    %get3A_30 = arith.constant 0 : index
    %get3A_31 = arith.constant 0 : index
    %get3A_32 = vector.load %arg2[%get3A_30, %get3A_31] : memref<1000x128xf32, #tpu.memory_space<vmem>>, vector<1000x128xf32>
    %add3A_33 = arith.addf %add3A_29, %get3A_32 : vector<1000x128xf32>
    %get3A_34 = arith.constant 0 : index
    %get3A_35 = arith.constant 0 : index
    %get3A_36 = vector.load %arg7[%get3A_34, %get3A_35] : memref<1x64xf32, #tpu.memory_space<vmem>>, vector<1x64xf32>
    %get3A_37 = arith.constant 0 : index
    %get3A_38 = arith.constant 0 : index
    %get3A_39 = vector.load %arg8[%get3A_37, %get3A_38] : memref<64x64xf32, #tpu.memory_space<vmem>>, vector<64x64xf32>
    %slice3A = vector.extract_strided_slice %add3A_33 {offsets = [0, 0], sizes = [1000, 64], strides = [1, 1]} : vector<1000x128xf32> to vector<1000x64xf32>
    %mul3A = vector.broadcast %rsqrt3A : vector<1000x1xf32> to vector<1000x64xf32>
    %mul3A_40 = arith.mulf %slice3A, %mul3A : vector<1000x64xf32>
    %add3A_41 = vector.broadcast %get3A_36 : vector<1x64xf32> to vector<1000x64xf32>
    %add3A_42 = arith.addf %mul3A_40, %add3A_41 : vector<1000x64xf32>
    %max3A = arith.constant 0.000000e+00 : f32
    %max3A_43 = vector.broadcast %max3A : f32 to vector<1000x64xf32>
    %max3A_44 = arith.maximumf %add3A_42, %max3A_43 : vector<1000x64xf32>
    %slice3A_45 = vector.extract_strided_slice %add3A_33 {offsets = [0, 64], sizes = [1000, 64], strides = [1, 1]} : vector<1000x128xf32> to vector<1000x64xf32>
    %mul3A_46 = vector.broadcast %rsqrt3A_18 : vector<1000x1xf32> to vector<1000x64xf32>
    %mul3A_47 = arith.mulf %slice3A_45, %mul3A_46 : vector<1000x64xf32>
    %add3A_48 = vector.broadcast %get3A_36 : vector<1x64xf32> to vector<1000x64xf32>
    %add3A_49 = arith.addf %mul3A_47, %add3A_48 : vector<1000x64xf32>
    %max3A_50 = arith.constant 0.000000e+00 : f32
    %max3A_51 = vector.broadcast %max3A_50 : f32 to vector<1000x64xf32>
    %max3A_52 = arith.maximumf %add3A_49, %max3A_51 : vector<1000x64xf32>
    %dot_general3A = arith.constant dense<0.000000e+00> : vector<1000x64xf32>
    %dot_general3A_53 = tpu.matmul %max3A_44, %get3A_39, %dot_general3A {dimension_numbers = #tpu.dot_dimension_numbers<[1], [0], [0], [1], [0, 0, 1, 1], [], []>, transpose_lhs_hint = false} : vector<1000x64xf32>, vector<64x64xf32>, vector<1000x64xf32> -> vector<1000x64xf32>
    %mul3A_54 = vector.broadcast %rsqrt3A : vector<1000x1xf32> to vector<1000x64xf32>
    %mul3A_55 = arith.mulf %dot_general3A_53, %mul3A_54 : vector<1000x64xf32>
    %dot_general3A_56 = arith.constant dense<0.000000e+00> : vector<1000x64xf32>
    %dot_general3A_57 = tpu.matmul %max3A_52, %get3A_39, %dot_general3A_56 {dimension_numbers = #tpu.dot_dimension_numbers<[1], [0], [0], [1], [0, 0, 1, 1], [], []>, transpose_lhs_hint = false} : vector<1000x64xf32>, vector<64x64xf32>, vector<1000x64xf32> -> vector<1000x64xf32>
    %mul3A_58 = vector.broadcast %rsqrt3A_18 : vector<1000x1xf32> to vector<1000x64xf32>
    %mul3A_59 = arith.mulf %dot_general3A_57, %mul3A_58 : vector<1000x64xf32>
    %concatenate3A = tpu.concatenate %mul3A_55, %mul3A_59 in 1 : vector<1000x64xf32>, vector<1000x64xf32> -> vector<1000x128xf32>
    %swap3A = arith.constant 0 : index
    %swap3A_60 = arith.constant 0 : index
    %swap3A_61 = vector.load %arg9[%swap3A, %swap3A_60] : memref<1000x128xf32, #tpu.memory_space<vmem>>, vector<1000x128xf32>
    tpu.vector_store %arg9[%swap3A, %swap3A_60], %concatenate3A {strides = array<i32>} : memref<1000x128xf32, #tpu.memory_space<vmem>>, vector<1000x128xf32>,
    return
  }
  func.func @transform_0(%arg0: i32) -> (i32, i32, i32) {
    %c0_i32 = arith.constant 0 : i32
    %c0_i32_0 = arith.constant 0 : i32
    %c0_i32_1 = arith.constant 0 : i32
    return %c0_i32, %arg0, %c0_i32_0 : i32, i32, i32
  }
  func.func @transform_1(%arg0: i32) -> (i32, i32) {
    %c0_i32 = arith.constant 0 : i32
    %c0_i32_0 = arith.constant 0 : i32
    return %arg0, %c0_i32 : i32, i32
  }
  func.func @transform_2(%arg0: i32) -> (i32, i32) {
    %c0_i32 = arith.constant 0 : i32
    %c0_i32_0 = arith.constant 0 : i32
    return %arg0, %c0_i32 : i32, i32
  }
  func.func @transform_3(%arg0: i32) -> (i32, i32) {
    %c0_i32 = arith.constant 0 : i32
    %c0_i32_0 = arith.constant 0 : i32
    return %arg0, %c0_i32 : i32, i32
  }
  func.func @transform_4(%arg0: i32) -> (i32, i32) {
    %c0_i32 = arith.constant 0 : i32
    %c0_i32_0 = arith.constant 0 : i32
    return %arg0, %c0_i32 : i32, i32
  }
  func.func @transform_5(%arg0: i32) -> (i32, i32) {
    %c0_i32 = arith.constant 0 : i32
    %c0_i32_0 = arith.constant 0 : i32
    return %arg0, %c0_i32 : i32, i32
  }
  func.func @transform_6(%arg0: i32) -> (i32, i32) {
    %c0_i32 = arith.constant 0 : i32
    %c0_i32_0 = arith.constant 0 : i32
    %c0_i32_1 = arith.constant 0 : i32
    return %c0_i32, %c0_i32_0 : i32, i32
  }
  func.func @transform_7(%arg0: i32) -> (i32, i32) {
    %c0_i32 = arith.constant 0 : i32
    %c0_i32_0 = arith.constant 0 : i32
    %c0_i32_1 = arith.constant 0 : i32
    return %c0_i32, %c0_i32_0 : i32, i32
  }
  func.func @transform_8(%arg0: i32) -> (i32, i32) {
    %c0_i32 = arith.constant 0 : i32
    %c0_i32_0 = arith.constant 0 : i32
    return %arg0, %c0_i32 : i32, i32
  }
}

module attributes {stable_mosaic.version = 14 : i64} {
  func.func @_tc3_body(%arg0: i32, %arg1: memref<2x1000x128xf32, #tpu.memory_space<vmem>>, %arg2: memref<1000x128xf32, #tpu.memory_space<vmem>>, %arg3: memref<1000x1xf32, #tpu.memory_space<vmem>>, %arg4: memref<1000x1xf32, #tpu.memory_space<vmem>>, %arg5: memref<1000x1xf32, #tpu.memory_space<vmem>>, %arg6: memref<1000x1xf32, #tpu.memory_space<vmem>>, %arg7: memref<1x64xf32, #tpu.memory_space<vmem>>, %arg8: memref<64x64xf32, #tpu.memory_space<vmem>>, %arg9: memref<1x64xf32, #tpu.memory_space<vmem>>, %arg10: memref<1x64xf32, #tpu.memory_space<vmem>>, %arg11: memref<1x64xf32, #tpu.memory_space<vmem>>) attributes {dimension_semantics = [#tpu.dimension_semantics<arbitrary>], iteration_bounds = array<i64: 5>, scalar_prefetch = 0 : i64, scratch_operands = 1 : i64, tpu.core_type = #tpu.core_type<tc>, window_params = [{transform_indices = @transform_0, window_bounds = array<i64: 2, 1000, 128>}, {transform_indices = @transform_1, window_bounds = array<i64: 1000, 128>}, {transform_indices = @transform_2, window_bounds = array<i64: 1000, 1>}, {transform_indices = @transform_3, window_bounds = array<i64: 1000, 1>}, {transform_indices = @transform_4, window_bounds = array<i64: 1000, 1>}, {transform_indices = @transform_5, window_bounds = array<i64: 1000, 1>}, {pipeline_mode = #tpu.pipeline_mode<synchronous>, transform_indices = @transform_6, window_bounds = array<i64: 1, 64>}, {pipeline_mode = #tpu.pipeline_mode<synchronous>, transform_indices = @transform_7, window_bounds = array<i64: 64, 64>}, {pipeline_mode = #tpu.pipeline_mode<synchronous>, transform_indices = @transform_8, window_bounds = array<i64: 1, 64>}, {pipeline_mode = #tpu.pipeline_mode<synchronous>, transform_indices = @transform_9, window_bounds = array<i64: 1, 64>}]} {
    %get3A = arith.constant 0 : index
    %get3A_0 = arith.constant 0 : index
    %get3A_1 = vector.load %arg3[%get3A, %get3A_0] : memref<1000x1xf32, #tpu.memory_space<vmem>>, vector<1000x1xf32>
    %get3A_2 = arith.constant 0 : index
    %get3A_3 = arith.constant 0 : index
    %get3A_4 = vector.load %arg5[%get3A_2, %get3A_3] : memref<1000x1xf32, #tpu.memory_space<vmem>>, vector<1000x1xf32>
    %add3A = arith.addf %get3A_1, %get3A_4 : vector<1000x1xf32>
    %add3A_5 = arith.constant 1.000000e+00 : f32
    %add3A_6 = vector.broadcast %add3A_5 : f32 to vector<1000x1xf32>
    %add3A_7 = arith.addf %add3A, %add3A_6 : vector<1000x1xf32>
    %rsqrt3A = math.rsqrt %add3A_7 : vector<1000x1xf32>
    %get3A_8 = arith.constant 0 : index
    %get3A_9 = arith.constant 0 : index
    %get3A_10 = vector.load %arg4[%get3A_8, %get3A_9] : memref<1000x1xf32, #tpu.memory_space<vmem>>, vector<1000x1xf32>
    %get3A_11 = arith.constant 0 : index
    %get3A_12 = arith.constant 0 : index
    %get3A_13 = vector.load %arg6[%get3A_11, %get3A_12] : memref<1000x1xf32, #tpu.memory_space<vmem>>, vector<1000x1xf32>
    %add3A_14 = arith.addf %get3A_10, %get3A_13 : vector<1000x1xf32>
    %add3A_15 = arith.constant 1.000000e+00 : f32
    %add3A_16 = vector.broadcast %add3A_15 : f32 to vector<1000x1xf32>
    %add3A_17 = arith.addf %add3A_14, %add3A_16 : vector<1000x1xf32>
    %rsqrt3A_18 = math.rsqrt %add3A_17 : vector<1000x1xf32>
    %get3A_19 = arith.constant 0 : index
    %get3A_20 = arith.constant 0 : index
    %get3A_21 = arith.constant 0 : index
    %get3A_22 = vector.load %arg1[%get3A_19, %get3A_20, %get3A_21] : memref<2x1000x128xf32, #tpu.memory_space<vmem>>, vector<1x1000x128xf32>
    %get3A_23 = vector.shape_cast %get3A_22 : vector<1x1000x128xf32> to vector<1000x128xf32>
    %get3A_24 = arith.constant 1 : index
    %get3A_25 = arith.constant 0 : index
    %get3A_26 = arith.constant 0 : index
    %get3A_27 = vector.load %arg1[%get3A_24, %get3A_25, %get3A_26] : memref<2x1000x128xf32, #tpu.memory_space<vmem>>, vector<1x1000x128xf32>
    %get3A_28 = vector.shape_cast %get3A_27 : vector<1x1000x128xf32> to vector<1000x128xf32>
    %add3A_29 = arith.addf %get3A_23, %get3A_28 : vector<1000x128xf32>
    %get3A_30 = arith.constant 0 : index
    %get3A_31 = arith.constant 0 : index
    %get3A_32 = vector.load %arg2[%get3A_30, %get3A_31] : memref<1000x128xf32, #tpu.memory_space<vmem>>, vector<1000x128xf32>
    %add3A_33 = arith.addf %add3A_29, %get3A_32 : vector<1000x128xf32>
    %get3A_34 = arith.constant 0 : index
    %get3A_35 = arith.constant 0 : index
    %get3A_36 = vector.load %arg7[%get3A_34, %get3A_35] : memref<1x64xf32, #tpu.memory_space<vmem>>, vector<1x64xf32>
    %slice3A = vector.extract_strided_slice %add3A_33 {offsets = [0, 0], sizes = [1000, 64], strides = [1, 1]} : vector<1000x128xf32> to vector<1000x64xf32>
    %mul3A = vector.broadcast %rsqrt3A : vector<1000x1xf32> to vector<1000x64xf32>
    %mul3A_37 = arith.mulf %slice3A, %mul3A : vector<1000x64xf32>
    %add3A_38 = vector.broadcast %get3A_36 : vector<1x64xf32> to vector<1000x64xf32>
    %add3A_39 = arith.addf %mul3A_37, %add3A_38 : vector<1000x64xf32>
    %max3A = arith.constant 0.000000e+00 : f32
    %max3A_40 = vector.broadcast %max3A : f32 to vector<1000x64xf32>
    %max3A_41 = arith.maximumf %add3A_39, %max3A_40 : vector<1000x64xf32>
    %slice3A_42 = vector.extract_strided_slice %add3A_33 {offsets = [0, 64], sizes = [1000, 64], strides = [1, 1]} : vector<1000x128xf32> to vector<1000x64xf32>
    %mul3A_43 = vector.broadcast %rsqrt3A_18 : vector<1000x1xf32> to vector<1000x64xf32>
    %mul3A_44 = arith.mulf %slice3A_42, %mul3A_43 : vector<1000x64xf32>
    %add3A_45 = vector.broadcast %get3A_36 : vector<1x64xf32> to vector<1000x64xf32>
    %add3A_46 = arith.addf %mul3A_44, %add3A_45 : vector<1000x64xf32>
    %max3A_47 = arith.constant 0.000000e+00 : f32
    %max3A_48 = vector.broadcast %max3A_47 : f32 to vector<1000x64xf32>
    %max3A_49 = arith.maximumf %add3A_46, %max3A_48 : vector<1000x64xf32>
    %reduce_sum3A = arith.constant dense<0.000000e+00> : vector<64xf32>
    %reduce_sum3A_50 = vector.multi_reduction <add>, %max3A_41, %reduce_sum3A [0] : vector<1000x64xf32> to vector<64xf32>
    %broadcast_in_dim3A = vector.shape_cast %reduce_sum3A_50 : vector<64xf32> to vector<1x64xf32>
    %reduce_sum3A_51 = arith.constant dense<0.000000e+00> : vector<64xf32>
    %reduce_sum3A_52 = vector.multi_reduction <add>, %max3A_49, %reduce_sum3A_51 [0] : vector<1000x64xf32> to vector<64xf32>
    %broadcast_in_dim3A_53 = vector.shape_cast %reduce_sum3A_52 : vector<64xf32> to vector<1x64xf32>
    %add3A_54 = arith.addf %broadcast_in_dim3A, %broadcast_in_dim3A_53 : vector<1x64xf32>
    %eq3A = arith.constant 0 : i32
    %eq3A_55 = arith.cmpi eq, %arg0, %eq3A : i32
    %convert_element_type3A = arith.extui %eq3A_55 : i1 to i32
    %cond3A = arith.constant 0 : i32
    %cond3A_56 = arith.cmpi ne, %convert_element_type3A, %cond3A : i32
    scf.if %cond3A_56 {
      %swap3A = arith.constant 0 : index
      %swap3A_66 = arith.constant 0 : index
      %swap3A_67 = vector.load %arg11[%swap3A, %swap3A_66] : memref<1x64xf32, #tpu.memory_space<vmem>>, vector<1x64xf32>
      tpu.vector_store %arg11[%swap3A, %swap3A_66], %add3A_54 {strides = array<i32>} : memref<1x64xf32, #tpu.memory_space<vmem>>, vector<1x64xf32>,
    } else {
    }
    %gt3A = arith.constant 0 : i32
    %gt3A_57 = arith.cmpi sgt, %arg0, %gt3A : i32
    %convert_element_type3A_58 = arith.extui %gt3A_57 : i1 to i32
    %cond3A_59 = arith.constant 0 : i32
    %cond3A_60 = arith.cmpi ne, %convert_element_type3A_58, %cond3A_59 : i32
    scf.if %cond3A_60 {
      %get3A_66 = arith.constant 0 : index
      %get3A_67 = arith.constant 0 : index
      %get3A_68 = vector.load %arg11[%get3A_66, %get3A_67] : memref<1x64xf32, #tpu.memory_space<vmem>>, vector<1x64xf32>
      %add3A_69 = arith.addf %get3A_68, %add3A_54 : vector<1x64xf32>
      %swap3A = arith.constant 0 : index
      %swap3A_70 = arith.constant 0 : index
      %swap3A_71 = vector.load %arg11[%swap3A, %swap3A_70] : memref<1x64xf32, #tpu.memory_space<vmem>>, vector<1x64xf32>
      tpu.vector_store %arg11[%swap3A, %swap3A_70], %add3A_69 {strides = array<i32>} : memref<1x64xf32, #tpu.memory_space<vmem>>, vector<1x64xf32>,
    } else {
    }
    %eq3A_61 = arith.constant 4 : i32
    %eq3A_62 = arith.cmpi eq, %arg0, %eq3A_61 : i32
    %convert_element_type3A_63 = arith.extui %eq3A_62 : i1 to i32
    %cond3A_64 = arith.constant 0 : i32
    %cond3A_65 = arith.cmpi ne, %convert_element_type3A_63, %cond3A_64 : i32
    scf.if %cond3A_65 {
      %get3A_66 = arith.constant 0 : index
      %get3A_67 = arith.constant 0 : index
      %get3A_68 = vector.load %arg11[%get3A_66, %get3A_67] : memref<1x64xf32, #tpu.memory_space<vmem>>, vector<1x64xf32>
      %mul3A_69 = arith.constant 9.99999974E-5 : f32
      %mul3A_70 = vector.broadcast %mul3A_69 : f32 to vector<1x64xf32>
      %mul3A_71 = arith.mulf %get3A_68, %mul3A_70 : vector<1x64xf32>
      %get3A_72 = arith.constant 0 : index
      %get3A_73 = arith.constant 0 : index
      %get3A_74 = vector.load %arg8[%get3A_72, %get3A_73] : memref<64x64xf32, #tpu.memory_space<vmem>>, vector<64x64xf32>
      %dot_general3A = arith.constant dense<0.000000e+00> : vector<1x64xf32>
      %dot_general3A_75 = tpu.matmul %mul3A_71, %get3A_74, %dot_general3A {dimension_numbers = #tpu.dot_dimension_numbers<[1], [0], [0], [1], [0, 0, 1, 1], [], []>, transpose_lhs_hint = false} : vector<1x64xf32>, vector<64x64xf32>, vector<1x64xf32> -> vector<1x64xf32>
      %get3A_76 = arith.constant 0 : index
      %get3A_77 = arith.constant 0 : index
      %get3A_78 = vector.load %arg9[%get3A_76, %get3A_77] : memref<1x64xf32, #tpu.memory_space<vmem>>, vector<1x64xf32>
      %add3A_79 = arith.addf %dot_general3A_75, %get3A_78 : vector<1x64xf32>
      %swap3A = arith.constant 0 : index
      %swap3A_80 = arith.constant 0 : index
      %swap3A_81 = vector.load %arg10[%swap3A, %swap3A_80] : memref<1x64xf32, #tpu.memory_space<vmem>>, vector<1x64xf32>
      tpu.vector_store %arg10[%swap3A, %swap3A_80], %add3A_79 {strides = array<i32>} : memref<1x64xf32, #tpu.memory_space<vmem>>, vector<1x64xf32>,
    } else {
    }
    return
  }
  func.func @transform_0(%arg0: i32) -> (i32, i32, i32) {
    %c0_i32 = arith.constant 0 : i32
    %c0_i32_0 = arith.constant 0 : i32
    %c0_i32_1 = arith.constant 0 : i32
    return %c0_i32, %arg0, %c0_i32_0 : i32, i32, i32
  }
  func.func @transform_1(%arg0: i32) -> (i32, i32) {
    %c0_i32 = arith.constant 0 : i32
    %c0_i32_0 = arith.constant 0 : i32
    return %arg0, %c0_i32 : i32, i32
  }
  func.func @transform_2(%arg0: i32) -> (i32, i32) {
    %c0_i32 = arith.constant 0 : i32
    %c0_i32_0 = arith.constant 0 : i32
    return %arg0, %c0_i32 : i32, i32
  }
  func.func @transform_3(%arg0: i32) -> (i32, i32) {
    %c0_i32 = arith.constant 0 : i32
    %c0_i32_0 = arith.constant 0 : i32
    return %arg0, %c0_i32 : i32, i32
  }
  func.func @transform_4(%arg0: i32) -> (i32, i32) {
    %c0_i32 = arith.constant 0 : i32
    %c0_i32_0 = arith.constant 0 : i32
    return %arg0, %c0_i32 : i32, i32
  }
  func.func @transform_5(%arg0: i32) -> (i32, i32) {
    %c0_i32 = arith.constant 0 : i32
    %c0_i32_0 = arith.constant 0 : i32
    return %arg0, %c0_i32 : i32, i32
  }
  func.func @transform_6(%arg0: i32) -> (i32, i32) {
    %c0_i32 = arith.constant 0 : i32
    %c0_i32_0 = arith.constant 0 : i32
    %c0_i32_1 = arith.constant 0 : i32
    return %c0_i32, %c0_i32_0 : i32, i32
  }
  func.func @transform_7(%arg0: i32) -> (i32, i32) {
    %c0_i32 = arith.constant 0 : i32
    %c0_i32_0 = arith.constant 0 : i32
    %c0_i32_1 = arith.constant 0 : i32
    return %c0_i32, %c0_i32_0 : i32, i32
  }
  func.func @transform_8(%arg0: i32) -> (i32, i32) {
    %c0_i32 = arith.constant 0 : i32
    %c0_i32_0 = arith.constant 0 : i32
    %c0_i32_1 = arith.constant 0 : i32
    return %c0_i32, %c0_i32_0 : i32, i32
  }
  func.func @transform_9(%arg0: i32) -> (i32, i32) {
    %c0_i32 = arith.constant 0 : i32
    %c0_i32_0 = arith.constant 0 : i32
    %c0_i32_1 = arith.constant 0 : i32
    return %c0_i32, %c0_i32_0 : i32, i32
  }
}

</mosaic_0001>

<sc_bundles>
// kernel: kernel.11.cloned.1.call-start
scs
__scs_entry_jumppad:
0x0: {  	(pc) =	sbr.rel $0x88, $3  }
0x1: {  	(tag) =	ssettag $0x0;
	lr =	simm.s32 $0x1  }
0x2: {  	[smem:$0x3F99] =	sst lr;
	_ =	strace $0xD0000000  }
0x3: {  	_ = 	snop  }
0x4: {  	_ = 	snop  }
0x5: {  	_ = 	snop  }
0x6: {  	_ = 	snop  }
0x7: {  	_ = 	snop  }
__scs_overlays_trampoline_lowered:
0x8: {  	[smem:$0x3FA8] =	sst s0  }
0x9: {  	[smem:$0x3FA9] =	sst s1  }
0xa: {  	[smem:$0x3FAA] =	sst s2  }
0xb: {  	[smem:$0x3FAB] =	sst s3  }
0xc: {  	[smem:$0x3FAC] =	sst s4  }
0xd: {  	[smem:$0x3FAD] =	sst s5  }
0xe: {  	[smem:$0x3FAE] =	sst s6  }
0xf: {  	[smem:$0x3FAF] =	sst s7  }
0x10: {  	[smem:$0x3FB0] =	sst s8  }
0x11: {  	[smem:$0x3FB1] =	sst s9;
	s0 =	simm.s32 @!p0 $0x0  }
0x12: {  	s1 =	sld [smem:$0x3F97];
	s0 =	simm.s32 @p0 $0x1  }
0x13: {  	[smem:$0x3FB2] =	sst s0;
	s0 =	simm.s32 @!p1 $0x0  }
0x14: {  	s2 =	sld [smem:$0x3F96];
	s0 =	simm.s32 @p1 $0x1  }
0x15: {  	[smem:$0x3FB3] =	sst s0;
	s0 =	simm.s32 @!p2 $0x0  }
0x16: {  	s3 =	sld [smem:$0x3FDB];
	s0 =	simm.s32 @p2 $0x1  }
0x17: {  	s4 =	simm.s32 $0x1BF5;
	[smem:$0x3FB5] =	sst s0  }
0x18: {  	s0 =	sld [smem:$0x3F98];
	_ =	swait.ge [sflag:s4], $0x0  }
0x19: {  	s7 =	sld [smem:$0x3F99]  }
0x1a: {  	s8 =	sadd.s32 $0xFFFFE003, lr  }
0x1b: {  	s9 =	sadd.s32 $0xFFFFFEF7, lr;
	s5 =	simm.s32 $0xFFFFFFFF;
	p2 =	slt.u32 s8, $0xFFFFF086  }
0x1c: {  	p1 =	slt.u32 s9, $0xF7A;
	s5 =	simm.s32 @!p2 $0x0  }
0x1d: {  	s5 =	simm.s32 @p1 $0x1;
	p0 =	seq.s32 s7, s2  }
0x1e: {  	s7 =	smul.u32 @!p0 $0xF7A, s2;
	p2 =	seq.s32 @!p0 s5, $0x0  }
0x1f: {  	s9 =	smul.u32 $0xF7A, s1;
	s8 =	simm.s32 @!p0 $0x1BF5;
	p2 =	por !p2, p0  }
0x20: {  	[sflag:s8] =	ssyncset.s32 @!p0 $0xFFFFF086;
	s6 =	sadd.s32 @!p0 s3, s7;
	s7 =	simm.s32 @!p0 $0x108  }
0x21: {  	s3 =	sadd.s32 s3, s9;
	s6 =	sadd.s32 @!p0 $0x88, s6;
	s7 =	simm.s32 @p2 $0x1082  }
0x22: {  	[simem:s7], [sflag:s8] =	dma.local @!p0 [hbm:s6], $0xF7A  }
0x23: {  	s9 =	sor.u32 $0xD0000000, s2;
	s6 =	simm.s32 $0x108;
	_ =	swait.ge @!p0 [sflag:s8], $0x0  }
0x24: {  	s3 =	sadd.s32 $0x88, s3;
	s6 =	simm.s32 @!p1 $0x1082;
	[sflag:s4] =	ssyncset.s32 $0xFFFFF086  }
0x25: {  	[simem:s6], [sflag:s4] =	dma.local [hbm:s3], $0xF7A  }
0x26: {  	[smem:$0x3F99] =	sst s1;
	(tag) =	ssettag s2;
	_ =	strace s9  }
0x27: {  	s1 =	sld [smem:$0x3FA9]  }
0x28: {  	s2 =	sld [smem:$0x3FAA]  }
0x29: {  	s4 =	sld [smem:$0x3FAC]  }
0x2a: {  	p0 =	seq.s32 s5, $0x0;
	s5 =	sld [smem:$0x3FAD]  }
0x2b: {  	s6 =	sld [smem:$0x3FAE]  }
0x2c: {  	s7 =	sld [smem:$0x3FAF]  }
0x2d: {  	s3 =	simm.s32 $0x108;
	s8 =	sld [smem:$0x3FB0]  }
0x2e: {  	s3 =	simm.s32 @!p0 $0x1082;
	s9 =	sld [smem:$0x3FB1]  }
0x2f: {  	lr =	sadd.s32 s0, s3;
	s0 =	sld [smem:$0x3FA8]  }
0x30: {  	s3 =	sld [smem:$0x3FAB]  }
0x31: {  	[smem:$0x3FB4] =	sst s10  }
0x32: {  	s10 =	sld [smem:$0x3FB2];
	_ =	sdelay $0x3  }
0x33: {  	p0 =	seq.s32 s10, $0x1;
	s10 =	sld [smem:$0x3FB4];
	_ =	sdelay $0x3  }
0x34: {  	[smem:$0x3FB4] =	sst s10  }
0x35: {  	s10 =	sld [smem:$0x3FB3];
	_ =	sdelay $0x3  }
0x36: {  	p1 =	seq.s32 s10, $0x1;
	s10 =	sld [smem:$0x3FB4];
	_ =	sdelay $0x3  }
0x37: {  	[smem:$0x3FB4] =	sst s10  }
0x38: {  	s10 =	sld [smem:$0x3FB5]  }
0x39: {  	_ = 	snop;
	(pc) =	sbr.ind lr, $3  }
0x3a: {  	_ = 	snop  }
0x3b: {  	_ = 	snop  }
0x3c: {  	p2 =	seq.s32 s10, $0x1;
	s10 =	sld [smem:$0x3FB4]  }
0x3d: {  	_ =	shalt  }
0x3e: {  	_ =	shalt  }
0x3f: {  	_ =	shalt  }
0x40: {  	_ =	shalt  }
0x41: {  	_ =	shalt  }
0x42: {  	_ =	shalt  }
0x43: {  	_ =	shalt  }
0x44: {  	_ =	shalt  }
0x45: {  	_ =	shalt  }
0x46: {  	_ =	shalt  }
0x47: {  	_ =	shalt  }
0x48: {  	_ =	shalt  }
0x49: {  	_ =	shalt  }
0x4a: {  	_ =	shalt  }
0x4b: {  	_ =	shalt  }
0x4c: {  	_ =	shalt  }
0x4d: {  	_ =	shalt  }
0x4e: {  	_ =	shalt  }
0x4f: {  	_ =	shalt  }
0x50: {  	_ =	shalt  }
0x51: {  	_ =	shalt  }
0x52: {  	_ =	shalt  }
0x53: {  	_ =	shalt  }
0x54: {  	_ =	shalt  }
0x55: {  	_ =	shalt  }
0x56: {  	_ =	shalt  }
0x57: {  	_ =	shalt  }
0x58: {  	_ =	shalt  }
0x59: {  	_ =	shalt  }
0x5a: {  	_ =	shalt  }
0x5b: {  	_ =	shalt  }
0x5c: {  	_ =	shalt  }
0x5d: {  	_ =	shalt  }
0x5e: {  	_ =	shalt  }
0x5f: {  	_ =	shalt  }
0x60: {  	_ =	shalt  }
0x61: {  	_ =	shalt  }
0x62: {  	_ =	shalt  }
0x63: {  	_ =	shalt  }
0x64: {  	_ =	shalt  }
0x65: {  	_ =	shalt  }
0x66: {  	_ =	shalt  }
0x67: {  	_ =	shalt  }
0x68: {  	_ =	shalt  }
0x69: {  	_ =	shalt  }
0x6a: {  	_ =	shalt  }
0x6b: {  	_ =	shalt  }
0x6c: {  	_ =	shalt  }
0x6d: {  	_ =	shalt  }
0x6e: {  	_ =	shalt  }
0x6f: {  	_ =	shalt  }
0x70: {  	_ =	shalt  }
0x71: {  	_ =	shalt  }
0x72: {  	_ =	shalt  }
0x73: {  	_ =	shalt  }
0x74: {  	_ =	shalt  }
0x75: {  	_ =	shalt  }
0x76: {  	_ =	shalt  }
0x77: {  	_ =	shalt  }
0x78: {  	_ =	shalt  }
0x79: {  	_ =	shalt  }
0x7a: {  	_ =	shalt  }
0x7b: {  	_ =	shalt  }
0x7c: {  	_ =	shalt  }
0x7d: {  	_ =	shalt  }
0x7e: {  	_ =	shalt  }
0x7f: {  	_ =	shalt  }
0x80: {  	_ =	shalt  }
0x81: {  	_ =	shalt  }
0x82: {  	_ =	shalt  }
0x83: {  	_ =	shalt  }
0x84: {  	_ =	shalt  }
0x85: {  	_ =	shalt  }
0x86: {  	_ =	shalt  }
0x87: {  	_ =	shalt  }
.Lfunc_end0:
.L_simem_size_0:
called_computation.1_lowered:
.L_overlay_start_0:
0x88: {  	s2 =	sld [smem:$0x3FD9]  }
0x89: {  	s3 =	sld [smem:$0x3FFE];
	_ =	sdelay $0x1  }
0x8a: {  	s1 =	srdreg.scid  }
0x8b: {  	s0 =	sand.u32 $0x1, s1  }
0x8c: {  	s16 =	sshll.u32 s0, $0xA;
	s2 =	sadd.s32 s3, s2  }
0x8d: {  	s2 =	sadd.s32 s2, s16  }
0x8e: {  	[smem:$0x3FC0] =	sst s2  }
0x8f: {  	_ = 	snop  }
0x90: {  	(tm) =	ssettm $0x1  }
0x91: {  	s17 =	sld [smem:$0x3FFB];
	_ =	sdelay $0x3  }
0x92: {  	_ =	strace s17  }
0x93: {  	s2 =	sld [smem:$0x3FFC];
	_ =	sdelay $0x3  }
0x94: {  	_ =	strace s2  }
0x95: {  	s2 =	sld [smem:$0x3FFD];
	_ =	sdelay $0x3  }
0x96: {  	_ =	strace s2  }
0x97: {  	_ =	strace $0x8FFFFFFF  }
0x98: {  	s18 =	sld [smem:$0x3FDB];
	_ =	sdelay $0x1  }
0x99: {  	s19 =	simm.s32 $_scs_section_size  }
0x9a: {  	s4 =	simm.s32 $_size__tile_overlayer_lowered;
	s5 =	simm.s32 $_tile_overlayer_lowered  }
0x9b: {  	s22 =	simm.s32 $0x1BFF;
	s21 =	sshll.u32 s5, $0x1;
	s2 =	sadd.s32 s19, s18  }
0x9c: {  	s6 =	simm.s32 $0x0;
	s20 =	sshll.u32 s4, $0x1;
	s4 =	sadd.s32 s21, s2  }
0x9d: {  	[timem:s6], [sflag:s22] =	dma.local [hbm:s4], s20  }
0x9e: {  	_ =	swait.ge [sflag:s22], s20  }
0x9f: {  	s3 =	ssub.s32 $0x0, s20;
	[sflag:s22] =	ssyncset.done $0x0  }
0xa0: {  	[sflag:s22] =	ssyncadd.s32 s3;
	_ =	sdelay $0x1  }
0xa1: {  	s23 =	simm.s32 $0x1B8B  }
0xa2: {  	_ =	swait.ge [sflag:s23], $0x1  }
0xa3: {  	[sflag:s23] =	ssyncset.done $0x0  }
0xa4: {  	s25 =	simm.s32 $0x1B8E;
	s24 =	sld [smem:$0x3FFE];
	[sflag:s23] =	ssyncadd.s32 $0xFFFFFFFF  }
0xa5: {  	s26 =	simm.s32 $execute0_lowered;
	[smem:$0x3FD2] =	sst s25  }
0xa6: {  	s4 =	sshll.u32 s26, $0x1;
	_ =	strace $0x80000049;
	[dreg:$0x1] =	wrdreg $0xFFFFFFFF  }
0xa7: {  	s28 =	simm.s32 $_size_execute0_lowered;
	s2 =	sadd.s32 s2, s4;
	[dreg:$0x0] =	wrdreg $0x0  }
0xa8: {  	s4 =	sshll.u32 s28, $0x1;
	[dreg:$0x2] =	wrdreg s2  }
0xa9: {  	[dreg:$0x3] =	wrdreg s4  }
0xaa: {  	[dreg:$0x4] =	wrdreg $0xC0  }
0xab: {  	_ =	task [dreg:s6], $0x5FFFF  }
0xac: {  	[dreg:$0x1] =	wrdreg $0xFFFFFFFF  }
0xad: {  	[dreg:$0x0] =	wrdreg $0x60  }
0xae: {  	[dreg:$0x2] =	wrdreg s24  }
0xaf: {  	[dreg:$0x3] =	wrdreg $0x116200  }
0xb0: {  	[dreg:$0x4] =	wrdreg $0x9  }
0xb1: {  	_ =	task.clear_ibuf [dreg:s6], $0x5FFFF;
	_ =	strace $0x90000049  }
0xb2: {  	s29 =	simm.s32 $0x9;
	_ =	strace $0x8000004B  }
0xb3: {  	_ =	swait.ge [sflag:s29], $0x1  }
0xb4: {  	[sflag:s29] =	ssyncadd.s32 $0xFFFFFFFF  }
0xb5: {  	_ =	strace $0x9000004B  }
0xb6: {  	_ =	sfence  }
0xb7: {  	s30 =	sld [smem:$0x0];
	_ =	sdelay $0x2  }
0xb8: {  	s31 =	sshll.u32 s1, $0xD;
	s1 =	sshrl.u32 s1, $0x2  }
0xb9: {  	s3 =	sand.u32 $0x4000, s31;
	s1 =	sadd.s32 s1, s30  }
0xba: {  	s0 =	sor.u32 s3, s0;
	s1 =	sshll.u32 s1, $0x11  }
0xbb: {  	s0 =	sor.u32 s1, s0  }
0xbc: {  	s0 =	sadd.s32 $0x8F2B, s0  }
0xbd: {  	[sflag:s0] =	ssyncadd.remote.s32 $0x1  }
0xbe: {  	_ =	sfence.sel $0xFFFF  }
0xbf: {  	[dreg:$0x0] =	wrdreg $0xFFFFFFFF;
	(pc) =	sbr.abs _section_cstart, $3  }
0xc0: {  	[dreg:$0x1] =	wrdreg $0xFFFFFFFF  }
0xc1: {  	_ =	task.clear_ibuf [dreg:s6], $0x2FFFF;
	_ =	strace $0x9FFFFFFF  }
0xc2: {  	(tm) =	ssettm $0x7FFFFFFF  }
0xc3: {  	_ =	shalt  }
tec
execute0_lowered:
.L_overlay_start_1:
0x0: {  	(tag) =	ssettag $0x1  }
0x1: {  	s0 =	rddreg [dreg:$0x0]  }
0x2: {  	s1 =	rddreg [dreg:$0x1];
	s2 =	srdreg.scid;
	s31 =	simm.s32 $0x0  }
0x3: {  	s7 =	stileid.u32;
	s30 =	simm.s32 $0x50;
	s28 =	simm.s32 $0xEE20  }
0x4: {  	s2 =	sand.u32 $0x1, s2;
	[smem:$0x7FF] =	sst s31;
	s4 =	sadd.s32 $0x16000, s0  }
0x5: {  	s3 =	sshll.u32 s2, $0x4;
	s5 =	ssub.s32 $0x2, s2;
	s2 =	smul.u32 $0x9E000, s2  }
0x6: {  	s3 =	sor.u32 s7, s3;
	s6 =	sshrl.u32 s5, $0x1;
	s7 =	smul.u32 $0x9E00, s7  }
0x7: {  	_ =	strace $0x8000004A;
	s3 =	smul.u32 $0x4E2, s3;
	s5 =	ssub.s32 s5, s6  }
0x8: {  	s25 =	sadd.s32 s7, s1;
	s26 =	sadd.s32 $0x1400, s7;
	s29 =	sadd.s32 $0x2800, s7  }
0x9: {  	s8 =	sadd.s32 $0x3C00, s7;
	s15 =	sadd.s32 $0x5000, s7;
	s10 =	sadd.s32 $0x6400, s7  }
0xa: {  	s17 =	sadd.s32 $0x7800, s7;
	s18 =	sadd.s32 s7, s2;
	s7 =	sadd.s32 $0x8C00, s7  }
0xb: {  	s3 =	sadd.s32 s3, s0;
	s0 =	sadd.s32 $0x29A00, s0;
	[dreg:$0x5] =	wrdreg s25  }
0xc: {  	s9 =	sadd.s32 s26, s1;
	s13 =	sadd.s32 s29, s1;
	s14 =	sadd.s32 s8, s1  }
0xd: {  	s11 =	sadd.s32 s15, s1;
	s16 =	sadd.s32 s10, s1;
	[dreg:$0x6] =	wrdreg s9  }
0xe: {  	s12 =	sadd.s32 s17, s1;
	s19 =	sadd.s32 s2, s29;
	[dreg:$0x7] =	wrdreg s13  }
0xf: {  	s20 =	sadd.s32 s2, s8;
	s21 =	sadd.s32 s2, s15;
	[dreg:$0x8] =	wrdreg s14  }
0x10: {  	s25 =	sadd.s32 s2, s17;
	s29 =	smax.u32 s5, $0x1;
	[dreg:$0x9] =	wrdreg s11  }
0x11: {  	s15 =	simm.s32 $0x7620;
	s17 =	simm.s32 $0x14;
	[dreg:$0xa] =	wrdreg s16  }
0x12: {  	s24 =	sadd.s32 $0x2400, s3;
	s3 =	sadd.s32 $0xC200, s3;
	[dreg:$0xb] =	wrdreg s12  }
0x13: {  	s12 =	sshrl.u32 s18, $0x3;
	s13 =	sadd.s32 s7, s1;
	s6 =	sshrl.u32 s20, $0x3  }
0x14: {  	s8 =	sshrl.u32 s21, $0x3;
	[dreg:$0x15] =	wrdreg s29;
	s21 =	simm.s32 $0x10220  }
0x15: {  	s18 =	simm.s32 $0x3;
	s20 =	simm.s32 $0x5;
	s9 =	simm.s32 $0xB  }
0x16: {  	s11 =	simm.s32 $0xD;
	s14 =	simm.s32 $0x10;
	[dreg:$0x3] =	wrdreg s24  }
0x17: {  	s16 =	simm.s32 $0x13;
	[dreg:$0x4] =	wrdreg s3;
	s3 =	sadd.s32 s2, s26  }
0x18: {  	[dreg:$0xc] =	wrdreg s13;
	s12 =	sadd.s32 s0, s12;
	s22 =	sadd.s32 s0, s6  }
0x19: {  	s23 =	sadd.s32 s0, s8;
	s24 =	sadd.s32 s2, s10;
	s2 =	sadd.s32 s2, s7  }
0x1a: {  	s6 =	sshrl.u32 s25, $0x3;
	s7 =	simm.s32 $0xC620;
	[dreg:$0xd] =	wrdreg s12  }
0x1b: {  	s8 =	simm.s32 $0xDA20;
	s10 =	simm.s32 $0xC;
	[dreg:$0x10] =	wrdreg s22  }
0x1c: {  	s13 =	simm.s32 $0xF;
	s3 =	sshrl.u32 s3, $0x3;
	[dreg:$0x11] =	wrdreg s23  }
0x1d: {  	s2 =	sshrl.u32 s2, $0x3;
	s26 =	sadd.s32 s0, s6;
	s22 =	simm.s32 $0x7  }
0x1e: {  	s23 =	simm.s32 $0x8;
	s12 =	simm.s32 $0xE;
	s3 =	sadd.s32 s0, s3  }
0x1f: {  	s6 =	simm.s32 $0x0;
	[dreg:$0xe] =	wrdreg s3;
	s3 =	sshrl.u32 s19, $0x3  }
.Ltmp0:
0x20: {  	[dreg:$0x13] =	wrdreg s26;
	s3 =	sadd.s32 s0, s3;
	(pc) =	sbr.rel .LBB2_1-.Ltmp0, $4  }
0x21: {  	s26 =	simm.s32 $0x12;
	[dreg:$0xf] =	wrdreg s3;
	s3 =	sshrl.u32 s24, $0x3  }
0x22: {  	s19 =	simm.s32 $0x4;
	s24 =	simm.s32 $0x9E20;
	s3 =	sadd.s32 s0, s3  }
0x23: {  	s0 =	sadd.s32 s0, s2;
	s2 =	simm.s32 $0xB220;
	[dreg:$0x12] =	wrdreg s3  }
0x24: {  	v0 =	vimm.f32 $0.0e+00;
	[dreg:$0x14] =	wrdreg s0;
	s0 =	simm.s32 $0x8A20;
	s3 =	simm.s32 $0x11  }
.LBB2_6:
0x25: {  	_ =	swait.ge [sflag:s3], $0x1400  }
0x26: {  	[sflag:s3] =	ssyncset.done $0x0  }
0x27: {  	[sflag:s3] =	ssyncadd.s32 $0xFFFFEC00  }
0x28: {  	_ =	swait.ge [sflag:s26], $0x1400  }
0x29: {  	[sflag:s26] =	ssyncset.done $0x0  }
0x2a: {  	[sflag:s26] =	ssyncadd.s32 $0xFFFFEC00  }
0x2b: {  	_ =	swait.ge [sflag:s16], $0x1400  }
0x2c: {  	[sflag:s16] =	ssyncset.done $0x0  }
0x2d: {  	[sflag:s16] =	ssyncadd.s32 $0xFFFFEC00  }
0x2e: {  	_ =	swait.ge [sflag:s17], $0x1400  }
0x2f: {  	[sflag:s17] =	ssyncset.done $0x0  }
0x30: {  	s15 =	simm.s32 $0x1;
	[sflag:s17] =	ssyncadd.s32 $0xFFFFEC00  }
0x31: {  	_ =	swait.ge [sflag:s15], $0x1400  }
0x32: {  	s7 =	simm.s32 $0x4E20;
	[sflag:s15] =	ssyncset.done $0x0  }
0x33: {  	s0 =	simm.s32 $0x4C90;
	s29 =	simm.s32 $0x2;
	[sflag:s15] =	ssyncadd.s32 $0xFFFFEC00  }
0x34: {  	[spmem:s1] =	stream.indirect.scatter.add.f32 [tilespmem:s7], [sflag:$0xB], $0x40, s0, s30, $0xb8;
	[tilespmem:$0x1B420] =	vst v63  }
0x35: {  	_ =	swait.ge [sflag:s29], $0x1400  }
0x36: {  	[sflag:s29] =	ssyncset.done $0x0  }
0x37: {  	s6 =	simm.s32 $0x6220;
	s24 =	simm.s32 $0x4CE0;
	[sflag:s29] =	ssyncadd.s32 $0xFFFFEC00  }
0x38: {  	[spmem:s1] =	stream.indirect.scatter.add.f32 [tilespmem:s6], [sflag:$0xC], $0x40, s24, s30, $0xb8;
	[tilespmem:$0x1B420] =	vst v63  }
0x39: {  	_ =	swait.ge [sflag:s18], $0x1400  }
0x3a: {  	[sflag:s18] =	ssyncset.done $0x0  }
0x3b: {  	s5 =	simm.s32 $0x4D30;
	s0 =	simm.s32 $0x7620;
	[sflag:s18] =	ssyncadd.s32 $0xFFFFEC00  }
0x3c: {  	[spmem:s1] =	stream.indirect.scatter.add.f32 [tilespmem:s0], [sflag:$0xD], $0x40, s5, s30, $0xb8;
	[tilespmem:$0x1B420] =	vst v63  }
0x3d: {  	_ =	swait.ge [sflag:s19], $0x1400  }
0x3e: {  	[sflag:s19] =	ssyncset.done $0x0  }
0x3f: {  	s25 =	simm.s32 $0x4D80;
	s24 =	simm.s32 $0x8A20;
	[sflag:s19] =	ssyncadd.s32 $0xFFFFEC00  }
0x40: {  	[spmem:s1] =	stream.indirect.scatter.add.f32 [tilespmem:s24], [sflag:$0xE], $0x40, s25, s30, $0xb8;
	[tilespmem:$0x1B420] =	vst v63  }
0x41: {  	_ =	swait.ge [sflag:s20], $0x1400  }
0x42: {  	[sflag:s20] =	ssyncset.done $0x0  }
0x43: {  	s21 =	simm.s32 $0x4DD0;
	s25 =	simm.s32 $0x9E20;
	[sflag:s20] =	ssyncadd.s32 $0xFFFFEC00  }
0x44: {  	[spmem:s1] =	stream.indirect.scatter.add.f32 [tilespmem:s25], [sflag:$0xF], $0x40, s21, s30, $0xb8;
	[tilespmem:$0x1B420] =	vst v63  }
0x45: {  	_ =	swait.ge [sflag:s9], $0x1400  }
0x46: {  	[sflag:s9] =	ssyncset.done $0x0  }
0x47: {  	[sflag:s9] =	ssyncadd.s32 $0xFFFFEC00  }
0x48: {  	_ =	swait.ge [sflag:s10], $0x1400  }
0x49: {  	[sflag:s10] =	ssyncset.done $0x0  }
0x4a: {  	[sflag:s10] =	ssyncadd.s32 $0xFFFFEC00  }
0x4b: {  	_ =	swait.ge [sflag:s11], $0x1400  }
0x4c: {  	[sflag:s11] =	ssyncset.done $0x0  }
0x4d: {  	[sflag:s11] =	ssyncadd.s32 $0xFFFFEC00  }
0x4e: {  	_ =	swait.ge [sflag:s12], $0x1400  }
0x4f: {  	[sflag:s12] =	ssyncset.done $0x0  }
0x50: {  	[sflag:s12] =	ssyncadd.s32 $0xFFFFEC00  }
0x51: {  	_ =	swait.ge [sflag:s13], $0x1400  }
0x52: {  	[sflag:s13] =	ssyncset.done $0x0  }
0x53: {  	[sflag:s13] =	ssyncadd.s32 $0xFFFFEC00  }
0x54: {  	[bflag:$0x0] =	sbarrier.arrive $0xFFFF  }
0x55: {  	s21 =	rddreg [dreg:$0x5]  }
0x56: {  	[tilespmem:s7], [sflag:$0x1] =	stream.linear.gather [spmem:s21], $0x1400, $0x38;
	[tilespmem:$0x1B420] =	vst v63  }
0x57: {  	s21 =	rddreg [dreg:$0x6]  }
0x58: {  	[tilespmem:s6], [sflag:$0x2] =	stream.linear.gather [spmem:s21], $0x1400, $0x38;
	[tilespmem:$0x1B420] =	vst v63  }
0x59: {  	s21 =	rddreg [dreg:$0x7]  }
0x5a: {  	[tilespmem:s0], [sflag:$0x3] =	stream.linear.gather [spmem:s21], $0x1400, $0x38;
	[tilespmem:$0x1B420] =	vst v63  }
0x5b: {  	s21 =	rddreg [dreg:$0x8]  }
0x5c: {  	[tilespmem:s24], [sflag:$0x4] =	stream.linear.gather [spmem:s21], $0x1400, $0x38;
	[tilespmem:$0x1B420] =	vst v63  }
0x5d: {  	s21 =	rddreg [dreg:$0x9]  }
0x5e: {  	[tilespmem:s25], [sflag:$0x5] =	stream.linear.gather [spmem:s21], $0x1400, $0x38;
	[tilespmem:$0x1B420] =	vst v63  }
0x5f: {  	s21 =	rddreg [dreg:$0xa]  }
0x60: {  	[tilespmem:s2], [sflag:$0x6] =	stream.linear.gather [spmem:s21], $0x1400, $0x38;
	[tilespmem:$0x1B420] =	vst v63  }
0x61: {  	s21 =	rddreg [dreg:$0xb]  }
0x62: {  	[tilespmem:s8], [sflag:$0x7] =	stream.linear.gather [spmem:s21], $0x1400, $0x38;
	[tilespmem:$0x1B420] =	vst v63  }
0x63: {  	s21 =	rddreg [dreg:$0xc]  }
0x64: {  	[tilespmem:s28], [sflag:$0x8] =	stream.linear.gather [spmem:s21], $0x1200, $0x38;
	[tilespmem:$0x1B420] =	vst v63  }
0x65: {  	_ =	swait.ge [sflag:s15], $0x1400  }
0x66: {  	[sflag:s15] =	ssyncset.done $0x0  }
0x67: {  	s31 =	simm.s32 $0x0;
	s21 =	rddreg [dreg:$0xd];
	[sflag:s15] =	ssyncadd.s32 $0xFFFFEC00  }
0x68: {  	[hbm4b:s21+s31] =	stream.linear.scatter [tilespmem:s7], [sflag:$0xB], $0x1400, $0x38;
	[tilespmem:$0x1B420] =	vst v63  }
0x69: {  	_ =	swait.ge [sflag:s29], $0x1400  }
0x6a: {  	[sflag:s29] =	ssyncset.done $0x0  }
0x6b: {  	[sflag:s29] =	ssyncadd.s32 $0xFFFFEC00;
	s29 =	rddreg [dreg:$0xe]  }
0x6c: {  	[hbm4b:s29+s31] =	stream.linear.scatter [tilespmem:s6], [sflag:$0xC], $0x1400, $0x38;
	[tilespmem:$0x1B420] =	vst v63  }
0x6d: {  	_ =	swait.ge [sflag:s18], $0x1400  }
0x6e: {  	[sflag:s18] =	ssyncset.done $0x0  }
0x6f: {  	s6 =	rddreg [dreg:$0xf];
	[sflag:s18] =	ssyncadd.s32 $0xFFFFEC00  }
0x70: {  	[hbm4b:s6+s31] =	stream.linear.scatter [tilespmem:s0], [sflag:$0xD], $0x1400, $0x38;
	[tilespmem:$0x1B420] =	vst v63  }
0x71: {  	_ =	swait.ge [sflag:s19], $0x1400  }
0x72: {  	[sflag:s19] =	ssyncset.done $0x0  }
0x73: {  	s7 =	rddreg [dreg:$0x10];
	[sflag:s19] =	ssyncadd.s32 $0xFFFFEC00  }
0x74: {  	[hbm4b:s7+s31] =	stream.linear.scatter [tilespmem:s24], [sflag:$0xE], $0x1400, $0x38;
	[tilespmem:$0x1B420] =	vst v63  }
0x75: {  	_ =	swait.ge [sflag:s20], $0x1400  }
0x76: {  	[sflag:s20] =	ssyncset.done $0x0  }
0x77: {  	s29 =	simm.s32 $0x6;
	s21 =	rddreg [dreg:$0x11];
	[sflag:s20] =	ssyncadd.s32 $0xFFFFEC00  }
0x78: {  	[hbm4b:s21+s31] =	stream.linear.scatter [tilespmem:s25], [sflag:$0xF], $0x1400, $0x38;
	[tilespmem:$0x1B420] =	vst v63  }
0x79: {  	_ =	swait.ge [sflag:s29], $0x1400  }
0x7a: {  	[sflag:s29] =	ssyncset.done $0x0  }
0x7b: {  	s6 =	rddreg [dreg:$0x12];
	[sflag:s29] =	ssyncadd.s32 $0xFFFFEC00  }
0x7c: {  	[hbm4b:s6+s31] =	stream.linear.scatter [tilespmem:s2], [sflag:$0x10], $0x1400, $0x38;
	[tilespmem:$0x1B420] =	vst v63  }
0x7d: {  	_ =	swait.ge [sflag:s22], $0x1400  }
0x7e: {  	[sflag:s22] =	ssyncset.done $0x0  }
0x7f: {  	s7 =	rddreg [dreg:$0x13];
	[sflag:s22] =	ssyncadd.s32 $0xFFFFEC00  }
0x80: {  	[hbm4b:s7+s31] =	stream.linear.scatter [tilespmem:s8], [sflag:$0x11], $0x1400, $0x38;
	[tilespmem:$0x1B420] =	vst v63  }
0x81: {  	_ =	swait.ge [sflag:s23], $0x1200  }
0x82: {  	[sflag:s23] =	ssyncset.done $0x0  }
0x83: {  	s21 =	rddreg [dreg:$0x14];
	[sflag:s23] =	ssyncadd.s32 $0xFFFFEE00  }
0x84: {  	[hbm4b:s21+s31] =	stream.linear.scatter [tilespmem:s28], [sflag:$0x12], $0x1200, $0x38;
	[tilespmem:$0x1B420] =	vst v63  }
0x85: {  	_ =	swait.ge [sflag:s9], $0x1400  }
0x86: {  	[sflag:s9] =	ssyncset.done $0x0  }
0x87: {  	[sflag:s9] =	ssyncadd.s32 $0xFFFFEC00  }
0x88: {  	_ =	swait.ge [sflag:s10], $0x1400  }
0x89: {  	[sflag:s10] =	ssyncset.done $0x0  }
0x8a: {  	[sflag:s10] =	ssyncadd.s32 $0xFFFFEC00  }
0x8b: {  	_ =	swait.ge [sflag:s11], $0x1400  }
0x8c: {  	[sflag:s11] =	ssyncset.done $0x0  }
0x8d: {  	[sflag:s11] =	ssyncadd.s32 $0xFFFFEC00  }
0x8e: {  	_ =	swait.ge [sflag:s12], $0x1400  }
0x8f: {  	[sflag:s12] =	ssyncset.done $0x0  }
0x90: {  	[sflag:s12] =	ssyncadd.s32 $0xFFFFEC00  }
0x91: {  	_ =	swait.ge [sflag:s13], $0x1400  }
0x92: {  	[sflag:s13] =	ssyncset.done $0x0  }
0x93: {  	[sflag:s13] =	ssyncadd.s32 $0xFFFFEC00  }
0x94: {  	_ =	swait.ge [sflag:s14], $0x1400  }
0x95: {  	[sflag:s14] =	ssyncset.done $0x0  }
0x96: {  	[sflag:s14] =	ssyncadd.s32 $0xFFFFEC00  }
0x97: {  	_ =	swait.ge [sflag:s3], $0x1400  }
0x98: {  	[sflag:s3] =	ssyncset.done $0x0  }
0x99: {  	[sflag:s3] =	ssyncadd.s32 $0xFFFFEC00  }
0x9a: {  	_ =	swait.ge [sflag:s26], $0x1200  }
0x9b: {  	s25 =	rddreg [dreg:$0x16]  }
0x9c: {  	s29 =	rddreg [dreg:$0x15];
	s6 =	sadd.s32 $0x1, s25  }
0x9d: {  	p0 =	sne.s32 s6, s29  }
.Ltmp1:
0x9e: {  	_ = 	snop;
	(pc) =	sbr.rel @!p0 .LBB2_7-.Ltmp1, $4  }
0x9f: {  	s15 =	simm.s32 $0x7620  }
0xa0: {  	s0 =	simm.s32 $0x8A20;
	s24 =	simm.s32 $0x9E20;
	s2 =	simm.s32 $0xB220  }
0xa1: {  	s7 =	simm.s32 $0xC620;
	s8 =	simm.s32 $0xDA20;
	[sflag:s26] =	ssyncset.done $0x0  }
0xa2: {  	s28 =	simm.s32 $0xEE20;
	s21 =	simm.s32 $0x10220;
	[sflag:s26] =	ssyncadd.s32 $0xFFFFEE00  }
.LBB2_1:
0xa3: {  	[dreg:$0x16] =	wrdreg s6  }
0xa4: {  	s5 =	rddreg [dreg:$0x3]  }
0xa5: {  	s25 =	rddreg [dreg:$0x4]  }
0xa6: {  	[tilespmem:s31], [sflag:$0x1] =	stream.linear.gather [hbm4b:s5+s31], $0x2710, $0x38;
	[tilespmem:$0x1B420] =	vst v63  }
0xa7: {  	s29 =	simm.s32 $0x2710;
	s6 =	simm.s32 $0x100;
	s5 =	simm.s32 $0x0  }
0xa8: {  	[tilespmem:s29], [sflag:$0x2] =	stream.linear.gather [hbm4b:s25+s31], $0x2710, $0x38;
	[tilespmem:$0x1B420] =	vst v63  }
.LBB2_2:
0xa9: {  	p0 =	sne.s32 s6, $0x4F00;
	[tilespmem:s5+$0x4E50] =	vst v0;
	s31 =	smov.u32 s6;
	s6 =	sadd.s32 $0x100, s6  }
.Ltmp2:
0xaa: {  	[tilespmem:s5+$0x4E40] =	vst v0;
	(pc) =	sbr.rel @p0 .LBB2_2-.Ltmp2, $3  }
0xab: {  	[tilespmem:s5+$0x4E20] =	vst v0  }
0xac: {  	[tilespmem:s5+$0x4E30] =	vst v0;
	_ =	sdelay $0x1  }
0xad: {  	s5 =	sshra.s32 s31, $0x2  }
0xae: {  	[tilespmem:s5+$0x4E50] =	vst v0  }
0xaf: {  	[tilespmem:s5+$0x4E40] =	vst v0  }
0xb0: {  	[tilespmem:s5+$0x4E20] =	vst v0  }
0xb1: {  	[tilespmem:s5+$0x4E30] =	vst v0;
	s6 =	rddreg [dreg:$0x5];
	s25 =	simm.s32 $0x4E20  }
0xb2: {  	[spmem:s6] =	stream.linear.scatter [tilespmem:s25], [sflag:$0x15], $0x1400, $0x38;
	[tilespmem:$0x1B420] =	vst v63  }
0xb3: {  	s6 =	simm.s32 $0x15  }
0xb4: {  	_ =	swait.ge [sflag:s6], $0x1400  }
0xb5: {  	[sflag:s6] =	ssyncset.done $0x0  }
0xb6: {  	s31 =	rddreg [dreg:$0x6];
	[sflag:s6] =	ssyncadd.s32 $0xFFFFEC00  }
0xb7: {  	[spmem:s31] =	stream.linear.scatter [tilespmem:s25], [sflag:$0x15], $0x1400, $0x38;
	[tilespmem:$0x1B420] =	vst v63  }
0xb8: {  	_ =	swait.ge [sflag:s6], $0x1400  }
0xb9: {  	[sflag:s6] =	ssyncset.done $0x0  }
0xba: {  	s31 =	rddreg [dreg:$0x7];
	[sflag:s6] =	ssyncadd.s32 $0xFFFFEC00  }
0xbb: {  	[spmem:s31] =	stream.linear.scatter [tilespmem:s25], [sflag:$0x15], $0x1400, $0x38;
	[tilespmem:$0x1B420] =	vst v63  }
0xbc: {  	_ =	swait.ge [sflag:s6], $0x1400  }
0xbd: {  	[sflag:s6] =	ssyncset.done $0x0  }
0xbe: {  	s31 =	rddreg [dreg:$0x8];
	[sflag:s6] =	ssyncadd.s32 $0xFFFFEC00  }
0xbf: {  	[spmem:s31] =	stream.linear.scatter [tilespmem:s25], [sflag:$0x15], $0x1400, $0x38;
	[tilespmem:$0x1B420] =	vst v63  }
0xc0: {  	_ =	swait.ge [sflag:s6], $0x1400  }
0xc1: {  	[sflag:s6] =	ssyncset.done $0x0  }
0xc2: {  	s31 =	rddreg [dreg:$0x9];
	[sflag:s6] =	ssyncadd.s32 $0xFFFFEC00  }
0xc3: {  	[spmem:s31] =	stream.linear.scatter [tilespmem:s25], [sflag:$0x15], $0x1400, $0x38;
	[tilespmem:$0x1B420] =	vst v63  }
0xc4: {  	_ =	swait.ge [sflag:s6], $0x1400  }
0xc5: {  	[sflag:s6] =	ssyncset.done $0x0  }
0xc6: {  	s31 =	rddreg [dreg:$0xa];
	[sflag:s6] =	ssyncadd.s32 $0xFFFFEC00  }
0xc7: {  	[spmem:s31] =	stream.linear.scatter [tilespmem:s25], [sflag:$0x15], $0x1400, $0x38;
	[tilespmem:$0x1B420] =	vst v63  }
0xc8: {  	_ =	swait.ge [sflag:s6], $0x1400  }
0xc9: {  	[sflag:s6] =	ssyncset.done $0x0  }
0xca: {  	s31 =	rddreg [dreg:$0xb];
	[sflag:s6] =	ssyncadd.s32 $0xFFFFEC00  }
0xcb: {  	[spmem:s31] =	stream.linear.scatter [tilespmem:s25], [sflag:$0x15], $0x1400, $0x38;
	[tilespmem:$0x1B420] =	vst v63  }
0xcc: {  	_ =	swait.ge [sflag:s6], $0x1400  }
0xcd: {  	[sflag:s6] =	ssyncset.done $0x0  }
0xce: {  	s31 =	rddreg [dreg:$0xc];
	[sflag:s6] =	ssyncadd.s32 $0xFFFFEC00  }
0xcf: {  	[spmem:s31] =	stream.linear.scatter [tilespmem:s25], [sflag:$0x15], $0x1200, $0x38;
	[tilespmem:$0x1B420] =	vst v63  }
0xd0: {  	_ =	swait.ge [sflag:s6], $0x1200  }
0xd1: {  	[sflag:s6] =	ssyncset.done $0x0  }
0xd2: {  	s31 =	simm.s32 $0x1;
	[sflag:s6] =	ssyncadd.s32 $0xFFFFEE00  }
0xd3: {  	_ =	swait.ge [sflag:s31], $0x2710  }
0xd4: {  	[sflag:s31] =	ssyncset.done $0x0  }
0xd5: {  	s6 =	simm.s32 $0x2;
	[sflag:s31] =	ssyncadd.s32 $0xFFFFD8F0  }
0xd6: {  	_ =	swait.ge [sflag:s6], $0x2710  }
0xd7: {  	[sflag:s6] =	ssyncset.done $0x0  }
0xd8: {  	[sflag:s6] =	ssyncadd.s32 $0xFFFFD8F0  }
0xd9: {  	s5 =	simm.s32 $0x0;
	[bflag:$0x0] =	sbarrier.arrive $0xFFFF  }
0xda: {  	[tilespmem:s25], [sflag:$0x1] =	stream.indirect.gather [hbm4b:s4+s30], $0x40, s5, s30, $0xb8;
	[tilespmem:$0x1B420] =	vst v63  }
0xdb: {  	s25 =	simm.s32 $0x6220  }
0xdc: {  	[tilespmem:s25], [sflag:$0x2] =	stream.indirect.gather [hbm4b:s4+s30], $0x40, s30, s30, $0xb8;
	[tilespmem:$0x1B420] =	vst v63  }
0xdd: {  	s31 =	simm.s32 $0xA0  }
0xde: {  	[tilespmem:s15], [sflag:$0x3] =	stream.indirect.gather [hbm4b:s4+s30], $0x40, s31, s30, $0xb8;
	[tilespmem:$0x1B420] =	vst v63  }
0xdf: {  	s25 =	simm.s32 $0xF0  }
0xe0: {  	[tilespmem:s0], [sflag:$0x4] =	stream.indirect.gather [hbm4b:s4+s30], $0x40, s25, s30, $0xb8;
	[tilespmem:$0x1B420] =	vst v63  }
0xe1: {  	s31 =	simm.s32 $0x140  }
0xe2: {  	[tilespmem:s24], [sflag:$0x5] =	stream.indirect.gather [hbm4b:s4+s30], $0x40, s31, s30, $0xb8;
	[tilespmem:$0x1B420] =	vst v63  }
0xe3: {  	s0 =	simm.s32 $0x190  }
0xe4: {  	[tilespmem:s2], [sflag:$0x6] =	stream.indirect.gather [hbm4b:s4+s30], $0x40, s0, s30, $0xb8;
	[tilespmem:$0x1B420] =	vst v63  }
0xe5: {  	s15 =	simm.s32 $0x1E0  }
0xe6: {  	[tilespmem:s7], [sflag:$0x7] =	stream.indirect.gather [hbm4b:s4+s30], $0x40, s15, s30, $0xb8;
	[tilespmem:$0x1B420] =	vst v63  }
0xe7: {  	s24 =	simm.s32 $0x230  }
0xe8: {  	[tilespmem:s8], [sflag:$0x8] =	stream.indirect.gather [hbm4b:s4+s30], $0x40, s24, s30, $0xb8;
	[tilespmem:$0x1B420] =	vst v63  }
0xe9: {  	s25 =	simm.s32 $0x280  }
0xea: {  	[tilespmem:s28], [sflag:$0x9] =	stream.indirect.gather [hbm4b:s4+s30], $0x40, s25, s30, $0xb8;
	[tilespmem:$0x1B420] =	vst v63  }
0xeb: {  	s29 =	simm.s32 $0xEE20;
	s31 =	simm.s32 $0x2D0;
	s2 =	simm.s32 $0xB220  }
0xec: {  	[tilespmem:s21], [sflag:$0xA] =	stream.indirect.gather [hbm4b:s4+s30], $0x40, s31, s30, $0xb8;
	[tilespmem:$0x1B420] =	vst v63  }
0xed: {  	s8 =	simm.s32 $0xC620;
	s28 =	simm.s32 $0xDA20;
	s21 =	simm.s32 $0x10220  }
.LBB2_4:
0xee: {  	s0 =	simm.s32 $0x1  }
0xef: {  	_ =	swait.ge [sflag:s0], $0x1400  }
0xf0: {  	s6 =	sshra.s32 s5, $0x2;
	[sflag:s0] =	ssyncset.done $0x0  }
0xf1: {  	s7 =	simm.s32 $0x4E20;
	s31 =	sadd.s32 $0x2710, s6;
	[sflag:s0] =	ssyncadd.s32 $0xFFFFEC00  }
0xf2: {  	[spmem:s1] =	stream.indirect.scatter.add.f32 [tilespmem:s7], [sflag:$0xB], $0x40, s31, s30, $0xb8;
	[tilespmem:$0x1B420] =	vst v63  }
0xf3: {  	s31 =	simm.s32 $0x2  }
0xf4: {  	_ =	swait.ge [sflag:s31], $0x1400  }
0xf5: {  	[sflag:s31] =	ssyncset.done $0x0  }
0xf6: {  	s15 =	simm.s32 $0x6220;
	s0 =	sadd.s32 $0x2760, s6;
	[sflag:s31] =	ssyncadd.s32 $0xFFFFEC00  }
0xf7: {  	[spmem:s1] =	stream.indirect.scatter.add.f32 [tilespmem:s15], [sflag:$0xC], $0x40, s0, s30, $0xb8;
	[tilespmem:$0x1B420] =	vst v63  }
0xf8: {  	_ =	swait.ge [sflag:s18], $0x1400  }
0xf9: {  	[sflag:s18] =	ssyncset.done $0x0  }
0xfa: {  	s24 =	sadd.s32 $0x27B0, s6;
	s0 =	simm.s32 $0x7620;
	[sflag:s18] =	ssyncadd.s32 $0xFFFFEC00  }
0xfb: {  	[spmem:s1] =	stream.indirect.scatter.add.f32 [tilespmem:s0], [sflag:$0xD], $0x40, s24, s30, $0xb8;
	[tilespmem:$0x1B420] =	vst v63  }
0xfc: {  	_ =	swait.ge [sflag:s19], $0x1400  }
0xfd: {  	[sflag:s19] =	ssyncset.done $0x0  }
0xfe: {  	s25 =	sadd.s32 $0x2800, s6;
	s24 =	simm.s32 $0x8A20;
	[sflag:s19] =	ssyncadd.s32 $0xFFFFEC00  }
0xff: {  	[spmem:s1] =	stream.indirect.scatter.add.f32 [tilespmem:s24], [sflag:$0xE], $0x40, s25, s30, $0xb8;
	[tilespmem:$0x1B420] =	vst v63  }
0x100: {  	_ =	swait.ge [sflag:s20], $0x1400  }
0x101: {  	[sflag:s20] =	ssyncset.done $0x0  }
0x102: {  	s31 =	sadd.s32 $0x2850, s6;
	s25 =	simm.s32 $0x9E20;
	[sflag:s20] =	ssyncadd.s32 $0xFFFFEC00  }
0x103: {  	[spmem:s1] =	stream.indirect.scatter.add.f32 [tilespmem:s25], [sflag:$0xF], $0x40, s31, s30, $0xb8;
	[tilespmem:$0x1B420] =	vst v63  }
0x104: {  	s31 =	simm.s32 $0x6  }
0x105: {  	_ =	swait.ge [sflag:s31], $0x1400  }
0x106: {  	[sflag:s31] =	ssyncset.done $0x0  }
0x107: {  	[sflag:s31] =	ssyncadd.s32 $0xFFFFEC00;
	s31 =	sadd.s32 $0x28A0, s6  }
0x108: {  	[spmem:s1] =	stream.indirect.scatter.add.f32 [tilespmem:s2], [sflag:$0x10], $0x40, s31, s30, $0xb8;
	[tilespmem:$0x1B420] =	vst v63  }
0x109: {  	_ =	swait.ge [sflag:s22], $0x1400  }
0x10a: {  	[sflag:s22] =	ssyncset.done $0x0  }
0x10b: {  	s31 =	sadd.s32 $0x28F0, s6;
	[sflag:s22] =	ssyncadd.s32 $0xFFFFEC00  }
0x10c: {  	[spmem:s1] =	stream.indirect.scatter.add.f32 [tilespmem:s8], [sflag:$0x11], $0x40, s31, s30, $0xb8;
	[tilespmem:$0x1B420] =	vst v63  }
0x10d: {  	_ =	swait.ge [sflag:s23], $0x1400  }
0x10e: {  	[sflag:s23] =	ssyncset.done $0x0  }
0x10f: {  	s31 =	sadd.s32 $0x2940, s6;
	[sflag:s23] =	ssyncadd.s32 $0xFFFFEC00  }
0x110: {  	[spmem:s1] =	stream.indirect.scatter.add.f32 [tilespmem:s28], [sflag:$0x12], $0x40, s31, s30, $0xb8;
	[tilespmem:$0x1B420] =	vst v63  }
0x111: {  	s31 =	simm.s32 $0x9  }
0x112: {  	_ =	swait.ge [sflag:s31], $0x1400  }
0x113: {  	[sflag:s31] =	ssyncset.done $0x0  }
0x114: {  	[sflag:s31] =	ssyncadd.s32 $0xFFFFEC00;
	s31 =	sadd.s32 $0x2990, s6  }
0x115: {  	[spmem:s1] =	stream.indirect.scatter.add.f32 [tilespmem:s29], [sflag:$0x13], $0x40, s31, s30, $0xb8;
	[tilespmem:$0x1B420] =	vst v63  }
0x116: {  	s31 =	simm.s32 $0xA  }
0x117: {  	_ =	swait.ge [sflag:s31], $0x1400  }
0x118: {  	[sflag:s31] =	ssyncset.done $0x0  }
0x119: {  	[sflag:s31] =	ssyncadd.s32 $0xFFFFEC00;
	s31 =	sadd.s32 $0x29E0, s6  }
0x11a: {  	[spmem:s1] =	stream.indirect.scatter.add.f32 [tilespmem:s21], [sflag:$0x14], $0x40, s31, s30, $0xb8;
	[tilespmem:$0x1B420] =	vst v63  }
0x11b: {  	_ =	swait.ge [sflag:s9], $0x1400  }
0x11c: {  	[sflag:s9] =	ssyncset.done $0x0  }
0x11d: {  	s31 =	sadd.s32 $0x320, s6;
	[sflag:s9] =	ssyncadd.s32 $0xFFFFEC00  }
0x11e: {  	[tilespmem:s7], [sflag:$0x1] =	stream.indirect.gather [hbm4b:s4+s30], $0x40, s31, s30, $0xb8;
	[tilespmem:$0x1B420] =	vst v63  }
0x11f: {  	_ =	swait.ge [sflag:s10], $0x1400  }
0x120: {  	[sflag:s10] =	ssyncset.done $0x0  }
0x121: {  	s7 =	sadd.s32 $0x370, s6;
	[sflag:s10] =	ssyncadd.s32 $0xFFFFEC00  }
0x122: {  	[tilespmem:s15], [sflag:$0x2] =	stream.indirect.gather [hbm4b:s4+s30], $0x40, s7, s30, $0xb8;
	[tilespmem:$0x1B420] =	vst v63  }
0x123: {  	_ =	swait.ge [sflag:s11], $0x1400  }
0x124: {  	[sflag:s11] =	ssyncset.done $0x0  }
0x125: {  	s7 =	sadd.s32 $0x3C0, s6;
	[sflag:s11] =	ssyncadd.s32 $0xFFFFEC00  }
0x126: {  	[tilespmem:s0], [sflag:$0x3] =	stream.indirect.gather [hbm4b:s4+s30], $0x40, s7, s30, $0xb8;
	[tilespmem:$0x1B420] =	vst v63  }
0x127: {  	_ =	swait.ge [sflag:s12], $0x1400  }
0x128: {  	[sflag:s12] =	ssyncset.done $0x0  }
0x129: {  	s15 =	sadd.s32 $0x410, s6;
	[sflag:s12] =	ssyncadd.s32 $0xFFFFEC00  }
0x12a: {  	[tilespmem:s24], [sflag:$0x4] =	stream.indirect.gather [hbm4b:s4+s30], $0x40, s15, s30, $0xb8;
	[tilespmem:$0x1B420] =	vst v63  }
0x12b: {  	_ =	swait.ge [sflag:s13], $0x1400  }
0x12c: {  	p0 =	seq.s32 s5, $0x8980;
	[sflag:s13] =	ssyncset.done $0x0  }
.Ltmp3:
0x12d: {  	s24 =	sadd.s32 $0x460, s6;
	[sflag:s13] =	ssyncadd.s32 $0xFFFFEC00;
	(pc) =	sbr.rel @p0 .LBB2_6-.Ltmp3, $4  }
0x12e: {  	[tilespmem:s25], [sflag:$0x5] =	stream.indirect.gather [hbm4b:s4+s30], $0x40, s24, s30, $0xb8;
	[tilespmem:$0x1B420] =	vst v63  }
0x12f: {  	_ =	swait.ge [sflag:s14], $0x1400  }
0x130: {  	[sflag:s14] =	ssyncset.done $0x0  }
0x131: {  	[sflag:s14] =	ssyncadd.s32 $0xFFFFEC00  }
0x132: {  	s31 =	sadd.s32 $0x4B0, s6  }
0x133: {  	[tilespmem:s2], [sflag:$0x6] =	stream.indirect.gather [hbm4b:s4+s30], $0x40, s31, s30, $0xb8;
	[tilespmem:$0x1B420] =	vst v63  }
0x134: {  	_ =	swait.ge [sflag:s3], $0x1400  }
0x135: {  	[sflag:s3] =	ssyncset.done $0x0  }
0x136: {  	s15 =	sadd.s32 $0x500, s6;
	[sflag:s3] =	ssyncadd.s32 $0xFFFFEC00  }
0x137: {  	[tilespmem:s8], [sflag:$0x7] =	stream.indirect.gather [hbm4b:s4+s30], $0x40, s15, s30, $0xb8;
	[tilespmem:$0x1B420] =	vst v63  }
0x138: {  	_ =	swait.ge [sflag:s26], $0x1400  }
0x139: {  	[sflag:s26] =	ssyncset.done $0x0  }
0x13a: {  	s24 =	sadd.s32 $0x550, s6;
	[sflag:s26] =	ssyncadd.s32 $0xFFFFEC00  }
0x13b: {  	[tilespmem:s28], [sflag:$0x8] =	stream.indirect.gather [hbm4b:s4+s30], $0x40, s24, s30, $0xb8;
	[tilespmem:$0x1B420] =	vst v63  }
0x13c: {  	_ =	swait.ge [sflag:s16], $0x1400  }
0x13d: {  	[sflag:s16] =	ssyncset.done $0x0  }
0x13e: {  	s25 =	sadd.s32 $0x5A0, s6;
	[sflag:s16] =	ssyncadd.s32 $0xFFFFEC00  }
0x13f: {  	[tilespmem:s29], [sflag:$0x9] =	stream.indirect.gather [hbm4b:s4+s30], $0x40, s25, s30, $0xb8;
	[tilespmem:$0x1B420] =	vst v63  }
.Ltmp4:
0x140: {  	_ = 	snop;
	(pc) =	sbr.rel .LBB2_4-.Ltmp4, $4  }
0x141: {  	_ =	swait.ge [sflag:s17], $0x1400  }
0x142: {  	[sflag:s17] =	ssyncset.done $0x0  }
0x143: {  	s5 =	sadd.s32 $0xC80, s5;
	s31 =	sadd.s32 $0x5F0, s6;
	[sflag:s17] =	ssyncadd.s32 $0xFFFFEC00  }
0x144: {  	[tilespmem:s21], [sflag:$0xA] =	stream.indirect.gather [hbm4b:s4+s30], $0x40, s31, s30, $0xb8;
	[tilespmem:$0x1B420] =	vst v63  }
.LBB2_7:
0x145: {  	_ =	sfence.sel $0x180000  }
0x146: {  	[bflag:$0x0] =	sbarrier.arrive $0xFFFF  }
0x147: {  	_ =	strace $0x9000004A  }
0x148: {  	s0 =	stileid.u32;
	[bflag:$0x2] =	sbarrier.arrive $0xFFFF  }
0x149: {  	p0 =	sne.s32 s0, $0x0;
	s0 =	rddreg [dreg:$0x2]  }
0x14a: {  	s0 =	sadd.s32 @!p0 $0x100000, s0  }
0x14b: {  	[sflag:s0] =	ssyncadd.tile.s32 @!p0 $0x1;
	_ =	shalt  }
.Lfunc_end2:
_tile_overlayer_lowered:
.L_overlay_start_2:
0x14c: {  	(tag) =	ssettag $0x2  }
0x14d: {  	s0 =	rddreg [dreg:$0x0];
	s2 =	stileid.u32  }
0x14e: {  	s1 =	rddreg [dreg:$0x1];
	p0 =	sne.s32 s2, $0x0  }
0x14f: {  	s3 =	rddreg [dreg:$0x2];
	[bflag:$0x3] =	sbarrier.arrive $0xFFFF;
	s2 =	simm.s32 @!p0 $0x1C15  }
0x150: {  	[timem:s3], [sflag:s2] =	dma.local @!p0 [hbm:s0], s1  }
0x151: {  	s0 =	simm.s32 @!p0 $0x15  }
0x152: {  	_ =	swait.ge @!p0 [sflag:s0], s1  }
0x153: {  	s1 =	ssub.s32 @!p0 $0x0, s1;
	[sflag:s0] =	ssyncset.done @!p0 $0x0  }
0x154: {  	[sflag:s0] =	ssyncadd.s32 @!p0 s1  }
0x155: {  	[bflag:$0x3] =	sbarrier.arrive $0xFFFF  }
0x156: {  	_ =	shalt  }

// kernel: kernel.14.cloned.1.call-start
scs
__scs_entry_jumppad:
0x0: {  	(pc) =	sbr.rel $0x88, $3  }
0x1: {  	(tag) =	ssettag $0x0;
	lr =	simm.s32 $0x1  }
0x2: {  	[smem:$0x3F99] =	sst lr;
	_ =	strace $0xD0000000  }
0x3: {  	_ = 	snop  }
0x4: {  	_ = 	snop  }
0x5: {  	_ = 	snop  }
0x6: {  	_ = 	snop  }
0x7: {  	_ = 	snop  }
__scs_overlays_trampoline_lowered:
0x8: {  	[smem:$0x3FA8] =	sst s0  }
0x9: {  	[smem:$0x3FA9] =	sst s1  }
0xa: {  	[smem:$0x3FAA] =	sst s2  }
0xb: {  	[smem:$0x3FAB] =	sst s3  }
0xc: {  	[smem:$0x3FAC] =	sst s4  }
0xd: {  	[smem:$0x3FAD] =	sst s5  }
0xe: {  	[smem:$0x3FAE] =	sst s6  }
0xf: {  	[smem:$0x3FAF] =	sst s7  }
0x10: {  	[smem:$0x3FB0] =	sst s8  }
0x11: {  	[smem:$0x3FB1] =	sst s9;
	s0 =	simm.s32 @!p0 $0x0  }
0x12: {  	s1 =	sld [smem:$0x3F97];
	s0 =	simm.s32 @p0 $0x1  }
0x13: {  	[smem:$0x3FB2] =	sst s0;
	s0 =	simm.s32 @!p1 $0x0  }
0x14: {  	s2 =	sld [smem:$0x3F96];
	s0 =	simm.s32 @p1 $0x1  }
0x15: {  	[smem:$0x3FB3] =	sst s0;
	s0 =	simm.s32 @!p2 $0x0  }
0x16: {  	s3 =	sld [smem:$0x3FDB];
	s0 =	simm.s32 @p2 $0x1  }
0x17: {  	s4 =	simm.s32 $0x1BF5;
	[smem:$0x3FB5] =	sst s0  }
0x18: {  	s0 =	sld [smem:$0x3F98];
	_ =	swait.ge [sflag:s4], $0x0  }
0x19: {  	s7 =	sld [smem:$0x3F99]  }
0x1a: {  	s8 =	sadd.s32 $0xFFFFE003, lr  }
0x1b: {  	s9 =	sadd.s32 $0xFFFFFEF7, lr;
	s5 =	simm.s32 $0xFFFFFFFF;
	p2 =	slt.u32 s8, $0xFFFFF086  }
0x1c: {  	p1 =	slt.u32 s9, $0xF7A;
	s5 =	simm.s32 @!p2 $0x0  }
0x1d: {  	s5 =	simm.s32 @p1 $0x1;
	p0 =	seq.s32 s7, s2  }
0x1e: {  	s7 =	smul.u32 @!p0 $0xF7A, s2;
	p2 =	seq.s32 @!p0 s5, $0x0  }
0x1f: {  	s9 =	smul.u32 $0xF7A, s1;
	s8 =	simm.s32 @!p0 $0x1BF5;
	p2 =	por !p2, p0  }
0x20: {  	[sflag:s8] =	ssyncset.s32 @!p0 $0xFFFFF086;
	s6 =	sadd.s32 @!p0 s3, s7;
	s7 =	simm.s32 @!p0 $0x108  }
0x21: {  	s3 =	sadd.s32 s3, s9;
	s6 =	sadd.s32 @!p0 $0x88, s6;
	s7 =	simm.s32 @p2 $0x1082  }
0x22: {  	[simem:s7], [sflag:s8] =	dma.local @!p0 [hbm:s6], $0xF7A  }
0x23: {  	s9 =	sor.u32 $0xD0000000, s2;
	s6 =	simm.s32 $0x108;
	_ =	swait.ge @!p0 [sflag:s8], $0x0  }
0x24: {  	s3 =	sadd.s32 $0x88, s3;
	s6 =	simm.s32 @!p1 $0x1082;
	[sflag:s4] =	ssyncset.s32 $0xFFFFF086  }
0x25: {  	[simem:s6], [sflag:s4] =	dma.local [hbm:s3], $0xF7A  }
0x26: {  	[smem:$0x3F99] =	sst s1;
	(tag) =	ssettag s2;
	_ =	strace s9  }
0x27: {  	s1 =	sld [smem:$0x3FA9]  }
0x28: {  	s2 =	sld [smem:$0x3FAA]  }
0x29: {  	s4 =	sld [smem:$0x3FAC]  }
0x2a: {  	p0 =	seq.s32 s5, $0x0;
	s5 =	sld [smem:$0x3FAD]  }
0x2b: {  	s6 =	sld [smem:$0x3FAE]  }
0x2c: {  	s7 =	sld [smem:$0x3FAF]  }
0x2d: {  	s3 =	simm.s32 $0x108;
	s8 =	sld [smem:$0x3FB0]  }
0x2e: {  	s3 =	simm.s32 @!p0 $0x1082;
	s9 =	sld [smem:$0x3FB1]  }
0x2f: {  	lr =	sadd.s32 s0, s3;
	s0 =	sld [smem:$0x3FA8]  }
0x30: {  	s3 =	sld [smem:$0x3FAB]  }
0x31: {  	[smem:$0x3FB4] =	sst s10  }
0x32: {  	s10 =	sld [smem:$0x3FB2];
	_ =	sdelay $0x3  }
0x33: {  	p0 =	seq.s32 s10, $0x1;
	s10 =	sld [smem:$0x3FB4];
	_ =	sdelay $0x3  }
0x34: {  	[smem:$0x3FB4] =	sst s10  }
0x35: {  	s10 =	sld [smem:$0x3FB3];
	_ =	sdelay $0x3  }
0x36: {  	p1 =	seq.s32 s10, $0x1;
	s10 =	sld [smem:$0x3FB4];
	_ =	sdelay $0x3  }
0x37: {  	[smem:$0x3FB4] =	sst s10  }
0x38: {  	s10 =	sld [smem:$0x3FB5]  }
0x39: {  	_ = 	snop;
	(pc) =	sbr.ind lr, $3  }
0x3a: {  	_ = 	snop  }
0x3b: {  	_ = 	snop  }
0x3c: {  	p2 =	seq.s32 s10, $0x1;
	s10 =	sld [smem:$0x3FB4]  }
0x3d: {  	_ =	shalt  }
0x3e: {  	_ =	shalt  }
0x3f: {  	_ =	shalt  }
0x40: {  	_ =	shalt  }
0x41: {  	_ =	shalt  }
0x42: {  	_ =	shalt  }
0x43: {  	_ =	shalt  }
0x44: {  	_ =	shalt  }
0x45: {  	_ =	shalt  }
0x46: {  	_ =	shalt  }
0x47: {  	_ =	shalt  }
0x48: {  	_ =	shalt  }
0x49: {  	_ =	shalt  }
0x4a: {  	_ =	shalt  }
0x4b: {  	_ =	shalt  }
0x4c: {  	_ =	shalt  }
0x4d: {  	_ =	shalt  }
0x4e: {  	_ =	shalt  }
0x4f: {  	_ =	shalt  }
0x50: {  	_ =	shalt  }
0x51: {  	_ =	shalt  }
0x52: {  	_ =	shalt  }
0x53: {  	_ =	shalt  }
0x54: {  	_ =	shalt  }
0x55: {  	_ =	shalt  }
0x56: {  	_ =	shalt  }
0x57: {  	_ =	shalt  }
0x58: {  	_ =	shalt  }
0x59: {  	_ =	shalt  }
0x5a: {  	_ =	shalt  }
0x5b: {  	_ =	shalt  }
0x5c: {  	_ =	shalt  }
0x5d: {  	_ =	shalt  }
0x5e: {  	_ =	shalt  }
0x5f: {  	_ =	shalt  }
0x60: {  	_ =	shalt  }
0x61: {  	_ =	shalt  }
0x62: {  	_ =	shalt  }
0x63: {  	_ =	shalt  }
0x64: {  	_ =	shalt  }
0x65: {  	_ =	shalt  }
0x66: {  	_ =	shalt  }
0x67: {  	_ =	shalt  }
0x68: {  	_ =	shalt  }
0x69: {  	_ =	shalt  }
0x6a: {  	_ =	shalt  }
0x6b: {  	_ =	shalt  }
0x6c: {  	_ =	shalt  }
0x6d: {  	_ =	shalt  }
0x6e: {  	_ =	shalt  }
0x6f: {  	_ =	shalt  }
0x70: {  	_ =	shalt  }
0x71: {  	_ =	shalt  }
0x72: {  	_ =	shalt  }
0x73: {  	_ =	shalt  }
0x74: {  	_ =	shalt  }
0x75: {  	_ =	shalt  }
0x76: {  	_ =	shalt  }
0x77: {  	_ =	shalt  }
0x78: {  	_ =	shalt  }
0x79: {  	_ =	shalt  }
0x7a: {  	_ =	shalt  }
0x7b: {  	_ =	shalt  }
0x7c: {  	_ =	shalt  }
0x7d: {  	_ =	shalt  }
0x7e: {  	_ =	shalt  }
0x7f: {  	_ =	shalt  }
0x80: {  	_ =	shalt  }
0x81: {  	_ =	shalt  }
0x82: {  	_ =	shalt  }
0x83: {  	_ =	shalt  }
0x84: {  	_ =	shalt  }
0x85: {  	_ =	shalt  }
0x86: {  	_ =	shalt  }
0x87: {  	_ =	shalt  }
.Lfunc_end0:
.L_simem_size_0:
called_computation.2_lowered:
.L_overlay_start_0:
0x88: {  	s2 =	sld [smem:$0x3FD9]  }
0x89: {  	s3 =	sld [smem:$0x3FFE];
	_ =	sdelay $0x1  }
0x8a: {  	s1 =	srdreg.scid  }
0x8b: {  	s0 =	sand.u32 $0x1, s1  }
0x8c: {  	s16 =	sshll.u32 s0, $0xA;
	s2 =	sadd.s32 s3, s2  }
0x8d: {  	s2 =	sadd.s32 s2, s16  }
0x8e: {  	[smem:$0x3FC0] =	sst s2  }
0x8f: {  	_ = 	snop  }
0x90: {  	(tm) =	ssettm $0x1  }
0x91: {  	s17 =	sld [smem:$0x3FFB];
	_ =	sdelay $0x3  }
0x92: {  	_ =	strace s17  }
0x93: {  	s2 =	sld [smem:$0x3FFC];
	_ =	sdelay $0x3  }
0x94: {  	_ =	strace s2  }
0x95: {  	s2 =	sld [smem:$0x3FFD];
	_ =	sdelay $0x3  }
0x96: {  	_ =	strace s2  }
0x97: {  	_ =	strace $0x8FFFFFFF  }
0x98: {  	s18 =	sld [smem:$0x3FDB];
	_ =	sdelay $0x1  }
0x99: {  	s19 =	simm.s32 $_scs_section_size  }
0x9a: {  	s4 =	simm.s32 $_size__tile_overlayer_lowered;
	s5 =	simm.s32 $_tile_overlayer_lowered  }
0x9b: {  	s22 =	simm.s32 $0x1BFF;
	s21 =	sshll.u32 s5, $0x1;
	s2 =	sadd.s32 s19, s18  }
0x9c: {  	s6 =	simm.s32 $0x0;
	s20 =	sshll.u32 s4, $0x1;
	s4 =	sadd.s32 s21, s2  }
0x9d: {  	[timem:s6], [sflag:s22] =	dma.local [hbm:s4], s20  }
0x9e: {  	_ =	swait.ge [sflag:s22], s20  }
0x9f: {  	s3 =	ssub.s32 $0x0, s20;
	[sflag:s22] =	ssyncset.done $0x0  }
0xa0: {  	[sflag:s22] =	ssyncadd.s32 s3;
	_ =	sdelay $0x1  }
0xa1: {  	s23 =	simm.s32 $0x1B8B  }
0xa2: {  	_ =	swait.ge [sflag:s23], $0x1  }
0xa3: {  	[sflag:s23] =	ssyncset.done $0x0  }
0xa4: {  	s25 =	simm.s32 $0x1B8E;
	s24 =	sld [smem:$0x3FFE];
	[sflag:s23] =	ssyncadd.s32 $0xFFFFFFFF  }
0xa5: {  	s26 =	simm.s32 $execute0_lowered;
	[smem:$0x3FD2] =	sst s25  }
0xa6: {  	s4 =	sshll.u32 s26, $0x1;
	_ =	strace $0x8000004C;
	[dreg:$0x1] =	wrdreg $0xFFFFFFFF  }
0xa7: {  	s28 =	simm.s32 $_size_execute0_lowered;
	s2 =	sadd.s32 s2, s4;
	[dreg:$0x0] =	wrdreg $0x0  }
0xa8: {  	s4 =	sshll.u32 s28, $0x1;
	[dreg:$0x2] =	wrdreg s2  }
0xa9: {  	[dreg:$0x3] =	wrdreg s4  }
0xaa: {  	[dreg:$0x4] =	wrdreg $0xC0  }
0xab: {  	_ =	task [dreg:s6], $0x5FFFF  }
0xac: {  	[dreg:$0x1] =	wrdreg $0xFFFFFFFF  }
0xad: {  	[dreg:$0x0] =	wrdreg $0x60  }
0xae: {  	[dreg:$0x2] =	wrdreg s24  }
0xaf: {  	[dreg:$0x3] =	wrdreg $0x116200  }
0xb0: {  	[dreg:$0x4] =	wrdreg $0x9  }
0xb1: {  	_ =	task.clear_ibuf [dreg:s6], $0x5FFFF;
	_ =	strace $0x9000004C  }
0xb2: {  	s29 =	simm.s32 $0x9;
	_ =	strace $0x8000004E  }
0xb3: {  	_ =	swait.ge [sflag:s29], $0x1  }
0xb4: {  	[sflag:s29] =	ssyncadd.s32 $0xFFFFFFFF  }
0xb5: {  	_ =	strace $0x9000004E  }
0xb6: {  	_ =	sfence  }
0xb7: {  	s30 =	sld [smem:$0x0];
	_ =	sdelay $0x2  }
0xb8: {  	s31 =	sshll.u32 s1, $0xD;
	s1 =	sshrl.u32 s1, $0x2  }
0xb9: {  	s3 =	sand.u32 $0x4000, s31;
	s1 =	sadd.s32 s1, s30  }
0xba: {  	s0 =	sor.u32 s3, s0;
	s1 =	sshll.u32 s1, $0x11  }
0xbb: {  	s0 =	sor.u32 s1, s0  }
0xbc: {  	s0 =	sadd.s32 $0x8F2B, s0  }
0xbd: {  	[sflag:s0] =	ssyncadd.remote.s32 $0x1  }
0xbe: {  	_ =	sfence.sel $0xFFFF  }
0xbf: {  	[dreg:$0x0] =	wrdreg $0xFFFFFFFF;
	(pc) =	sbr.abs _section_cstart, $3  }
0xc0: {  	[dreg:$0x1] =	wrdreg $0xFFFFFFFF  }
0xc1: {  	_ =	task.clear_ibuf [dreg:s6], $0x2FFFF;
	_ =	strace $0x9FFFFFFF  }
0xc2: {  	(tm) =	ssettm $0x7FFFFFFF  }
0xc3: {  	_ =	shalt  }
tec
execute0_lowered:
.L_overlay_start_1:
0x0: {  	(tag) =	ssettag $0x1  }
0x1: {  	s0 =	rddreg [dreg:$0x0]  }
0x2: {  	s1 =	rddreg [dreg:$0x1];
	s2 =	srdreg.scid;
	s31 =	simm.s32 $0x0  }
0x3: {  	s7 =	stileid.u32;
	s30 =	simm.s32 $0x50;
	s28 =	simm.s32 $0xEE20  }
0x4: {  	s2 =	sand.u32 $0x1, s2;
	[smem:$0x7FF] =	sst s31;
	s4 =	sadd.s32 $0x16000, s0  }
0x5: {  	s3 =	sshll.u32 s2, $0x4;
	s5 =	ssub.s32 $0x2, s2;
	s2 =	smul.u32 $0x9E000, s2  }
0x6: {  	s3 =	sor.u32 s7, s3;
	s6 =	sshrl.u32 s5, $0x1;
	s7 =	smul.u32 $0x9E00, s7  }
0x7: {  	_ =	strace $0x8000004D;
	s3 =	smul.u32 $0x4E2, s3;
	s5 =	ssub.s32 s5, s6  }
0x8: {  	s25 =	sadd.s32 s7, s1;
	s26 =	sadd.s32 $0x1400, s7;
	s29 =	sadd.s32 $0x2800, s7  }
0x9: {  	s8 =	sadd.s32 $0x3C00, s7;
	s15 =	sadd.s32 $0x5000, s7;
	s10 =	sadd.s32 $0x6400, s7  }
0xa: {  	s17 =	sadd.s32 $0x7800, s7;
	s18 =	sadd.s32 s7, s2;
	s7 =	sadd.s32 $0x8C00, s7  }
0xb: {  	s3 =	sadd.s32 s3, s0;
	s0 =	sadd.s32 $0x29A00, s0;
	[dreg:$0x5] =	wrdreg s25  }
0xc: {  	s9 =	sadd.s32 s26, s1;
	s13 =	sadd.s32 s29, s1;
	s14 =	sadd.s32 s8, s1  }
0xd: {  	s11 =	sadd.s32 s15, s1;
	s16 =	sadd.s32 s10, s1;
	[dreg:$0x6] =	wrdreg s9  }
0xe: {  	s12 =	sadd.s32 s17, s1;
	s19 =	sadd.s32 s2, s29;
	[dreg:$0x7] =	wrdreg s13  }
0xf: {  	s20 =	sadd.s32 s2, s8;
	s21 =	sadd.s32 s2, s15;
	[dreg:$0x8] =	wrdreg s14  }
0x10: {  	s25 =	sadd.s32 s2, s17;
	s29 =	smax.u32 s5, $0x1;
	[dreg:$0x9] =	wrdreg s11  }
0x11: {  	s15 =	simm.s32 $0x7620;
	s17 =	simm.s32 $0x14;
	[dreg:$0xa] =	wrdreg s16  }
0x12: {  	s24 =	sadd.s32 $0x2400, s3;
	s3 =	sadd.s32 $0xC200, s3;
	[dreg:$0xb] =	wrdreg s12  }
0x13: {  	s12 =	sshrl.u32 s18, $0x3;
	s13 =	sadd.s32 s7, s1;
	s6 =	sshrl.u32 s20, $0x3  }
0x14: {  	s8 =	sshrl.u32 s21, $0x3;
	[dreg:$0x15] =	wrdreg s29;
	s21 =	simm.s32 $0x10220  }
0x15: {  	s18 =	simm.s32 $0x3;
	s20 =	simm.s32 $0x5;
	s9 =	simm.s32 $0xB  }
0x16: {  	s11 =	simm.s32 $0xD;
	s14 =	simm.s32 $0x10;
	[dreg:$0x3] =	wrdreg s24  }
0x17: {  	s16 =	simm.s32 $0x13;
	[dreg:$0x4] =	wrdreg s3;
	s3 =	sadd.s32 s2, s26  }
0x18: {  	[dreg:$0xc] =	wrdreg s13;
	s12 =	sadd.s32 s0, s12;
	s22 =	sadd.s32 s0, s6  }
0x19: {  	s23 =	sadd.s32 s0, s8;
	s24 =	sadd.s32 s2, s10;
	s2 =	sadd.s32 s2, s7  }
0x1a: {  	s6 =	sshrl.u32 s25, $0x3;
	s7 =	simm.s32 $0xC620;
	[dreg:$0xd] =	wrdreg s12  }
0x1b: {  	s8 =	simm.s32 $0xDA20;
	s10 =	simm.s32 $0xC;
	[dreg:$0x10] =	wrdreg s22  }
0x1c: {  	s13 =	simm.s32 $0xF;
	s3 =	sshrl.u32 s3, $0x3;
	[dreg:$0x11] =	wrdreg s23  }
0x1d: {  	s2 =	sshrl.u32 s2, $0x3;
	s26 =	sadd.s32 s0, s6;
	s22 =	simm.s32 $0x7  }
0x1e: {  	s23 =	simm.s32 $0x8;
	s12 =	simm.s32 $0xE;
	s3 =	sadd.s32 s0, s3  }
0x1f: {  	s6 =	simm.s32 $0x0;
	[dreg:$0xe] =	wrdreg s3;
	s3 =	sshrl.u32 s19, $0x3  }
.Ltmp0:
0x20: {  	[dreg:$0x13] =	wrdreg s26;
	s3 =	sadd.s32 s0, s3;
	(pc) =	sbr.rel .LBB2_1-.Ltmp0, $4  }
0x21: {  	s26 =	simm.s32 $0x12;
	[dreg:$0xf] =	wrdreg s3;
	s3 =	sshrl.u32 s24, $0x3  }
0x22: {  	s19 =	simm.s32 $0x4;
	s24 =	simm.s32 $0x9E20;
	s3 =	sadd.s32 s0, s3  }
0x23: {  	s0 =	sadd.s32 s0, s2;
	s2 =	simm.s32 $0xB220;
	[dreg:$0x12] =	wrdreg s3  }
0x24: {  	v0 =	vimm.f32 $0.0e+00;
	[dreg:$0x14] =	wrdreg s0;
	s0 =	simm.s32 $0x8A20;
	s3 =	simm.s32 $0x11  }
.LBB2_6:
0x25: {  	_ =	swait.ge [sflag:s3], $0x1400  }
0x26: {  	[sflag:s3] =	ssyncset.done $0x0  }
0x27: {  	[sflag:s3] =	ssyncadd.s32 $0xFFFFEC00  }
0x28: {  	_ =	swait.ge [sflag:s26], $0x1400  }
0x29: {  	[sflag:s26] =	ssyncset.done $0x0  }
0x2a: {  	[sflag:s26] =	ssyncadd.s32 $0xFFFFEC00  }
0x2b: {  	_ =	swait.ge [sflag:s16], $0x1400  }
0x2c: {  	[sflag:s16] =	ssyncset.done $0x0  }
0x2d: {  	[sflag:s16] =	ssyncadd.s32 $0xFFFFEC00  }
0x2e: {  	_ =	swait.ge [sflag:s17], $0x1400  }
0x2f: {  	[sflag:s17] =	ssyncset.done $0x0  }
0x30: {  	s15 =	simm.s32 $0x1;
	[sflag:s17] =	ssyncadd.s32 $0xFFFFEC00  }
0x31: {  	_ =	swait.ge [sflag:s15], $0x1400  }
0x32: {  	s7 =	simm.s32 $0x4E20;
	[sflag:s15] =	ssyncset.done $0x0  }
0x33: {  	s0 =	simm.s32 $0x4C90;
	s29 =	simm.s32 $0x2;
	[sflag:s15] =	ssyncadd.s32 $0xFFFFEC00  }
0x34: {  	[spmem:s1] =	stream.indirect.scatter.add.f32 [tilespmem:s7], [sflag:$0xB], $0x40, s0, s30, $0xb8;
	[tilespmem:$0x1B420] =	vst v63  }
0x35: {  	_ =	swait.ge [sflag:s29], $0x1400  }
0x36: {  	[sflag:s29] =	ssyncset.done $0x0  }
0x37: {  	s6 =	simm.s32 $0x6220;
	s24 =	simm.s32 $0x4CE0;
	[sflag:s29] =	ssyncadd.s32 $0xFFFFEC00  }
0x38: {  	[spmem:s1] =	stream.indirect.scatter.add.f32 [tilespmem:s6], [sflag:$0xC], $0x40, s24, s30, $0xb8;
	[tilespmem:$0x1B420] =	vst v63  }
0x39: {  	_ =	swait.ge [sflag:s18], $0x1400  }
0x3a: {  	[sflag:s18] =	ssyncset.done $0x0  }
0x3b: {  	s5 =	simm.s32 $0x4D30;
	s0 =	simm.s32 $0x7620;
	[sflag:s18] =	ssyncadd.s32 $0xFFFFEC00  }
0x3c: {  	[spmem:s1] =	stream.indirect.scatter.add.f32 [tilespmem:s0], [sflag:$0xD], $0x40, s5, s30, $0xb8;
	[tilespmem:$0x1B420] =	vst v63  }
0x3d: {  	_ =	swait.ge [sflag:s19], $0x1400  }
0x3e: {  	[sflag:s19] =	ssyncset.done $0x0  }
0x3f: {  	s25 =	simm.s32 $0x4D80;
	s24 =	simm.s32 $0x8A20;
	[sflag:s19] =	ssyncadd.s32 $0xFFFFEC00  }
0x40: {  	[spmem:s1] =	stream.indirect.scatter.add.f32 [tilespmem:s24], [sflag:$0xE], $0x40, s25, s30, $0xb8;
	[tilespmem:$0x1B420] =	vst v63  }
0x41: {  	_ =	swait.ge [sflag:s20], $0x1400  }
0x42: {  	[sflag:s20] =	ssyncset.done $0x0  }
0x43: {  	s21 =	simm.s32 $0x4DD0;
	s25 =	simm.s32 $0x9E20;
	[sflag:s20] =	ssyncadd.s32 $0xFFFFEC00  }
0x44: {  	[spmem:s1] =	stream.indirect.scatter.add.f32 [tilespmem:s25], [sflag:$0xF], $0x40, s21, s30, $0xb8;
	[tilespmem:$0x1B420] =	vst v63  }
0x45: {  	_ =	swait.ge [sflag:s9], $0x1400  }
0x46: {  	[sflag:s9] =	ssyncset.done $0x0  }
0x47: {  	[sflag:s9] =	ssyncadd.s32 $0xFFFFEC00  }
0x48: {  	_ =	swait.ge [sflag:s10], $0x1400  }
0x49: {  	[sflag:s10] =	ssyncset.done $0x0  }
0x4a: {  	[sflag:s10] =	ssyncadd.s32 $0xFFFFEC00  }
0x4b: {  	_ =	swait.ge [sflag:s11], $0x1400  }
0x4c: {  	[sflag:s11] =	ssyncset.done $0x0  }
0x4d: {  	[sflag:s11] =	ssyncadd.s32 $0xFFFFEC00  }
0x4e: {  	_ =	swait.ge [sflag:s12], $0x1400  }
0x4f: {  	[sflag:s12] =	ssyncset.done $0x0  }
0x50: {  	[sflag:s12] =	ssyncadd.s32 $0xFFFFEC00  }
0x51: {  	_ =	swait.ge [sflag:s13], $0x1400  }
0x52: {  	[sflag:s13] =	ssyncset.done $0x0  }
0x53: {  	[sflag:s13] =	ssyncadd.s32 $0xFFFFEC00  }
0x54: {  	[bflag:$0x0] =	sbarrier.arrive $0xFFFF  }
0x55: {  	s21 =	rddreg [dreg:$0x5]  }
0x56: {  	[tilespmem:s7], [sflag:$0x1] =	stream.linear.gather [spmem:s21], $0x1400, $0x38;
	[tilespmem:$0x1B420] =	vst v63  }
0x57: {  	s21 =	rddreg [dreg:$0x6]  }
0x58: {  	[tilespmem:s6], [sflag:$0x2] =	stream.linear.gather [spmem:s21], $0x1400, $0x38;
	[tilespmem:$0x1B420] =	vst v63  }
0x59: {  	s21 =	rddreg [dreg:$0x7]  }
0x5a: {  	[tilespmem:s0], [sflag:$0x3] =	stream.linear.gather [spmem:s21], $0x1400, $0x38;
	[tilespmem:$0x1B420] =	vst v63  }
0x5b: {  	s21 =	rddreg [dreg:$0x8]  }
0x5c: {  	[tilespmem:s24], [sflag:$0x4] =	stream.linear.gather [spmem:s21], $0x1400, $0x38;
	[tilespmem:$0x1B420] =	vst v63  }
0x5d: {  	s21 =	rddreg [dreg:$0x9]  }
0x5e: {  	[tilespmem:s25], [sflag:$0x5] =	stream.linear.gather [spmem:s21], $0x1400, $0x38;
	[tilespmem:$0x1B420] =	vst v63  }
0x5f: {  	s21 =	rddreg [dreg:$0xa]  }
0x60: {  	[tilespmem:s2], [sflag:$0x6] =	stream.linear.gather [spmem:s21], $0x1400, $0x38;
	[tilespmem:$0x1B420] =	vst v63  }
0x61: {  	s21 =	rddreg [dreg:$0xb]  }
0x62: {  	[tilespmem:s8], [sflag:$0x7] =	stream.linear.gather [spmem:s21], $0x1400, $0x38;
	[tilespmem:$0x1B420] =	vst v63  }
0x63: {  	s21 =	rddreg [dreg:$0xc]  }
0x64: {  	[tilespmem:s28], [sflag:$0x8] =	stream.linear.gather [spmem:s21], $0x1200, $0x38;
	[tilespmem:$0x1B420] =	vst v63  }
0x65: {  	_ =	swait.ge [sflag:s15], $0x1400  }
0x66: {  	[sflag:s15] =	ssyncset.done $0x0  }
0x67: {  	s31 =	simm.s32 $0x0;
	s21 =	rddreg [dreg:$0xd];
	[sflag:s15] =	ssyncadd.s32 $0xFFFFEC00  }
0x68: {  	[hbm4b:s21+s31] =	stream.linear.scatter [tilespmem:s7], [sflag:$0xB], $0x1400, $0x38;
	[tilespmem:$0x1B420] =	vst v63  }
0x69: {  	_ =	swait.ge [sflag:s29], $0x1400  }
0x6a: {  	[sflag:s29] =	ssyncset.done $0x0  }
0x6b: {  	[sflag:s29] =	ssyncadd.s32 $0xFFFFEC00;
	s29 =	rddreg [dreg:$0xe]  }
0x6c: {  	[hbm4b:s29+s31] =	stream.linear.scatter [tilespmem:s6], [sflag:$0xC], $0x1400, $0x38;
	[tilespmem:$0x1B420] =	vst v63  }
0x6d: {  	_ =	swait.ge [sflag:s18], $0x1400  }
0x6e: {  	[sflag:s18] =	ssyncset.done $0x0  }
0x6f: {  	s6 =	rddreg [dreg:$0xf];
	[sflag:s18] =	ssyncadd.s32 $0xFFFFEC00  }
0x70: {  	[hbm4b:s6+s31] =	stream.linear.scatter [tilespmem:s0], [sflag:$0xD], $0x1400, $0x38;
	[tilespmem:$0x1B420] =	vst v63  }
0x71: {  	_ =	swait.ge [sflag:s19], $0x1400  }
0x72: {  	[sflag:s19] =	ssyncset.done $0x0  }
0x73: {  	s7 =	rddreg [dreg:$0x10];
	[sflag:s19] =	ssyncadd.s32 $0xFFFFEC00  }
0x74: {  	[hbm4b:s7+s31] =	stream.linear.scatter [tilespmem:s24], [sflag:$0xE], $0x1400, $0x38;
	[tilespmem:$0x1B420] =	vst v63  }
0x75: {  	_ =	swait.ge [sflag:s20], $0x1400  }
0x76: {  	[sflag:s20] =	ssyncset.done $0x0  }
0x77: {  	s29 =	simm.s32 $0x6;
	s21 =	rddreg [dreg:$0x11];
	[sflag:s20] =	ssyncadd.s32 $0xFFFFEC00  }
0x78: {  	[hbm4b:s21+s31] =	stream.linear.scatter [tilespmem:s25], [sflag:$0xF], $0x1400, $0x38;
	[tilespmem:$0x1B420] =	vst v63  }
0x79: {  	_ =	swait.ge [sflag:s29], $0x1400  }
0x7a: {  	[sflag:s29] =	ssyncset.done $0x0  }
0x7b: {  	s6 =	rddreg [dreg:$0x12];
	[sflag:s29] =	ssyncadd.s32 $0xFFFFEC00  }
0x7c: {  	[hbm4b:s6+s31] =	stream.linear.scatter [tilespmem:s2], [sflag:$0x10], $0x1400, $0x38;
	[tilespmem:$0x1B420] =	vst v63  }
0x7d: {  	_ =	swait.ge [sflag:s22], $0x1400  }
0x7e: {  	[sflag:s22] =	ssyncset.done $0x0  }
0x7f: {  	s7 =	rddreg [dreg:$0x13];
	[sflag:s22] =	ssyncadd.s32 $0xFFFFEC00  }
0x80: {  	[hbm4b:s7+s31] =	stream.linear.scatter [tilespmem:s8], [sflag:$0x11], $0x1400, $0x38;
	[tilespmem:$0x1B420] =	vst v63  }
0x81: {  	_ =	swait.ge [sflag:s23], $0x1200  }
0x82: {  	[sflag:s23] =	ssyncset.done $0x0  }
0x83: {  	s21 =	rddreg [dreg:$0x14];
	[sflag:s23] =	ssyncadd.s32 $0xFFFFEE00  }
0x84: {  	[hbm4b:s21+s31] =	stream.linear.scatter [tilespmem:s28], [sflag:$0x12], $0x1200, $0x38;
	[tilespmem:$0x1B420] =	vst v63  }
0x85: {  	_ =	swait.ge [sflag:s9], $0x1400  }
0x86: {  	[sflag:s9] =	ssyncset.done $0x0  }
0x87: {  	[sflag:s9] =	ssyncadd.s32 $0xFFFFEC00  }
0x88: {  	_ =	swait.ge [sflag:s10], $0x1400  }
0x89: {  	[sflag:s10] =	ssyncset.done $0x0  }
0x8a: {  	[sflag:s10] =	ssyncadd.s32 $0xFFFFEC00  }
0x8b: {  	_ =	swait.ge [sflag:s11], $0x1400  }
0x8c: {  	[sflag:s11] =	ssyncset.done $0x0  }
0x8d: {  	[sflag:s11] =	ssyncadd.s32 $0xFFFFEC00  }
0x8e: {  	_ =	swait.ge [sflag:s12], $0x1400  }
0x8f: {  	[sflag:s12] =	ssyncset.done $0x0  }
0x90: {  	[sflag:s12] =	ssyncadd.s32 $0xFFFFEC00  }
0x91: {  	_ =	swait.ge [sflag:s13], $0x1400  }
0x92: {  	[sflag:s13] =	ssyncset.done $0x0  }
0x93: {  	[sflag:s13] =	ssyncadd.s32 $0xFFFFEC00  }
0x94: {  	_ =	swait.ge [sflag:s14], $0x1400  }
0x95: {  	[sflag:s14] =	ssyncset.done $0x0  }
0x96: {  	[sflag:s14] =	ssyncadd.s32 $0xFFFFEC00  }
0x97: {  	_ =	swait.ge [sflag:s3], $0x1400  }
0x98: {  	[sflag:s3] =	ssyncset.done $0x0  }
0x99: {  	[sflag:s3] =	ssyncadd.s32 $0xFFFFEC00  }
0x9a: {  	_ =	swait.ge [sflag:s26], $0x1200  }
0x9b: {  	s25 =	rddreg [dreg:$0x16]  }
0x9c: {  	s29 =	rddreg [dreg:$0x15];
	s6 =	sadd.s32 $0x1, s25  }
0x9d: {  	p0 =	sne.s32 s6, s29  }
.Ltmp1:
0x9e: {  	_ = 	snop;
	(pc) =	sbr.rel @!p0 .LBB2_7-.Ltmp1, $4  }
0x9f: {  	s15 =	simm.s32 $0x7620  }
0xa0: {  	s0 =	simm.s32 $0x8A20;
	s24 =	simm.s32 $0x9E20;
	s2 =	simm.s32 $0xB220  }
0xa1: {  	s7 =	simm.s32 $0xC620;
	s8 =	simm.s32 $0xDA20;
	[sflag:s26] =	ssyncset.done $0x0  }
0xa2: {  	s28 =	simm.s32 $0xEE20;
	s21 =	simm.s32 $0x10220;
	[sflag:s26] =	ssyncadd.s32 $0xFFFFEE00  }
.LBB2_1:
0xa3: {  	[dreg:$0x16] =	wrdreg s6  }
0xa4: {  	s5 =	rddreg [dreg:$0x3]  }
0xa5: {  	s25 =	rddreg [dreg:$0x4]  }
0xa6: {  	[tilespmem:s31], [sflag:$0x1] =	stream.linear.gather [hbm4b:s5+s31], $0x2710, $0x38;
	[tilespmem:$0x1B420] =	vst v63  }
0xa7: {  	s29 =	simm.s32 $0x2710;
	s6 =	simm.s32 $0x100;
	s5 =	simm.s32 $0x0  }
0xa8: {  	[tilespmem:s29], [sflag:$0x2] =	stream.linear.gather [hbm4b:s25+s31], $0x2710, $0x38;
	[tilespmem:$0x1B420] =	vst v63  }
.LBB2_2:
0xa9: {  	p0 =	sne.s32 s6, $0x4F00;
	[tilespmem:s5+$0x4E50] =	vst v0;
	s31 =	smov.u32 s6;
	s6 =	sadd.s32 $0x100, s6  }
.Ltmp2:
0xaa: {  	[tilespmem:s5+$0x4E40] =	vst v0;
	(pc) =	sbr.rel @p0 .LBB2_2-.Ltmp2, $3  }
0xab: {  	[tilespmem:s5+$0x4E20] =	vst v0  }
0xac: {  	[tilespmem:s5+$0x4E30] =	vst v0;
	_ =	sdelay $0x1  }
0xad: {  	s5 =	sshra.s32 s31, $0x2  }
0xae: {  	[tilespmem:s5+$0x4E50] =	vst v0  }
0xaf: {  	[tilespmem:s5+$0x4E40] =	vst v0  }
0xb0: {  	[tilespmem:s5+$0x4E20] =	vst v0  }
0xb1: {  	[tilespmem:s5+$0x4E30] =	vst v0;
	s6 =	rddreg [dreg:$0x5];
	s25 =	simm.s32 $0x4E20  }
0xb2: {  	[spmem:s6] =	stream.linear.scatter [tilespmem:s25], [sflag:$0x15], $0x1400, $0x38;
	[tilespmem:$0x1B420] =	vst v63  }
0xb3: {  	s6 =	simm.s32 $0x15  }
0xb4: {  	_ =	swait.ge [sflag:s6], $0x1400  }
0xb5: {  	[sflag:s6] =	ssyncset.done $0x0  }
0xb6: {  	s31 =	rddreg [dreg:$0x6];
	[sflag:s6] =	ssyncadd.s32 $0xFFFFEC00  }
0xb7: {  	[spmem:s31] =	stream.linear.scatter [tilespmem:s25], [sflag:$0x15], $0x1400, $0x38;
	[tilespmem:$0x1B420] =	vst v63  }
0xb8: {  	_ =	swait.ge [sflag:s6], $0x1400  }
0xb9: {  	[sflag:s6] =	ssyncset.done $0x0  }
0xba: {  	s31 =	rddreg [dreg:$0x7];
	[sflag:s6] =	ssyncadd.s32 $0xFFFFEC00  }
0xbb: {  	[spmem:s31] =	stream.linear.scatter [tilespmem:s25], [sflag:$0x15], $0x1400, $0x38;
	[tilespmem:$0x1B420] =	vst v63  }
0xbc: {  	_ =	swait.ge [sflag:s6], $0x1400  }
0xbd: {  	[sflag:s6] =	ssyncset.done $0x0  }
0xbe: {  	s31 =	rddreg [dreg:$0x8];
	[sflag:s6] =	ssyncadd.s32 $0xFFFFEC00  }
0xbf: {  	[spmem:s31] =	stream.linear.scatter [tilespmem:s25], [sflag:$0x15], $0x1400, $0x38;
	[tilespmem:$0x1B420] =	vst v63  }
0xc0: {  	_ =	swait.ge [sflag:s6], $0x1400  }
0xc1: {  	[sflag:s6] =	ssyncset.done $0x0  }
0xc2: {  	s31 =	rddreg [dreg:$0x9];
	[sflag:s6] =	ssyncadd.s32 $0xFFFFEC00  }
0xc3: {  	[spmem:s31] =	stream.linear.scatter [tilespmem:s25], [sflag:$0x15], $0x1400, $0x38;
	[tilespmem:$0x1B420] =	vst v63  }
0xc4: {  	_ =	swait.ge [sflag:s6], $0x1400  }
0xc5: {  	[sflag:s6] =	ssyncset.done $0x0  }
0xc6: {  	s31 =	rddreg [dreg:$0xa];
	[sflag:s6] =	ssyncadd.s32 $0xFFFFEC00  }
0xc7: {  	[spmem:s31] =	stream.linear.scatter [tilespmem:s25], [sflag:$0x15], $0x1400, $0x38;
	[tilespmem:$0x1B420] =	vst v63  }
0xc8: {  	_ =	swait.ge [sflag:s6], $0x1400  }
0xc9: {  	[sflag:s6] =	ssyncset.done $0x0  }
0xca: {  	s31 =	rddreg [dreg:$0xb];
	[sflag:s6] =	ssyncadd.s32 $0xFFFFEC00  }
0xcb: {  	[spmem:s31] =	stream.linear.scatter [tilespmem:s25], [sflag:$0x15], $0x1400, $0x38;
	[tilespmem:$0x1B420] =	vst v63  }
0xcc: {  	_ =	swait.ge [sflag:s6], $0x1400  }
0xcd: {  	[sflag:s6] =	ssyncset.done $0x0  }
0xce: {  	s31 =	rddreg [dreg:$0xc];
	[sflag:s6] =	ssyncadd.s32 $0xFFFFEC00  }
0xcf: {  	[spmem:s31] =	stream.linear.scatter [tilespmem:s25], [sflag:$0x15], $0x1200, $0x38;
	[tilespmem:$0x1B420] =	vst v63  }
0xd0: {  	_ =	swait.ge [sflag:s6], $0x1200  }
0xd1: {  	[sflag:s6] =	ssyncset.done $0x0  }
0xd2: {  	s31 =	simm.s32 $0x1;
	[sflag:s6] =	ssyncadd.s32 $0xFFFFEE00  }
0xd3: {  	_ =	swait.ge [sflag:s31], $0x2710  }
0xd4: {  	[sflag:s31] =	ssyncset.done $0x0  }
0xd5: {  	s6 =	simm.s32 $0x2;
	[sflag:s31] =	ssyncadd.s32 $0xFFFFD8F0  }
0xd6: {  	_ =	swait.ge [sflag:s6], $0x2710  }
0xd7: {  	[sflag:s6] =	ssyncset.done $0x0  }
0xd8: {  	[sflag:s6] =	ssyncadd.s32 $0xFFFFD8F0  }
0xd9: {  	s5 =	simm.s32 $0x0;
	[bflag:$0x0] =	sbarrier.arrive $0xFFFF  }
0xda: {  	[tilespmem:s25], [sflag:$0x1] =	stream.indirect.gather [hbm4b:s4+s30], $0x40, s5, s30, $0xb8;
	[tilespmem:$0x1B420] =	vst v63  }
0xdb: {  	s25 =	simm.s32 $0x6220  }
0xdc: {  	[tilespmem:s25], [sflag:$0x2] =	stream.indirect.gather [hbm4b:s4+s30], $0x40, s30, s30, $0xb8;
	[tilespmem:$0x1B420] =	vst v63  }
0xdd: {  	s31 =	simm.s32 $0xA0  }
0xde: {  	[tilespmem:s15], [sflag:$0x3] =	stream.indirect.gather [hbm4b:s4+s30], $0x40, s31, s30, $0xb8;
	[tilespmem:$0x1B420] =	vst v63  }
0xdf: {  	s25 =	simm.s32 $0xF0  }
0xe0: {  	[tilespmem:s0], [sflag:$0x4] =	stream.indirect.gather [hbm4b:s4+s30], $0x40, s25, s30, $0xb8;
	[tilespmem:$0x1B420] =	vst v63  }
0xe1: {  	s31 =	simm.s32 $0x140  }
0xe2: {  	[tilespmem:s24], [sflag:$0x5] =	stream.indirect.gather [hbm4b:s4+s30], $0x40, s31, s30, $0xb8;
	[tilespmem:$0x1B420] =	vst v63  }
0xe3: {  	s0 =	simm.s32 $0x190  }
0xe4: {  	[tilespmem:s2], [sflag:$0x6] =	stream.indirect.gather [hbm4b:s4+s30], $0x40, s0, s30, $0xb8;
	[tilespmem:$0x1B420] =	vst v63  }
0xe5: {  	s15 =	simm.s32 $0x1E0  }
0xe6: {  	[tilespmem:s7], [sflag:$0x7] =	stream.indirect.gather [hbm4b:s4+s30], $0x40, s15, s30, $0xb8;
	[tilespmem:$0x1B420] =	vst v63  }
0xe7: {  	s24 =	simm.s32 $0x230  }
0xe8: {  	[tilespmem:s8], [sflag:$0x8] =	stream.indirect.gather [hbm4b:s4+s30], $0x40, s24, s30, $0xb8;
	[tilespmem:$0x1B420] =	vst v63  }
0xe9: {  	s25 =	simm.s32 $0x280  }
0xea: {  	[tilespmem:s28], [sflag:$0x9] =	stream.indirect.gather [hbm4b:s4+s30], $0x40, s25, s30, $0xb8;
	[tilespmem:$0x1B420] =	vst v63  }
0xeb: {  	s29 =	simm.s32 $0xEE20;
	s31 =	simm.s32 $0x2D0;
	s2 =	simm.s32 $0xB220  }
0xec: {  	[tilespmem:s21], [sflag:$0xA] =	stream.indirect.gather [hbm4b:s4+s30], $0x40, s31, s30, $0xb8;
	[tilespmem:$0x1B420] =	vst v63  }
0xed: {  	s8 =	simm.s32 $0xC620;
	s28 =	simm.s32 $0xDA20;
	s21 =	simm.s32 $0x10220  }
.LBB2_4:
0xee: {  	s0 =	simm.s32 $0x1  }
0xef: {  	_ =	swait.ge [sflag:s0], $0x1400  }
0xf0: {  	s6 =	sshra.s32 s5, $0x2;
	[sflag:s0] =	ssyncset.done $0x0  }
0xf1: {  	s7 =	simm.s32 $0x4E20;
	s31 =	sadd.s32 $0x2710, s6;
	[sflag:s0] =	ssyncadd.s32 $0xFFFFEC00  }
0xf2: {  	[spmem:s1] =	stream.indirect.scatter.add.f32 [tilespmem:s7], [sflag:$0xB], $0x40, s31, s30, $0xb8;
	[tilespmem:$0x1B420] =	vst v63  }
0xf3: {  	s31 =	simm.s32 $0x2  }
0xf4: {  	_ =	swait.ge [sflag:s31], $0x1400  }
0xf5: {  	[sflag:s31] =	ssyncset.done $0x0  }
0xf6: {  	s15 =	simm.s32 $0x6220;
	s0 =	sadd.s32 $0x2760, s6;
	[sflag:s31] =	ssyncadd.s32 $0xFFFFEC00  }
0xf7: {  	[spmem:s1] =	stream.indirect.scatter.add.f32 [tilespmem:s15], [sflag:$0xC], $0x40, s0, s30, $0xb8;
	[tilespmem:$0x1B420] =	vst v63  }
0xf8: {  	_ =	swait.ge [sflag:s18], $0x1400  }
0xf9: {  	[sflag:s18] =	ssyncset.done $0x0  }
0xfa: {  	s24 =	sadd.s32 $0x27B0, s6;
	s0 =	simm.s32 $0x7620;
	[sflag:s18] =	ssyncadd.s32 $0xFFFFEC00  }
0xfb: {  	[spmem:s1] =	stream.indirect.scatter.add.f32 [tilespmem:s0], [sflag:$0xD], $0x40, s24, s30, $0xb8;
	[tilespmem:$0x1B420] =	vst v63  }
0xfc: {  	_ =	swait.ge [sflag:s19], $0x1400  }
0xfd: {  	[sflag:s19] =	ssyncset.done $0x0  }
0xfe: {  	s25 =	sadd.s32 $0x2800, s6;
	s24 =	simm.s32 $0x8A20;
	[sflag:s19] =	ssyncadd.s32 $0xFFFFEC00  }
0xff: {  	[spmem:s1] =	stream.indirect.scatter.add.f32 [tilespmem:s24], [sflag:$0xE], $0x40, s25, s30, $0xb8;
	[tilespmem:$0x1B420] =	vst v63  }
0x100: {  	_ =	swait.ge [sflag:s20], $0x1400  }
0x101: {  	[sflag:s20] =	ssyncset.done $0x0  }
0x102: {  	s31 =	sadd.s32 $0x2850, s6;
	s25 =	simm.s32 $0x9E20;
	[sflag:s20] =	ssyncadd.s32 $0xFFFFEC00  }
0x103: {  	[spmem:s1] =	stream.indirect.scatter.add.f32 [tilespmem:s25], [sflag:$0xF], $0x40, s31, s30, $0xb8;
	[tilespmem:$0x1B420] =	vst v63  }
0x104: {  	s31 =	simm.s32 $0x6  }
0x105: {  	_ =	swait.ge [sflag:s31], $0x1400  }
0x106: {  	[sflag:s31] =	ssyncset.done $0x0  }
0x107: {  	[sflag:s31] =	ssyncadd.s32 $0xFFFFEC00;
	s31 =	sadd.s32 $0x28A0, s6  }
0x108: {  	[spmem:s1] =	stream.indirect.scatter.add.f32 [tilespmem:s2], [sflag:$0x10], $0x40, s31, s30, $0xb8;
	[tilespmem:$0x1B420] =	vst v63  }
0x109: {  	_ =	swait.ge [sflag:s22], $0x1400  }
0x10a: {  	[sflag:s22] =	ssyncset.done $0x0  }
0x10b: {  	s31 =	sadd.s32 $0x28F0, s6;
	[sflag:s22] =	ssyncadd.s32 $0xFFFFEC00  }
0x10c: {  	[spmem:s1] =	stream.indirect.scatter.add.f32 [tilespmem:s8], [sflag:$0x11], $0x40, s31, s30, $0xb8;
	[tilespmem:$0x1B420] =	vst v63  }
0x10d: {  	_ =	swait.ge [sflag:s23], $0x1400  }
0x10e: {  	[sflag:s23] =	ssyncset.done $0x0  }
0x10f: {  	s31 =	sadd.s32 $0x2940, s6;
	[sflag:s23] =	ssyncadd.s32 $0xFFFFEC00  }
0x110: {  	[spmem:s1] =	stream.indirect.scatter.add.f32 [tilespmem:s28], [sflag:$0x12], $0x40, s31, s30, $0xb8;
	[tilespmem:$0x1B420] =	vst v63  }
0x111: {  	s31 =	simm.s32 $0x9  }
0x112: {  	_ =	swait.ge [sflag:s31], $0x1400  }
0x113: {  	[sflag:s31] =	ssyncset.done $0x0  }
0x114: {  	[sflag:s31] =	ssyncadd.s32 $0xFFFFEC00;
	s31 =	sadd.s32 $0x2990, s6  }
0x115: {  	[spmem:s1] =	stream.indirect.scatter.add.f32 [tilespmem:s29], [sflag:$0x13], $0x40, s31, s30, $0xb8;
	[tilespmem:$0x1B420] =	vst v63  }
0x116: {  	s31 =	simm.s32 $0xA  }
0x117: {  	_ =	swait.ge [sflag:s31], $0x1400  }
0x118: {  	[sflag:s31] =	ssyncset.done $0x0  }
0x119: {  	[sflag:s31] =	ssyncadd.s32 $0xFFFFEC00;
	s31 =	sadd.s32 $0x29E0, s6  }
0x11a: {  	[spmem:s1] =	stream.indirect.scatter.add.f32 [tilespmem:s21], [sflag:$0x14], $0x40, s31, s30, $0xb8;
	[tilespmem:$0x1B420] =	vst v63  }
0x11b: {  	_ =	swait.ge [sflag:s9], $0x1400  }
0x11c: {  	[sflag:s9] =	ssyncset.done $0x0  }
0x11d: {  	s31 =	sadd.s32 $0x320, s6;
	[sflag:s9] =	ssyncadd.s32 $0xFFFFEC00  }
0x11e: {  	[tilespmem:s7], [sflag:$0x1] =	stream.indirect.gather [hbm4b:s4+s30], $0x40, s31, s30, $0xb8;
	[tilespmem:$0x1B420] =	vst v63  }
0x11f: {  	_ =	swait.ge [sflag:s10], $0x1400  }
0x120: {  	[sflag:s10] =	ssyncset.done $0x0  }
0x121: {  	s7 =	sadd.s32 $0x370, s6;
	[sflag:s10] =	ssyncadd.s32 $0xFFFFEC00  }
0x122: {  	[tilespmem:s15], [sflag:$0x2] =	stream.indirect.gather [hbm4b:s4+s30], $0x40, s7, s30, $0xb8;
	[tilespmem:$0x1B420] =	vst v63  }
0x123: {  	_ =	swait.ge [sflag:s11], $0x1400  }
0x124: {  	[sflag:s11] =	ssyncset.done $0x0  }
0x125: {  	s7 =	sadd.s32 $0x3C0, s6;
	[sflag:s11] =	ssyncadd.s32 $0xFFFFEC00  }
0x126: {  	[tilespmem:s0], [sflag:$0x3] =	stream.indirect.gather [hbm4b:s4+s30], $0x40, s7, s30, $0xb8;
	[tilespmem:$0x1B420] =	vst v63  }
0x127: {  	_ =	swait.ge [sflag:s12], $0x1400  }
0x128: {  	[sflag:s12] =	ssyncset.done $0x0  }
0x129: {  	s15 =	sadd.s32 $0x410, s6;
	[sflag:s12] =	ssyncadd.s32 $0xFFFFEC00  }
0x12a: {  	[tilespmem:s24], [sflag:$0x4] =	stream.indirect.gather [hbm4b:s4+s30], $0x40, s15, s30, $0xb8;
	[tilespmem:$0x1B420] =	vst v63  }
0x12b: {  	_ =	swait.ge [sflag:s13], $0x1400  }
0x12c: {  	p0 =	seq.s32 s5, $0x8980;
	[sflag:s13] =	ssyncset.done $0x0  }
.Ltmp3:
0x12d: {  	s24 =	sadd.s32 $0x460, s6;
	[sflag:s13] =	ssyncadd.s32 $0xFFFFEC00;
	(pc) =	sbr.rel @p0 .LBB2_6-.Ltmp3, $4  }
0x12e: {  	[tilespmem:s25], [sflag:$0x5] =	stream.indirect.gather [hbm4b:s4+s30], $0x40, s24, s30, $0xb8;
	[tilespmem:$0x1B420] =	vst v63  }
0x12f: {  	_ =	swait.ge [sflag:s14], $0x1400  }
0x130: {  	[sflag:s14] =	ssyncset.done $0x0  }
0x131: {  	[sflag:s14] =	ssyncadd.s32 $0xFFFFEC00  }
0x132: {  	s31 =	sadd.s32 $0x4B0, s6  }
0x133: {  	[tilespmem:s2], [sflag:$0x6] =	stream.indirect.gather [hbm4b:s4+s30], $0x40, s31, s30, $0xb8;
	[tilespmem:$0x1B420] =	vst v63  }
0x134: {  	_ =	swait.ge [sflag:s3], $0x1400  }
0x135: {  	[sflag:s3] =	ssyncset.done $0x0  }
0x136: {  	s15 =	sadd.s32 $0x500, s6;
	[sflag:s3] =	ssyncadd.s32 $0xFFFFEC00  }
0x137: {  	[tilespmem:s8], [sflag:$0x7] =	stream.indirect.gather [hbm4b:s4+s30], $0x40, s15, s30, $0xb8;
	[tilespmem:$0x1B420] =	vst v63  }
0x138: {  	_ =	swait.ge [sflag:s26], $0x1400  }
0x139: {  	[sflag:s26] =	ssyncset.done $0x0  }
0x13a: {  	s24 =	sadd.s32 $0x550, s6;
	[sflag:s26] =	ssyncadd.s32 $0xFFFFEC00  }
0x13b: {  	[tilespmem:s28], [sflag:$0x8] =	stream.indirect.gather [hbm4b:s4+s30], $0x40, s24, s30, $0xb8;
	[tilespmem:$0x1B420] =	vst v63  }
0x13c: {  	_ =	swait.ge [sflag:s16], $0x1400  }
0x13d: {  	[sflag:s16] =	ssyncset.done $0x0  }
0x13e: {  	s25 =	sadd.s32 $0x5A0, s6;
	[sflag:s16] =	ssyncadd.s32 $0xFFFFEC00  }
0x13f: {  	[tilespmem:s29], [sflag:$0x9] =	stream.indirect.gather [hbm4b:s4+s30], $0x40, s25, s30, $0xb8;
	[tilespmem:$0x1B420] =	vst v63  }
.Ltmp4:
0x140: {  	_ = 	snop;
	(pc) =	sbr.rel .LBB2_4-.Ltmp4, $4  }
0x141: {  	_ =	swait.ge [sflag:s17], $0x1400  }
0x142: {  	[sflag:s17] =	ssyncset.done $0x0  }
0x143: {  	s5 =	sadd.s32 $0xC80, s5;
	s31 =	sadd.s32 $0x5F0, s6;
	[sflag:s17] =	ssyncadd.s32 $0xFFFFEC00  }
0x144: {  	[tilespmem:s21], [sflag:$0xA] =	stream.indirect.gather [hbm4b:s4+s30], $0x40, s31, s30, $0xb8;
	[tilespmem:$0x1B420] =	vst v63  }
.LBB2_7:
0x145: {  	_ =	sfence.sel $0x180000  }
0x146: {  	[bflag:$0x0] =	sbarrier.arrive $0xFFFF  }
0x147: {  	_ =	strace $0x9000004D  }
0x148: {  	s0 =	stileid.u32;
	[bflag:$0x2] =	sbarrier.arrive $0xFFFF  }
0x149: {  	p0 =	sne.s32 s0, $0x0;
	s0 =	rddreg [dreg:$0x2]  }
0x14a: {  	s0 =	sadd.s32 @!p0 $0x100000, s0  }
0x14b: {  	[sflag:s0] =	ssyncadd.tile.s32 @!p0 $0x1;
	_ =	shalt  }
.Lfunc_end2:
_tile_overlayer_lowered:
.L_overlay_start_2:
0x14c: {  	(tag) =	ssettag $0x2  }
0x14d: {  	s0 =	rddreg [dreg:$0x0];
	s2 =	stileid.u32  }
0x14e: {  	s1 =	rddreg [dreg:$0x1];
	p0 =	sne.s32 s2, $0x0  }
0x14f: {  	s3 =	rddreg [dreg:$0x2];
	[bflag:$0x3] =	sbarrier.arrive $0xFFFF;
	s2 =	simm.s32 @!p0 $0x1C15  }
0x150: {  	[timem:s3], [sflag:s2] =	dma.local @!p0 [hbm:s0], s1  }
0x151: {  	s0 =	simm.s32 @!p0 $0x15  }
0x152: {  	_ =	swait.ge @!p0 [sflag:s0], s1  }
0x153: {  	s1 =	ssub.s32 @!p0 $0x0, s1;
	[sflag:s0] =	ssyncset.done @!p0 $0x0  }
0x154: {  	[sflag:s0] =	ssyncadd.s32 @!p0 s1  }
0x155: {  	[bflag:$0x3] =	sbarrier.arrive $0xFFFF  }
0x156: {  	_ =	shalt  }

// kernel: kernel.8.cloned.1.call-start
scs
__scs_entry_jumppad:
0x0: {  	(pc) =	sbr.rel $0x88, $3  }
0x1: {  	(tag) =	ssettag $0x0;
	lr =	simm.s32 $0x1  }
0x2: {  	[smem:$0x3F99] =	sst lr;
	_ =	strace $0xD0000000  }
0x3: {  	_ = 	snop  }
0x4: {  	_ = 	snop  }
0x5: {  	_ = 	snop  }
0x6: {  	_ = 	snop  }
0x7: {  	_ = 	snop  }
__scs_overlays_trampoline_lowered:
0x8: {  	[smem:$0x3FA8] =	sst s0  }
0x9: {  	[smem:$0x3FA9] =	sst s1  }
0xa: {  	[smem:$0x3FAA] =	sst s2  }
0xb: {  	[smem:$0x3FAB] =	sst s3  }
0xc: {  	[smem:$0x3FAC] =	sst s4  }
0xd: {  	[smem:$0x3FAD] =	sst s5  }
0xe: {  	[smem:$0x3FAE] =	sst s6  }
0xf: {  	[smem:$0x3FAF] =	sst s7  }
0x10: {  	[smem:$0x3FB0] =	sst s8  }
0x11: {  	[smem:$0x3FB1] =	sst s9;
	s0 =	simm.s32 @!p0 $0x0  }
0x12: {  	s1 =	sld [smem:$0x3F97];
	s0 =	simm.s32 @p0 $0x1  }
0x13: {  	[smem:$0x3FB2] =	sst s0;
	s0 =	simm.s32 @!p1 $0x0  }
0x14: {  	s2 =	sld [smem:$0x3F96];
	s0 =	simm.s32 @p1 $0x1  }
0x15: {  	[smem:$0x3FB3] =	sst s0;
	s0 =	simm.s32 @!p2 $0x0  }
0x16: {  	s3 =	sld [smem:$0x3FDB];
	s0 =	simm.s32 @p2 $0x1  }
0x17: {  	s4 =	simm.s32 $0x1BF5;
	[smem:$0x3FB5] =	sst s0  }
0x18: {  	s0 =	sld [smem:$0x3F98];
	_ =	swait.ge [sflag:s4], $0x0  }
0x19: {  	s7 =	sld [smem:$0x3F99]  }
0x1a: {  	s8 =	sadd.s32 $0xFFFFE003, lr  }
0x1b: {  	s9 =	sadd.s32 $0xFFFFFEF7, lr;
	s5 =	simm.s32 $0xFFFFFFFF;
	p2 =	slt.u32 s8, $0xFFFFF086  }
0x1c: {  	p1 =	slt.u32 s9, $0xF7A;
	s5 =	simm.s32 @!p2 $0x0  }
0x1d: {  	s5 =	simm.s32 @p1 $0x1;
	p0 =	seq.s32 s7, s2  }
0x1e: {  	s7 =	smul.u32 @!p0 $0xF7A, s2;
	p2 =	seq.s32 @!p0 s5, $0x0  }
0x1f: {  	s9 =	smul.u32 $0xF7A, s1;
	s8 =	simm.s32 @!p0 $0x1BF5;
	p2 =	por !p2, p0  }
0x20: {  	[sflag:s8] =	ssyncset.s32 @!p0 $0xFFFFF086;
	s6 =	sadd.s32 @!p0 s3, s7;
	s7 =	simm.s32 @!p0 $0x108  }
0x21: {  	s3 =	sadd.s32 s3, s9;
	s6 =	sadd.s32 @!p0 $0x88, s6;
	s7 =	simm.s32 @p2 $0x1082  }
0x22: {  	[simem:s7], [sflag:s8] =	dma.local @!p0 [hbm:s6], $0xF7A  }
0x23: {  	s9 =	sor.u32 $0xD0000000, s2;
	s6 =	simm.s32 $0x108;
	_ =	swait.ge @!p0 [sflag:s8], $0x0  }
0x24: {  	s3 =	sadd.s32 $0x88, s3;
	s6 =	simm.s32 @!p1 $0x1082;
	[sflag:s4] =	ssyncset.s32 $0xFFFFF086  }
0x25: {  	[simem:s6], [sflag:s4] =	dma.local [hbm:s3], $0xF7A  }
0x26: {  	[smem:$0x3F99] =	sst s1;
	(tag) =	ssettag s2;
	_ =	strace s9  }
0x27: {  	s1 =	sld [smem:$0x3FA9]  }
0x28: {  	s2 =	sld [smem:$0x3FAA]  }
0x29: {  	s4 =	sld [smem:$0x3FAC]  }
0x2a: {  	p0 =	seq.s32 s5, $0x0;
	s5 =	sld [smem:$0x3FAD]  }
0x2b: {  	s6 =	sld [smem:$0x3FAE]  }
0x2c: {  	s7 =	sld [smem:$0x3FAF]  }
0x2d: {  	s3 =	simm.s32 $0x108;
	s8 =	sld [smem:$0x3FB0]  }
0x2e: {  	s3 =	simm.s32 @!p0 $0x1082;
	s9 =	sld [smem:$0x3FB1]  }
0x2f: {  	lr =	sadd.s32 s0, s3;
	s0 =	sld [smem:$0x3FA8]  }
0x30: {  	s3 =	sld [smem:$0x3FAB]  }
0x31: {  	[smem:$0x3FB4] =	sst s10  }
0x32: {  	s10 =	sld [smem:$0x3FB2];
	_ =	sdelay $0x3  }
0x33: {  	p0 =	seq.s32 s10, $0x1;
	s10 =	sld [smem:$0x3FB4];
	_ =	sdelay $0x3  }
0x34: {  	[smem:$0x3FB4] =	sst s10  }
0x35: {  	s10 =	sld [smem:$0x3FB3];
	_ =	sdelay $0x3  }
0x36: {  	p1 =	seq.s32 s10, $0x1;
	s10 =	sld [smem:$0x3FB4];
	_ =	sdelay $0x3  }
0x37: {  	[smem:$0x3FB4] =	sst s10  }
0x38: {  	s10 =	sld [smem:$0x3FB5]  }
0x39: {  	_ = 	snop;
	(pc) =	sbr.ind lr, $3  }
0x3a: {  	_ = 	snop  }
0x3b: {  	_ = 	snop  }
0x3c: {  	p2 =	seq.s32 s10, $0x1;
	s10 =	sld [smem:$0x3FB4]  }
0x3d: {  	_ =	shalt  }
0x3e: {  	_ =	shalt  }
0x3f: {  	_ =	shalt  }
0x40: {  	_ =	shalt  }
0x41: {  	_ =	shalt  }
0x42: {  	_ =	shalt  }
0x43: {  	_ =	shalt  }
0x44: {  	_ =	shalt  }
0x45: {  	_ =	shalt  }
0x46: {  	_ =	shalt  }
0x47: {  	_ =	shalt  }
0x48: {  	_ =	shalt  }
0x49: {  	_ =	shalt  }
0x4a: {  	_ =	shalt  }
0x4b: {  	_ =	shalt  }
0x4c: {  	_ =	shalt  }
0x4d: {  	_ =	shalt  }
0x4e: {  	_ =	shalt  }
0x4f: {  	_ =	shalt  }
0x50: {  	_ =	shalt  }
0x51: {  	_ =	shalt  }
0x52: {  	_ =	shalt  }
0x53: {  	_ =	shalt  }
0x54: {  	_ =	shalt  }
0x55: {  	_ =	shalt  }
0x56: {  	_ =	shalt  }
0x57: {  	_ =	shalt  }
0x58: {  	_ =	shalt  }
0x59: {  	_ =	shalt  }
0x5a: {  	_ =	shalt  }
0x5b: {  	_ =	shalt  }
0x5c: {  	_ =	shalt  }
0x5d: {  	_ =	shalt  }
0x5e: {  	_ =	shalt  }
0x5f: {  	_ =	shalt  }
0x60: {  	_ =	shalt  }
0x61: {  	_ =	shalt  }
0x62: {  	_ =	shalt  }
0x63: {  	_ =	shalt  }
0x64: {  	_ =	shalt  }
0x65: {  	_ =	shalt  }
0x66: {  	_ =	shalt  }
0x67: {  	_ =	shalt  }
0x68: {  	_ =	shalt  }
0x69: {  	_ =	shalt  }
0x6a: {  	_ =	shalt  }
0x6b: {  	_ =	shalt  }
0x6c: {  	_ =	shalt  }
0x6d: {  	_ =	shalt  }
0x6e: {  	_ =	shalt  }
0x6f: {  	_ =	shalt  }
0x70: {  	_ =	shalt  }
0x71: {  	_ =	shalt  }
0x72: {  	_ =	shalt  }
0x73: {  	_ =	shalt  }
0x74: {  	_ =	shalt  }
0x75: {  	_ =	shalt  }
0x76: {  	_ =	shalt  }
0x77: {  	_ =	shalt  }
0x78: {  	_ =	shalt  }
0x79: {  	_ =	shalt  }
0x7a: {  	_ =	shalt  }
0x7b: {  	_ =	shalt  }
0x7c: {  	_ =	shalt  }
0x7d: {  	_ =	shalt  }
0x7e: {  	_ =	shalt  }
0x7f: {  	_ =	shalt  }
0x80: {  	_ =	shalt  }
0x81: {  	_ =	shalt  }
0x82: {  	_ =	shalt  }
0x83: {  	_ =	shalt  }
0x84: {  	_ =	shalt  }
0x85: {  	_ =	shalt  }
0x86: {  	_ =	shalt  }
0x87: {  	_ =	shalt  }
.Lfunc_end0:
.L_simem_size_0:
called_computation_lowered:
.L_overlay_start_0:
0x88: {  	s2 =	sld [smem:$0x3FD9]  }
0x89: {  	s3 =	sld [smem:$0x3FFE];
	_ =	sdelay $0x1  }
0x8a: {  	s1 =	srdreg.scid  }
0x8b: {  	s0 =	sand.u32 $0x1, s1  }
0x8c: {  	s16 =	sshll.u32 s0, $0xA;
	s2 =	sadd.s32 s3, s2  }
0x8d: {  	s2 =	sadd.s32 s2, s16  }
0x8e: {  	[smem:$0x3FC0] =	sst s2  }
0x8f: {  	_ = 	snop  }
0x90: {  	(tm) =	ssettm $0x1  }
0x91: {  	s17 =	sld [smem:$0x3FFB];
	_ =	sdelay $0x3  }
0x92: {  	_ =	strace s17  }
0x93: {  	s2 =	sld [smem:$0x3FFC];
	_ =	sdelay $0x3  }
0x94: {  	_ =	strace s2  }
0x95: {  	s2 =	sld [smem:$0x3FFD];
	_ =	sdelay $0x3  }
0x96: {  	_ =	strace s2  }
0x97: {  	_ =	strace $0x8FFFFFFF  }
0x98: {  	s18 =	sld [smem:$0x3FDB];
	_ =	sdelay $0x1  }
0x99: {  	s19 =	simm.s32 $_scs_section_size  }
0x9a: {  	s4 =	simm.s32 $_size__tile_overlayer_lowered;
	s5 =	simm.s32 $_tile_overlayer_lowered  }
0x9b: {  	s22 =	simm.s32 $0x1BFF;
	s21 =	sshll.u32 s5, $0x1;
	s2 =	sadd.s32 s19, s18  }
0x9c: {  	s6 =	simm.s32 $0x0;
	s20 =	sshll.u32 s4, $0x1;
	s4 =	sadd.s32 s21, s2  }
0x9d: {  	[timem:s6], [sflag:s22] =	dma.local [hbm:s4], s20  }
0x9e: {  	_ =	swait.ge [sflag:s22], s20  }
0x9f: {  	s3 =	ssub.s32 $0x0, s20;
	[sflag:s22] =	ssyncset.done $0x0  }
0xa0: {  	[sflag:s22] =	ssyncadd.s32 s3;
	_ =	sdelay $0x1  }
0xa1: {  	s23 =	simm.s32 $0x1B8B  }
0xa2: {  	_ =	swait.ge [sflag:s23], $0x1  }
0xa3: {  	[sflag:s23] =	ssyncset.done $0x0  }
0xa4: {  	s25 =	simm.s32 $0x1B8E;
	s24 =	sld [smem:$0x3FFE];
	[sflag:s23] =	ssyncadd.s32 $0xFFFFFFFF  }
0xa5: {  	s26 =	simm.s32 $execute0_lowered;
	[smem:$0x3FD2] =	sst s25  }
0xa6: {  	s4 =	sshll.u32 s26, $0x1;
	_ =	strace $0x80000046;
	[dreg:$0x1] =	wrdreg $0xFFFFFFFF  }
0xa7: {  	s28 =	simm.s32 $_size_execute0_lowered;
	s2 =	sadd.s32 s2, s4;
	[dreg:$0x0] =	wrdreg $0x0  }
0xa8: {  	s4 =	sshll.u32 s28, $0x1;
	[dreg:$0x2] =	wrdreg s2  }
0xa9: {  	[dreg:$0x3] =	wrdreg s4  }
0xaa: {  	[dreg:$0x4] =	wrdreg $0xC0  }
0xab: {  	_ =	task [dreg:s6], $0x5FFFF  }
0xac: {  	[dreg:$0x1] =	wrdreg $0xFFFFFFFF  }
0xad: {  	[dreg:$0x0] =	wrdreg $0x60  }
0xae: {  	[dreg:$0x2] =	wrdreg s24  }
0xaf: {  	[dreg:$0x3] =	wrdreg $0x29E00  }
0xb0: {  	[dreg:$0x4] =	wrdreg $0x9  }
0xb1: {  	_ =	task.clear_ibuf [dreg:s6], $0x5FFFF;
	_ =	strace $0x90000046  }
0xb2: {  	s29 =	simm.s32 $0x9;
	_ =	strace $0x80000048  }
0xb3: {  	_ =	swait.ge [sflag:s29], $0x1  }
0xb4: {  	[sflag:s29] =	ssyncadd.s32 $0xFFFFFFFF  }
0xb5: {  	_ =	strace $0x90000048  }
0xb6: {  	_ =	sfence  }
0xb7: {  	s30 =	sld [smem:$0x0];
	_ =	sdelay $0x2  }
0xb8: {  	s31 =	sshll.u32 s1, $0xD;
	s1 =	sshrl.u32 s1, $0x2  }
0xb9: {  	s3 =	sand.u32 $0x4000, s31;
	s1 =	sadd.s32 s1, s30  }
0xba: {  	s0 =	sor.u32 s3, s0;
	s1 =	sshll.u32 s1, $0x11  }
0xbb: {  	s0 =	sor.u32 s1, s0  }
0xbc: {  	s0 =	sadd.s32 $0x8F2B, s0  }
0xbd: {  	[sflag:s0] =	ssyncadd.remote.s32 $0x1  }
0xbe: {  	_ =	sfence.sel $0xFFFF  }
0xbf: {  	[dreg:$0x0] =	wrdreg $0xFFFFFFFF;
	(pc) =	sbr.abs _section_cstart, $3  }
0xc0: {  	[dreg:$0x1] =	wrdreg $0xFFFFFFFF  }
0xc1: {  	_ =	task.clear_ibuf [dreg:s6], $0x2FFFF;
	_ =	strace $0x9FFFFFFF  }
0xc2: {  	(tm) =	ssettm $0x7FFFFFFF  }
0xc3: {  	_ =	shalt  }
tec
execute0_lowered:
.L_overlay_start_1:
0x0: {  	(tag) =	ssettag $0x1  }
0x1: {  	s4 =	rddreg [dreg:$0x0];
	s0 =	srdreg.scid  }
0x2: {  	s2 =	rddreg [dreg:$0x1];
	s1 =	stileid.u32  }
0x3: {  	s3 =	simm.s32 $0x0;
	s10 =	simm.s32 $0x50;
	s11 =	simm.s32 $0x2710  }
0x4: {  	s12 =	simm.s32 $0x1;
	s5 =	sand.u32 $0x1, s0;
	s0 =	rddreg [dreg:$0x2]  }
0x5: {  	s13 =	simm.s32 $0x0;
	s7 =	smul.u32 $0x278, s1;
	[smem:$0x7FF] =	sst s3  }
0x6: {  	s6 =	sshll.u32 s5, $0x4;
	s8 =	smul.u32 $0x2780, s5;
	s5 =	ssub.s32 $0x2, s5  }
0x7: {  	_ =	strace $0x80000047;
	s6 =	sor.u32 s1, s6;
	s9 =	sshrl.u32 s5, $0x1  }
0x8: {  	s6 =	smul.u32 $0x4E2, s6;
	s8 =	sadd.s32 s7, s8;
	s9 =	ssub.s32 s5, s9  }
0x9: {  	s5 =	sadd.s32 s7, s2;
	s8 =	sshrl.u32 s8, $0x3;
	s7 =	smax.u32 s9, $0x1  }
0xa: {  	s9 =	simm.s32 $0x2760;
	s6 =	sadd.s32 s6, s4;
	s8 =	sadd.s32 s8, s4  }
0xb: {  	v0 =	vimm.f32 $1.000000000e+00;
	v1 =	vimm.f32 $0.0e+00;
	s4 =	sadd.s32 $0xC200, s6;
	s6 =	sadd.s32 $0x16000, s8;
	s8 =	simm.s32 $0x2  }
.LBB2_1:
0xc: {  	[tilespmem:$0x2710] =	vst v0  }
0xd: {  	[tilespmem:$0x2720] =	vst v0  }
0xe: {  	[tilespmem:$0x2730] =	vst v0  }
0xf: {  	[tilespmem:$0x2740] =	vst v0  }
0x10: {  	[tilespmem:$0x2750] =	vst v0  }
0x11: {  	[tilespmem:$0x2760] =	vst v1  }
0x12: {  	[tilespmem:$0x2770] =	vst v1  }
0x13: {  	[tilespmem:$0x2780] =	vst v1  }
0x14: {  	[tilespmem:$0x2790] =	vst v1  }
0x15: {  	[tilespmem:$0x27A0] =	vst v1  }
0x16: {  	[tilespmem:$0x27B0] =	vst v1  }
0x17: {  	[tilespmem:$0x27C0] =	vst v1  }
0x18: {  	[tilespmem:$0x27D0] =	vst v1  }
0x19: {  	[tilespmem:$0x27E0] =	vst v1  }
0x1a: {  	[tilespmem:$0x27F0] =	vst v1  }
0x1b: {  	[tilespmem:$0x2800] =	vst v1  }
0x1c: {  	[tilespmem:$0x2810] =	vst v1  }
0x1d: {  	[tilespmem:$0x2820] =	vst v1  }
0x1e: {  	[tilespmem:$0x2830] =	vst v1  }
0x1f: {  	[tilespmem:$0x2840] =	vst v1  }
0x20: {  	[tilespmem:$0x2850] =	vst v1  }
0x21: {  	[tilespmem:$0x2860] =	vst v1  }
0x22: {  	[tilespmem:$0x2870] =	vst v1  }
0x23: {  	[tilespmem:$0x2880] =	vst v1  }
0x24: {  	[tilespmem:$0x2890] =	vst v1  }
0x25: {  	[tilespmem:$0x28A0] =	vst v1  }
0x26: {  	[tilespmem:$0x28B0] =	vst v1  }
0x27: {  	[tilespmem:$0x28C0] =	vst v1  }
0x28: {  	[tilespmem:$0x28D0] =	vst v1  }
0x29: {  	[tilespmem:$0x28E0] =	vst v1  }
0x2a: {  	[tilespmem:$0x28F0] =	vst v1  }
0x2b: {  	[tilespmem:$0x2900] =	vst v1  }
0x2c: {  	[tilespmem:$0x2910] =	vst v1  }
0x2d: {  	[tilespmem:$0x2920] =	vst v1  }
0x2e: {  	[tilespmem:$0x2930] =	vst v1  }
0x2f: {  	[tilespmem:$0x2940] =	vst v1  }
0x30: {  	[tilespmem:$0x2950] =	vst v1  }
0x31: {  	[tilespmem:$0x2960] =	vst v1  }
0x32: {  	[tilespmem:$0x2970] =	vst v1  }
0x33: {  	[tilespmem:$0x2980] =	vst v1  }
0x34: {  	[tilespmem:$0x2990] =	vst v1  }
0x35: {  	[tilespmem:$0x29A0] =	vst v1  }
0x36: {  	[tilespmem:$0x29B0] =	vst v1  }
0x37: {  	[tilespmem:$0x29C0] =	vst v1  }
0x38: {  	[tilespmem:$0x29D0] =	vst v1  }
0x39: {  	[tilespmem:s3], [sflag:$0x2] =	stream.linear.gather [hbm4b:s4+s3], $0x2710, $0x38;
	[tilespmem:$0x2C58] =	vst v63  }
0x3a: {  	_ =	swait.ge [sflag:s8], $0x2710  }
0x3b: {  	[sflag:s8] =	ssyncset.done $0x0  }
0x3c: {  	[sflag:s8] =	ssyncadd.s32 $0xFFFFD8F0  }
0x3d: {  	[spmem:s5] =	stream.linear.scatter [tilespmem:s9], [sflag:$0x2], $0x278, $0x38;
	[tilespmem:$0x2C58] =	vst v63  }
0x3e: {  	_ =	swait.ge [sflag:s8], $0x278  }
0x3f: {  	[sflag:s8] =	ssyncset.done $0x0  }
0x40: {  	[sflag:s8] =	ssyncadd.s32 $0xFFFFFD88  }
0x41: {  	s14 =	simm.s32 $0x0;
	[bflag:$0x0] =	sbarrier.arrive $0xFFFF  }
0x42: {  	[spmem:s2] =	stream.indirect.scatter.add.f32 [tilespmem:s11], [sflag:$0x1], $0x1, s14, s10, $0xb8;
	[tilespmem:$0x2C58] =	vst v63  }
0x43: {  	s28 =	simm.s32 $0x50  }
0x44: {  	[spmem:s2] =	stream.indirect.scatter.add.f32 [tilespmem:s11], [sflag:$0x1], $0x1, s28, s10, $0xb8;
	[tilespmem:$0x2C58] =	vst v63  }
0x45: {  	s29 =	simm.s32 $0xA0  }
0x46: {  	[spmem:s2] =	stream.indirect.scatter.add.f32 [tilespmem:s11], [sflag:$0x1], $0x1, s29, s10, $0xb8;
	[tilespmem:$0x2C58] =	vst v63  }
0x47: {  	s30 =	simm.s32 $0xF0  }
0x48: {  	[spmem:s2] =	stream.indirect.scatter.add.f32 [tilespmem:s11], [sflag:$0x1], $0x1, s30, s10, $0xb8;
	[tilespmem:$0x2C58] =	vst v63  }
0x49: {  	s31 =	simm.s32 $0x140  }
0x4a: {  	[spmem:s2] =	stream.indirect.scatter.add.f32 [tilespmem:s11], [sflag:$0x1], $0x1, s31, s10, $0xb8;
	[tilespmem:$0x2C58] =	vst v63  }
0x4b: {  	_ =	swait.ge [sflag:s12], $0x50  }
0x4c: {  	[sflag:s12] =	ssyncset.done $0x0  }
0x4d: {  	[sflag:s12] =	ssyncadd.s32 $0xFFFFFFB0  }
0x4e: {  	_ =	swait.ge [sflag:s12], $0x50  }
0x4f: {  	[sflag:s12] =	ssyncset.done $0x0  }
0x50: {  	[sflag:s12] =	ssyncadd.s32 $0xFFFFFFB0  }
0x51: {  	_ =	swait.ge [sflag:s12], $0x50  }
0x52: {  	[sflag:s12] =	ssyncset.done $0x0  }
0x53: {  	[sflag:s12] =	ssyncadd.s32 $0xFFFFFFB0  }
0x54: {  	_ =	swait.ge [sflag:s12], $0x50  }
0x55: {  	[sflag:s12] =	ssyncset.done $0x0  }
0x56: {  	[sflag:s12] =	ssyncadd.s32 $0xFFFFFFB0  }
0x57: {  	_ =	swait.ge [sflag:s12], $0x50  }
0x58: {  	s15 =	simm.s32 $0xC80;
	s14 =	simm.s32 $0x640;
	[sflag:s12] =	ssyncset.done $0x0  }
.LBB2_2:
0x59: {  	s16 =	sshra.s32 s14, $0x2  }
0x5a: {  	[sflag:s12] =	ssyncadd.s32 $0xFFFFFFB0;
	s14 =	smov.u32 s15;
	s17 =	sadd.s32 $0x640, s15  }
0x5b: {  	[spmem:s2] =	stream.indirect.scatter.add.f32 [tilespmem:s11], [sflag:$0x1], $0x1, s16, s10, $0xb8;
	[tilespmem:$0x2C58] =	vst v63  }
0x5c: {  	p0 =	sne.s32 s15, $0x9600;
	s15 =	sadd.s32 $0x50, s16  }
0x5d: {  	[spmem:s2] =	stream.indirect.scatter.add.f32 [tilespmem:s11], [sflag:$0x1], $0x1, s15, s10, $0xb8;
	[tilespmem:$0x2C58] =	vst v63  }
0x5e: {  	s15 =	sadd.s32 $0xA0, s16  }
0x5f: {  	[spmem:s2] =	stream.indirect.scatter.add.f32 [tilespmem:s11], [sflag:$0x1], $0x1, s15, s10, $0xb8;
	[tilespmem:$0x2C58] =	vst v63  }
0x60: {  	s15 =	sadd.s32 $0xF0, s16  }
0x61: {  	[spmem:s2] =	stream.indirect.scatter.add.f32 [tilespmem:s11], [sflag:$0x1], $0x1, s15, s10, $0xb8;
	[tilespmem:$0x2C58] =	vst v63  }
0x62: {  	s15 =	sadd.s32 $0x140, s16  }
0x63: {  	[spmem:s2] =	stream.indirect.scatter.add.f32 [tilespmem:s11], [sflag:$0x1], $0x1, s15, s10, $0xb8;
	[tilespmem:$0x2C58] =	vst v63  }
0x64: {  	_ =	swait.ge [sflag:s12], $0x50  }
0x65: {  	[sflag:s12] =	ssyncset.done $0x0  }
0x66: {  	[sflag:s12] =	ssyncadd.s32 $0xFFFFFFB0  }
0x67: {  	_ =	swait.ge [sflag:s12], $0x50  }
0x68: {  	[sflag:s12] =	ssyncset.done $0x0  }
0x69: {  	[sflag:s12] =	ssyncadd.s32 $0xFFFFFFB0  }
0x6a: {  	_ =	swait.ge [sflag:s12], $0x50  }
0x6b: {  	[sflag:s12] =	ssyncset.done $0x0  }
0x6c: {  	[sflag:s12] =	ssyncadd.s32 $0xFFFFFFB0  }
.Ltmp0:
0x6d: {  	_ =	swait.ge [sflag:s12], $0x50;
	(pc) =	sbr.rel @p0 .LBB2_2-.Ltmp0, $4  }
0x6e: {  	[sflag:s12] =	ssyncset.done $0x0  }
0x6f: {  	[sflag:s12] =	ssyncadd.s32 $0xFFFFFFB0  }
0x70: {  	_ =	swait.ge [sflag:s12], $0x50  }
0x71: {  	s15 =	smov.u32 s17;
	[sflag:s12] =	ssyncset.done $0x0  }
0x72: {  	s14 =	sshra.s32 s14, $0x2;
	[sflag:s12] =	ssyncadd.s32 $0xFFFFFFB0  }
0x73: {  	[spmem:s2] =	stream.indirect.scatter.add.f32 [tilespmem:s11], [sflag:$0x1], $0x1, s14, s10, $0xb8;
	[tilespmem:$0x2C58] =	vst v63  }
0x74: {  	s15 =	sadd.s32 $0x50, s14  }
0x75: {  	[spmem:s2] =	stream.indirect.scatter.add.f32 [tilespmem:s11], [sflag:$0x1], $0x1, s15, s10, $0xb8;
	[tilespmem:$0x2C58] =	vst v63  }
0x76: {  	s30 =	sadd.s32 $0xA0, s14  }
0x77: {  	[spmem:s2] =	stream.indirect.scatter.add.f32 [tilespmem:s11], [sflag:$0x1], $0x1, s30, s10, $0xb8;
	[tilespmem:$0x2C58] =	vst v63  }
0x78: {  	s31 =	sadd.s32 $0xF0, s14  }
0x79: {  	[spmem:s2] =	stream.indirect.scatter.add.f32 [tilespmem:s11], [sflag:$0x1], $0x1, s31, s10, $0xb8;
	[tilespmem:$0x2C58] =	vst v63  }
0x7a: {  	s14 =	sadd.s32 $0x140, s14  }
0x7b: {  	[spmem:s2] =	stream.indirect.scatter.add.f32 [tilespmem:s11], [sflag:$0x1], $0x1, s14, s10, $0xb8;
	[tilespmem:$0x2C58] =	vst v63  }
0x7c: {  	_ =	swait.ge [sflag:s12], $0x50  }
0x7d: {  	[sflag:s12] =	ssyncset.done $0x0  }
0x7e: {  	[sflag:s12] =	ssyncadd.s32 $0xFFFFFFB0  }
0x7f: {  	_ =	swait.ge [sflag:s12], $0x50  }
0x80: {  	[sflag:s12] =	ssyncset.done $0x0  }
0x81: {  	[sflag:s12] =	ssyncadd.s32 $0xFFFFFFB0  }
0x82: {  	_ =	swait.ge [sflag:s12], $0x50  }
0x83: {  	[sflag:s12] =	ssyncset.done $0x0  }
0x84: {  	[sflag:s12] =	ssyncadd.s32 $0xFFFFFFB0  }
0x85: {  	_ =	swait.ge [sflag:s12], $0x50  }
0x86: {  	[sflag:s12] =	ssyncset.done $0x0  }
0x87: {  	[sflag:s12] =	ssyncadd.s32 $0xFFFFFFB0  }
0x88: {  	_ =	swait.ge [sflag:s12], $0x50  }
0x89: {  	[sflag:s12] =	ssyncset.done $0x0  }
0x8a: {  	[sflag:s12] =	ssyncadd.s32 $0xFFFFFFB0  }
0x8b: {  	[bflag:$0x0] =	sbarrier.arrive $0xFFFF  }
0x8c: {  	[tilespmem:s9], [sflag:$0x2] =	stream.linear.gather [spmem:s5], $0x278, $0x38;
	[tilespmem:$0x2C58] =	vst v63  }
0x8d: {  	s13 =	sadd.s32 $0x1, s13;
	_ =	swait.ge [sflag:s8], $0x278  }
0x8e: {  	p0 =	sne.s32 s13, s7;
	[sflag:s8] =	ssyncset.done $0x0  }
.Ltmp1:
0x8f: {  	[sflag:s8] =	ssyncadd.s32 $0xFFFFFD88;
	(pc) =	sbr.rel @p0 .LBB2_1-.Ltmp1, $4  }
0x90: {  	[hbm4b:s6+s3] =	stream.linear.scatter [tilespmem:s9], [sflag:$0x2], $0x278, $0x38;
	[tilespmem:$0x2C58] =	vst v63  }
0x91: {  	_ =	swait.ge [sflag:s8], $0x278  }
0x92: {  	[sflag:s8] =	ssyncset.done $0x0  }
0x93: {  	[sflag:s8] =	ssyncadd.s32 $0xFFFFFD88  }
0x94: {  	_ =	sfence.sel $0x180000  }
0x95: {  	[bflag:$0x0] =	sbarrier.arrive $0xFFFF  }
0x96: {  	p0 =	sne.s32 s1, $0x0;
	_ =	strace $0x90000047  }
0x97: {  	s0 =	sadd.s32 @!p0 $0x100000, s0;
	[bflag:$0x2] =	sbarrier.arrive $0xFFFF  }
0x98: {  	[sflag:s0] =	ssyncadd.tile.s32 @!p0 $0x1;
	_ =	shalt  }
.Lfunc_end2:
_tile_overlayer_lowered:
.L_overlay_start_2:
0x99: {  	(tag) =	ssettag $0x2  }
0x9a: {  	s0 =	rddreg [dreg:$0x0];
	s2 =	stileid.u32  }
0x9b: {  	s1 =	rddreg [dreg:$0x1];
	p0 =	sne.s32 s2, $0x0  }
0x9c: {  	s3 =	rddreg [dreg:$0x2];
	[bflag:$0x3] =	sbarrier.arrive $0xFFFF;
	s2 =	simm.s32 @!p0 $0x1C02  }
0x9d: {  	[timem:s3], [sflag:s2] =	dma.local @!p0 [hbm:s0], s1  }
0x9e: {  	s0 =	simm.s32 @!p0 $0x2  }
0x9f: {  	_ =	swait.ge @!p0 [sflag:s0], s1  }
0xa0: {  	s1 =	ssub.s32 @!p0 $0x0, s1;
	[sflag:s0] =	ssyncset.done @!p0 $0x0  }
0xa1: {  	[sflag:s0] =	ssyncadd.s32 @!p0 s1  }
0xa2: {  	[bflag:$0x3] =	sbarrier.arrive $0xFFFF  }
0xa3: {  	_ =	shalt  }

</sc_bundles>
